<compile_context>
chip_gen: v7x
topology: tpu7x:2x2x1
jax: 0.10.2.dev20260603
libtpu: 0.0.44.dev20260713+nightly
codegen_flags: <defaults>
</compile_context>

<pallas_src>
import functools

import jax
import jax.numpy as jnp
from jax import lax
from jax.experimental import pallas as pl
from jax.experimental.pallas import tpu as pltpu
from jax.experimental.pallas import tpu_sc as plsc

NN = 10000
EE = 320000
D_IN = 128
D_H = 256
D_OUT = 10
NG = 64
NSUB = 16
NPAD = 10240
NROW = NPAD // NSUB
CHUNK = 125
BLK = 1000
NBLK = NN // BLK
DEGW = 128


def _sc_mesh():
    return plsc.VectorSubcoreMesh(core_axis_name="c", subcore_axis_name="s",
                                  num_cores=2, num_subcores=NSUB)


def _stream_agg(x_hbm, acc, idx_w, ibufs, isems, rows, gsems, nch):
    pltpu.sync_copy(idx_w.at[0], ibufs[0])
    pltpu.sync_copy(idx_w.at[1], ibufs[1])
    pltpu.async_copy(idx_w.at[2], ibufs[2], isems[2])
    pltpu.async_copy(idx_w.at[3], ibufs[3], isems[3])
    pltpu.async_copy(x_hbm.at[ibufs[0].at[0]], rows[0], gsems[0])
    pltpu.async_copy(x_hbm.at[ibufs[1].at[0]], rows[1], gsems[1])

    def step(jj, carry):
        for bb in range(4):
            c = 4 * jj + bb
            b = bb % 2
            pltpu.make_async_copy(x_hbm.at[ibufs[bb].at[0]], rows[b],
                                  gsems[b]).wait()
            pltpu.sync_copy(rows[b], acc.at[ibufs[bb].at[1]], add=True)

            @pl.when(c + 4 < nch)
            def _():
                pltpu.async_copy(idx_w.at[c + 4], ibufs[bb], isems[bb])

            @pl.when(c + 2 < nch)
            def _():
                nxt = (bb + 2) % 4
                pltpu.make_async_copy(idx_w.at[0], ibufs[nxt],
                                      isems[nxt]).wait()
                pltpu.async_copy(x_hbm.at[ibufs[nxt].at[0]], rows[b],
                                gsems[b])
        return carry

    lax.fori_loop(0, nch // 4, step, None)


def _ring_scratch(H):
    return ([pltpu.VMEM((2, CHUNK), jnp.int32) for _ in range(4)]
            + [pltpu.SemaphoreType.DMA for _ in range(4)]
            + [pltpu.VMEM((CHUNK, H), jnp.float32) for _ in range(2)]
            + [pltpu.SemaphoreType.DMA for _ in range(2)])


@functools.cache
def _agg_kernel(H):
    EPT = EE // NSUB
    NCH = EPT // CHUNK

    def half(x_hbm, out_hbm, idx3, zeros_hbm,
             ibufs, isems, rows, gsems, acc):
        w = lax.axis_index("s")
        nrow0 = pl.multiple_of(w * NROW, NROW)
        pltpu.sync_copy(zeros_hbm.at[pl.ds(nrow0, NROW)],
                        acc.at[pl.ds(nrow0, NROW)])
        plsc.subcore_barrier()
        _stream_agg(x_hbm, acc, idx3.at[w], ibufs, isems, rows, gsems, NCH)
        plsc.subcore_barrier()
        pltpu.sync_copy(acc.at[pl.ds(nrow0, NROW)],
                        out_hbm.at[pl.ds(nrow0, NROW)])

    @functools.partial(
        pl.kernel,
        mesh=_sc_mesh(),
        out_type=(jax.ShapeDtypeStruct((NPAD, H), jnp.float32),
                  jax.ShapeDtypeStruct((NPAD, H), jnp.float32)),
        scratch_types=_ring_scratch(H) + [
            pltpu.VMEM_SHARED((NPAD, H), jnp.float32),
        ],
    )
    def agg(xL, xR, idx3, zeros, outL, outR, *rest):
        ibufs, isems = rest[0:4], rest[4:8]
        rows, gsems, acc = rest[8:10], rest[10:12], rest[-1]
        c = lax.axis_index("c")

        @pl.when(c == 0)
        def _():
            half(xL, outL, idx3, zeros, ibufs, isems, rows, gsems, acc)

        @pl.when(c == 1)
        def _():
            half(xR, outR, idx3, zeros, ibufs, isems, rows, gsems, acc)

    return agg


@functools.cache
def _agg0_kernel():
    H = D_IN
    EPC = EE // 2
    EPT = EPC // NSUB
    NCH = EPT // CHUNK

    @functools.partial(
        pl.kernel,
        mesh=_sc_mesh(),
        out_type=(jax.ShapeDtypeStruct((NPAD, H), jnp.float32),
                  jax.ShapeDtypeStruct((NPAD, H), jnp.float32)),
        scratch_types=_ring_scratch(H) + [
            pltpu.VMEM_SHARED((NPAD, H), jnp.float32),
        ],
    )
    def agg0(x, idx4, zeros, outA, outB, *rest):
        ibufs, isems = rest[0:4], rest[4:8]
        rows, gsems, acc = rest[8:10], rest[10:12], rest[-1]
        c = lax.axis_index("c")
        w = lax.axis_index("s")
        nrow0 = pl.multiple_of(w * NROW, NROW)
        pltpu.sync_copy(zeros.at[pl.ds(nrow0, NROW)],
                        acc.at[pl.ds(nrow0, NROW)])
        plsc.subcore_barrier()
        _stream_agg(x, acc, idx4.at[c, w], ibufs, isems, rows, gsems, NCH)
        plsc.subcore_barrier()

        @pl.when(c == 0)
        def _():
            pltpu.sync_copy(acc.at[pl.ds(nrow0, NROW)],
                            outA.at[pl.ds(nrow0, NROW)])

        @pl.when(c == 1)
        def _():
            pltpu.sync_copy(acc.at[pl.ds(nrow0, NROW)],
                            outB.at[pl.ds(nrow0, NROW)])

    return agg0


@functools.cache
def _deg_kernel():
    EPC = EE // 2
    EPT = EPC // NSUB
    NCH = EPT // CHUNK

    @functools.partial(
        pl.kernel,
        mesh=_sc_mesh(),
        out_type=(jax.ShapeDtypeStruct((NPAD, DEGW), jnp.float32),
                  jax.ShapeDtypeStruct((NPAD, DEGW), jnp.float32)),
        scratch_types=[
            pltpu.VMEM((NCH, CHUNK), jnp.int32),
            pltpu.VMEM((CHUNK, DEGW), jnp.float32),
            pltpu.VMEM_SHARED((NPAD, DEGW), jnp.float32),
        ],
    )
    def deg(dst4d, ones_hbm, zeros_hbm, outA, outB, dst2d, ones_v, acc):
        c = lax.axis_index("c")
        w = lax.axis_index("s")
        nrow0 = pl.multiple_of(w * NROW, NROW)
        pltpu.sync_copy(zeros_hbm.at[pl.ds(nrow0, NROW)],
                        acc.at[pl.ds(nrow0, NROW)])
        pltpu.sync_copy(ones_hbm, ones_v)
        pltpu.sync_copy(dst4d.at[c, w], dst2d)
        plsc.subcore_barrier()

        def step(i, carry):
            pltpu.sync_copy(ones_v, acc.at[dst2d.at[i]], add=True)
            return carry

        lax.fori_loop(0, NCH, step, None)
        plsc.subcore_barrier()

        @pl.when(c == 0)
        def _():
            pltpu.sync_copy(acc.at[pl.ds(nrow0, NROW)],
                            outA.at[pl.ds(nrow0, NROW)])

        @pl.when(c == 1)
        def _():
            pltpu.sync_copy(acc.at[pl.ds(nrow0, NROW)],
                            outB.at[pl.ds(nrow0, NROW)])

    return deg


def _k1(aggL, aggR, degA, degB, xL, xR, WlL, WlR, WrL, WrR, b):
    HA = WlL.shape[0]
    HX = xL.shape[1]

    def kern(aggL_r, aggR_r, degA_r, degB_r, xL_r, xR_r,
             WlL_r, WlR_r, WrL_r, WrR_r, b_r, P_r, s_r, ss_r):
        i = pl.program_id(0)
        deg = jnp.maximum(degA_r[:, 0:1] + degB_r[:, 0:1], 1.0)
        inv = 1.0 / deg
        bf = jnp.bfloat16
        h = (jnp.dot((aggL_r[...] * inv).astype(bf), WlL_r[...],
                     preferred_element_type=jnp.float32)
             + jnp.dot((aggR_r[...] * inv).astype(bf), WlR_r[...],
                       preferred_element_type=jnp.float32)
             + jnp.dot(xL_r[...].astype(bf), WrL_r[...],
                       preferred_element_type=jnp.float32)
             + jnp.dot(xR_r[...].astype(bf), WrR_r[...],
                       preferred_element_type=jnp.float32)
             + b_r[...])
        h = jnp.maximum(h, 0.0)
        P_r[...] = h

        @pl.when(i == 0)
        def _():
            s_r[...] = jnp.zeros_like(s_r)
            ss_r[...] = jnp.zeros_like(ss_r)

        s_r[...] += jnp.sum(h, axis=0, keepdims=True)
        ss_r[...] += jnp.sum(h * h, axis=0, keepdims=True)

    row = lambda i: (i, 0)
    fix = lambda i: (0, 0)
    return pl.pallas_call(
        kern,
        grid=(NBLK,),
        in_specs=[
            pl.BlockSpec((BLK, HA), row), pl.BlockSpec((BLK, HA), row),
            pl.BlockSpec((BLK, 8), row), pl.BlockSpec((BLK, 8), row),
            pl.BlockSpec((BLK, HX), row), pl.BlockSpec((BLK, HX), row),
            pl.BlockSpec((HA, D_H), fix), pl.BlockSpec((HA, D_H), fix),
            pl.BlockSpec((HX, D_H), fix), pl.BlockSpec((HX, D_H), fix),
            pl.BlockSpec((1, D_H), fix),
        ],
        out_specs=[
            pl.BlockSpec((BLK, D_H), row),
            pl.BlockSpec((1, D_H), fix),
            pl.BlockSpec((1, D_H), fix),
        ],
        out_shape=[
            jax.ShapeDtypeStruct((NN, D_H), jnp.float32),
            jax.ShapeDtypeStruct((1, D_H), jnp.float32),
            jax.ShapeDtypeStruct((1, D_H), jnp.float32),
        ],
    )(aggL, aggR, degA, degB, xL, xR, WlL, WlR, WrL, WrR,
      b.reshape(1, D_H))


def _k2(P, s, ss, gamma, beta):
    HD2 = D_H // 2

    def kern(P_r, s_r, ss_r, g_r, be_r, hL_r, hR_r):
        mean = s_r[...] / NN
        var = ss_r[...] / NN - mean * mean
        scale = g_r[...] * lax.rsqrt(var + 1e-5)
        shift = be_r[...] - mean * scale
        h = P_r[...] * scale + shift
        hL_r[...] = h[:, :HD2]
        hR_r[...] = h[:, HD2:]

    row = lambda i: (i, 0)
    fix = lambda i: (0, 0)
    return pl.pallas_call(
        kern,
        grid=(NBLK,),
        in_specs=[
            pl.BlockSpec((BLK, D_H), row),
            pl.BlockSpec((1, D_H), fix), pl.BlockSpec((1, D_H), fix),
            pl.BlockSpec((1, D_H), fix), pl.BlockSpec((1, D_H), fix),
        ],
        out_specs=[
            pl.BlockSpec((BLK, HD2), row),
            pl.BlockSpec((BLK, HD2), row),
        ],
        out_shape=[
            jax.ShapeDtypeStruct((NN, HD2), jnp.float32),
            jax.ShapeDtypeStruct((NN, HD2), jnp.float32),
        ],
    )(P, s, ss, gamma.reshape(1, D_H), beta.reshape(1, D_H))


def _k2_final(P, s, ss, gamma, beta, batch2d, g0s, g1s, W1, b1, W2, b2):
    def kern(P_r, s_r, ss_r, g_r, be_r, bat_r, g0_r, g1_r,
             W1_r, b1_r, W2_r, b2_r, out_r, pooled):
        i = pl.program_id(0)

        @pl.when(i == 0)
        def _():
            pooled[...] = jnp.full_like(pooled, -jnp.inf)

        mean = s_r[...] / NN
        var = ss_r[...] / NN - mean * mean
        scale = g_r[...] * lax.rsqrt(var + 1e-5)
        shift = be_r[...] - mean * scale
        h = P_r[...] * scale + shift
        ids = bat_r[...]

        def upd(g, carry):
            m = jnp.where(ids == g, h, -jnp.inf)
            mx = jnp.max(m, axis=0, keepdims=True)
            pooled[pl.ds(g, 1), :] = jnp.maximum(pooled[pl.ds(g, 1), :], mx)
            return carry

        lax.fori_loop(g0_r[i, 0], g1_r[i, 0] + 1, upd, None)

        @pl.when(i == NBLK - 1)
        def _():
            z = jnp.dot(pooled[...], W1_r[...],
                        preferred_element_type=jnp.float32) + b1_r[...]
            z = jnp.maximum(z, 0.0)
            z = jnp.dot(z, W2_r[...],
                        preferred_element_type=jnp.float32) + b2_r[...]
            z = jnp.maximum(z, 0.0)
            z = z - jnp.max(z, axis=1, keepdims=True)
            ez = jnp.exp(z)
            out_r[...] = ez / jnp.sum(ez, axis=1, keepdims=True)

    row = lambda i: (i, 0)
    fix = lambda i: (0, 0)
    smem = pl.BlockSpec(memory_space=pltpu.SMEM)
    return pl.pallas_call(
        kern,
        grid=(NBLK,),
        in_specs=[
            pl.BlockSpec((BLK, D_H), row),
            pl.BlockSpec((1, D_H), fix), pl.BlockSpec((1, D_H), fix),
            pl.BlockSpec((1, D_H), fix), pl.BlockSpec((1, D_H), fix),
            pl.BlockSpec((BLK, 1), row),
            smem, smem,
            pl.BlockSpec((D_H, 8), fix), pl.BlockSpec((1, 8), fix),
            pl.BlockSpec((8, D_OUT), fix), pl.BlockSpec((1, D_OUT), fix),
        ],
        out_specs=pl.BlockSpec((NG, D_OUT), fix),
        out_shape=jax.ShapeDtypeStruct((NG, D_OUT), jnp.float32),
        scratch_shapes=[pltpu.VMEM((NG, D_H), jnp.float32)],
    )(P, s, ss, gamma.reshape(1, D_H), beta.reshape(1, D_H), batch2d,
      g0s, g1s, W1, b1.reshape(1, 8), W2, b2.reshape(1, D_OUT))


def kernel(x, edge_index, batch,
           Wl_0, Wr_0, b_0, gamma_0, beta_0,
           Wl_1, Wr_1, b_1, gamma_1, beta_1,
           Wl_2, Wr_2, b_2, gamma_2, beta_2,
           W1, b1, W2, b2):
    src = edge_index[0]
    dst = edge_index[1]
    n12 = (EE // NSUB) // CHUNK
    n0 = (EE // 2 // NSUB) // CHUNK
    idx3 = jnp.stack([src.reshape(NSUB, n12, CHUNK),
                      dst.reshape(NSUB, n12, CHUNK)], axis=2)
    idx4 = jnp.stack([src.reshape(2, NSUB, n0, CHUNK),
                      dst.reshape(2, NSUB, n0, CHUNK)], axis=3)
    dst4d = dst.reshape(2, NSUB, n0, CHUNK)

    zeros = jnp.zeros((NPAD, DEGW), jnp.float32)
    ones = jnp.ones((CHUNK, DEGW), jnp.float32)
    degA, degB = _deg_kernel()(dst4d, ones, zeros)
    degA, degB = degA[:, :8], degB[:, :8]

    blocks = [
        (Wl_0, Wr_0, b_0, gamma_0, beta_0),
        (Wl_1, Wr_1, b_1, gamma_1, beta_1),
        (Wl_2, Wr_2, b_2, gamma_2, beta_2),
    ]

    HX = D_IN // 2
    xL, xR = x[:, :HX], x[:, HX:]
    out = None
    for i, (Wl, Wr, b, g, be) in enumerate(blocks):
        if i == 0:
            aggL, aggR = _agg0_kernel()(x, idx4, zeros)
            WlL, WlR = Wl, Wl
        else:
            aggL, aggR = _agg_kernel(HX)(xL, xR, idx3, zeros)
            WlL, WlR = Wl[:HX], Wl[HX:]
        bf = jnp.bfloat16
        P, s, ss = _k1(aggL, aggR, degA, degB, xL, xR,
                       WlL.astype(bf), WlR.astype(bf),
                       Wr[:HX].astype(bf), Wr[HX:].astype(bf), b)
        if i < 2:
            xL, xR = _k2(P, s, ss, g, be)
            HX = D_H // 2
        else:
            batch2d = batch.reshape(NN, 1)
            g0s = batch[0::BLK].reshape(NBLK, 1)
            g1s = batch[BLK - 1::BLK].reshape(NBLK, 1)
            out = _k2_final(P, s, ss, g, be, batch2d, g0s, g1s,
                            W1, b1, W2, b2)
    return out

# --- scband reference (transcript-rebuilt; emitter-appended) ---
"""Pipeline reference for scband-chem-sage-89206470738296 (READ-ONLY COPY).

The authoritative reference and input builder live on the scoring server;
editing this copy changes nothing except your own understanding.
"""

import jax, jax.numpy as jnp
import numpy as np

N = 10000
E = 320000
DIN = 128
DH = 256
DOUT = 10
NGRAPHS = 64
DEPTH = 3


def setup_inputs(seed: int = 0) -> dict:
    key = jax.random.key(seed)
    ks = jax.random.split(key, 32)
    inp = {}
    inp["x"] = jax.random.normal(ks[0], (N, DIN), dtype=jnp.float32)
    inp["edge_index"] = jax.random.randint(ks[1], (2, E), 0, N)
    inp["batch"] = jnp.sort(jax.random.randint(ks[2], (N,), 0, NGRAPHS))
    # SAGEConv + BatchNorm params per block
    kidx = 3
    for i in range(DEPTH):
        din = DIN if i == 0 else DH
        inp[f"Wl_{i}"] = jax.random.normal(ks[kidx], (din, DH), dtype=jnp.float32) * 0.05; kidx += 1
        inp[f"Wr_{i}"] = jax.random.normal(ks[kidx], (din, DH), dtype=jnp.float32) * 0.05; kidx += 1
        inp[f"b_{i}"] = jnp.zeros((DH,), dtype=jnp.float32)
        inp[f"gamma_{i}"] = jnp.ones((DH,), dtype=jnp.float32)
        inp[f"beta_{i}"] = jnp.zeros((DH,), dtype=jnp.float32)
    inp["W1"] = jax.random.normal(ks[kidx], (DH, 8), dtype=jnp.float32) * 0.05; kidx += 1
    inp["b1"] = jnp.zeros((8,), dtype=jnp.float32)
    inp["W2"] = jax.random.normal(ks[kidx], (8, DOUT), dtype=jnp.float32) * 0.05; kidx += 1
    inp["b2"] = jnp.zeros((DOUT,), dtype=jnp.float32)
    return inp


def _sage_block(x, src, dst, Wl, Wr, b, gamma, beta):
    # SAGEConv (mean aggregation): out = lin_l(mean_{j in N(i)} x_j) + lin_r(x_i)
    msg = x[src]
    agg = jax.ops.segment_sum(msg, dst, num_segments=N)
    deg = jax.ops.segment_sum(jnp.ones((E,), dtype=x.dtype), dst, num_segments=N)
    agg = agg / jnp.maximum(deg, 1.0)[:, None]
    h = agg @ Wl + x @ Wr + b
    h = jax.nn.relu(h)
    # F.dropout treated as identity (inference / deterministic reference)
    mean = jnp.mean(h, axis=0)
    var = jnp.var(h, axis=0)
    h = (h - mean) / jnp.sqrt(var + 1e-5) * gamma + beta
    return h


def reference(x, edge_index, batch,
              Wl_0, Wr_0, b_0, gamma_0, beta_0,
              Wl_1, Wr_1, b_1, gamma_1, beta_1,
              Wl_2, Wr_2, b_2, gamma_2, beta_2,
              W1, b1, W2, b2):
    src = edge_index[0]
    dst = edge_index[1]
    h = x
    blocks = [
        (Wl_0, Wr_0, b_0, gamma_0, beta_0),
        (Wl_1, Wr_1, b_1, gamma_1, beta_1),
        (Wl_2, Wr_2, b_2, gamma_2, beta_2),
    ]
    for (Wl, Wr, b, g, be) in blocks:
        h = _sage_block(h, src, dst, Wl, Wr, b, g, be)
    pooled = jax.ops.segment_max(h, batch, num_segments=NGRAPHS)
    out = jax.nn.relu(pooled @ W1 + b1)
    out = jax.nn.relu(out @ W2 + b2)
    out = jax.nn.softmax(out, axis=1)
    return out

if __name__ == "__main__":
    import jax
    _d = setup_inputs()
    print(jax.jit(kernel)(*tuple(_d.values())))

</pallas_src>

<mosaic_0001>
#map = affine_map<(d0, d1) -> (0, 0)>
#map1 = affine_map<(d0, d1) -> (0, 0, 0, 0)>
module attributes {stable_mosaic.version = 14 : i64} {
  func.func @agg(%arg0: i32, %arg1: i32, %arg2: memref<10000x128xf32, #tpu.memory_space<hbm>>, %arg3: memref<10000x128xf32, #tpu.memory_space<hbm>>, %arg4: memref<16x160x2x125xi32, #tpu.memory_space<hbm>>, %arg5: memref<10240x128xf32, #tpu.memory_space<hbm>>, %arg6: memref<10240x128xf32, #tpu.memory_space<hbm>>, %arg7: memref<10240x128xf32, #tpu.memory_space<hbm>>, %arg8: memref<2x125xi32, #tpu.memory_space<vmem>>, %arg9: memref<2x125xi32, #tpu.memory_space<vmem>>, %arg10: memref<2x125xi32, #tpu.memory_space<vmem>>, %arg11: memref<2x125xi32, #tpu.memory_space<vmem>>, %arg12: memref<!tpu.dma_semaphore, #tpu.memory_space<semaphore_mem>>, %arg13: memref<!tpu.dma_semaphore, #tpu.memory_space<semaphore_mem>>, %arg14: memref<!tpu.dma_semaphore, #tpu.memory_space<semaphore_mem>>, %arg15: memref<!tpu.dma_semaphore, #tpu.memory_space<semaphore_mem>>, %arg16: memref<125x128xf32, #tpu.memory_space<vmem>>, %arg17: memref<125x128xf32, #tpu.memory_space<vmem>>, %arg18: memref<!tpu.dma_semaphore, #tpu.memory_space<semaphore_mem>>, %arg19: memref<!tpu.dma_semaphore, #tpu.memory_space<semaphore_mem>>, %arg20: memref<10240x128xf32, #tpu.memory_space<vmem_shared>>) attributes {dimension_semantics = [#tpu.dimension_semantics<core_parallel>, #tpu.dimension_semantics<subcore_parallel>], iteration_bounds = array<i64: 2, 16>, scalar_prefetch = 0 : i64, scratch_operands = 13 : i64, tpu.core_type = #tpu.core_type<sc_vector_subcore>, window_params = [{transform_indices = #map}, {transform_indices = #map}, {transform_indices = #map1}, {transform_indices = #map}, {transform_indices = #map}, {transform_indices = #map}]} {
    %eq3A = arith.constant 0 : i32
    %eq3A_0 = arith.cmpi eq, %arg0, %eq3A : i32
    %convert_element_type3A = arith.extui %eq3A_0 : i1 to i32
    %cond3A = arith.constant 0 : i32
    %cond3A_1 = arith.cmpi ne, %convert_element_type3A, %cond3A : i32
    scf.if %cond3A_1 {
      %mul3A = arith.constant 640 : i32
      %mul3A_7 = arith.muli %arg1, %mul3A : i32
      %multiple_of3A = tpu.assume_multiple %mul3A_7, 640 : i32
      "tpu.region"() ({
        %run_scoped3A_65 = tpu.sem_alloc : memref<!tpu.dma_semaphore, #tpu.memory_space<semaphore_mem>>
        %dma_start3A_66 = arith.constant 0 : i32
        %dma_start3A_67 = tpu.memref_slice %arg20[%multiple_of3A, %dma_start3A_66] : memref<10240x128xf32, #tpu.memory_space<vmem_shared>> -> memref<640x128xf32, #tpu.memory_space<vmem_shared>>
        %dma_start3A_68 = arith.constant 0 : i32
        %dma_start3A_69 = tpu.memref_slice %arg5[%multiple_of3A, %dma_start3A_68] : memref<10240x128xf32, #tpu.memory_space<hbm>> -> memref<640x128xf32, #tpu.memory_space<hbm>>
        tpu.enqueue_dma source(%dma_start3A_69 : memref<640x128xf32, #tpu.memory_space<hbm>>) target(%dma_start3A_67 : memref<640x128xf32, #tpu.memory_space<vmem_shared>>) target_semaphore(%run_scoped3A_65 : memref<!tpu.dma_semaphore, #tpu.memory_space<semaphore_mem>>)
        %dma_wait3A = arith.constant 0 : i32
        %dma_wait3A_70 = tpu.memref_slice %arg20[%multiple_of3A, %dma_wait3A] : memref<10240x128xf32, #tpu.memory_space<vmem_shared>> -> memref<640x128xf32, #tpu.memory_space<vmem_shared>>
        %dma_wait3A_71 = arith.constant 0 : i32
        %dma_wait3A_72 = tpu.memref_slice %arg5[%multiple_of3A, %dma_wait3A_71] : memref<10240x128xf32, #tpu.memory_space<hbm>> -> memref<640x128xf32, #tpu.memory_space<hbm>>
        tpu.wait_dma2 semaphore(%run_scoped3A_65 : memref<!tpu.dma_semaphore, #tpu.memory_space<semaphore_mem>>) src(%dma_wait3A_72 : memref<640x128xf32, #tpu.memory_space<hbm>>) dst(%dma_wait3A_70 : memref<640x128xf32, #tpu.memory_space<vmem_shared>>)
        tpu.yield
      }) : () -> ()
      %barrier3A = arith.constant 0 : index
      tpu.barrier barrier_id(%barrier3A)
      %run_scoped3A = arith.constant 0 : i32
      "tpu.region"() ({
        %run_scoped3A_65 = tpu.sem_alloc : memref<!tpu.dma_semaphore, #tpu.memory_space<semaphore_mem>>
        %dma_start3A_66 = arith.constant 0 : i32
        %dma_start3A_67 = arith.constant 0 : i32
        %dma_start3A_68 = arith.constant 0 : i32
        %dma_start3A_69 = tpu.memref_slice %arg4[%arg1, %dma_start3A_66, %dma_start3A_67, %dma_start3A_68] : memref<16x160x2x125xi32, #tpu.memory_space<hbm>> -> memref<1x160x2x125xi32, #tpu.memory_space<hbm>>
        %dma_start3A_70 = tpu.memref_squeeze %dma_start3A_69 : memref<1x160x2x125xi32, #tpu.memory_space<hbm>> -> memref<160x2x125xi32, #tpu.memory_space<hbm>>
        %dma_start3A_71 = arith.constant 0 : i32
        %dma_start3A_72 = arith.constant 0 : i32
        %dma_start3A_73 = tpu.memref_slice %dma_start3A_70[%run_scoped3A, %dma_start3A_71, %dma_start3A_72] : memref<160x2x125xi32, #tpu.memory_space<hbm>> -> memref<1x2x125xi32, #tpu.memory_space<hbm>>
        %dma_start3A_74 = tpu.memref_squeeze %dma_start3A_73 : memref<1x2x125xi32, #tpu.memory_space<hbm>> -> memref<2x125xi32, #tpu.memory_space<hbm>>
        %dma_start3A_75 = arith.constant 0 : i32
        %dma_start3A_76 = arith.constant 0 : i32
        %dma_start3A_77 = arith.constant 0 : i32
        %dma_start3A_78 = tpu.memref_slice %arg4[%arg1, %dma_start3A_75, %dma_start3A_76, %dma_start3A_77] : memref<16x160x2x125xi32, #tpu.memory_space<hbm>> -> memref<1x160x2x125xi32, #tpu.memory_space<hbm>>
        %dma_start3A_79 = tpu.memref_squeeze %dma_start3A_78 : memref<1x160x2x125xi32, #tpu.memory_space<hbm>> -> memref<160x2x125xi32, #tpu.memory_space<hbm>>
        %dma_start3A_80 = arith.constant 0 : i32
        %dma_start3A_81 = arith.constant 0 : i32
        %dma_start3A_82 = tpu.memref_slice %dma_start3A_79[%run_scoped3A, %dma_start3A_80, %dma_start3A_81] : memref<160x2x125xi32, #tpu.memory_space<hbm>> -> memref<1x2x125xi32, #tpu.memory_space<hbm>>
        %dma_start3A_83 = tpu.memref_squeeze %dma_start3A_82 : memref<1x2x125xi32, #tpu.memory_space<hbm>> -> memref<2x125xi32, #tpu.memory_space<hbm>>
        tpu.enqueue_dma source(%dma_start3A_83 : memref<2x125xi32, #tpu.memory_space<hbm>>) target(%arg8 : memref<2x125xi32, #tpu.memory_space<vmem>>) target_semaphore(%run_scoped3A_65 : memref<!tpu.dma_semaphore, #tpu.memory_space<semaphore_mem>>)
        %dma_wait3A = arith.constant 0 : i32
        %dma_wait3A_84 = arith.constant 0 : i32
        %dma_wait3A_85 = arith.constant 0 : i32
        %dma_wait3A_86 = tpu.memref_slice %arg4[%arg1, %dma_wait3A, %dma_wait3A_84, %dma_wait3A_85] : memref<16x160x2x125xi32, #tpu.memory_space<hbm>> -> memref<1x160x2x125xi32, #tpu.memory_space<hbm>>
        %dma_wait3A_87 = tpu.memref_squeeze %dma_wait3A_86 : memref<1x160x2x125xi32, #tpu.memory_space<hbm>> -> memref<160x2x125xi32, #tpu.memory_space<hbm>>
        %dma_wait3A_88 = arith.constant 0 : i32
        %dma_wait3A_89 = arith.constant 0 : i32
        %dma_wait3A_90 = tpu.memref_slice %dma_wait3A_87[%run_scoped3A, %dma_wait3A_88, %dma_wait3A_89] : memref<160x2x125xi32, #tpu.memory_space<hbm>> -> memref<1x2x125xi32, #tpu.memory_space<hbm>>
        %dma_wait3A_91 = tpu.memref_squeeze %dma_wait3A_90 : memref<1x2x125xi32, #tpu.memory_space<hbm>> -> memref<2x125xi32, #tpu.memory_space<hbm>>
        %dma_wait3A_92 = arith.constant 0 : i32
        %dma_wait3A_93 = arith.constant 0 : i32
        %dma_wait3A_94 = arith.constant 0 : i32
        %dma_wait3A_95 = tpu.memref_slice %arg4[%arg1, %dma_wait3A_92, %dma_wait3A_93, %dma_wait3A_94] : memref<16x160x2x125xi32, #tpu.memory_space<hbm>> -> memref<1x160x2x125xi32, #tpu.memory_space<hbm>>
        %dma_wait3A_96 = tpu.memref_squeeze %dma_wait3A_95 : memref<1x160x2x125xi32, #tpu.memory_space<hbm>> -> memref<160x2x125xi32, #tpu.memory_space<hbm>>
        %dma_wait3A_97 = arith.constant 0 : i32
        %dma_wait3A_98 = arith.constant 0 : i32
        %dma_wait3A_99 = tpu.memref_slice %dma_wait3A_96[%run_scoped3A, %dma_wait3A_97, %dma_wait3A_98] : memref<160x2x125xi32, #tpu.memory_space<hbm>> -> memref<1x2x125xi32, #tpu.memory_space<hbm>>
        %dma_wait3A_100 = tpu.memref_squeeze %dma_wait3A_99 : memref<1x2x125xi32, #tpu.memory_space<hbm>> -> memref<2x125xi32, #tpu.memory_space<hbm>>
        tpu.wait_dma2 semaphore(%run_scoped3A_65 : memref<!tpu.dma_semaphore, #tpu.memory_space<semaphore_mem>>) src(%dma_wait3A_100 : memref<2x125xi32, #tpu.memory_space<hbm>>) dst(%arg8 : memref<2x125xi32, #tpu.memory_space<vmem>>)
        tpu.yield
      }) : () -> ()
      %run_scoped3A_8 = arith.constant 1 : i32
      "tpu.region"() ({
        %run_scoped3A_65 = tpu.sem_alloc : memref<!tpu.dma_semaphore, #tpu.memory_space<semaphore_mem>>
        %dma_start3A_66 = arith.constant 0 : i32
        %dma_start3A_67 = arith.constant 0 : i32
        %dma_start3A_68 = arith.constant 0 : i32
        %dma_start3A_69 = tpu.memref_slice %arg4[%arg1, %dma_start3A_66, %dma_start3A_67, %dma_start3A_68] : memref<16x160x2x125xi32, #tpu.memory_space<hbm>> -> memref<1x160x2x125xi32, #tpu.memory_space<hbm>>
        %dma_start3A_70 = tpu.memref_squeeze %dma_start3A_69 : memref<1x160x2x125xi32, #tpu.memory_space<hbm>> -> memref<160x2x125xi32, #tpu.memory_space<hbm>>
        %dma_start3A_71 = arith.constant 0 : i32
        %dma_start3A_72 = arith.constant 0 : i32
        %dma_start3A_73 = tpu.memref_slice %dma_start3A_70[%run_scoped3A_8, %dma_start3A_71, %dma_start3A_72] : memref<160x2x125xi32, #tpu.memory_space<hbm>> -> memref<1x2x125xi32, #tpu.memory_space<hbm>>
        %dma_start3A_74 = tpu.memref_squeeze %dma_start3A_73 : memref<1x2x125xi32, #tpu.memory_space<hbm>> -> memref<2x125xi32, #tpu.memory_space<hbm>>
        %dma_start3A_75 = arith.constant 0 : i32
        %dma_start3A_76 = arith.constant 0 : i32
        %dma_start3A_77 = arith.constant 0 : i32
        %dma_start3A_78 = tpu.memref_slice %arg4[%arg1, %dma_start3A_75, %dma_start3A_76, %dma_start3A_77] : memref<16x160x2x125xi32, #tpu.memory_space<hbm>> -> memref<1x160x2x125xi32, #tpu.memory_space<hbm>>
        %dma_start3A_79 = tpu.memref_squeeze %dma_start3A_78 : memref<1x160x2x125xi32, #tpu.memory_space<hbm>> -> memref<160x2x125xi32, #tpu.memory_space<hbm>>
        %dma_start3A_80 = arith.constant 0 : i32
        %dma_start3A_81 = arith.constant 0 : i32
        %dma_start3A_82 = tpu.memref_slice %dma_start3A_79[%run_scoped3A_8, %dma_start3A_80, %dma_start3A_81] : memref<160x2x125xi32, #tpu.memory_space<hbm>> -> memref<1x2x125xi32, #tpu.memory_space<hbm>>
        %dma_start3A_83 = tpu.memref_squeeze %dma_start3A_82 : memref<1x2x125xi32, #tpu.memory_space<hbm>> -> memref<2x125xi32, #tpu.memory_space<hbm>>
        tpu.enqueue_dma source(%dma_start3A_83 : memref<2x125xi32, #tpu.memory_space<hbm>>) target(%arg9 : memref<2x125xi32, #tpu.memory_space<vmem>>) target_semaphore(%run_scoped3A_65 : memref<!tpu.dma_semaphore, #tpu.memory_space<semaphore_mem>>)
        %dma_wait3A = arith.constant 0 : i32
        %dma_wait3A_84 = arith.constant 0 : i32
        %dma_wait3A_85 = arith.constant 0 : i32
        %dma_wait3A_86 = tpu.memref_slice %arg4[%arg1, %dma_wait3A, %dma_wait3A_84, %dma_wait3A_85] : memref<16x160x2x125xi32, #tpu.memory_space<hbm>> -> memref<1x160x2x125xi32, #tpu.memory_space<hbm>>
        %dma_wait3A_87 = tpu.memref_squeeze %dma_wait3A_86 : memref<1x160x2x125xi32, #tpu.memory_space<hbm>> -> memref<160x2x125xi32, #tpu.memory_space<hbm>>
        %dma_wait3A_88 = arith.constant 0 : i32
        %dma_wait3A_89 = arith.constant 0 : i32
        %dma_wait3A_90 = tpu.memref_slice %dma_wait3A_87[%run_scoped3A_8, %dma_wait3A_88, %dma_wait3A_89] : memref<160x2x125xi32, #tpu.memory_space<hbm>> -> memref<1x2x125xi32, #tpu.memory_space<hbm>>
        %dma_wait3A_91 = tpu.memref_squeeze %dma_wait3A_90 : memref<1x2x125xi32, #tpu.memory_space<hbm>> -> memref<2x125xi32, #tpu.memory_space<hbm>>
        %dma_wait3A_92 = arith.constant 0 : i32
        %dma_wait3A_93 = arith.constant 0 : i32
        %dma_wait3A_94 = arith.constant 0 : i32
        %dma_wait3A_95 = tpu.memref_slice %arg4[%arg1, %dma_wait3A_92, %dma_wait3A_93, %dma_wait3A_94] : memref<16x160x2x125xi32, #tpu.memory_space<hbm>> -> memref<1x160x2x125xi32, #tpu.memory_space<hbm>>
        %dma_wait3A_96 = tpu.memref_squeeze %dma_wait3A_95 : memref<1x160x2x125xi32, #tpu.memory_space<hbm>> -> memref<160x2x125xi32, #tpu.memory_space<hbm>>
        %dma_wait3A_97 = arith.constant 0 : i32
        %dma_wait3A_98 = arith.constant 0 : i32
        %dma_wait3A_99 = tpu.memref_slice %dma_wait3A_96[%run_scoped3A_8, %dma_wait3A_97, %dma_wait3A_98] : memref<160x2x125xi32, #tpu.memory_space<hbm>> -> memref<1x2x125xi32, #tpu.memory_space<hbm>>
        %dma_wait3A_100 = tpu.memref_squeeze %dma_wait3A_99 : memref<1x2x125xi32, #tpu.memory_space<hbm>> -> memref<2x125xi32, #tpu.memory_space<hbm>>
        tpu.wait_dma2 semaphore(%run_scoped3A_65 : memref<!tpu.dma_semaphore, #tpu.memory_space<semaphore_mem>>) src(%dma_wait3A_100 : memref<2x125xi32, #tpu.memory_space<hbm>>) dst(%arg9 : memref<2x125xi32, #tpu.memory_space<vmem>>)
        tpu.yield
      }) : () -> ()
      %dma_start3A = arith.constant 2 : i32
      %dma_start3A_9 = arith.constant 0 : i32
      %dma_start3A_10 = arith.constant 0 : i32
      %dma_start3A_11 = arith.constant 0 : i32
      %dma_start3A_12 = tpu.memref_slice %arg4[%arg1, %dma_start3A_9, %dma_start3A_10, %dma_start3A_11] : memref<16x160x2x125xi32, #tpu.memory_space<hbm>> -> memref<1x160x2x125xi32, #tpu.memory_space<hbm>>
      %dma_start3A_13 = tpu.memref_squeeze %dma_start3A_12 : memref<1x160x2x125xi32, #tpu.memory_space<hbm>> -> memref<160x2x125xi32, #tpu.memory_space<hbm>>
      %dma_start3A_14 = arith.constant 0 : i32
      %dma_start3A_15 = arith.constant 0 : i32
      %dma_start3A_16 = tpu.memref_slice %dma_start3A_13[%dma_start3A, %dma_start3A_14, %dma_start3A_15] : memref<160x2x125xi32, #tpu.memory_space<hbm>> -> memref<1x2x125xi32, #tpu.memory_space<hbm>>
      %dma_start3A_17 = tpu.memref_squeeze %dma_start3A_16 : memref<1x2x125xi32, #tpu.memory_space<hbm>> -> memref<2x125xi32, #tpu.memory_space<hbm>>
      %dma_start3A_18 = arith.constant 0 : i32
      %dma_start3A_19 = arith.constant 0 : i32
      %dma_start3A_20 = arith.constant 0 : i32
      %dma_start3A_21 = tpu.memref_slice %arg4[%arg1, %dma_start3A_18, %dma_start3A_19, %dma_start3A_20] : memref<16x160x2x125xi32, #tpu.memory_space<hbm>> -> memref<1x160x2x125xi32, #tpu.memory_space<hbm>>
      %dma_start3A_22 = tpu.memref_squeeze %dma_start3A_21 : memref<1x160x2x125xi32, #tpu.memory_space<hbm>> -> memref<160x2x125xi32, #tpu.memory_space<hbm>>
      %dma_start3A_23 = arith.constant 0 : i32
      %dma_start3A_24 = arith.constant 0 : i32
      %dma_start3A_25 = tpu.memref_slice %dma_start3A_22[%dma_start3A, %dma_start3A_23, %dma_start3A_24] : memref<160x2x125xi32, #tpu.memory_space<hbm>> -> memref<1x2x125xi32, #tpu.memory_space<hbm>>
      %dma_start3A_26 = tpu.memref_squeeze %dma_start3A_25 : memref<1x2x125xi32, #tpu.memory_space<hbm>> -> memref<2x125xi32, #tpu.memory_space<hbm>>
      tpu.enqueue_dma source(%dma_start3A_26 : memref<2x125xi32, #tpu.memory_space<hbm>>) target(%arg10 : memref<2x125xi32, #tpu.memory_space<vmem>>) target_semaphore(%arg14 : memref<!tpu.dma_semaphore, #tpu.memory_space<semaphore_mem>>)
      %dma_start3A_27 = arith.constant 3 : i32
      %dma_start3A_28 = arith.constant 0 : i32
      %dma_start3A_29 = arith.constant 0 : i32
      %dma_start3A_30 = arith.constant 0 : i32
      %dma_start3A_31 = tpu.memref_slice %arg4[%arg1, %dma_start3A_28, %dma_start3A_29, %dma_start3A_30] : memref<16x160x2x125xi32, #tpu.memory_space<hbm>> -> memref<1x160x2x125xi32, #tpu.memory_space<hbm>>
      %dma_start3A_32 = tpu.memref_squeeze %dma_start3A_31 : memref<1x160x2x125xi32, #tpu.memory_space<hbm>> -> memref<160x2x125xi32, #tpu.memory_space<hbm>>
      %dma_start3A_33 = arith.constant 0 : i32
      %dma_start3A_34 = arith.constant 0 : i32
      %dma_start3A_35 = tpu.memref_slice %dma_start3A_32[%dma_start3A_27, %dma_start3A_33, %dma_start3A_34] : memref<160x2x125xi32, #tpu.memory_space<hbm>> -> memref<1x2x125xi32, #tpu.memory_space<hbm>>
      %dma_start3A_36 = tpu.memref_squeeze %dma_start3A_35 : memref<1x2x125xi32, #tpu.memory_space<hbm>> -> memref<2x125xi32, #tpu.memory_space<hbm>>
      %dma_start3A_37 = arith.constant 0 : i32
      %dma_start3A_38 = arith.constant 0 : i32
      %dma_start3A_39 = arith.constant 0 : i32
      %dma_start3A_40 = tpu.memref_slice %arg4[%arg1, %dma_start3A_37, %dma_start3A_38, %dma_start3A_39] : memref<16x160x2x125xi32, #tpu.memory_space<hbm>> -> memref<1x160x2x125xi32, #tpu.memory_space<hbm>>
      %dma_start3A_41 = tpu.memref_squeeze %dma_start3A_40 : memref<1x160x2x125xi32, #tpu.memory_space<hbm>> -> memref<160x2x125xi32, #tpu.memory_space<hbm>>
      %dma_start3A_42 = arith.constant 0 : i32
      %dma_start3A_43 = arith.constant 0 : i32
      %dma_start3A_44 = tpu.memref_slice %dma_start3A_41[%dma_start3A_27, %dma_start3A_42, %dma_start3A_43] : memref<160x2x125xi32, #tpu.memory_space<hbm>> -> memref<1x2x125xi32, #tpu.memory_space<hbm>>
      %dma_start3A_45 = tpu.memref_squeeze %dma_start3A_44 : memref<1x2x125xi32, #tpu.memory_space<hbm>> -> memref<2x125xi32, #tpu.memory_space<hbm>>
      tpu.enqueue_dma source(%dma_start3A_45 : memref<2x125xi32, #tpu.memory_space<hbm>>) target(%arg11 : memref<2x125xi32, #tpu.memory_space<vmem>>) target_semaphore(%arg15 : memref<!tpu.dma_semaphore, #tpu.memory_space<semaphore_mem>>)
      %dma_start3A_46 = arith.constant 0 : i32
      %dma_start3A_47 = arith.constant 0 : i32
      %dma_start3A_48 = tpu.memref_slice %arg8[%dma_start3A_46, %dma_start3A_47] : memref<2x125xi32, #tpu.memory_space<vmem>> -> memref<1x125xi32, #tpu.memory_space<vmem>>
      %dma_start3A_49 = tpu.memref_squeeze %dma_start3A_48 : memref<1x125xi32, #tpu.memory_space<vmem>> -> memref<125xi32, #tpu.memory_space<vmem>>
      %dma_start3A_50 = arith.constant 0 : i32
      %dma_start3A_51 = arith.constant 0 : i32
      %dma_start3A_52 = tpu.memref_slice %arg2[%dma_start3A_50, %dma_start3A_51] : memref<10000x128xf32, #tpu.memory_space<hbm>> -> memref<10000x128xf32, #tpu.memory_space<hbm>>
      tpu.enqueue_indirect_dma source(%dma_start3A_52 : memref<10000x128xf32, #tpu.memory_space<hbm>>) target(%arg16 : memref<125x128xf32, #tpu.memory_space<vmem>>) offsets(%dma_start3A_49 : memref<125xi32, #tpu.memory_space<vmem>>) semaphore(%arg18 : memref<!tpu.dma_semaphore, #tpu.memory_space<semaphore_mem>>)
      %dma_start3A_53 = arith.constant 0 : i32
      %dma_start3A_54 = arith.constant 0 : i32
      %dma_start3A_55 = tpu.memref_slice %arg9[%dma_start3A_53, %dma_start3A_54] : memref<2x125xi32, #tpu.memory_space<vmem>> -> memref<1x125xi32, #tpu.memory_space<vmem>>
      %dma_start3A_56 = tpu.memref_squeeze %dma_start3A_55 : memref<1x125xi32, #tpu.memory_space<vmem>> -> memref<125xi32, #tpu.memory_space<vmem>>
      %dma_start3A_57 = arith.constant 0 : i32
      %dma_start3A_58 = arith.constant 0 : i32
      %dma_start3A_59 = tpu.memref_slice %arg2[%dma_start3A_57, %dma_start3A_58] : memref<10000x128xf32, #tpu.memory_space<hbm>> -> memref<10000x128xf32, #tpu.memory_space<hbm>>
      tpu.enqueue_indirect_dma source(%dma_start3A_59 : memref<10000x128xf32, #tpu.memory_space<hbm>>) target(%arg17 : memref<125x128xf32, #tpu.memory_space<vmem>>) offsets(%dma_start3A_56 : memref<125xi32, #tpu.memory_space<vmem>>) semaphore(%arg19 : memref<!tpu.dma_semaphore, #tpu.memory_space<semaphore_mem>>)
      %scan3A = arith.constant 0 : i32
      %scan3A_60 = arith.constant 40 : i32
      %scan3A_61 = arith.addi %scan3A, %scan3A_60 : i32
      %scan3A_62 = arith.constant 1 : i32
      scf.for %scan3A_65 = %scan3A to %scan3A_61 step %scan3A_62  : i32 {
        %mul3A_66 = arith.constant 4 : i32
        %mul3A_67 = arith.muli %mul3A_66, %scan3A_65 : i32
        %add3A = arith.constant 0 : i32
        %add3A_68 = arith.addi %mul3A_67, %add3A : i32
        %dma_wait3A = arith.constant 0 : i32
        %dma_wait3A_69 = arith.constant 0 : i32
        %dma_wait3A_70 = tpu.memref_slice %arg8[%dma_wait3A, %dma_wait3A_69] : memref<2x125xi32, #tpu.memory_space<vmem>> -> memref<1x125xi32, #tpu.memory_space<vmem>>
        %dma_wait3A_71 = tpu.memref_squeeze %dma_wait3A_70 : memref<1x125xi32, #tpu.memory_space<vmem>> -> memref<125xi32, #tpu.memory_space<vmem>>
        %dma_wait3A_72 = arith.constant 0 : i32
        %dma_wait3A_73 = arith.constant 0 : i32
        %dma_wait3A_74 = tpu.memref_slice %arg2[%dma_wait3A_72, %dma_wait3A_73] : memref<10000x128xf32, #tpu.memory_space<hbm>> -> memref<10000x128xf32, #tpu.memory_space<hbm>>
        tpu.wait_indirect_dma semaphore(%arg18 : memref<!tpu.dma_semaphore, #tpu.memory_space<semaphore_mem>>) src(%dma_wait3A_74 : memref<10000x128xf32, #tpu.memory_space<hbm>>) dst(%arg16 : memref<125x128xf32, #tpu.memory_space<vmem>>)
        %run_scoped3A_75 = arith.constant 1 : i32
        "tpu.region"() ({
          %run_scoped3A_167 = tpu.sem_alloc : memref<!tpu.dma_semaphore, #tpu.memory_space<semaphore_mem>>
          %dma_start3A_168 = arith.constant 0 : i32
          %dma_start3A_169 = tpu.memref_slice %arg8[%run_scoped3A_75, %dma_start3A_168] : memref<2x125xi32, #tpu.memory_space<vmem>> -> memref<1x125xi32, #tpu.memory_space<vmem>>
          %dma_start3A_170 = tpu.memref_squeeze %dma_start3A_169 : memref<1x125xi32, #tpu.memory_space<vmem>> -> memref<125xi32, #tpu.memory_space<vmem>>
          %dma_start3A_171 = arith.constant 0 : i32
          %dma_start3A_172 = arith.constant 0 : i32
          %dma_start3A_173 = tpu.memref_slice %arg20[%dma_start3A_171, %dma_start3A_172] : memref<10240x128xf32, #tpu.memory_space<vmem_shared>> -> memref<10240x128xf32, #tpu.memory_space<vmem_shared>>
          tpu.enqueue_indirect_dma source(%arg16 : memref<125x128xf32, #tpu.memory_space<vmem>>) target(%dma_start3A_173 : memref<10240x128xf32, #tpu.memory_space<vmem_shared>>) offsets(%dma_start3A_170 : memref<125xi32, #tpu.memory_space<vmem>>) semaphore(%run_scoped3A_167 : memref<!tpu.dma_semaphore, #tpu.memory_space<semaphore_mem>>) {add = true}
          %dma_wait3A_174 = arith.constant 0 : i32
          %dma_wait3A_175 = tpu.memref_slice %arg8[%run_scoped3A_75, %dma_wait3A_174] : memref<2x125xi32, #tpu.memory_space<vmem>> -> memref<1x125xi32, #tpu.memory_space<vmem>>
          %dma_wait3A_176 = tpu.memref_squeeze %dma_wait3A_175 : memref<1x125xi32, #tpu.memory_space<vmem>> -> memref<125xi32, #tpu.memory_space<vmem>>
          %dma_wait3A_177 = arith.constant 0 : i32
          %dma_wait3A_178 = arith.constant 0 : i32
          %dma_wait3A_179 = tpu.memref_slice %arg20[%dma_wait3A_177, %dma_wait3A_178] : memref<10240x128xf32, #tpu.memory_space<vmem_shared>> -> memref<10240x128xf32, #tpu.memory_space<vmem_shared>>
          tpu.wait_indirect_dma semaphore(%run_scoped3A_167 : memref<!tpu.dma_semaphore, #tpu.memory_space<semaphore_mem>>) src(%arg16 : memref<125x128xf32, #tpu.memory_space<vmem>>) dst(%dma_wait3A_179 : memref<10240x128xf32, #tpu.memory_space<vmem_shared>>)
          tpu.yield
        }) : () -> ()
        %add3A_76 = arith.constant 4 : i32
        %add3A_77 = arith.addi %add3A_68, %add3A_76 : i32
        %lt3A = arith.constant 160 : i32
        %lt3A_78 = arith.cmpi slt, %add3A_77, %lt3A : i32
        %convert_element_type3A_79 = arith.extui %lt3A_78 : i1 to i32
        %cond3A_80 = arith.constant 0 : i32
        %cond3A_81 = arith.cmpi ne, %convert_element_type3A_79, %cond3A_80 : i32
        scf.if %cond3A_81 {
          %add3A_167 = arith.constant 4 : i32
          %add3A_168 = arith.addi %add3A_68, %add3A_167 : i32
          %dma_start3A_169 = arith.constant 0 : i32
          %dma_start3A_170 = arith.constant 0 : i32
          %dma_start3A_171 = arith.constant 0 : i32
          %dma_start3A_172 = tpu.memref_slice %arg4[%arg1, %dma_start3A_169, %dma_start3A_170, %dma_start3A_171] : memref<16x160x2x125xi32, #tpu.memory_space<hbm>> -> memref<1x160x2x125xi32, #tpu.memory_space<hbm>>
          %dma_start3A_173 = tpu.memref_squeeze %dma_start3A_172 : memref<1x160x2x125xi32, #tpu.memory_space<hbm>> -> memref<160x2x125xi32, #tpu.memory_space<hbm>>
          %dma_start3A_174 = arith.constant 0 : i32
          %dma_start3A_175 = arith.constant 0 : i32
          %dma_start3A_176 = tpu.memref_slice %dma_start3A_173[%add3A_168, %dma_start3A_174, %dma_start3A_175] : memref<160x2x125xi32, #tpu.memory_space<hbm>> -> memref<1x2x125xi32, #tpu.memory_space<hbm>>
          %dma_start3A_177 = tpu.memref_squeeze %dma_start3A_176 : memref<1x2x125xi32, #tpu.memory_space<hbm>> -> memref<2x125xi32, #tpu.memory_space<hbm>>
          %dma_start3A_178 = arith.constant 0 : i32
          %dma_start3A_179 = arith.constant 0 : i32
          %dma_start3A_180 = arith.constant 0 : i32
          %dma_start3A_181 = tpu.memref_slice %arg4[%arg1, %dma_start3A_178, %dma_start3A_179, %dma_start3A_180] : memref<16x160x2x125xi32, #tpu.memory_space<hbm>> -> memref<1x160x2x125xi32, #tpu.memory_space<hbm>>
          %dma_start3A_182 = tpu.memref_squeeze %dma_start3A_181 : memref<1x160x2x125xi32, #tpu.memory_space<hbm>> -> memref<160x2x125xi32, #tpu.memory_space<hbm>>
          %dma_start3A_183 = arith.constant 0 : i32
          %dma_start3A_184 = arith.constant 0 : i32
          %dma_start3A_185 = tpu.memref_slice %dma_start3A_182[%add3A_168, %dma_start3A_183, %dma_start3A_184] : memref<160x2x125xi32, #tpu.memory_space<hbm>> -> memref<1x2x125xi32, #tpu.memory_space<hbm>>
          %dma_start3A_186 = tpu.memref_squeeze %dma_start3A_185 : memref<1x2x125xi32, #tpu.memory_space<hbm>> -> memref<2x125xi32, #tpu.memory_space<hbm>>
          tpu.enqueue_dma source(%dma_start3A_186 : memref<2x125xi32, #tpu.memory_space<hbm>>) target(%arg8 : memref<2x125xi32, #tpu.memory_space<vmem>>) target_semaphore(%arg12 : memref<!tpu.dma_semaphore, #tpu.memory_space<semaphore_mem>>)
        } else {
        }
        %add3A_82 = arith.constant 2 : i32
        %add3A_83 = arith.addi %add3A_68, %add3A_82 : i32
        %lt3A_84 = arith.constant 160 : i32
        %lt3A_85 = arith.cmpi slt, %add3A_83, %lt3A_84 : i32
        %convert_element_type3A_86 = arith.extui %lt3A_85 : i1 to i32
        %cond3A_87 = arith.constant 0 : i32
        %cond3A_88 = arith.cmpi ne, %convert_element_type3A_86, %cond3A_87 : i32
        scf.if %cond3A_88 {
          %dma_wait3A_167 = arith.constant 0 : i32
          %dma_wait3A_168 = arith.constant 0 : i32
          %dma_wait3A_169 = arith.constant 0 : i32
          %dma_wait3A_170 = arith.constant 0 : i32
          %dma_wait3A_171 = tpu.memref_slice %arg4[%arg1, %dma_wait3A_168, %dma_wait3A_169, %dma_wait3A_170] : memref<16x160x2x125xi32, #tpu.memory_space<hbm>> -> memref<1x160x2x125xi32, #tpu.memory_space<hbm>>
          %dma_wait3A_172 = tpu.memref_squeeze %dma_wait3A_171 : memref<1x160x2x125xi32, #tpu.memory_space<hbm>> -> memref<160x2x125xi32, #tpu.memory_space<hbm>>
          %dma_wait3A_173 = arith.constant 0 : i32
          %dma_wait3A_174 = arith.constant 0 : i32
          %dma_wait3A_175 = tpu.memref_slice %dma_wait3A_172[%dma_wait3A_167, %dma_wait3A_173, %dma_wait3A_174] : memref<160x2x125xi32, #tpu.memory_space<hbm>> -> memref<1x2x125xi32, #tpu.memory_space<hbm>>
          %dma_wait3A_176 = tpu.memref_squeeze %dma_wait3A_175 : memref<1x2x125xi32, #tpu.memory_space<hbm>> -> memref<2x125xi32, #tpu.memory_space<hbm>>
          %dma_wait3A_177 = arith.constant 0 : i32
          %dma_wait3A_178 = arith.constant 0 : i32
          %dma_wait3A_179 = arith.constant 0 : i32
          %dma_wait3A_180 = tpu.memref_slice %arg4[%arg1, %dma_wait3A_177, %dma_wait3A_178, %dma_wait3A_179] : memref<16x160x2x125xi32, #tpu.memory_space<hbm>> -> memref<1x160x2x125xi32, #tpu.memory_space<hbm>>
          %dma_wait3A_181 = tpu.memref_squeeze %dma_wait3A_180 : memref<1x160x2x125xi32, #tpu.memory_space<hbm>> -> memref<160x2x125xi32, #tpu.memory_space<hbm>>
          %dma_wait3A_182 = arith.constant 0 : i32
          %dma_wait3A_183 = arith.constant 0 : i32
          %dma_wait3A_184 = tpu.memref_slice %dma_wait3A_181[%dma_wait3A_167, %dma_wait3A_182, %dma_wait3A_183] : memref<160x2x125xi32, #tpu.memory_space<hbm>> -> memref<1x2x125xi32, #tpu.memory_space<hbm>>
          %dma_wait3A_185 = tpu.memref_squeeze %dma_wait3A_184 : memref<1x2x125xi32, #tpu.memory_space<hbm>> -> memref<2x125xi32, #tpu.memory_space<hbm>>
          tpu.wait_dma2 semaphore(%arg14 : memref<!tpu.dma_semaphore, #tpu.memory_space<semaphore_mem>>) src(%dma_wait3A_185 : memref<2x125xi32, #tpu.memory_space<hbm>>) dst(%arg10 : memref<2x125xi32, #tpu.memory_space<vmem>>)
          %dma_start3A_186 = arith.constant 0 : i32
          %dma_start3A_187 = arith.constant 0 : i32
          %dma_start3A_188 = tpu.memref_slice %arg10[%dma_start3A_186, %dma_start3A_187] : memref<2x125xi32, #tpu.memory_space<vmem>> -> memref<1x125xi32, #tpu.memory_space<vmem>>
          %dma_start3A_189 = tpu.memref_squeeze %dma_start3A_188 : memref<1x125xi32, #tpu.memory_space<vmem>> -> memref<125xi32, #tpu.memory_space<vmem>>
          %dma_start3A_190 = arith.constant 0 : i32
          %dma_start3A_191 = arith.constant 0 : i32
          %dma_start3A_192 = tpu.memref_slice %arg2[%dma_start3A_190, %dma_start3A_191] : memref<10000x128xf32, #tpu.memory_space<hbm>> -> memref<10000x128xf32, #tpu.memory_space<hbm>>
          tpu.enqueue_indirect_dma source(%dma_start3A_192 : memref<10000x128xf32, #tpu.memory_space<hbm>>) target(%arg16 : memref<125x128xf32, #tpu.memory_space<vmem>>) offsets(%dma_start3A_189 : memref<125xi32, #tpu.memory_space<vmem>>) semaphore(%arg18 : memref<!tpu.dma_semaphore, #tpu.memory_space<semaphore_mem>>)
        } else {
        }
        %mul3A_89 = arith.constant 4 : i32
        %mul3A_90 = arith.muli %mul3A_89, %scan3A_65 : i32
        %add3A_91 = arith.constant 1 : i32
        %add3A_92 = arith.addi %mul3A_90, %add3A_91 : i32
        %dma_wait3A_93 = arith.constant 0 : i32
        %dma_wait3A_94 = arith.constant 0 : i32
        %dma_wait3A_95 = tpu.memref_slice %arg9[%dma_wait3A_93, %dma_wait3A_94] : memref<2x125xi32, #tpu.memory_space<vmem>> -> memref<1x125xi32, #tpu.memory_space<vmem>>
        %dma_wait3A_96 = tpu.memref_squeeze %dma_wait3A_95 : memref<1x125xi32, #tpu.memory_space<vmem>> -> memref<125xi32, #tpu.memory_space<vmem>>
        %dma_wait3A_97 = arith.constant 0 : i32
        %dma_wait3A_98 = arith.constant 0 : i32
        %dma_wait3A_99 = tpu.memref_slice %arg2[%dma_wait3A_97, %dma_wait3A_98] : memref<10000x128xf32, #tpu.memory_space<hbm>> -> memref<10000x128xf32, #tpu.memory_space<hbm>>
        tpu.wait_indirect_dma semaphore(%arg19 : memref<!tpu.dma_semaphore, #tpu.memory_space<semaphore_mem>>) src(%dma_wait3A_99 : memref<10000x128xf32, #tpu.memory_space<hbm>>) dst(%arg17 : memref<125x128xf32, #tpu.memory_space<vmem>>)
        %run_scoped3A_100 = arith.constant 1 : i32
        "tpu.region"() ({
          %run_scoped3A_167 = tpu.sem_alloc : memref<!tpu.dma_semaphore, #tpu.memory_space<semaphore_mem>>
          %dma_start3A_168 = arith.constant 0 : i32
          %dma_start3A_169 = tpu.memref_slice %arg9[%run_scoped3A_100, %dma_start3A_168] : memref<2x125xi32, #tpu.memory_space<vmem>> -> memref<1x125xi32, #tpu.memory_space<vmem>>
          %dma_start3A_170 = tpu.memref_squeeze %dma_start3A_169 : memref<1x125xi32, #tpu.memory_space<vmem>> -> memref<125xi32, #tpu.memory_space<vmem>>
          %dma_start3A_171 = arith.constant 0 : i32
          %dma_start3A_172 = arith.constant 0 : i32
          %dma_start3A_173 = tpu.memref_slice %arg20[%dma_start3A_171, %dma_start3A_172] : memref<10240x128xf32, #tpu.memory_space<vmem_shared>> -> memref<10240x128xf32, #tpu.memory_space<vmem_shared>>
          tpu.enqueue_indirect_dma source(%arg17 : memref<125x128xf32, #tpu.memory_space<vmem>>) target(%dma_start3A_173 : memref<10240x128xf32, #tpu.memory_space<vmem_shared>>) offsets(%dma_start3A_170 : memref<125xi32, #tpu.memory_space<vmem>>) semaphore(%run_scoped3A_167 : memref<!tpu.dma_semaphore, #tpu.memory_space<semaphore_mem>>) {add = true}
          %dma_wait3A_174 = arith.constant 0 : i32
          %dma_wait3A_175 = tpu.memref_slice %arg9[%run_scoped3A_100, %dma_wait3A_174] : memref<2x125xi32, #tpu.memory_space<vmem>> -> memref<1x125xi32, #tpu.memory_space<vmem>>
          %dma_wait3A_176 = tpu.memref_squeeze %dma_wait3A_175 : memref<1x125xi32, #tpu.memory_space<vmem>> -> memref<125xi32, #tpu.memory_space<vmem>>
          %dma_wait3A_177 = arith.constant 0 : i32
          %dma_wait3A_178 = arith.constant 0 : i32
          %dma_wait3A_179 = tpu.memref_slice %arg20[%dma_wait3A_177, %dma_wait3A_178] : memref<10240x128xf32, #tpu.memory_space<vmem_shared>> -> memref<10240x128xf32, #tpu.memory_space<vmem_shared>>
          tpu.wait_indirect_dma semaphore(%run_scoped3A_167 : memref<!tpu.dma_semaphore, #tpu.memory_space<semaphore_mem>>) src(%arg17 : memref<125x128xf32, #tpu.memory_space<vmem>>) dst(%dma_wait3A_179 : memref<10240x128xf32, #tpu.memory_space<vmem_shared>>)
          tpu.yield
        }) : () -> ()
        %add3A_101 = arith.constant 4 : i32
        %add3A_102 = arith.addi %add3A_92, %add3A_101 : i32
        %lt3A_103 = arith.constant 160 : i32
        %lt3A_104 = arith.cmpi slt, %add3A_102, %lt3A_103 : i32
        %convert_element_type3A_105 = arith.extui %lt3A_104 : i1 to i32
        %cond3A_106 = arith.constant 0 : i32
        %cond3A_107 = arith.cmpi ne, %convert_element_type3A_105, %cond3A_106 : i32
        scf.if %cond3A_107 {
          %add3A_167 = arith.constant 4 : i32
          %add3A_168 = arith.addi %add3A_92, %add3A_167 : i32
          %dma_start3A_169 = arith.constant 0 : i32
          %dma_start3A_170 = arith.constant 0 : i32
          %dma_start3A_171 = arith.constant 0 : i32
          %dma_start3A_172 = tpu.memref_slice %arg4[%arg1, %dma_start3A_169, %dma_start3A_170, %dma_start3A_171] : memref<16x160x2x125xi32, #tpu.memory_space<hbm>> -> memref<1x160x2x125xi32, #tpu.memory_space<hbm>>
          %dma_start3A_173 = tpu.memref_squeeze %dma_start3A_172 : memref<1x160x2x125xi32, #tpu.memory_space<hbm>> -> memref<160x2x125xi32, #tpu.memory_space<hbm>>
          %dma_start3A_174 = arith.constant 0 : i32
          %dma_start3A_175 = arith.constant 0 : i32
          %dma_start3A_176 = tpu.memref_slice %dma_start3A_173[%add3A_168, %dma_start3A_174, %dma_start3A_175] : memref<160x2x125xi32, #tpu.memory_space<hbm>> -> memref<1x2x125xi32, #tpu.memory_space<hbm>>
          %dma_start3A_177 = tpu.memref_squeeze %dma_start3A_176 : memref<1x2x125xi32, #tpu.memory_space<hbm>> -> memref<2x125xi32, #tpu.memory_space<hbm>>
          %dma_start3A_178 = arith.constant 0 : i32
          %dma_start3A_179 = arith.constant 0 : i32
          %dma_start3A_180 = arith.constant 0 : i32
          %dma_start3A_181 = tpu.memref_slice %arg4[%arg1, %dma_start3A_178, %dma_start3A_179, %dma_start3A_180] : memref<16x160x2x125xi32, #tpu.memory_space<hbm>> -> memref<1x160x2x125xi32, #tpu.memory_space<hbm>>
          %dma_start3A_182 = tpu.memref_squeeze %dma_start3A_181 : memref<1x160x2x125xi32, #tpu.memory_space<hbm>> -> memref<160x2x125xi32, #tpu.memory_space<hbm>>
          %dma_start3A_183 = arith.constant 0 : i32
          %dma_start3A_184 = arith.constant 0 : i32
          %dma_start3A_185 = tpu.memref_slice %dma_start3A_182[%add3A_168, %dma_start3A_183, %dma_start3A_184] : memref<160x2x125xi32, #tpu.memory_space<hbm>> -> memref<1x2x125xi32, #tpu.memory_space<hbm>>
          %dma_start3A_186 = tpu.memref_squeeze %dma_start3A_185 : memref<1x2x125xi32, #tpu.memory_space<hbm>> -> memref<2x125xi32, #tpu.memory_space<hbm>>
          tpu.enqueue_dma source(%dma_start3A_186 : memref<2x125xi32, #tpu.memory_space<hbm>>) target(%arg9 : memref<2x125xi32, #tpu.memory_space<vmem>>) target_semaphore(%arg13 : memref<!tpu.dma_semaphore, #tpu.memory_space<semaphore_mem>>)
        } else {
        }
        %add3A_108 = arith.constant 2 : i32
        %add3A_109 = arith.addi %add3A_92, %add3A_108 : i32
        %lt3A_110 = arith.constant 160 : i32
        %lt3A_111 = arith.cmpi slt, %add3A_109, %lt3A_110 : i32
        %convert_element_type3A_112 = arith.extui %lt3A_111 : i1 to i32
        %cond3A_113 = arith.constant 0 : i32
        %cond3A_114 = arith.cmpi ne, %convert_element_type3A_112, %cond3A_113 : i32
        scf.if %cond3A_114 {
          %dma_wait3A_167 = arith.constant 0 : i32
          %dma_wait3A_168 = arith.constant 0 : i32
          %dma_wait3A_169 = arith.constant 0 : i32
          %dma_wait3A_170 = arith.constant 0 : i32
          %dma_wait3A_171 = tpu.memref_slice %arg4[%arg1, %dma_wait3A_168, %dma_wait3A_169, %dma_wait3A_170] : memref<16x160x2x125xi32, #tpu.memory_space<hbm>> -> memref<1x160x2x125xi32, #tpu.memory_space<hbm>>
          %dma_wait3A_172 = tpu.memref_squeeze %dma_wait3A_171 : memref<1x160x2x125xi32, #tpu.memory_space<hbm>> -> memref<160x2x125xi32, #tpu.memory_space<hbm>>
          %dma_wait3A_173 = arith.constant 0 : i32
          %dma_wait3A_174 = arith.constant 0 : i32
          %dma_wait3A_175 = tpu.memref_slice %dma_wait3A_172[%dma_wait3A_167, %dma_wait3A_173, %dma_wait3A_174] : memref<160x2x125xi32, #tpu.memory_space<hbm>> -> memref<1x2x125xi32, #tpu.memory_space<hbm>>
          %dma_wait3A_176 = tpu.memref_squeeze %dma_wait3A_175 : memref<1x2x125xi32, #tpu.memory_space<hbm>> -> memref<2x125xi32, #tpu.memory_space<hbm>>
          %dma_wait3A_177 = arith.constant 0 : i32
          %dma_wait3A_178 = arith.constant 0 : i32
          %dma_wait3A_179 = arith.constant 0 : i32
          %dma_wait3A_180 = tpu.memref_slice %arg4[%arg1, %dma_wait3A_177, %dma_wait3A_178, %dma_wait3A_179] : memref<16x160x2x125xi32, #tpu.memory_space<hbm>> -> memref<1x160x2x125xi32, #tpu.memory_space<hbm>>
          %dma_wait3A_181 = tpu.memref_squeeze %dma_wait3A_180 : memref<1x160x2x125xi32, #tpu.memory_space<hbm>> -> memref<160x2x125xi32, #tpu.memory_space<hbm>>
          %dma_wait3A_182 = arith.constant 0 : i32
          %dma_wait3A_183 = arith.constant 0 : i32
          %dma_wait3A_184 = tpu.memref_slice %dma_wait3A_181[%dma_wait3A_167, %dma_wait3A_182, %dma_wait3A_183] : memref<160x2x125xi32, #tpu.memory_space<hbm>> -> memref<1x2x125xi32, #tpu.memory_space<hbm>>
          %dma_wait3A_185 = tpu.memref_squeeze %dma_wait3A_184 : memref<1x2x125xi32, #tpu.memory_space<hbm>> -> memref<2x125xi32, #tpu.memory_space<hbm>>
          tpu.wait_dma2 semaphore(%arg15 : memref<!tpu.dma_semaphore, #tpu.memory_space<semaphore_mem>>) src(%dma_wait3A_185 : memref<2x125xi32, #tpu.memory_space<hbm>>) dst(%arg11 : memref<2x125xi32, #tpu.memory_space<vmem>>)
          %dma_start3A_186 = arith.constant 0 : i32
          %dma_start3A_187 = arith.constant 0 : i32
          %dma_start3A_188 = tpu.memref_slice %arg11[%dma_start3A_186, %dma_start3A_187] : memref<2x125xi32, #tpu.memory_space<vmem>> -> memref<1x125xi32, #tpu.memory_space<vmem>>
          %dma_start3A_189 = tpu.memref_squeeze %dma_start3A_188 : memref<1x125xi32, #tpu.memory_space<vmem>> -> memref<125xi32, #tpu.memory_space<vmem>>
          %dma_start3A_190 = arith.constant 0 : i32
          %dma_start3A_191 = arith.constant 0 : i32
          %dma_start3A_192 = tpu.memref_slice %arg2[%dma_start3A_190, %dma_start3A_191] : memref<10000x128xf32, #tpu.memory_space<hbm>> -> memref<10000x128xf32, #tpu.memory_space<hbm>>
          tpu.enqueue_indirect_dma source(%dma_start3A_192 : memref<10000x128xf32, #tpu.memory_space<hbm>>) target(%arg17 : memref<125x128xf32, #tpu.memory_space<vmem>>) offsets(%dma_start3A_189 : memref<125xi32, #tpu.memory_space<vmem>>) semaphore(%arg19 : memref<!tpu.dma_semaphore, #tpu.memory_space<semaphore_mem>>)
        } else {
        }
        %mul3A_115 = arith.constant 4 : i32
        %mul3A_116 = arith.muli %mul3A_115, %scan3A_65 : i32
        %add3A_117 = arith.constant 2 : i32
        %add3A_118 = arith.addi %mul3A_116, %add3A_117 : i32
        %dma_wait3A_119 = arith.constant 0 : i32
        %dma_wait3A_120 = arith.constant 0 : i32
        %dma_wait3A_121 = tpu.memref_slice %arg10[%dma_wait3A_119, %dma_wait3A_120] : memref<2x125xi32, #tpu.memory_space<vmem>> -> memref<1x125xi32, #tpu.memory_space<vmem>>
        %dma_wait3A_122 = tpu.memref_squeeze %dma_wait3A_121 : memref<1x125xi32, #tpu.memory_space<vmem>> -> memref<125xi32, #tpu.memory_space<vmem>>
        %dma_wait3A_123 = arith.constant 0 : i32
        %dma_wait3A_124 = arith.constant 0 : i32
        %dma_wait3A_125 = tpu.memref_slice %arg2[%dma_wait3A_123, %dma_wait3A_124] : memref<10000x128xf32, #tpu.memory_space<hbm>> -> memref<10000x128xf32, #tpu.memory_space<hbm>>
        tpu.wait_indirect_dma semaphore(%arg18 : memref<!tpu.dma_semaphore, #tpu.memory_space<semaphore_mem>>) src(%dma_wait3A_125 : memref<10000x128xf32, #tpu.memory_space<hbm>>) dst(%arg16 : memref<125x128xf32, #tpu.memory_space<vmem>>)
        %run_scoped3A_126 = arith.constant 1 : i32
        "tpu.region"() ({
          %run_scoped3A_167 = tpu.sem_alloc : memref<!tpu.dma_semaphore, #tpu.memory_space<semaphore_mem>>
          %dma_start3A_168 = arith.constant 0 : i32
          %dma_start3A_169 = tpu.memref_slice %arg10[%run_scoped3A_126, %dma_start3A_168] : memref<2x125xi32, #tpu.memory_space<vmem>> -> memref<1x125xi32, #tpu.memory_space<vmem>>
          %dma_start3A_170 = tpu.memref_squeeze %dma_start3A_169 : memref<1x125xi32, #tpu.memory_space<vmem>> -> memref<125xi32, #tpu.memory_space<vmem>>
          %dma_start3A_171 = arith.constant 0 : i32
          %dma_start3A_172 = arith.constant 0 : i32
          %dma_start3A_173 = tpu.memref_slice %arg20[%dma_start3A_171, %dma_start3A_172] : memref<10240x128xf32, #tpu.memory_space<vmem_shared>> -> memref<10240x128xf32, #tpu.memory_space<vmem_shared>>
          tpu.enqueue_indirect_dma source(%arg16 : memref<125x128xf32, #tpu.memory_space<vmem>>) target(%dma_start3A_173 : memref<10240x128xf32, #tpu.memory_space<vmem_shared>>) offsets(%dma_start3A_170 : memref<125xi32, #tpu.memory_space<vmem>>) semaphore(%run_scoped3A_167 : memref<!tpu.dma_semaphore, #tpu.memory_space<semaphore_mem>>) {add = true}
          %dma_wait3A_174 = arith.constant 0 : i32
          %dma_wait3A_175 = tpu.memref_slice %arg10[%run_scoped3A_126, %dma_wait3A_174] : memref<2x125xi32, #tpu.memory_space<vmem>> -> memref<1x125xi32, #tpu.memory_space<vmem>>
          %dma_wait3A_176 = tpu.memref_squeeze %dma_wait3A_175 : memref<1x125xi32, #tpu.memory_space<vmem>> -> memref<125xi32, #tpu.memory_space<vmem>>
          %dma_wait3A_177 = arith.constant 0 : i32
          %dma_wait3A_178 = arith.constant 0 : i32
          %dma_wait3A_179 = tpu.memref_slice %arg20[%dma_wait3A_177, %dma_wait3A_178] : memref<10240x128xf32, #tpu.memory_space<vmem_shared>> -> memref<10240x128xf32, #tpu.memory_space<vmem_shared>>
          tpu.wait_indirect_dma semaphore(%run_scoped3A_167 : memref<!tpu.dma_semaphore, #tpu.memory_space<semaphore_mem>>) src(%arg16 : memref<125x128xf32, #tpu.memory_space<vmem>>) dst(%dma_wait3A_179 : memref<10240x128xf32, #tpu.memory_space<vmem_shared>>)
          tpu.yield
        }) : () -> ()
        %add3A_127 = arith.constant 4 : i32
        %add3A_128 = arith.addi %add3A_118, %add3A_127 : i32
        %lt3A_129 = arith.constant 160 : i32
        %lt3A_130 = arith.cmpi slt, %add3A_128, %lt3A_129 : i32
        %convert_element_type3A_131 = arith.extui %lt3A_130 : i1 to i32
        %cond3A_132 = arith.constant 0 : i32
        %cond3A_133 = arith.cmpi ne, %convert_element_type3A_131, %cond3A_132 : i32
        scf.if %cond3A_133 {
          %add3A_167 = arith.constant 4 : i32
          %add3A_168 = arith.addi %add3A_118, %add3A_167 : i32
          %dma_start3A_169 = arith.constant 0 : i32
          %dma_start3A_170 = arith.constant 0 : i32
          %dma_start3A_171 = arith.constant 0 : i32
          %dma_start3A_172 = tpu.memref_slice %arg4[%arg1, %dma_start3A_169, %dma_start3A_170, %dma_start3A_171] : memref<16x160x2x125xi32, #tpu.memory_space<hbm>> -> memref<1x160x2x125xi32, #tpu.memory_space<hbm>>
          %dma_start3A_173 = tpu.memref_squeeze %dma_start3A_172 : memref<1x160x2x125xi32, #tpu.memory_space<hbm>> -> memref<160x2x125xi32, #tpu.memory_space<hbm>>
          %dma_start3A_174 = arith.constant 0 : i32
          %dma_start3A_175 = arith.constant 0 : i32
          %dma_start3A_176 = tpu.memref_slice %dma_start3A_173[%add3A_168, %dma_start3A_174, %dma_start3A_175] : memref<160x2x125xi32, #tpu.memory_space<hbm>> -> memref<1x2x125xi32, #tpu.memory_space<hbm>>
          %dma_start3A_177 = tpu.memref_squeeze %dma_start3A_176 : memref<1x2x125xi32, #tpu.memory_space<hbm>> -> memref<2x125xi32, #tpu.memory_space<hbm>>
          %dma_start3A_178 = arith.constant 0 : i32
          %dma_start3A_179 = arith.constant 0 : i32
          %dma_start3A_180 = arith.constant 0 : i32
          %dma_start3A_181 = tpu.memref_slice %arg4[%arg1, %dma_start3A_178, %dma_start3A_179, %dma_start3A_180] : memref<16x160x2x125xi32, #tpu.memory_space<hbm>> -> memref<1x160x2x125xi32, #tpu.memory_space<hbm>>
          %dma_start3A_182 = tpu.memref_squeeze %dma_start3A_181 : memref<1x160x2x125xi32, #tpu.memory_space<hbm>> -> memref<160x2x125xi32, #tpu.memory_space<hbm>>
          %dma_start3A_183 = arith.constant 0 : i32
          %dma_start3A_184 = arith.constant 0 : i32
          %dma_start3A_185 = tpu.memref_slice %dma_start3A_182[%add3A_168, %dma_start3A_183, %dma_start3A_184] : memref<160x2x125xi32, #tpu.memory_space<hbm>> -> memref<1x2x125xi32, #tpu.memory_space<hbm>>
          %dma_start3A_186 = tpu.memref_squeeze %dma_start3A_185 : memref<1x2x125xi32, #tpu.memory_space<hbm>> -> memref<2x125xi32, #tpu.memory_space<hbm>>
          tpu.enqueue_dma source(%dma_start3A_186 : memref<2x125xi32, #tpu.memory_space<hbm>>) target(%arg10 : memref<2x125xi32, #tpu.memory_space<vmem>>) target_semaphore(%arg14 : memref<!tpu.dma_semaphore, #tpu.memory_space<semaphore_mem>>)
        } else {
        }
        %add3A_134 = arith.constant 2 : i32
        %add3A_135 = arith.addi %add3A_118, %add3A_134 : i32
        %lt3A_136 = arith.constant 160 : i32
        %lt3A_137 = arith.cmpi slt, %add3A_135, %lt3A_136 : i32
        %convert_element_type3A_138 = arith.extui %lt3A_137 : i1 to i32
        %cond3A_139 = arith.constant 0 : i32
        %cond3A_140 = arith.cmpi ne, %convert_element_type3A_138, %cond3A_139 : i32
        scf.if %cond3A_140 {
          %dma_wait3A_167 = arith.constant 0 : i32
          %dma_wait3A_168 = arith.constant 0 : i32
          %dma_wait3A_169 = arith.constant 0 : i32
          %dma_wait3A_170 = arith.constant 0 : i32
          %dma_wait3A_171 = tpu.memref_slice %arg4[%arg1, %dma_wait3A_168, %dma_wait3A_169, %dma_wait3A_170] : memref<16x160x2x125xi32, #tpu.memory_space<hbm>> -> memref<1x160x2x125xi32, #tpu.memory_space<hbm>>
          %dma_wait3A_172 = tpu.memref_squeeze %dma_wait3A_171 : memref<1x160x2x125xi32, #tpu.memory_space<hbm>> -> memref<160x2x125xi32, #tpu.memory_space<hbm>>
          %dma_wait3A_173 = arith.constant 0 : i32
          %dma_wait3A_174 = arith.constant 0 : i32
          %dma_wait3A_175 = tpu.memref_slice %dma_wait3A_172[%dma_wait3A_167, %dma_wait3A_173, %dma_wait3A_174] : memref<160x2x125xi32, #tpu.memory_space<hbm>> -> memref<1x2x125xi32, #tpu.memory_space<hbm>>
          %dma_wait3A_176 = tpu.memref_squeeze %dma_wait3A_175 : memref<1x2x125xi32, #tpu.memory_space<hbm>> -> memref<2x125xi32, #tpu.memory_space<hbm>>
          %dma_wait3A_177 = arith.constant 0 : i32
          %dma_wait3A_178 = arith.constant 0 : i32
          %dma_wait3A_179 = arith.constant 0 : i32
          %dma_wait3A_180 = tpu.memref_slice %arg4[%arg1, %dma_wait3A_177, %dma_wait3A_178, %dma_wait3A_179] : memref<16x160x2x125xi32, #tpu.memory_space<hbm>> -> memref<1x160x2x125xi32, #tpu.memory_space<hbm>>
          %dma_wait3A_181 = tpu.memref_squeeze %dma_wait3A_180 : memref<1x160x2x125xi32, #tpu.memory_space<hbm>> -> memref<160x2x125xi32, #tpu.memory_space<hbm>>
          %dma_wait3A_182 = arith.constant 0 : i32
          %dma_wait3A_183 = arith.constant 0 : i32
          %dma_wait3A_184 = tpu.memref_slice %dma_wait3A_181[%dma_wait3A_167, %dma_wait3A_182, %dma_wait3A_183] : memref<160x2x125xi32, #tpu.memory_space<hbm>> -> memref<1x2x125xi32, #tpu.memory_space<hbm>>
          %dma_wait3A_185 = tpu.memref_squeeze %dma_wait3A_184 : memref<1x2x125xi32, #tpu.memory_space<hbm>> -> memref<2x125xi32, #tpu.memory_space<hbm>>
          tpu.wait_dma2 semaphore(%arg12 : memref<!tpu.dma_semaphore, #tpu.memory_space<semaphore_mem>>) src(%dma_wait3A_185 : memref<2x125xi32, #tpu.memory_space<hbm>>) dst(%arg8 : memref<2x125xi32, #tpu.memory_space<vmem>>)
          %dma_start3A_186 = arith.constant 0 : i32
          %dma_start3A_187 = arith.constant 0 : i32
          %dma_start3A_188 = tpu.memref_slice %arg8[%dma_start3A_186, %dma_start3A_187] : memref<2x125xi32, #tpu.memory_space<vmem>> -> memref<1x125xi32, #tpu.memory_space<vmem>>
          %dma_start3A_189 = tpu.memref_squeeze %dma_start3A_188 : memref<1x125xi32, #tpu.memory_space<vmem>> -> memref<125xi32, #tpu.memory_space<vmem>>
          %dma_start3A_190 = arith.constant 0 : i32
          %dma_start3A_191 = arith.constant 0 : i32
          %dma_start3A_192 = tpu.memref_slice %arg2[%dma_start3A_190, %dma_start3A_191] : memref<10000x128xf32, #tpu.memory_space<hbm>> -> memref<10000x128xf32, #tpu.memory_space<hbm>>
          tpu.enqueue_indirect_dma source(%dma_start3A_192 : memref<10000x128xf32, #tpu.memory_space<hbm>>) target(%arg16 : memref<125x128xf32, #tpu.memory_space<vmem>>) offsets(%dma_start3A_189 : memref<125xi32, #tpu.memory_space<vmem>>) semaphore(%arg18 : memref<!tpu.dma_semaphore, #tpu.memory_space<semaphore_mem>>)
        } else {
        }
        %mul3A_141 = arith.constant 4 : i32
        %mul3A_142 = arith.muli %mul3A_141, %scan3A_65 : i32
        %add3A_143 = arith.constant 3 : i32
        %add3A_144 = arith.addi %mul3A_142, %add3A_143 : i32
        %dma_wait3A_145 = arith.constant 0 : i32
        %dma_wait3A_146 = arith.constant 0 : i32
        %dma_wait3A_147 = tpu.memref_slice %arg11[%dma_wait3A_145, %dma_wait3A_146] : memref<2x125xi32, #tpu.memory_space<vmem>> -> memref<1x125xi32, #tpu.memory_space<vmem>>
        %dma_wait3A_148 = tpu.memref_squeeze %dma_wait3A_147 : memref<1x125xi32, #tpu.memory_space<vmem>> -> memref<125xi32, #tpu.memory_space<vmem>>
        %dma_wait3A_149 = arith.constant 0 : i32
        %dma_wait3A_150 = arith.constant 0 : i32
        %dma_wait3A_151 = tpu.memref_slice %arg2[%dma_wait3A_149, %dma_wait3A_150] : memref<10000x128xf32, #tpu.memory_space<hbm>> -> memref<10000x128xf32, #tpu.memory_space<hbm>>
        tpu.wait_indirect_dma semaphore(%arg19 : memref<!tpu.dma_semaphore, #tpu.memory_space<semaphore_mem>>) src(%dma_wait3A_151 : memref<10000x128xf32, #tpu.memory_space<hbm>>) dst(%arg17 : memref<125x128xf32, #tpu.memory_space<vmem>>)
        %run_scoped3A_152 = arith.constant 1 : i32
        "tpu.region"() ({
          %run_scoped3A_167 = tpu.sem_alloc : memref<!tpu.dma_semaphore, #tpu.memory_space<semaphore_mem>>
          %dma_start3A_168 = arith.constant 0 : i32
          %dma_start3A_169 = tpu.memref_slice %arg11[%run_scoped3A_152, %dma_start3A_168] : memref<2x125xi32, #tpu.memory_space<vmem>> -> memref<1x125xi32, #tpu.memory_space<vmem>>
          %dma_start3A_170 = tpu.memref_squeeze %dma_start3A_169 : memref<1x125xi32, #tpu.memory_space<vmem>> -> memref<125xi32, #tpu.memory_space<vmem>>
          %dma_start3A_171 = arith.constant 0 : i32
          %dma_start3A_172 = arith.constant 0 : i32
          %dma_start3A_173 = tpu.memref_slice %arg20[%dma_start3A_171, %dma_start3A_172] : memref<10240x128xf32, #tpu.memory_space<vmem_shared>> -> memref<10240x128xf32, #tpu.memory_space<vmem_shared>>
          tpu.enqueue_indirect_dma source(%arg17 : memref<125x128xf32, #tpu.memory_space<vmem>>) target(%dma_start3A_173 : memref<10240x128xf32, #tpu.memory_space<vmem_shared>>) offsets(%dma_start3A_170 : memref<125xi32, #tpu.memory_space<vmem>>) semaphore(%run_scoped3A_167 : memref<!tpu.dma_semaphore, #tpu.memory_space<semaphore_mem>>) {add = true}
          %dma_wait3A_174 = arith.constant 0 : i32
          %dma_wait3A_175 = tpu.memref_slice %arg11[%run_scoped3A_152, %dma_wait3A_174] : memref<2x125xi32, #tpu.memory_space<vmem>> -> memref<1x125xi32, #tpu.memory_space<vmem>>
          %dma_wait3A_176 = tpu.memref_squeeze %dma_wait3A_175 : memref<1x125xi32, #tpu.memory_space<vmem>> -> memref<125xi32, #tpu.memory_space<vmem>>
          %dma_wait3A_177 = arith.constant 0 : i32
          %dma_wait3A_178 = arith.constant 0 : i32
          %dma_wait3A_179 = tpu.memref_slice %arg20[%dma_wait3A_177, %dma_wait3A_178] : memref<10240x128xf32, #tpu.memory_space<vmem_shared>> -> memref<10240x128xf32, #tpu.memory_space<vmem_shared>>
          tpu.wait_indirect_dma semaphore(%run_scoped3A_167 : memref<!tpu.dma_semaphore, #tpu.memory_space<semaphore_mem>>) src(%arg17 : memref<125x128xf32, #tpu.memory_space<vmem>>) dst(%dma_wait3A_179 : memref<10240x128xf32, #tpu.memory_space<vmem_shared>>)
          tpu.yield
        }) : () -> ()
        %add3A_153 = arith.constant 4 : i32
        %add3A_154 = arith.addi %add3A_144, %add3A_153 : i32
        %lt3A_155 = arith.constant 160 : i32
        %lt3A_156 = arith.cmpi slt, %add3A_154, %lt3A_155 : i32
        %convert_element_type3A_157 = arith.extui %lt3A_156 : i1 to i32
        %cond3A_158 = arith.constant 0 : i32
        %cond3A_159 = arith.cmpi ne, %convert_element_type3A_157, %cond3A_158 : i32
        scf.if %cond3A_159 {
          %add3A_167 = arith.constant 4 : i32
          %add3A_168 = arith.addi %add3A_144, %add3A_167 : i32
          %dma_start3A_169 = arith.constant 0 : i32
          %dma_start3A_170 = arith.constant 0 : i32
          %dma_start3A_171 = arith.constant 0 : i32
          %dma_start3A_172 = tpu.memref_slice %arg4[%arg1, %dma_start3A_169, %dma_start3A_170, %dma_start3A_171] : memref<16x160x2x125xi32, #tpu.memory_space<hbm>> -> memref<1x160x2x125xi32, #tpu.memory_space<hbm>>
          %dma_start3A_173 = tpu.memref_squeeze %dma_start3A_172 : memref<1x160x2x125xi32, #tpu.memory_space<hbm>> -> memref<160x2x125xi32, #tpu.memory_space<hbm>>
          %dma_start3A_174 = arith.constant 0 : i32
          %dma_start3A_175 = arith.constant 0 : i32
          %dma_start3A_176 = tpu.memref_slice %dma_start3A_173[%add3A_168, %dma_start3A_174, %dma_start3A_175] : memref<160x2x125xi32, #tpu.memory_space<hbm>> -> memref<1x2x125xi32, #tpu.memory_space<hbm>>
          %dma_start3A_177 = tpu.memref_squeeze %dma_start3A_176 : memref<1x2x125xi32, #tpu.memory_space<hbm>> -> memref<2x125xi32, #tpu.memory_space<hbm>>
          %dma_start3A_178 = arith.constant 0 : i32
          %dma_start3A_179 = arith.constant 0 : i32
          %dma_start3A_180 = arith.constant 0 : i32
          %dma_start3A_181 = tpu.memref_slice %arg4[%arg1, %dma_start3A_178, %dma_start3A_179, %dma_start3A_180] : memref<16x160x2x125xi32, #tpu.memory_space<hbm>> -> memref<1x160x2x125xi32, #tpu.memory_space<hbm>>
          %dma_start3A_182 = tpu.memref_squeeze %dma_start3A_181 : memref<1x160x2x125xi32, #tpu.memory_space<hbm>> -> memref<160x2x125xi32, #tpu.memory_space<hbm>>
          %dma_start3A_183 = arith.constant 0 : i32
          %dma_start3A_184 = arith.constant 0 : i32
          %dma_start3A_185 = tpu.memref_slice %dma_start3A_182[%add3A_168, %dma_start3A_183, %dma_start3A_184] : memref<160x2x125xi32, #tpu.memory_space<hbm>> -> memref<1x2x125xi32, #tpu.memory_space<hbm>>
          %dma_start3A_186 = tpu.memref_squeeze %dma_start3A_185 : memref<1x2x125xi32, #tpu.memory_space<hbm>> -> memref<2x125xi32, #tpu.memory_space<hbm>>
          tpu.enqueue_dma source(%dma_start3A_186 : memref<2x125xi32, #tpu.memory_space<hbm>>) target(%arg11 : memref<2x125xi32, #tpu.memory_space<vmem>>) target_semaphore(%arg15 : memref<!tpu.dma_semaphore, #tpu.memory_space<semaphore_mem>>)
        } else {
        }
        %add3A_160 = arith.constant 2 : i32
        %add3A_161 = arith.addi %add3A_144, %add3A_160 : i32
        %lt3A_162 = arith.constant 160 : i32
        %lt3A_163 = arith.cmpi slt, %add3A_161, %lt3A_162 : i32
        %convert_element_type3A_164 = arith.extui %lt3A_163 : i1 to i32
        %cond3A_165 = arith.constant 0 : i32
        %cond3A_166 = arith.cmpi ne, %convert_element_type3A_164, %cond3A_165 : i32
        scf.if %cond3A_166 {
          %dma_wait3A_167 = arith.constant 0 : i32
          %dma_wait3A_168 = arith.constant 0 : i32
          %dma_wait3A_169 = arith.constant 0 : i32
          %dma_wait3A_170 = arith.constant 0 : i32
          %dma_wait3A_171 = tpu.memref_slice %arg4[%arg1, %dma_wait3A_168, %dma_wait3A_169, %dma_wait3A_170] : memref<16x160x2x125xi32, #tpu.memory_space<hbm>> -> memref<1x160x2x125xi32, #tpu.memory_space<hbm>>
          %dma_wait3A_172 = tpu.memref_squeeze %dma_wait3A_171 : memref<1x160x2x125xi32, #tpu.memory_space<hbm>> -> memref<160x2x125xi32, #tpu.memory_space<hbm>>
          %dma_wait3A_173 = arith.constant 0 : i32
          %dma_wait3A_174 = arith.constant 0 : i32
          %dma_wait3A_175 = tpu.memref_slice %dma_wait3A_172[%dma_wait3A_167, %dma_wait3A_173, %dma_wait3A_174] : memref<160x2x125xi32, #tpu.memory_space<hbm>> -> memref<1x2x125xi32, #tpu.memory_space<hbm>>
          %dma_wait3A_176 = tpu.memref_squeeze %dma_wait3A_175 : memref<1x2x125xi32, #tpu.memory_space<hbm>> -> memref<2x125xi32, #tpu.memory_space<hbm>>
          %dma_wait3A_177 = arith.constant 0 : i32
          %dma_wait3A_178 = arith.constant 0 : i32
          %dma_wait3A_179 = arith.constant 0 : i32
          %dma_wait3A_180 = tpu.memref_slice %arg4[%arg1, %dma_wait3A_177, %dma_wait3A_178, %dma_wait3A_179] : memref<16x160x2x125xi32, #tpu.memory_space<hbm>> -> memref<1x160x2x125xi32, #tpu.memory_space<hbm>>
          %dma_wait3A_181 = tpu.memref_squeeze %dma_wait3A_180 : memref<1x160x2x125xi32, #tpu.memory_space<hbm>> -> memref<160x2x125xi32, #tpu.memory_space<hbm>>
          %dma_wait3A_182 = arith.constant 0 : i32
          %dma_wait3A_183 = arith.constant 0 : i32
          %dma_wait3A_184 = tpu.memref_slice %dma_wait3A_181[%dma_wait3A_167, %dma_wait3A_182, %dma_wait3A_183] : memref<160x2x125xi32, #tpu.memory_space<hbm>> -> memref<1x2x125xi32, #tpu.memory_space<hbm>>
          %dma_wait3A_185 = tpu.memref_squeeze %dma_wait3A_184 : memref<1x2x125xi32, #tpu.memory_space<hbm>> -> memref<2x125xi32, #tpu.memory_space<hbm>>
          tpu.wait_dma2 semaphore(%arg13 : memref<!tpu.dma_semaphore, #tpu.memory_space<semaphore_mem>>) src(%dma_wait3A_185 : memref<2x125xi32, #tpu.memory_space<hbm>>) dst(%arg9 : memref<2x125xi32, #tpu.memory_space<vmem>>)
          %dma_start3A_186 = arith.constant 0 : i32
          %dma_start3A_187 = arith.constant 0 : i32
          %dma_start3A_188 = tpu.memref_slice %arg9[%dma_start3A_186, %dma_start3A_187] : memref<2x125xi32, #tpu.memory_space<vmem>> -> memref<1x125xi32, #tpu.memory_space<vmem>>
          %dma_start3A_189 = tpu.memref_squeeze %dma_start3A_188 : memref<1x125xi32, #tpu.memory_space<vmem>> -> memref<125xi32, #tpu.memory_space<vmem>>
          %dma_start3A_190 = arith.constant 0 : i32
          %dma_start3A_191 = arith.constant 0 : i32
          %dma_start3A_192 = tpu.memref_slice %arg2[%dma_start3A_190, %dma_start3A_191] : memref<10000x128xf32, #tpu.memory_space<hbm>> -> memref<10000x128xf32, #tpu.memory_space<hbm>>
          tpu.enqueue_indirect_dma source(%dma_start3A_192 : memref<10000x128xf32, #tpu.memory_space<hbm>>) target(%arg17 : memref<125x128xf32, #tpu.memory_space<vmem>>) offsets(%dma_start3A_189 : memref<125xi32, #tpu.memory_space<vmem>>) semaphore(%arg19 : memref<!tpu.dma_semaphore, #tpu.memory_space<semaphore_mem>>)
        } else {
        }
      }
      %scan3A_63 = arith.constant 40 : i32
      %barrier3A_64 = arith.constant 0 : index
      tpu.barrier barrier_id(%barrier3A_64)
      "tpu.region"() ({
        %run_scoped3A_65 = tpu.sem_alloc : memref<!tpu.dma_semaphore, #tpu.memory_space<semaphore_mem>>
        %dma_start3A_66 = arith.constant 0 : i32
        %dma_start3A_67 = tpu.memref_slice %arg6[%multiple_of3A, %dma_start3A_66] : memref<10240x128xf32, #tpu.memory_space<hbm>> -> memref<640x128xf32, #tpu.memory_space<hbm>>
        %dma_start3A_68 = arith.constant 0 : i32
        %dma_start3A_69 = tpu.memref_slice %arg20[%multiple_of3A, %dma_start3A_68] : memref<10240x128xf32, #tpu.memory_space<vmem_shared>> -> memref<640x128xf32, #tpu.memory_space<vmem_shared>>
        tpu.enqueue_dma source(%dma_start3A_69 : memref<640x128xf32, #tpu.memory_space<vmem_shared>>) target(%dma_start3A_67 : memref<640x128xf32, #tpu.memory_space<hbm>>) target_semaphore(%run_scoped3A_65 : memref<!tpu.dma_semaphore, #tpu.memory_space<semaphore_mem>>)
        %dma_wait3A = arith.constant 0 : i32
        %dma_wait3A_70 = tpu.memref_slice %arg6[%multiple_of3A, %dma_wait3A] : memref<10240x128xf32, #tpu.memory_space<hbm>> -> memref<640x128xf32, #tpu.memory_space<hbm>>
        %dma_wait3A_71 = arith.constant 0 : i32
        %dma_wait3A_72 = tpu.memref_slice %arg20[%multiple_of3A, %dma_wait3A_71] : memref<10240x128xf32, #tpu.memory_space<vmem_shared>> -> memref<640x128xf32, #tpu.memory_space<vmem_shared>>
        tpu.wait_dma2 semaphore(%run_scoped3A_65 : memref<!tpu.dma_semaphore, #tpu.memory_space<semaphore_mem>>) src(%dma_wait3A_72 : memref<640x128xf32, #tpu.memory_space<vmem_shared>>) dst(%dma_wait3A_70 : memref<640x128xf32, #tpu.memory_space<hbm>>)
        tpu.yield
      }) : () -> ()
    } else {
    }
    %eq3A_2 = arith.constant 1 : i32
    %eq3A_3 = arith.cmpi eq, %arg0, %eq3A_2 : i32
    %convert_element_type3A_4 = arith.extui %eq3A_3 : i1 to i32
    %cond3A_5 = arith.constant 0 : i32
    %cond3A_6 = arith.cmpi ne, %convert_element_type3A_4, %cond3A_5 : i32
    scf.if %cond3A_6 {
      %mul3A = arith.constant 640 : i32
      %mul3A_7 = arith.muli %arg1, %mul3A : i32
      %multiple_of3A = tpu.assume_multiple %mul3A_7, 640 : i32
      "tpu.region"() ({
        %run_scoped3A_65 = tpu.sem_alloc : memref<!tpu.dma_semaphore, #tpu.memory_space<semaphore_mem>>
        %dma_start3A_66 = arith.constant 0 : i32
        %dma_start3A_67 = tpu.memref_slice %arg20[%multiple_of3A, %dma_start3A_66] : memref<10240x128xf32, #tpu.memory_space<vmem_shared>> -> memref<640x128xf32, #tpu.memory_space<vmem_shared>>
        %dma_start3A_68 = arith.constant 0 : i32
        %dma_start3A_69 = tpu.memref_slice %arg5[%multiple_of3A, %dma_start3A_68] : memref<10240x128xf32, #tpu.memory_space<hbm>> -> memref<640x128xf32, #tpu.memory_space<hbm>>
        tpu.enqueue_dma source(%dma_start3A_69 : memref<640x128xf32, #tpu.memory_space<hbm>>) target(%dma_start3A_67 : memref<640x128xf32, #tpu.memory_space<vmem_shared>>) target_semaphore(%run_scoped3A_65 : memref<!tpu.dma_semaphore, #tpu.memory_space<semaphore_mem>>)
        %dma_wait3A = arith.constant 0 : i32
        %dma_wait3A_70 = tpu.memref_slice %arg20[%multiple_of3A, %dma_wait3A] : memref<10240x128xf32, #tpu.memory_space<vmem_shared>> -> memref<640x128xf32, #tpu.memory_space<vmem_shared>>
        %dma_wait3A_71 = arith.constant 0 : i32
        %dma_wait3A_72 = tpu.memref_slice %arg5[%multiple_of3A, %dma_wait3A_71] : memref<10240x128xf32, #tpu.memory_space<hbm>> -> memref<640x128xf32, #tpu.memory_space<hbm>>
        tpu.wait_dma2 semaphore(%run_scoped3A_65 : memref<!tpu.dma_semaphore, #tpu.memory_space<semaphore_mem>>) src(%dma_wait3A_72 : memref<640x128xf32, #tpu.memory_space<hbm>>) dst(%dma_wait3A_70 : memref<640x128xf32, #tpu.memory_space<vmem_shared>>)
        tpu.yield
      }) : () -> ()
      %barrier3A = arith.constant 0 : index
      tpu.barrier barrier_id(%barrier3A)
      %run_scoped3A = arith.constant 0 : i32
      "tpu.region"() ({
        %run_scoped3A_65 = tpu.sem_alloc : memref<!tpu.dma_semaphore, #tpu.memory_space<semaphore_mem>>
        %dma_start3A_66 = arith.constant 0 : i32
        %dma_start3A_67 = arith.constant 0 : i32
        %dma_start3A_68 = arith.constant 0 : i32
        %dma_start3A_69 = tpu.memref_slice %arg4[%arg1, %dma_start3A_66, %dma_start3A_67, %dma_start3A_68] : memref<16x160x2x125xi32, #tpu.memory_space<hbm>> -> memref<1x160x2x125xi32, #tpu.memory_space<hbm>>
        %dma_start3A_70 = tpu.memref_squeeze %dma_start3A_69 : memref<1x160x2x125xi32, #tpu.memory_space<hbm>> -> memref<160x2x125xi32, #tpu.memory_space<hbm>>
        %dma_start3A_71 = arith.constant 0 : i32
        %dma_start3A_72 = arith.constant 0 : i32
        %dma_start3A_73 = tpu.memref_slice %dma_start3A_70[%run_scoped3A, %dma_start3A_71, %dma_start3A_72] : memref<160x2x125xi32, #tpu.memory_space<hbm>> -> memref<1x2x125xi32, #tpu.memory_space<hbm>>
        %dma_start3A_74 = tpu.memref_squeeze %dma_start3A_73 : memref<1x2x125xi32, #tpu.memory_space<hbm>> -> memref<2x125xi32, #tpu.memory_space<hbm>>
        %dma_start3A_75 = arith.constant 0 : i32
        %dma_start3A_76 = arith.constant 0 : i32
        %dma_start3A_77 = arith.constant 0 : i32
        %dma_start3A_78 = tpu.memref_slice %arg4[%arg1, %dma_start3A_75, %dma_start3A_76, %dma_start3A_77] : memref<16x160x2x125xi32, #tpu.memory_space<hbm>> -> memref<1x160x2x125xi32, #tpu.memory_space<hbm>>
        %dma_start3A_79 = tpu.memref_squeeze %dma_start3A_78 : memref<1x160x2x125xi32, #tpu.memory_space<hbm>> -> memref<160x2x125xi32, #tpu.memory_space<hbm>>
        %dma_start3A_80 = arith.constant 0 : i32
        %dma_start3A_81 = arith.constant 0 : i32
        %dma_start3A_82 = tpu.memref_slice %dma_start3A_79[%run_scoped3A, %dma_start3A_80, %dma_start3A_81] : memref<160x2x125xi32, #tpu.memory_space<hbm>> -> memref<1x2x125xi32, #tpu.memory_space<hbm>>
        %dma_start3A_83 = tpu.memref_squeeze %dma_start3A_82 : memref<1x2x125xi32, #tpu.memory_space<hbm>> -> memref<2x125xi32, #tpu.memory_space<hbm>>
        tpu.enqueue_dma source(%dma_start3A_83 : memref<2x125xi32, #tpu.memory_space<hbm>>) target(%arg8 : memref<2x125xi32, #tpu.memory_space<vmem>>) target_semaphore(%run_scoped3A_65 : memref<!tpu.dma_semaphore, #tpu.memory_space<semaphore_mem>>)
        %dma_wait3A = arith.constant 0 : i32
        %dma_wait3A_84 = arith.constant 0 : i32
        %dma_wait3A_85 = arith.constant 0 : i32
        %dma_wait3A_86 = tpu.memref_slice %arg4[%arg1, %dma_wait3A, %dma_wait3A_84, %dma_wait3A_85] : memref<16x160x2x125xi32, #tpu.memory_space<hbm>> -> memref<1x160x2x125xi32, #tpu.memory_space<hbm>>
        %dma_wait3A_87 = tpu.memref_squeeze %dma_wait3A_86 : memref<1x160x2x125xi32, #tpu.memory_space<hbm>> -> memref<160x2x125xi32, #tpu.memory_space<hbm>>
        %dma_wait3A_88 = arith.constant 0 : i32
        %dma_wait3A_89 = arith.constant 0 : i32
        %dma_wait3A_90 = tpu.memref_slice %dma_wait3A_87[%run_scoped3A, %dma_wait3A_88, %dma_wait3A_89] : memref<160x2x125xi32, #tpu.memory_space<hbm>> -> memref<1x2x125xi32, #tpu.memory_space<hbm>>
        %dma_wait3A_91 = tpu.memref_squeeze %dma_wait3A_90 : memref<1x2x125xi32, #tpu.memory_space<hbm>> -> memref<2x125xi32, #tpu.memory_space<hbm>>
        %dma_wait3A_92 = arith.constant 0 : i32
        %dma_wait3A_93 = arith.constant 0 : i32
        %dma_wait3A_94 = arith.constant 0 : i32
        %dma_wait3A_95 = tpu.memref_slice %arg4[%arg1, %dma_wait3A_92, %dma_wait3A_93, %dma_wait3A_94] : memref<16x160x2x125xi32, #tpu.memory_space<hbm>> -> memref<1x160x2x125xi32, #tpu.memory_space<hbm>>
        %dma_wait3A_96 = tpu.memref_squeeze %dma_wait3A_95 : memref<1x160x2x125xi32, #tpu.memory_space<hbm>> -> memref<160x2x125xi32, #tpu.memory_space<hbm>>
        %dma_wait3A_97 = arith.constant 0 : i32
        %dma_wait3A_98 = arith.constant 0 : i32
        %dma_wait3A_99 = tpu.memref_slice %dma_wait3A_96[%run_scoped3A, %dma_wait3A_97, %dma_wait3A_98] : memref<160x2x125xi32, #tpu.memory_space<hbm>> -> memref<1x2x125xi32, #tpu.memory_space<hbm>>
        %dma_wait3A_100 = tpu.memref_squeeze %dma_wait3A_99 : memref<1x2x125xi32, #tpu.memory_space<hbm>> -> memref<2x125xi32, #tpu.memory_space<hbm>>
        tpu.wait_dma2 semaphore(%run_scoped3A_65 : memref<!tpu.dma_semaphore, #tpu.memory_space<semaphore_mem>>) src(%dma_wait3A_100 : memref<2x125xi32, #tpu.memory_space<hbm>>) dst(%arg8 : memref<2x125xi32, #tpu.memory_space<vmem>>)
        tpu.yield
      }) : () -> ()
      %run_scoped3A_8 = arith.constant 1 : i32
      "tpu.region"() ({
        %run_scoped3A_65 = tpu.sem_alloc : memref<!tpu.dma_semaphore, #tpu.memory_space<semaphore_mem>>
        %dma_start3A_66 = arith.constant 0 : i32
        %dma_start3A_67 = arith.constant 0 : i32
        %dma_start3A_68 = arith.constant 0 : i32
        %dma_start3A_69 = tpu.memref_slice %arg4[%arg1, %dma_start3A_66, %dma_start3A_67, %dma_start3A_68] : memref<16x160x2x125xi32, #tpu.memory_space<hbm>> -> memref<1x160x2x125xi32, #tpu.memory_space<hbm>>
        %dma_start3A_70 = tpu.memref_squeeze %dma_start3A_69 : memref<1x160x2x125xi32, #tpu.memory_space<hbm>> -> memref<160x2x125xi32, #tpu.memory_space<hbm>>
        %dma_start3A_71 = arith.constant 0 : i32
        %dma_start3A_72 = arith.constant 0 : i32
        %dma_start3A_73 = tpu.memref_slice %dma_start3A_70[%run_scoped3A_8, %dma_start3A_71, %dma_start3A_72] : memref<160x2x125xi32, #tpu.memory_space<hbm>> -> memref<1x2x125xi32, #tpu.memory_space<hbm>>
        %dma_start3A_74 = tpu.memref_squeeze %dma_start3A_73 : memref<1x2x125xi32, #tpu.memory_space<hbm>> -> memref<2x125xi32, #tpu.memory_space<hbm>>
        %dma_start3A_75 = arith.constant 0 : i32
        %dma_start3A_76 = arith.constant 0 : i32
        %dma_start3A_77 = arith.constant 0 : i32
        %dma_start3A_78 = tpu.memref_slice %arg4[%arg1, %dma_start3A_75, %dma_start3A_76, %dma_start3A_77] : memref<16x160x2x125xi32, #tpu.memory_space<hbm>> -> memref<1x160x2x125xi32, #tpu.memory_space<hbm>>
        %dma_start3A_79 = tpu.memref_squeeze %dma_start3A_78 : memref<1x160x2x125xi32, #tpu.memory_space<hbm>> -> memref<160x2x125xi32, #tpu.memory_space<hbm>>
        %dma_start3A_80 = arith.constant 0 : i32
        %dma_start3A_81 = arith.constant 0 : i32
        %dma_start3A_82 = tpu.memref_slice %dma_start3A_79[%run_scoped3A_8, %dma_start3A_80, %dma_start3A_81] : memref<160x2x125xi32, #tpu.memory_space<hbm>> -> memref<1x2x125xi32, #tpu.memory_space<hbm>>
        %dma_start3A_83 = tpu.memref_squeeze %dma_start3A_82 : memref<1x2x125xi32, #tpu.memory_space<hbm>> -> memref<2x125xi32, #tpu.memory_space<hbm>>
        tpu.enqueue_dma source(%dma_start3A_83 : memref<2x125xi32, #tpu.memory_space<hbm>>) target(%arg9 : memref<2x125xi32, #tpu.memory_space<vmem>>) target_semaphore(%run_scoped3A_65 : memref<!tpu.dma_semaphore, #tpu.memory_space<semaphore_mem>>)
        %dma_wait3A = arith.constant 0 : i32
        %dma_wait3A_84 = arith.constant 0 : i32
        %dma_wait3A_85 = arith.constant 0 : i32
        %dma_wait3A_86 = tpu.memref_slice %arg4[%arg1, %dma_wait3A, %dma_wait3A_84, %dma_wait3A_85] : memref<16x160x2x125xi32, #tpu.memory_space<hbm>> -> memref<1x160x2x125xi32, #tpu.memory_space<hbm>>
        %dma_wait3A_87 = tpu.memref_squeeze %dma_wait3A_86 : memref<1x160x2x125xi32, #tpu.memory_space<hbm>> -> memref<160x2x125xi32, #tpu.memory_space<hbm>>
        %dma_wait3A_88 = arith.constant 0 : i32
        %dma_wait3A_89 = arith.constant 0 : i32
        %dma_wait3A_90 = tpu.memref_slice %dma_wait3A_87[%run_scoped3A_8, %dma_wait3A_88, %dma_wait3A_89] : memref<160x2x125xi32, #tpu.memory_space<hbm>> -> memref<1x2x125xi32, #tpu.memory_space<hbm>>
        %dma_wait3A_91 = tpu.memref_squeeze %dma_wait3A_90 : memref<1x2x125xi32, #tpu.memory_space<hbm>> -> memref<2x125xi32, #tpu.memory_space<hbm>>
        %dma_wait3A_92 = arith.constant 0 : i32
        %dma_wait3A_93 = arith.constant 0 : i32
        %dma_wait3A_94 = arith.constant 0 : i32
        %dma_wait3A_95 = tpu.memref_slice %arg4[%arg1, %dma_wait3A_92, %dma_wait3A_93, %dma_wait3A_94] : memref<16x160x2x125xi32, #tpu.memory_space<hbm>> -> memref<1x160x2x125xi32, #tpu.memory_space<hbm>>
        %dma_wait3A_96 = tpu.memref_squeeze %dma_wait3A_95 : memref<1x160x2x125xi32, #tpu.memory_space<hbm>> -> memref<160x2x125xi32, #tpu.memory_space<hbm>>
        %dma_wait3A_97 = arith.constant 0 : i32
        %dma_wait3A_98 = arith.constant 0 : i32
        %dma_wait3A_99 = tpu.memref_slice %dma_wait3A_96[%run_scoped3A_8, %dma_wait3A_97, %dma_wait3A_98] : memref<160x2x125xi32, #tpu.memory_space<hbm>> -> memref<1x2x125xi32, #tpu.memory_space<hbm>>
        %dma_wait3A_100 = tpu.memref_squeeze %dma_wait3A_99 : memref<1x2x125xi32, #tpu.memory_space<hbm>> -> memref<2x125xi32, #tpu.memory_space<hbm>>
        tpu.wait_dma2 semaphore(%run_scoped3A_65 : memref<!tpu.dma_semaphore, #tpu.memory_space<semaphore_mem>>) src(%dma_wait3A_100 : memref<2x125xi32, #tpu.memory_space<hbm>>) dst(%arg9 : memref<2x125xi32, #tpu.memory_space<vmem>>)
        tpu.yield
      }) : () -> ()
      %dma_start3A = arith.constant 2 : i32
      %dma_start3A_9 = arith.constant 0 : i32
      %dma_start3A_10 = arith.constant 0 : i32
      %dma_start3A_11 = arith.constant 0 : i32
      %dma_start3A_12 = tpu.memref_slice %arg4[%arg1, %dma_start3A_9, %dma_start3A_10, %dma_start3A_11] : memref<16x160x2x125xi32, #tpu.memory_space<hbm>> -> memref<1x160x2x125xi32, #tpu.memory_space<hbm>>
      %dma_start3A_13 = tpu.memref_squeeze %dma_start3A_12 : memref<1x160x2x125xi32, #tpu.memory_space<hbm>> -> memref<160x2x125xi32, #tpu.memory_space<hbm>>
      %dma_start3A_14 = arith.constant 0 : i32
      %dma_start3A_15 = arith.constant 0 : i32
      %dma_start3A_16 = tpu.memref_slice %dma_start3A_13[%dma_start3A, %dma_start3A_14, %dma_start3A_15] : memref<160x2x125xi32, #tpu.memory_space<hbm>> -> memref<1x2x125xi32, #tpu.memory_space<hbm>>
      %dma_start3A_17 = tpu.memref_squeeze %dma_start3A_16 : memref<1x2x125xi32, #tpu.memory_space<hbm>> -> memref<2x125xi32, #tpu.memory_space<hbm>>
      %dma_start3A_18 = arith.constant 0 : i32
      %dma_start3A_19 = arith.constant 0 : i32
      %dma_start3A_20 = arith.constant 0 : i32
      %dma_start3A_21 = tpu.memref_slice %arg4[%arg1, %dma_start3A_18, %dma_start3A_19, %dma_start3A_20] : memref<16x160x2x125xi32, #tpu.memory_space<hbm>> -> memref<1x160x2x125xi32, #tpu.memory_space<hbm>>
      %dma_start3A_22 = tpu.memref_squeeze %dma_start3A_21 : memref<1x160x2x125xi32, #tpu.memory_space<hbm>> -> memref<160x2x125xi32, #tpu.memory_space<hbm>>
      %dma_start3A_23 = arith.constant 0 : i32
      %dma_start3A_24 = arith.constant 0 : i32
      %dma_start3A_25 = tpu.memref_slice %dma_start3A_22[%dma_start3A, %dma_start3A_23, %dma_start3A_24] : memref<160x2x125xi32, #tpu.memory_space<hbm>> -> memref<1x2x125xi32, #tpu.memory_space<hbm>>
      %dma_start3A_26 = tpu.memref_squeeze %dma_start3A_25 : memref<1x2x125xi32, #tpu.memory_space<hbm>> -> memref<2x125xi32, #tpu.memory_space<hbm>>
      tpu.enqueue_dma source(%dma_start3A_26 : memref<2x125xi32, #tpu.memory_space<hbm>>) target(%arg10 : memref<2x125xi32, #tpu.memory_space<vmem>>) target_semaphore(%arg14 : memref<!tpu.dma_semaphore, #tpu.memory_space<semaphore_mem>>)
      %dma_start3A_27 = arith.constant 3 : i32
      %dma_start3A_28 = arith.constant 0 : i32
      %dma_start3A_29 = arith.constant 0 : i32
      %dma_start3A_30 = arith.constant 0 : i32
      %dma_start3A_31 = tpu.memref_slice %arg4[%arg1, %dma_start3A_28, %dma_start3A_29, %dma_start3A_30] : memref<16x160x2x125xi32, #tpu.memory_space<hbm>> -> memref<1x160x2x125xi32, #tpu.memory_space<hbm>>
      %dma_start3A_32 = tpu.memref_squeeze %dma_start3A_31 : memref<1x160x2x125xi32, #tpu.memory_space<hbm>> -> memref<160x2x125xi32, #tpu.memory_space<hbm>>
      %dma_start3A_33 = arith.constant 0 : i32
      %dma_start3A_34 = arith.constant 0 : i32
      %dma_start3A_35 = tpu.memref_slice %dma_start3A_32[%dma_start3A_27, %dma_start3A_33, %dma_start3A_34] : memref<160x2x125xi32, #tpu.memory_space<hbm>> -> memref<1x2x125xi32, #tpu.memory_space<hbm>>
      %dma_start3A_36 = tpu.memref_squeeze %dma_start3A_35 : memref<1x2x125xi32, #tpu.memory_space<hbm>> -> memref<2x125xi32, #tpu.memory_space<hbm>>
      %dma_start3A_37 = arith.constant 0 : i32
      %dma_start3A_38 = arith.constant 0 : i32
      %dma_start3A_39 = arith.constant 0 : i32
      %dma_start3A_40 = tpu.memref_slice %arg4[%arg1, %dma_start3A_37, %dma_start3A_38, %dma_start3A_39] : memref<16x160x2x125xi32, #tpu.memory_space<hbm>> -> memref<1x160x2x125xi32, #tpu.memory_space<hbm>>
      %dma_start3A_41 = tpu.memref_squeeze %dma_start3A_40 : memref<1x160x2x125xi32, #tpu.memory_space<hbm>> -> memref<160x2x125xi32, #tpu.memory_space<hbm>>
      %dma_start3A_42 = arith.constant 0 : i32
      %dma_start3A_43 = arith.constant 0 : i32
      %dma_start3A_44 = tpu.memref_slice %dma_start3A_41[%dma_start3A_27, %dma_start3A_42, %dma_start3A_43] : memref<160x2x125xi32, #tpu.memory_space<hbm>> -> memref<1x2x125xi32, #tpu.memory_space<hbm>>
      %dma_start3A_45 = tpu.memref_squeeze %dma_start3A_44 : memref<1x2x125xi32, #tpu.memory_space<hbm>> -> memref<2x125xi32, #tpu.memory_space<hbm>>
      tpu.enqueue_dma source(%dma_start3A_45 : memref<2x125xi32, #tpu.memory_space<hbm>>) target(%arg11 : memref<2x125xi32, #tpu.memory_space<vmem>>) target_semaphore(%arg15 : memref<!tpu.dma_semaphore, #tpu.memory_space<semaphore_mem>>)
      %dma_start3A_46 = arith.constant 0 : i32
      %dma_start3A_47 = arith.constant 0 : i32
      %dma_start3A_48 = tpu.memref_slice %arg8[%dma_start3A_46, %dma_start3A_47] : memref<2x125xi32, #tpu.memory_space<vmem>> -> memref<1x125xi32, #tpu.memory_space<vmem>>
      %dma_start3A_49 = tpu.memref_squeeze %dma_start3A_48 : memref<1x125xi32, #tpu.memory_space<vmem>> -> memref<125xi32, #tpu.memory_space<vmem>>
      %dma_start3A_50 = arith.constant 0 : i32
      %dma_start3A_51 = arith.constant 0 : i32
      %dma_start3A_52 = tpu.memref_slice %arg3[%dma_start3A_50, %dma_start3A_51] : memref<10000x128xf32, #tpu.memory_space<hbm>> -> memref<10000x128xf32, #tpu.memory_space<hbm>>
      tpu.enqueue_indirect_dma source(%dma_start3A_52 : memref<10000x128xf32, #tpu.memory_space<hbm>>) target(%arg16 : memref<125x128xf32, #tpu.memory_space<vmem>>) offsets(%dma_start3A_49 : memref<125xi32, #tpu.memory_space<vmem>>) semaphore(%arg18 : memref<!tpu.dma_semaphore, #tpu.memory_space<semaphore_mem>>)
      %dma_start3A_53 = arith.constant 0 : i32
      %dma_start3A_54 = arith.constant 0 : i32
      %dma_start3A_55 = tpu.memref_slice %arg9[%dma_start3A_53, %dma_start3A_54] : memref<2x125xi32, #tpu.memory_space<vmem>> -> memref<1x125xi32, #tpu.memory_space<vmem>>
      %dma_start3A_56 = tpu.memref_squeeze %dma_start3A_55 : memref<1x125xi32, #tpu.memory_space<vmem>> -> memref<125xi32, #tpu.memory_space<vmem>>
      %dma_start3A_57 = arith.constant 0 : i32
      %dma_start3A_58 = arith.constant 0 : i32
      %dma_start3A_59 = tpu.memref_slice %arg3[%dma_start3A_57, %dma_start3A_58] : memref<10000x128xf32, #tpu.memory_space<hbm>> -> memref<10000x128xf32, #tpu.memory_space<hbm>>
      tpu.enqueue_indirect_dma source(%dma_start3A_59 : memref<10000x128xf32, #tpu.memory_space<hbm>>) target(%arg17 : memref<125x128xf32, #tpu.memory_space<vmem>>) offsets(%dma_start3A_56 : memref<125xi32, #tpu.memory_space<vmem>>) semaphore(%arg19 : memref<!tpu.dma_semaphore, #tpu.memory_space<semaphore_mem>>)
      %scan3A = arith.constant 0 : i32
      %scan3A_60 = arith.constant 40 : i32
      %scan3A_61 = arith.addi %scan3A, %scan3A_60 : i32
      %scan3A_62 = arith.constant 1 : i32
      scf.for %scan3A_65 = %scan3A to %scan3A_61 step %scan3A_62  : i32 {
        %mul3A_66 = arith.constant 4 : i32
        %mul3A_67 = arith.muli %mul3A_66, %scan3A_65 : i32
        %add3A = arith.constant 0 : i32
        %add3A_68 = arith.addi %mul3A_67, %add3A : i32
        %dma_wait3A = arith.constant 0 : i32
        %dma_wait3A_69 = arith.constant 0 : i32
        %dma_wait3A_70 = tpu.memref_slice %arg8[%dma_wait3A, %dma_wait3A_69] : memref<2x125xi32, #tpu.memory_space<vmem>> -> memref<1x125xi32, #tpu.memory_space<vmem>>
        %dma_wait3A_71 = tpu.memref_squeeze %dma_wait3A_70 : memref<1x125xi32, #tpu.memory_space<vmem>> -> memref<125xi32, #tpu.memory_space<vmem>>
        %dma_wait3A_72 = arith.constant 0 : i32
        %dma_wait3A_73 = arith.constant 0 : i32
        %dma_wait3A_74 = tpu.memref_slice %arg3[%dma_wait3A_72, %dma_wait3A_73] : memref<10000x128xf32, #tpu.memory_space<hbm>> -> memref<10000x128xf32, #tpu.memory_space<hbm>>
        tpu.wait_indirect_dma semaphore(%arg18 : memref<!tpu.dma_semaphore, #tpu.memory_space<semaphore_mem>>) src(%dma_wait3A_74 : memref<10000x128xf32, #tpu.memory_space<hbm>>) dst(%arg16 : memref<125x128xf32, #tpu.memory_space<vmem>>)
        %run_scoped3A_75 = arith.constant 1 : i32
        "tpu.region"() ({
          %run_scoped3A_167 = tpu.sem_alloc : memref<!tpu.dma_semaphore, #tpu.memory_space<semaphore_mem>>
          %dma_start3A_168 = arith.constant 0 : i32
          %dma_start3A_169 = tpu.memref_slice %arg8[%run_scoped3A_75, %dma_start3A_168] : memref<2x125xi32, #tpu.memory_space<vmem>> -> memref<1x125xi32, #tpu.memory_space<vmem>>
          %dma_start3A_170 = tpu.memref_squeeze %dma_start3A_169 : memref<1x125xi32, #tpu.memory_space<vmem>> -> memref<125xi32, #tpu.memory_space<vmem>>
          %dma_start3A_171 = arith.constant 0 : i32
          %dma_start3A_172 = arith.constant 0 : i32
          %dma_start3A_173 = tpu.memref_slice %arg20[%dma_start3A_171, %dma_start3A_172] : memref<10240x128xf32, #tpu.memory_space<vmem_shared>> -> memref<10240x128xf32, #tpu.memory_space<vmem_shared>>
          tpu.enqueue_indirect_dma source(%arg16 : memref<125x128xf32, #tpu.memory_space<vmem>>) target(%dma_start3A_173 : memref<10240x128xf32, #tpu.memory_space<vmem_shared>>) offsets(%dma_start3A_170 : memref<125xi32, #tpu.memory_space<vmem>>) semaphore(%run_scoped3A_167 : memref<!tpu.dma_semaphore, #tpu.memory_space<semaphore_mem>>) {add = true}
          %dma_wait3A_174 = arith.constant 0 : i32
          %dma_wait3A_175 = tpu.memref_slice %arg8[%run_scoped3A_75, %dma_wait3A_174] : memref<2x125xi32, #tpu.memory_space<vmem>> -> memref<1x125xi32, #tpu.memory_space<vmem>>
          %dma_wait3A_176 = tpu.memref_squeeze %dma_wait3A_175 : memref<1x125xi32, #tpu.memory_space<vmem>> -> memref<125xi32, #tpu.memory_space<vmem>>
          %dma_wait3A_177 = arith.constant 0 : i32
          %dma_wait3A_178 = arith.constant 0 : i32
          %dma_wait3A_179 = tpu.memref_slice %arg20[%dma_wait3A_177, %dma_wait3A_178] : memref<10240x128xf32, #tpu.memory_space<vmem_shared>> -> memref<10240x128xf32, #tpu.memory_space<vmem_shared>>
          tpu.wait_indirect_dma semaphore(%run_scoped3A_167 : memref<!tpu.dma_semaphore, #tpu.memory_space<semaphore_mem>>) src(%arg16 : memref<125x128xf32, #tpu.memory_space<vmem>>) dst(%dma_wait3A_179 : memref<10240x128xf32, #tpu.memory_space<vmem_shared>>)
          tpu.yield
        }) : () -> ()
        %add3A_76 = arith.constant 4 : i32
        %add3A_77 = arith.addi %add3A_68, %add3A_76 : i32
        %lt3A = arith.constant 160 : i32
        %lt3A_78 = arith.cmpi slt, %add3A_77, %lt3A : i32
        %convert_element_type3A_79 = arith.extui %lt3A_78 : i1 to i32
        %cond3A_80 = arith.constant 0 : i32
        %cond3A_81 = arith.cmpi ne, %convert_element_type3A_79, %cond3A_80 : i32
        scf.if %cond3A_81 {
          %add3A_167 = arith.constant 4 : i32
          %add3A_168 = arith.addi %add3A_68, %add3A_167 : i32
          %dma_start3A_169 = arith.constant 0 : i32
          %dma_start3A_170 = arith.constant 0 : i32
          %dma_start3A_171 = arith.constant 0 : i32
          %dma_start3A_172 = tpu.memref_slice %arg4[%arg1, %dma_start3A_169, %dma_start3A_170, %dma_start3A_171] : memref<16x160x2x125xi32, #tpu.memory_space<hbm>> -> memref<1x160x2x125xi32, #tpu.memory_space<hbm>>
          %dma_start3A_173 = tpu.memref_squeeze %dma_start3A_172 : memref<1x160x2x125xi32, #tpu.memory_space<hbm>> -> memref<160x2x125xi32, #tpu.memory_space<hbm>>
          %dma_start3A_174 = arith.constant 0 : i32
          %dma_start3A_175 = arith.constant 0 : i32
          %dma_start3A_176 = tpu.memref_slice %dma_start3A_173[%add3A_168, %dma_start3A_174, %dma_start3A_175] : memref<160x2x125xi32, #tpu.memory_space<hbm>> -> memref<1x2x125xi32, #tpu.memory_space<hbm>>
          %dma_start3A_177 = tpu.memref_squeeze %dma_start3A_176 : memref<1x2x125xi32, #tpu.memory_space<hbm>> -> memref<2x125xi32, #tpu.memory_space<hbm>>
          %dma_start3A_178 = arith.constant 0 : i32
          %dma_start3A_179 = arith.constant 0 : i32
          %dma_start3A_180 = arith.constant 0 : i32
          %dma_start3A_181 = tpu.memref_slice %arg4[%arg1, %dma_start3A_178, %dma_start3A_179, %dma_start3A_180] : memref<16x160x2x125xi32, #tpu.memory_space<hbm>> -> memref<1x160x2x125xi32, #tpu.memory_space<hbm>>
          %dma_start3A_182 = tpu.memref_squeeze %dma_start3A_181 : memref<1x160x2x125xi32, #tpu.memory_space<hbm>> -> memref<160x2x125xi32, #tpu.memory_space<hbm>>
          %dma_start3A_183 = arith.constant 0 : i32
          %dma_start3A_184 = arith.constant 0 : i32
          %dma_start3A_185 = tpu.memref_slice %dma_start3A_182[%add3A_168, %dma_start3A_183, %dma_start3A_184] : memref<160x2x125xi32, #tpu.memory_space<hbm>> -> memref<1x2x125xi32, #tpu.memory_space<hbm>>
          %dma_start3A_186 = tpu.memref_squeeze %dma_start3A_185 : memref<1x2x125xi32, #tpu.memory_space<hbm>> -> memref<2x125xi32, #tpu.memory_space<hbm>>
          tpu.enqueue_dma source(%dma_start3A_186 : memref<2x125xi32, #tpu.memory_space<hbm>>) target(%arg8 : memref<2x125xi32, #tpu.memory_space<vmem>>) target_semaphore(%arg12 : memref<!tpu.dma_semaphore, #tpu.memory_space<semaphore_mem>>)
        } else {
        }
        %add3A_82 = arith.constant 2 : i32
        %add3A_83 = arith.addi %add3A_68, %add3A_82 : i32
        %lt3A_84 = arith.constant 160 : i32
        %lt3A_85 = arith.cmpi slt, %add3A_83, %lt3A_84 : i32
        %convert_element_type3A_86 = arith.extui %lt3A_85 : i1 to i32
        %cond3A_87 = arith.constant 0 : i32
        %cond3A_88 = arith.cmpi ne, %convert_element_type3A_86, %cond3A_87 : i32
        scf.if %cond3A_88 {
          %dma_wait3A_167 = arith.constant 0 : i32
          %dma_wait3A_168 = arith.constant 0 : i32
          %dma_wait3A_169 = arith.constant 0 : i32
          %dma_wait3A_170 = arith.constant 0 : i32
          %dma_wait3A_171 = tpu.memref_slice %arg4[%arg1, %dma_wait3A_168, %dma_wait3A_169, %dma_wait3A_170] : memref<16x160x2x125xi32, #tpu.memory_space<hbm>> -> memref<1x160x2x125xi32, #tpu.memory_space<hbm>>
          %dma_wait3A_172 = tpu.memref_squeeze %dma_wait3A_171 : memref<1x160x2x125xi32, #tpu.memory_space<hbm>> -> memref<160x2x125xi32, #tpu.memory_space<hbm>>
          %dma_wait3A_173 = arith.constant 0 : i32
          %dma_wait3A_174 = arith.constant 0 : i32
          %dma_wait3A_175 = tpu.memref_slice %dma_wait3A_172[%dma_wait3A_167, %dma_wait3A_173, %dma_wait3A_174] : memref<160x2x125xi32, #tpu.memory_space<hbm>> -> memref<1x2x125xi32, #tpu.memory_space<hbm>>
          %dma_wait3A_176 = tpu.memref_squeeze %dma_wait3A_175 : memref<1x2x125xi32, #tpu.memory_space<hbm>> -> memref<2x125xi32, #tpu.memory_space<hbm>>
          %dma_wait3A_177 = arith.constant 0 : i32
          %dma_wait3A_178 = arith.constant 0 : i32
          %dma_wait3A_179 = arith.constant 0 : i32
          %dma_wait3A_180 = tpu.memref_slice %arg4[%arg1, %dma_wait3A_177, %dma_wait3A_178, %dma_wait3A_179] : memref<16x160x2x125xi32, #tpu.memory_space<hbm>> -> memref<1x160x2x125xi32, #tpu.memory_space<hbm>>
          %dma_wait3A_181 = tpu.memref_squeeze %dma_wait3A_180 : memref<1x160x2x125xi32, #tpu.memory_space<hbm>> -> memref<160x2x125xi32, #tpu.memory_space<hbm>>
          %dma_wait3A_182 = arith.constant 0 : i32
          %dma_wait3A_183 = arith.constant 0 : i32
          %dma_wait3A_184 = tpu.memref_slice %dma_wait3A_181[%dma_wait3A_167, %dma_wait3A_182, %dma_wait3A_183] : memref<160x2x125xi32, #tpu.memory_space<hbm>> -> memref<1x2x125xi32, #tpu.memory_space<hbm>>
          %dma_wait3A_185 = tpu.memref_squeeze %dma_wait3A_184 : memref<1x2x125xi32, #tpu.memory_space<hbm>> -> memref<2x125xi32, #tpu.memory_space<hbm>>
          tpu.wait_dma2 semaphore(%arg14 : memref<!tpu.dma_semaphore, #tpu.memory_space<semaphore_mem>>) src(%dma_wait3A_185 : memref<2x125xi32, #tpu.memory_space<hbm>>) dst(%arg10 : memref<2x125xi32, #tpu.memory_space<vmem>>)
          %dma_start3A_186 = arith.constant 0 : i32
          %dma_start3A_187 = arith.constant 0 : i32
          %dma_start3A_188 = tpu.memref_slice %arg10[%dma_start3A_186, %dma_start3A_187] : memref<2x125xi32, #tpu.memory_space<vmem>> -> memref<1x125xi32, #tpu.memory_space<vmem>>
          %dma_start3A_189 = tpu.memref_squeeze %dma_start3A_188 : memref<1x125xi32, #tpu.memory_space<vmem>> -> memref<125xi32, #tpu.memory_space<vmem>>
          %dma_start3A_190 = arith.constant 0 : i32
          %dma_start3A_191 = arith.constant 0 : i32
          %dma_start3A_192 = tpu.memref_slice %arg3[%dma_start3A_190, %dma_start3A_191] : memref<10000x128xf32, #tpu.memory_space<hbm>> -> memref<10000x128xf32, #tpu.memory_space<hbm>>
          tpu.enqueue_indirect_dma source(%dma_start3A_192 : memref<10000x128xf32, #tpu.memory_space<hbm>>) target(%arg16 : memref<125x128xf32, #tpu.memory_space<vmem>>) offsets(%dma_start3A_189 : memref<125xi32, #tpu.memory_space<vmem>>) semaphore(%arg18 : memref<!tpu.dma_semaphore, #tpu.memory_space<semaphore_mem>>)
        } else {
        }
        %mul3A_89 = arith.constant 4 : i32
        %mul3A_90 = arith.muli %mul3A_89, %scan3A_65 : i32
        %add3A_91 = arith.constant 1 : i32
        %add3A_92 = arith.addi %mul3A_90, %add3A_91 : i32
        %dma_wait3A_93 = arith.constant 0 : i32
        %dma_wait3A_94 = arith.constant 0 : i32
        %dma_wait3A_95 = tpu.memref_slice %arg9[%dma_wait3A_93, %dma_wait3A_94] : memref<2x125xi32, #tpu.memory_space<vmem>> -> memref<1x125xi32, #tpu.memory_space<vmem>>
        %dma_wait3A_96 = tpu.memref_squeeze %dma_wait3A_95 : memref<1x125xi32, #tpu.memory_space<vmem>> -> memref<125xi32, #tpu.memory_space<vmem>>
        %dma_wait3A_97 = arith.constant 0 : i32
        %dma_wait3A_98 = arith.constant 0 : i32
        %dma_wait3A_99 = tpu.memref_slice %arg3[%dma_wait3A_97, %dma_wait3A_98] : memref<10000x128xf32, #tpu.memory_space<hbm>> -> memref<10000x128xf32, #tpu.memory_space<hbm>>
        tpu.wait_indirect_dma semaphore(%arg19 : memref<!tpu.dma_semaphore, #tpu.memory_space<semaphore_mem>>) src(%dma_wait3A_99 : memref<10000x128xf32, #tpu.memory_space<hbm>>) dst(%arg17 : memref<125x128xf32, #tpu.memory_space<vmem>>)
        %run_scoped3A_100 = arith.constant 1 : i32
        "tpu.region"() ({
          %run_scoped3A_167 = tpu.sem_alloc : memref<!tpu.dma_semaphore, #tpu.memory_space<semaphore_mem>>
          %dma_start3A_168 = arith.constant 0 : i32
          %dma_start3A_169 = tpu.memref_slice %arg9[%run_scoped3A_100, %dma_start3A_168] : memref<2x125xi32, #tpu.memory_space<vmem>> -> memref<1x125xi32, #tpu.memory_space<vmem>>
          %dma_start3A_170 = tpu.memref_squeeze %dma_start3A_169 : memref<1x125xi32, #tpu.memory_space<vmem>> -> memref<125xi32, #tpu.memory_space<vmem>>
          %dma_start3A_171 = arith.constant 0 : i32
          %dma_start3A_172 = arith.constant 0 : i32
          %dma_start3A_173 = tpu.memref_slice %arg20[%dma_start3A_171, %dma_start3A_172] : memref<10240x128xf32, #tpu.memory_space<vmem_shared>> -> memref<10240x128xf32, #tpu.memory_space<vmem_shared>>
          tpu.enqueue_indirect_dma source(%arg17 : memref<125x128xf32, #tpu.memory_space<vmem>>) target(%dma_start3A_173 : memref<10240x128xf32, #tpu.memory_space<vmem_shared>>) offsets(%dma_start3A_170 : memref<125xi32, #tpu.memory_space<vmem>>) semaphore(%run_scoped3A_167 : memref<!tpu.dma_semaphore, #tpu.memory_space<semaphore_mem>>) {add = true}
          %dma_wait3A_174 = arith.constant 0 : i32
          %dma_wait3A_175 = tpu.memref_slice %arg9[%run_scoped3A_100, %dma_wait3A_174] : memref<2x125xi32, #tpu.memory_space<vmem>> -> memref<1x125xi32, #tpu.memory_space<vmem>>
          %dma_wait3A_176 = tpu.memref_squeeze %dma_wait3A_175 : memref<1x125xi32, #tpu.memory_space<vmem>> -> memref<125xi32, #tpu.memory_space<vmem>>
          %dma_wait3A_177 = arith.constant 0 : i32
          %dma_wait3A_178 = arith.constant 0 : i32
          %dma_wait3A_179 = tpu.memref_slice %arg20[%dma_wait3A_177, %dma_wait3A_178] : memref<10240x128xf32, #tpu.memory_space<vmem_shared>> -> memref<10240x128xf32, #tpu.memory_space<vmem_shared>>
          tpu.wait_indirect_dma semaphore(%run_scoped3A_167 : memref<!tpu.dma_semaphore, #tpu.memory_space<semaphore_mem>>) src(%arg17 : memref<125x128xf32, #tpu.memory_space<vmem>>) dst(%dma_wait3A_179 : memref<10240x128xf32, #tpu.memory_space<vmem_shared>>)
          tpu.yield
        }) : () -> ()
        %add3A_101 = arith.constant 4 : i32
        %add3A_102 = arith.addi %add3A_92, %add3A_101 : i32
        %lt3A_103 = arith.constant 160 : i32
        %lt3A_104 = arith.cmpi slt, %add3A_102, %lt3A_103 : i32
        %convert_element_type3A_105 = arith.extui %lt3A_104 : i1 to i32
        %cond3A_106 = arith.constant 0 : i32
        %cond3A_107 = arith.cmpi ne, %convert_element_type3A_105, %cond3A_106 : i32
        scf.if %cond3A_107 {
          %add3A_167 = arith.constant 4 : i32
          %add3A_168 = arith.addi %add3A_92, %add3A_167 : i32
          %dma_start3A_169 = arith.constant 0 : i32
          %dma_start3A_170 = arith.constant 0 : i32
          %dma_start3A_171 = arith.constant 0 : i32
          %dma_start3A_172 = tpu.memref_slice %arg4[%arg1, %dma_start3A_169, %dma_start3A_170, %dma_start3A_171] : memref<16x160x2x125xi32, #tpu.memory_space<hbm>> -> memref<1x160x2x125xi32, #tpu.memory_space<hbm>>
          %dma_start3A_173 = tpu.memref_squeeze %dma_start3A_172 : memref<1x160x2x125xi32, #tpu.memory_space<hbm>> -> memref<160x2x125xi32, #tpu.memory_space<hbm>>
          %dma_start3A_174 = arith.constant 0 : i32
          %dma_start3A_175 = arith.constant 0 : i32
          %dma_start3A_176 = tpu.memref_slice %dma_start3A_173[%add3A_168, %dma_start3A_174, %dma_start3A_175] : memref<160x2x125xi32, #tpu.memory_space<hbm>> -> memref<1x2x125xi32, #tpu.memory_space<hbm>>
          %dma_start3A_177 = tpu.memref_squeeze %dma_start3A_176 : memref<1x2x125xi32, #tpu.memory_space<hbm>> -> memref<2x125xi32, #tpu.memory_space<hbm>>
          %dma_start3A_178 = arith.constant 0 : i32
          %dma_start3A_179 = arith.constant 0 : i32
          %dma_start3A_180 = arith.constant 0 : i32
          %dma_start3A_181 = tpu.memref_slice %arg4[%arg1, %dma_start3A_178, %dma_start3A_179, %dma_start3A_180] : memref<16x160x2x125xi32, #tpu.memory_space<hbm>> -> memref<1x160x2x125xi32, #tpu.memory_space<hbm>>
          %dma_start3A_182 = tpu.memref_squeeze %dma_start3A_181 : memref<1x160x2x125xi32, #tpu.memory_space<hbm>> -> memref<160x2x125xi32, #tpu.memory_space<hbm>>
          %dma_start3A_183 = arith.constant 0 : i32
          %dma_start3A_184 = arith.constant 0 : i32
          %dma_start3A_185 = tpu.memref_slice %dma_start3A_182[%add3A_168, %dma_start3A_183, %dma_start3A_184] : memref<160x2x125xi32, #tpu.memory_space<hbm>> -> memref<1x2x125xi32, #tpu.memory_space<hbm>>
          %dma_start3A_186 = tpu.memref_squeeze %dma_start3A_185 : memref<1x2x125xi32, #tpu.memory_space<hbm>> -> memref<2x125xi32, #tpu.memory_space<hbm>>
          tpu.enqueue_dma source(%dma_start3A_186 : memref<2x125xi32, #tpu.memory_space<hbm>>) target(%arg9 : memref<2x125xi32, #tpu.memory_space<vmem>>) target_semaphore(%arg13 : memref<!tpu.dma_semaphore, #tpu.memory_space<semaphore_mem>>)
        } else {
        }
        %add3A_108 = arith.constant 2 : i32
        %add3A_109 = arith.addi %add3A_92, %add3A_108 : i32
        %lt3A_110 = arith.constant 160 : i32
        %lt3A_111 = arith.cmpi slt, %add3A_109, %lt3A_110 : i32
        %convert_element_type3A_112 = arith.extui %lt3A_111 : i1 to i32
        %cond3A_113 = arith.constant 0 : i32
        %cond3A_114 = arith.cmpi ne, %convert_element_type3A_112, %cond3A_113 : i32
        scf.if %cond3A_114 {
          %dma_wait3A_167 = arith.constant 0 : i32
          %dma_wait3A_168 = arith.constant 0 : i32
          %dma_wait3A_169 = arith.constant 0 : i32
          %dma_wait3A_170 = arith.constant 0 : i32
          %dma_wait3A_171 = tpu.memref_slice %arg4[%arg1, %dma_wait3A_168, %dma_wait3A_169, %dma_wait3A_170] : memref<16x160x2x125xi32, #tpu.memory_space<hbm>> -> memref<1x160x2x125xi32, #tpu.memory_space<hbm>>
          %dma_wait3A_172 = tpu.memref_squeeze %dma_wait3A_171 : memref<1x160x2x125xi32, #tpu.memory_space<hbm>> -> memref<160x2x125xi32, #tpu.memory_space<hbm>>
          %dma_wait3A_173 = arith.constant 0 : i32
          %dma_wait3A_174 = arith.constant 0 : i32
          %dma_wait3A_175 = tpu.memref_slice %dma_wait3A_172[%dma_wait3A_167, %dma_wait3A_173, %dma_wait3A_174] : memref<160x2x125xi32, #tpu.memory_space<hbm>> -> memref<1x2x125xi32, #tpu.memory_space<hbm>>
          %dma_wait3A_176 = tpu.memref_squeeze %dma_wait3A_175 : memref<1x2x125xi32, #tpu.memory_space<hbm>> -> memref<2x125xi32, #tpu.memory_space<hbm>>
          %dma_wait3A_177 = arith.constant 0 : i32
          %dma_wait3A_178 = arith.constant 0 : i32
          %dma_wait3A_179 = arith.constant 0 : i32
          %dma_wait3A_180 = tpu.memref_slice %arg4[%arg1, %dma_wait3A_177, %dma_wait3A_178, %dma_wait3A_179] : memref<16x160x2x125xi32, #tpu.memory_space<hbm>> -> memref<1x160x2x125xi32, #tpu.memory_space<hbm>>
          %dma_wait3A_181 = tpu.memref_squeeze %dma_wait3A_180 : memref<1x160x2x125xi32, #tpu.memory_space<hbm>> -> memref<160x2x125xi32, #tpu.memory_space<hbm>>
          %dma_wait3A_182 = arith.constant 0 : i32
          %dma_wait3A_183 = arith.constant 0 : i32
          %dma_wait3A_184 = tpu.memref_slice %dma_wait3A_181[%dma_wait3A_167, %dma_wait3A_182, %dma_wait3A_183] : memref<160x2x125xi32, #tpu.memory_space<hbm>> -> memref<1x2x125xi32, #tpu.memory_space<hbm>>
          %dma_wait3A_185 = tpu.memref_squeeze %dma_wait3A_184 : memref<1x2x125xi32, #tpu.memory_space<hbm>> -> memref<2x125xi32, #tpu.memory_space<hbm>>
          tpu.wait_dma2 semaphore(%arg15 : memref<!tpu.dma_semaphore, #tpu.memory_space<semaphore_mem>>) src(%dma_wait3A_185 : memref<2x125xi32, #tpu.memory_space<hbm>>) dst(%arg11 : memref<2x125xi32, #tpu.memory_space<vmem>>)
          %dma_start3A_186 = arith.constant 0 : i32
          %dma_start3A_187 = arith.constant 0 : i32
          %dma_start3A_188 = tpu.memref_slice %arg11[%dma_start3A_186, %dma_start3A_187] : memref<2x125xi32, #tpu.memory_space<vmem>> -> memref<1x125xi32, #tpu.memory_space<vmem>>
          %dma_start3A_189 = tpu.memref_squeeze %dma_start3A_188 : memref<1x125xi32, #tpu.memory_space<vmem>> -> memref<125xi32, #tpu.memory_space<vmem>>
          %dma_start3A_190 = arith.constant 0 : i32
          %dma_start3A_191 = arith.constant 0 : i32
          %dma_start3A_192 = tpu.memref_slice %arg3[%dma_start3A_190, %dma_start3A_191] : memref<10000x128xf32, #tpu.memory_space<hbm>> -> memref<10000x128xf32, #tpu.memory_space<hbm>>
          tpu.enqueue_indirect_dma source(%dma_start3A_192 : memref<10000x128xf32, #tpu.memory_space<hbm>>) target(%arg17 : memref<125x128xf32, #tpu.memory_space<vmem>>) offsets(%dma_start3A_189 : memref<125xi32, #tpu.memory_space<vmem>>) semaphore(%arg19 : memref<!tpu.dma_semaphore, #tpu.memory_space<semaphore_mem>>)
        } else {
        }
        %mul3A_115 = arith.constant 4 : i32
        %mul3A_116 = arith.muli %mul3A_115, %scan3A_65 : i32
        %add3A_117 = arith.constant 2 : i32
        %add3A_118 = arith.addi %mul3A_116, %add3A_117 : i32
        %dma_wait3A_119 = arith.constant 0 : i32
        %dma_wait3A_120 = arith.constant 0 : i32
        %dma_wait3A_121 = tpu.memref_slice %arg10[%dma_wait3A_119, %dma_wait3A_120] : memref<2x125xi32, #tpu.memory_space<vmem>> -> memref<1x125xi32, #tpu.memory_space<vmem>>
        %dma_wait3A_122 = tpu.memref_squeeze %dma_wait3A_121 : memref<1x125xi32, #tpu.memory_space<vmem>> -> memref<125xi32, #tpu.memory_space<vmem>>
        %dma_wait3A_123 = arith.constant 0 : i32
        %dma_wait3A_124 = arith.constant 0 : i32
        %dma_wait3A_125 = tpu.memref_slice %arg3[%dma_wait3A_123, %dma_wait3A_124] : memref<10000x128xf32, #tpu.memory_space<hbm>> -> memref<10000x128xf32, #tpu.memory_space<hbm>>
        tpu.wait_indirect_dma semaphore(%arg18 : memref<!tpu.dma_semaphore, #tpu.memory_space<semaphore_mem>>) src(%dma_wait3A_125 : memref<10000x128xf32, #tpu.memory_space<hbm>>) dst(%arg16 : memref<125x128xf32, #tpu.memory_space<vmem>>)
        %run_scoped3A_126 = arith.constant 1 : i32
        "tpu.region"() ({
          %run_scoped3A_167 = tpu.sem_alloc : memref<!tpu.dma_semaphore, #tpu.memory_space<semaphore_mem>>
          %dma_start3A_168 = arith.constant 0 : i32
          %dma_start3A_169 = tpu.memref_slice %arg10[%run_scoped3A_126, %dma_start3A_168] : memref<2x125xi32, #tpu.memory_space<vmem>> -> memref<1x125xi32, #tpu.memory_space<vmem>>
          %dma_start3A_170 = tpu.memref_squeeze %dma_start3A_169 : memref<1x125xi32, #tpu.memory_space<vmem>> -> memref<125xi32, #tpu.memory_space<vmem>>
          %dma_start3A_171 = arith.constant 0 : i32
          %dma_start3A_172 = arith.constant 0 : i32
          %dma_start3A_173 = tpu.memref_slice %arg20[%dma_start3A_171, %dma_start3A_172] : memref<10240x128xf32, #tpu.memory_space<vmem_shared>> -> memref<10240x128xf32, #tpu.memory_space<vmem_shared>>
          tpu.enqueue_indirect_dma source(%arg16 : memref<125x128xf32, #tpu.memory_space<vmem>>) target(%dma_start3A_173 : memref<10240x128xf32, #tpu.memory_space<vmem_shared>>) offsets(%dma_start3A_170 : memref<125xi32, #tpu.memory_space<vmem>>) semaphore(%run_scoped3A_167 : memref<!tpu.dma_semaphore, #tpu.memory_space<semaphore_mem>>) {add = true}
          %dma_wait3A_174 = arith.constant 0 : i32
          %dma_wait3A_175 = tpu.memref_slice %arg10[%run_scoped3A_126, %dma_wait3A_174] : memref<2x125xi32, #tpu.memory_space<vmem>> -> memref<1x125xi32, #tpu.memory_space<vmem>>
          %dma_wait3A_176 = tpu.memref_squeeze %dma_wait3A_175 : memref<1x125xi32, #tpu.memory_space<vmem>> -> memref<125xi32, #tpu.memory_space<vmem>>
          %dma_wait3A_177 = arith.constant 0 : i32
          %dma_wait3A_178 = arith.constant 0 : i32
          %dma_wait3A_179 = tpu.memref_slice %arg20[%dma_wait3A_177, %dma_wait3A_178] : memref<10240x128xf32, #tpu.memory_space<vmem_shared>> -> memref<10240x128xf32, #tpu.memory_space<vmem_shared>>
          tpu.wait_indirect_dma semaphore(%run_scoped3A_167 : memref<!tpu.dma_semaphore, #tpu.memory_space<semaphore_mem>>) src(%arg16 : memref<125x128xf32, #tpu.memory_space<vmem>>) dst(%dma_wait3A_179 : memref<10240x128xf32, #tpu.memory_space<vmem_shared>>)
          tpu.yield
        }) : () -> ()
        %add3A_127 = arith.constant 4 : i32
        %add3A_128 = arith.addi %add3A_118, %add3A_127 : i32
        %lt3A_129 = arith.constant 160 : i32
        %lt3A_130 = arith.cmpi slt, %add3A_128, %lt3A_129 : i32
        %convert_element_type3A_131 = arith.extui %lt3A_130 : i1 to i32
        %cond3A_132 = arith.constant 0 : i32
        %cond3A_133 = arith.cmpi ne, %convert_element_type3A_131, %cond3A_132 : i32
        scf.if %cond3A_133 {
          %add3A_167 = arith.constant 4 : i32
          %add3A_168 = arith.addi %add3A_118, %add3A_167 : i32
          %dma_start3A_169 = arith.constant 0 : i32
          %dma_start3A_170 = arith.constant 0 : i32
          %dma_start3A_171 = arith.constant 0 : i32
          %dma_start3A_172 = tpu.memref_slice %arg4[%arg1, %dma_start3A_169, %dma_start3A_170, %dma_start3A_171] : memref<16x160x2x125xi32, #tpu.memory_space<hbm>> -> memref<1x160x2x125xi32, #tpu.memory_space<hbm>>
          %dma_start3A_173 = tpu.memref_squeeze %dma_start3A_172 : memref<1x160x2x125xi32, #tpu.memory_space<hbm>> -> memref<160x2x125xi32, #tpu.memory_space<hbm>>
          %dma_start3A_174 = arith.constant 0 : i32
          %dma_start3A_175 = arith.constant 0 : i32
          %dma_start3A_176 = tpu.memref_slice %dma_start3A_173[%add3A_168, %dma_start3A_174, %dma_start3A_175] : memref<160x2x125xi32, #tpu.memory_space<hbm>> -> memref<1x2x125xi32, #tpu.memory_space<hbm>>
          %dma_start3A_177 = tpu.memref_squeeze %dma_start3A_176 : memref<1x2x125xi32, #tpu.memory_space<hbm>> -> memref<2x125xi32, #tpu.memory_space<hbm>>
          %dma_start3A_178 = arith.constant 0 : i32
          %dma_start3A_179 = arith.constant 0 : i32
          %dma_start3A_180 = arith.constant 0 : i32
          %dma_start3A_181 = tpu.memref_slice %arg4[%arg1, %dma_start3A_178, %dma_start3A_179, %dma_start3A_180] : memref<16x160x2x125xi32, #tpu.memory_space<hbm>> -> memref<1x160x2x125xi32, #tpu.memory_space<hbm>>
          %dma_start3A_182 = tpu.memref_squeeze %dma_start3A_181 : memref<1x160x2x125xi32, #tpu.memory_space<hbm>> -> memref<160x2x125xi32, #tpu.memory_space<hbm>>
          %dma_start3A_183 = arith.constant 0 : i32
          %dma_start3A_184 = arith.constant 0 : i32
          %dma_start3A_185 = tpu.memref_slice %dma_start3A_182[%add3A_168, %dma_start3A_183, %dma_start3A_184] : memref<160x2x125xi32, #tpu.memory_space<hbm>> -> memref<1x2x125xi32, #tpu.memory_space<hbm>>
          %dma_start3A_186 = tpu.memref_squeeze %dma_start3A_185 : memref<1x2x125xi32, #tpu.memory_space<hbm>> -> memref<2x125xi32, #tpu.memory_space<hbm>>
          tpu.enqueue_dma source(%dma_start3A_186 : memref<2x125xi32, #tpu.memory_space<hbm>>) target(%arg10 : memref<2x125xi32, #tpu.memory_space<vmem>>) target_semaphore(%arg14 : memref<!tpu.dma_semaphore, #tpu.memory_space<semaphore_mem>>)
        } else {
        }
        %add3A_134 = arith.constant 2 : i32
        %add3A_135 = arith.addi %add3A_118, %add3A_134 : i32
        %lt3A_136 = arith.constant 160 : i32
        %lt3A_137 = arith.cmpi slt, %add3A_135, %lt3A_136 : i32
        %convert_element_type3A_138 = arith.extui %lt3A_137 : i1 to i32
        %cond3A_139 = arith.constant 0 : i32
        %cond3A_140 = arith.cmpi ne, %convert_element_type3A_138, %cond3A_139 : i32
        scf.if %cond3A_140 {
          %dma_wait3A_167 = arith.constant 0 : i32
          %dma_wait3A_168 = arith.constant 0 : i32
          %dma_wait3A_169 = arith.constant 0 : i32
          %dma_wait3A_170 = arith.constant 0 : i32
          %dma_wait3A_171 = tpu.memref_slice %arg4[%arg1, %dma_wait3A_168, %dma_wait3A_169, %dma_wait3A_170] : memref<16x160x2x125xi32, #tpu.memory_space<hbm>> -> memref<1x160x2x125xi32, #tpu.memory_space<hbm>>
          %dma_wait3A_172 = tpu.memref_squeeze %dma_wait3A_171 : memref<1x160x2x125xi32, #tpu.memory_space<hbm>> -> memref<160x2x125xi32, #tpu.memory_space<hbm>>
          %dma_wait3A_173 = arith.constant 0 : i32
          %dma_wait3A_174 = arith.constant 0 : i32
          %dma_wait3A_175 = tpu.memref_slice %dma_wait3A_172[%dma_wait3A_167, %dma_wait3A_173, %dma_wait3A_174] : memref<160x2x125xi32, #tpu.memory_space<hbm>> -> memref<1x2x125xi32, #tpu.memory_space<hbm>>
          %dma_wait3A_176 = tpu.memref_squeeze %dma_wait3A_175 : memref<1x2x125xi32, #tpu.memory_space<hbm>> -> memref<2x125xi32, #tpu.memory_space<hbm>>
          %dma_wait3A_177 = arith.constant 0 : i32
          %dma_wait3A_178 = arith.constant 0 : i32
          %dma_wait3A_179 = arith.constant 0 : i32
          %dma_wait3A_180 = tpu.memref_slice %arg4[%arg1, %dma_wait3A_177, %dma_wait3A_178, %dma_wait3A_179] : memref<16x160x2x125xi32, #tpu.memory_space<hbm>> -> memref<1x160x2x125xi32, #tpu.memory_space<hbm>>
          %dma_wait3A_181 = tpu.memref_squeeze %dma_wait3A_180 : memref<1x160x2x125xi32, #tpu.memory_space<hbm>> -> memref<160x2x125xi32, #tpu.memory_space<hbm>>
          %dma_wait3A_182 = arith.constant 0 : i32
          %dma_wait3A_183 = arith.constant 0 : i32
          %dma_wait3A_184 = tpu.memref_slice %dma_wait3A_181[%dma_wait3A_167, %dma_wait3A_182, %dma_wait3A_183] : memref<160x2x125xi32, #tpu.memory_space<hbm>> -> memref<1x2x125xi32, #tpu.memory_space<hbm>>
          %dma_wait3A_185 = tpu.memref_squeeze %dma_wait3A_184 : memref<1x2x125xi32, #tpu.memory_space<hbm>> -> memref<2x125xi32, #tpu.memory_space<hbm>>
          tpu.wait_dma2 semaphore(%arg12 : memref<!tpu.dma_semaphore, #tpu.memory_space<semaphore_mem>>) src(%dma_wait3A_185 : memref<2x125xi32, #tpu.memory_space<hbm>>) dst(%arg8 : memref<2x125xi32, #tpu.memory_space<vmem>>)
          %dma_start3A_186 = arith.constant 0 : i32
          %dma_start3A_187 = arith.constant 0 : i32
          %dma_start3A_188 = tpu.memref_slice %arg8[%dma_start3A_186, %dma_start3A_187] : memref<2x125xi32, #tpu.memory_space<vmem>> -> memref<1x125xi32, #tpu.memory_space<vmem>>
          %dma_start3A_189 = tpu.memref_squeeze %dma_start3A_188 : memref<1x125xi32, #tpu.memory_space<vmem>> -> memref<125xi32, #tpu.memory_space<vmem>>
          %dma_start3A_190 = arith.constant 0 : i32
          %dma_start3A_191 = arith.constant 0 : i32
          %dma_start3A_192 = tpu.memref_slice %arg3[%dma_start3A_190, %dma_start3A_191] : memref<10000x128xf32, #tpu.memory_space<hbm>> -> memref<10000x128xf32, #tpu.memory_space<hbm>>
          tpu.enqueue_indirect_dma source(%dma_start3A_192 : memref<10000x128xf32, #tpu.memory_space<hbm>>) target(%arg16 : memref<125x128xf32, #tpu.memory_space<vmem>>) offsets(%dma_start3A_189 : memref<125xi32, #tpu.memory_space<vmem>>) semaphore(%arg18 : memref<!tpu.dma_semaphore, #tpu.memory_space<semaphore_mem>>)
        } else {
        }
        %mul3A_141 = arith.constant 4 : i32
        %mul3A_142 = arith.muli %mul3A_141, %scan3A_65 : i32
        %add3A_143 = arith.constant 3 : i32
        %add3A_144 = arith.addi %mul3A_142, %add3A_143 : i32
        %dma_wait3A_145 = arith.constant 0 : i32
        %dma_wait3A_146 = arith.constant 0 : i32
        %dma_wait3A_147 = tpu.memref_slice %arg11[%dma_wait3A_145, %dma_wait3A_146] : memref<2x125xi32, #tpu.memory_space<vmem>> -> memref<1x125xi32, #tpu.memory_space<vmem>>
        %dma_wait3A_148 = tpu.memref_squeeze %dma_wait3A_147 : memref<1x125xi32, #tpu.memory_space<vmem>> -> memref<125xi32, #tpu.memory_space<vmem>>
        %dma_wait3A_149 = arith.constant 0 : i32
        %dma_wait3A_150 = arith.constant 0 : i32
        %dma_wait3A_151 = tpu.memref_slice %arg3[%dma_wait3A_149, %dma_wait3A_150] : memref<10000x128xf32, #tpu.memory_space<hbm>> -> memref<10000x128xf32, #tpu.memory_space<hbm>>
        tpu.wait_indirect_dma semaphore(%arg19 : memref<!tpu.dma_semaphore, #tpu.memory_space<semaphore_mem>>) src(%dma_wait3A_151 : memref<10000x128xf32, #tpu.memory_space<hbm>>) dst(%arg17 : memref<125x128xf32, #tpu.memory_space<vmem>>)
        %run_scoped3A_152 = arith.constant 1 : i32
        "tpu.region"() ({
          %run_scoped3A_167 = tpu.sem_alloc : memref<!tpu.dma_semaphore, #tpu.memory_space<semaphore_mem>>
          %dma_start3A_168 = arith.constant 0 : i32
          %dma_start3A_169 = tpu.memref_slice %arg11[%run_scoped3A_152, %dma_start3A_168] : memref<2x125xi32, #tpu.memory_space<vmem>> -> memref<1x125xi32, #tpu.memory_space<vmem>>
          %dma_start3A_170 = tpu.memref_squeeze %dma_start3A_169 : memref<1x125xi32, #tpu.memory_space<vmem>> -> memref<125xi32, #tpu.memory_space<vmem>>
          %dma_start3A_171 = arith.constant 0 : i32
          %dma_start3A_172 = arith.constant 0 : i32
          %dma_start3A_173 = tpu.memref_slice %arg20[%dma_start3A_171, %dma_start3A_172] : memref<10240x128xf32, #tpu.memory_space<vmem_shared>> -> memref<10240x128xf32, #tpu.memory_space<vmem_shared>>
          tpu.enqueue_indirect_dma source(%arg17 : memref<125x128xf32, #tpu.memory_space<vmem>>) target(%dma_start3A_173 : memref<10240x128xf32, #tpu.memory_space<vmem_shared>>) offsets(%dma_start3A_170 : memref<125xi32, #tpu.memory_space<vmem>>) semaphore(%run_scoped3A_167 : memref<!tpu.dma_semaphore, #tpu.memory_space<semaphore_mem>>) {add = true}
          %dma_wait3A_174 = arith.constant 0 : i32
          %dma_wait3A_175 = tpu.memref_slice %arg11[%run_scoped3A_152, %dma_wait3A_174] : memref<2x125xi32, #tpu.memory_space<vmem>> -> memref<1x125xi32, #tpu.memory_space<vmem>>
          %dma_wait3A_176 = tpu.memref_squeeze %dma_wait3A_175 : memref<1x125xi32, #tpu.memory_space<vmem>> -> memref<125xi32, #tpu.memory_space<vmem>>
          %dma_wait3A_177 = arith.constant 0 : i32
          %dma_wait3A_178 = arith.constant 0 : i32
          %dma_wait3A_179 = tpu.memref_slice %arg20[%dma_wait3A_177, %dma_wait3A_178] : memref<10240x128xf32, #tpu.memory_space<vmem_shared>> -> memref<10240x128xf32, #tpu.memory_space<vmem_shared>>
          tpu.wait_indirect_dma semaphore(%run_scoped3A_167 : memref<!tpu.dma_semaphore, #tpu.memory_space<semaphore_mem>>) src(%arg17 : memref<125x128xf32, #tpu.memory_space<vmem>>) dst(%dma_wait3A_179 : memref<10240x128xf32, #tpu.memory_space<vmem_shared>>)
          tpu.yield
        }) : () -> ()
        %add3A_153 = arith.constant 4 : i32
        %add3A_154 = arith.addi %add3A_144, %add3A_153 : i32
        %lt3A_155 = arith.constant 160 : i32
        %lt3A_156 = arith.cmpi slt, %add3A_154, %lt3A_155 : i32
        %convert_element_type3A_157 = arith.extui %lt3A_156 : i1 to i32
        %cond3A_158 = arith.constant 0 : i32
        %cond3A_159 = arith.cmpi ne, %convert_element_type3A_157, %cond3A_158 : i32
        scf.if %cond3A_159 {
          %add3A_167 = arith.constant 4 : i32
          %add3A_168 = arith.addi %add3A_144, %add3A_167 : i32
          %dma_start3A_169 = arith.constant 0 : i32
          %dma_start3A_170 = arith.constant 0 : i32
          %dma_start3A_171 = arith.constant 0 : i32
          %dma_start3A_172 = tpu.memref_slice %arg4[%arg1, %dma_start3A_169, %dma_start3A_170, %dma_start3A_171] : memref<16x160x2x125xi32, #tpu.memory_space<hbm>> -> memref<1x160x2x125xi32, #tpu.memory_space<hbm>>
          %dma_start3A_173 = tpu.memref_squeeze %dma_start3A_172 : memref<1x160x2x125xi32, #tpu.memory_space<hbm>> -> memref<160x2x125xi32, #tpu.memory_space<hbm>>
          %dma_start3A_174 = arith.constant 0 : i32
          %dma_start3A_175 = arith.constant 0 : i32
          %dma_start3A_176 = tpu.memref_slice %dma_start3A_173[%add3A_168, %dma_start3A_174, %dma_start3A_175] : memref<160x2x125xi32, #tpu.memory_space<hbm>> -> memref<1x2x125xi32, #tpu.memory_space<hbm>>
          %dma_start3A_177 = tpu.memref_squeeze %dma_start3A_176 : memref<1x2x125xi32, #tpu.memory_space<hbm>> -> memref<2x125xi32, #tpu.memory_space<hbm>>
          %dma_start3A_178 = arith.constant 0 : i32
          %dma_start3A_179 = arith.constant 0 : i32
          %dma_start3A_180 = arith.constant 0 : i32
          %dma_start3A_181 = tpu.memref_slice %arg4[%arg1, %dma_start3A_178, %dma_start3A_179, %dma_start3A_180] : memref<16x160x2x125xi32, #tpu.memory_space<hbm>> -> memref<1x160x2x125xi32, #tpu.memory_space<hbm>>
          %dma_start3A_182 = tpu.memref_squeeze %dma_start3A_181 : memref<1x160x2x125xi32, #tpu.memory_space<hbm>> -> memref<160x2x125xi32, #tpu.memory_space<hbm>>
          %dma_start3A_183 = arith.constant 0 : i32
          %dma_start3A_184 = arith.constant 0 : i32
          %dma_start3A_185 = tpu.memref_slice %dma_start3A_182[%add3A_168, %dma_start3A_183, %dma_start3A_184] : memref<160x2x125xi32, #tpu.memory_space<hbm>> -> memref<1x2x125xi32, #tpu.memory_space<hbm>>
          %dma_start3A_186 = tpu.memref_squeeze %dma_start3A_185 : memref<1x2x125xi32, #tpu.memory_space<hbm>> -> memref<2x125xi32, #tpu.memory_space<hbm>>
          tpu.enqueue_dma source(%dma_start3A_186 : memref<2x125xi32, #tpu.memory_space<hbm>>) target(%arg11 : memref<2x125xi32, #tpu.memory_space<vmem>>) target_semaphore(%arg15 : memref<!tpu.dma_semaphore, #tpu.memory_space<semaphore_mem>>)
        } else {
        }
        %add3A_160 = arith.constant 2 : i32
        %add3A_161 = arith.addi %add3A_144, %add3A_160 : i32
        %lt3A_162 = arith.constant 160 : i32
        %lt3A_163 = arith.cmpi slt, %add3A_161, %lt3A_162 : i32
        %convert_element_type3A_164 = arith.extui %lt3A_163 : i1 to i32
        %cond3A_165 = arith.constant 0 : i32
        %cond3A_166 = arith.cmpi ne, %convert_element_type3A_164, %cond3A_165 : i32
        scf.if %cond3A_166 {
          %dma_wait3A_167 = arith.constant 0 : i32
          %dma_wait3A_168 = arith.constant 0 : i32
          %dma_wait3A_169 = arith.constant 0 : i32
          %dma_wait3A_170 = arith.constant 0 : i32
          %dma_wait3A_171 = tpu.memref_slice %arg4[%arg1, %dma_wait3A_168, %dma_wait3A_169, %dma_wait3A_170] : memref<16x160x2x125xi32, #tpu.memory_space<hbm>> -> memref<1x160x2x125xi32, #tpu.memory_space<hbm>>
          %dma_wait3A_172 = tpu.memref_squeeze %dma_wait3A_171 : memref<1x160x2x125xi32, #tpu.memory_space<hbm>> -> memref<160x2x125xi32, #tpu.memory_space<hbm>>
          %dma_wait3A_173 = arith.constant 0 : i32
          %dma_wait3A_174 = arith.constant 0 : i32
          %dma_wait3A_175 = tpu.memref_slice %dma_wait3A_172[%dma_wait3A_167, %dma_wait3A_173, %dma_wait3A_174] : memref<160x2x125xi32, #tpu.memory_space<hbm>> -> memref<1x2x125xi32, #tpu.memory_space<hbm>>
          %dma_wait3A_176 = tpu.memref_squeeze %dma_wait3A_175 : memref<1x2x125xi32, #tpu.memory_space<hbm>> -> memref<2x125xi32, #tpu.memory_space<hbm>>
          %dma_wait3A_177 = arith.constant 0 : i32
          %dma_wait3A_178 = arith.constant 0 : i32
          %dma_wait3A_179 = arith.constant 0 : i32
          %dma_wait3A_180 = tpu.memref_slice %arg4[%arg1, %dma_wait3A_177, %dma_wait3A_178, %dma_wait3A_179] : memref<16x160x2x125xi32, #tpu.memory_space<hbm>> -> memref<1x160x2x125xi32, #tpu.memory_space<hbm>>
          %dma_wait3A_181 = tpu.memref_squeeze %dma_wait3A_180 : memref<1x160x2x125xi32, #tpu.memory_space<hbm>> -> memref<160x2x125xi32, #tpu.memory_space<hbm>>
          %dma_wait3A_182 = arith.constant 0 : i32
          %dma_wait3A_183 = arith.constant 0 : i32
          %dma_wait3A_184 = tpu.memref_slice %dma_wait3A_181[%dma_wait3A_167, %dma_wait3A_182, %dma_wait3A_183] : memref<160x2x125xi32, #tpu.memory_space<hbm>> -> memref<1x2x125xi32, #tpu.memory_space<hbm>>
          %dma_wait3A_185 = tpu.memref_squeeze %dma_wait3A_184 : memref<1x2x125xi32, #tpu.memory_space<hbm>> -> memref<2x125xi32, #tpu.memory_space<hbm>>
          tpu.wait_dma2 semaphore(%arg13 : memref<!tpu.dma_semaphore, #tpu.memory_space<semaphore_mem>>) src(%dma_wait3A_185 : memref<2x125xi32, #tpu.memory_space<hbm>>) dst(%arg9 : memref<2x125xi32, #tpu.memory_space<vmem>>)
          %dma_start3A_186 = arith.constant 0 : i32
          %dma_start3A_187 = arith.constant 0 : i32
          %dma_start3A_188 = tpu.memref_slice %arg9[%dma_start3A_186, %dma_start3A_187] : memref<2x125xi32, #tpu.memory_space<vmem>> -> memref<1x125xi32, #tpu.memory_space<vmem>>
          %dma_start3A_189 = tpu.memref_squeeze %dma_start3A_188 : memref<1x125xi32, #tpu.memory_space<vmem>> -> memref<125xi32, #tpu.memory_space<vmem>>
          %dma_start3A_190 = arith.constant 0 : i32
          %dma_start3A_191 = arith.constant 0 : i32
          %dma_start3A_192 = tpu.memref_slice %arg3[%dma_start3A_190, %dma_start3A_191] : memref<10000x128xf32, #tpu.memory_space<hbm>> -> memref<10000x128xf32, #tpu.memory_space<hbm>>
          tpu.enqueue_indirect_dma source(%dma_start3A_192 : memref<10000x128xf32, #tpu.memory_space<hbm>>) target(%arg17 : memref<125x128xf32, #tpu.memory_space<vmem>>) offsets(%dma_start3A_189 : memref<125xi32, #tpu.memory_space<vmem>>) semaphore(%arg19 : memref<!tpu.dma_semaphore, #tpu.memory_space<semaphore_mem>>)
        } else {
        }
      }
      %scan3A_63 = arith.constant 40 : i32
      %barrier3A_64 = arith.constant 0 : index
      tpu.barrier barrier_id(%barrier3A_64)
      "tpu.region"() ({
        %run_scoped3A_65 = tpu.sem_alloc : memref<!tpu.dma_semaphore, #tpu.memory_space<semaphore_mem>>
        %dma_start3A_66 = arith.constant 0 : i32
        %dma_start3A_67 = tpu.memref_slice %arg7[%multiple_of3A, %dma_start3A_66] : memref<10240x128xf32, #tpu.memory_space<hbm>> -> memref<640x128xf32, #tpu.memory_space<hbm>>
        %dma_start3A_68 = arith.constant 0 : i32
        %dma_start3A_69 = tpu.memref_slice %arg20[%multiple_of3A, %dma_start3A_68] : memref<10240x128xf32, #tpu.memory_space<vmem_shared>> -> memref<640x128xf32, #tpu.memory_space<vmem_shared>>
        tpu.enqueue_dma source(%dma_start3A_69 : memref<640x128xf32, #tpu.memory_space<vmem_shared>>) target(%dma_start3A_67 : memref<640x128xf32, #tpu.memory_space<hbm>>) target_semaphore(%run_scoped3A_65 : memref<!tpu.dma_semaphore, #tpu.memory_space<semaphore_mem>>)
        %dma_wait3A = arith.constant 0 : i32
        %dma_wait3A_70 = tpu.memref_slice %arg7[%multiple_of3A, %dma_wait3A] : memref<10240x128xf32, #tpu.memory_space<hbm>> -> memref<640x128xf32, #tpu.memory_space<hbm>>
        %dma_wait3A_71 = arith.constant 0 : i32
        %dma_wait3A_72 = tpu.memref_slice %arg20[%multiple_of3A, %dma_wait3A_71] : memref<10240x128xf32, #tpu.memory_space<vmem_shared>> -> memref<640x128xf32, #tpu.memory_space<vmem_shared>>
        tpu.wait_dma2 semaphore(%run_scoped3A_65 : memref<!tpu.dma_semaphore, #tpu.memory_space<semaphore_mem>>) src(%dma_wait3A_72 : memref<640x128xf32, #tpu.memory_space<vmem_shared>>) dst(%dma_wait3A_70 : memref<640x128xf32, #tpu.memory_space<hbm>>)
        tpu.yield
      }) : () -> ()
    } else {
    }
    return
  }
}

#map = affine_map<(d0, d1) -> (0, 0)>
#map1 = affine_map<(d0, d1) -> (0, 0, 0, 0, 0)>
module attributes {stable_mosaic.version = 14 : i64} {
  func.func @agg0(%arg0: i32, %arg1: i32, %arg2: memref<10000x128xf32, #tpu.memory_space<hbm>>, %arg3: memref<2x16x80x2x125xi32, #tpu.memory_space<hbm>>, %arg4: memref<10240x128xf32, #tpu.memory_space<hbm>>, %arg5: memref<10240x128xf32, #tpu.memory_space<hbm>>, %arg6: memref<10240x128xf32, #tpu.memory_space<hbm>>, %arg7: memref<2x125xi32, #tpu.memory_space<vmem>>, %arg8: memref<2x125xi32, #tpu.memory_space<vmem>>, %arg9: memref<2x125xi32, #tpu.memory_space<vmem>>, %arg10: memref<2x125xi32, #tpu.memory_space<vmem>>, %arg11: memref<!tpu.dma_semaphore, #tpu.memory_space<semaphore_mem>>, %arg12: memref<!tpu.dma_semaphore, #tpu.memory_space<semaphore_mem>>, %arg13: memref<!tpu.dma_semaphore, #tpu.memory_space<semaphore_mem>>, %arg14: memref<!tpu.dma_semaphore, #tpu.memory_space<semaphore_mem>>, %arg15: memref<125x128xf32, #tpu.memory_space<vmem>>, %arg16: memref<125x128xf32, #tpu.memory_space<vmem>>, %arg17: memref<!tpu.dma_semaphore, #tpu.memory_space<semaphore_mem>>, %arg18: memref<!tpu.dma_semaphore, #tpu.memory_space<semaphore_mem>>, %arg19: memref<10240x128xf32, #tpu.memory_space<vmem_shared>>) attributes {dimension_semantics = [#tpu.dimension_semantics<core_parallel>, #tpu.dimension_semantics<subcore_parallel>], iteration_bounds = array<i64: 2, 16>, scalar_prefetch = 0 : i64, scratch_operands = 13 : i64, tpu.core_type = #tpu.core_type<sc_vector_subcore>, window_params = [{transform_indices = #map}, {transform_indices = #map1}, {transform_indices = #map}, {transform_indices = #map}, {transform_indices = #map}]} {
    %mul3A = arith.constant 640 : i32
    %mul3A_0 = arith.muli %arg1, %mul3A : i32
    %multiple_of3A = tpu.assume_multiple %mul3A_0, 640 : i32
    "tpu.region"() ({
      %run_scoped3A_65 = tpu.sem_alloc : memref<!tpu.dma_semaphore, #tpu.memory_space<semaphore_mem>>
      %dma_start3A_66 = arith.constant 0 : i32
      %dma_start3A_67 = tpu.memref_slice %arg19[%multiple_of3A, %dma_start3A_66] : memref<10240x128xf32, #tpu.memory_space<vmem_shared>> -> memref<640x128xf32, #tpu.memory_space<vmem_shared>>
      %dma_start3A_68 = arith.constant 0 : i32
      %dma_start3A_69 = tpu.memref_slice %arg4[%multiple_of3A, %dma_start3A_68] : memref<10240x128xf32, #tpu.memory_space<hbm>> -> memref<640x128xf32, #tpu.memory_space<hbm>>
      tpu.enqueue_dma source(%dma_start3A_69 : memref<640x128xf32, #tpu.memory_space<hbm>>) target(%dma_start3A_67 : memref<640x128xf32, #tpu.memory_space<vmem_shared>>) target_semaphore(%run_scoped3A_65 : memref<!tpu.dma_semaphore, #tpu.memory_space<semaphore_mem>>)
      %dma_wait3A = arith.constant 0 : i32
      %dma_wait3A_70 = tpu.memref_slice %arg19[%multiple_of3A, %dma_wait3A] : memref<10240x128xf32, #tpu.memory_space<vmem_shared>> -> memref<640x128xf32, #tpu.memory_space<vmem_shared>>
      %dma_wait3A_71 = arith.constant 0 : i32
      %dma_wait3A_72 = tpu.memref_slice %arg4[%multiple_of3A, %dma_wait3A_71] : memref<10240x128xf32, #tpu.memory_space<hbm>> -> memref<640x128xf32, #tpu.memory_space<hbm>>
      tpu.wait_dma2 semaphore(%run_scoped3A_65 : memref<!tpu.dma_semaphore, #tpu.memory_space<semaphore_mem>>) src(%dma_wait3A_72 : memref<640x128xf32, #tpu.memory_space<hbm>>) dst(%dma_wait3A_70 : memref<640x128xf32, #tpu.memory_space<vmem_shared>>)
      tpu.yield
    }) : () -> ()
    %barrier3A = arith.constant 0 : index
    tpu.barrier barrier_id(%barrier3A)
    %run_scoped3A = arith.constant 0 : i32
    "tpu.region"() ({
      %run_scoped3A_65 = tpu.sem_alloc : memref<!tpu.dma_semaphore, #tpu.memory_space<semaphore_mem>>
      %dma_start3A_66 = arith.constant 0 : i32
      %dma_start3A_67 = arith.constant 0 : i32
      %dma_start3A_68 = arith.constant 0 : i32
      %dma_start3A_69 = tpu.memref_slice %arg3[%arg0, %arg1, %dma_start3A_66, %dma_start3A_67, %dma_start3A_68] : memref<2x16x80x2x125xi32, #tpu.memory_space<hbm>> -> memref<1x1x80x2x125xi32, #tpu.memory_space<hbm>>
      %dma_start3A_70 = tpu.memref_squeeze %dma_start3A_69 : memref<1x1x80x2x125xi32, #tpu.memory_space<hbm>> -> memref<80x2x125xi32, #tpu.memory_space<hbm>>
      %dma_start3A_71 = arith.constant 0 : i32
      %dma_start3A_72 = arith.constant 0 : i32
      %dma_start3A_73 = tpu.memref_slice %dma_start3A_70[%run_scoped3A, %dma_start3A_71, %dma_start3A_72] : memref<80x2x125xi32, #tpu.memory_space<hbm>> -> memref<1x2x125xi32, #tpu.memory_space<hbm>>
      %dma_start3A_74 = tpu.memref_squeeze %dma_start3A_73 : memref<1x2x125xi32, #tpu.memory_space<hbm>> -> memref<2x125xi32, #tpu.memory_space<hbm>>
      %dma_start3A_75 = arith.constant 0 : i32
      %dma_start3A_76 = arith.constant 0 : i32
      %dma_start3A_77 = arith.constant 0 : i32
      %dma_start3A_78 = tpu.memref_slice %arg3[%arg0, %arg1, %dma_start3A_75, %dma_start3A_76, %dma_start3A_77] : memref<2x16x80x2x125xi32, #tpu.memory_space<hbm>> -> memref<1x1x80x2x125xi32, #tpu.memory_space<hbm>>
      %dma_start3A_79 = tpu.memref_squeeze %dma_start3A_78 : memref<1x1x80x2x125xi32, #tpu.memory_space<hbm>> -> memref<80x2x125xi32, #tpu.memory_space<hbm>>
      %dma_start3A_80 = arith.constant 0 : i32
      %dma_start3A_81 = arith.constant 0 : i32
      %dma_start3A_82 = tpu.memref_slice %dma_start3A_79[%run_scoped3A, %dma_start3A_80, %dma_start3A_81] : memref<80x2x125xi32, #tpu.memory_space<hbm>> -> memref<1x2x125xi32, #tpu.memory_space<hbm>>
      %dma_start3A_83 = tpu.memref_squeeze %dma_start3A_82 : memref<1x2x125xi32, #tpu.memory_space<hbm>> -> memref<2x125xi32, #tpu.memory_space<hbm>>
      tpu.enqueue_dma source(%dma_start3A_83 : memref<2x125xi32, #tpu.memory_space<hbm>>) target(%arg7 : memref<2x125xi32, #tpu.memory_space<vmem>>) target_semaphore(%run_scoped3A_65 : memref<!tpu.dma_semaphore, #tpu.memory_space<semaphore_mem>>)
      %dma_wait3A = arith.constant 0 : i32
      %dma_wait3A_84 = arith.constant 0 : i32
      %dma_wait3A_85 = arith.constant 0 : i32
      %dma_wait3A_86 = tpu.memref_slice %arg3[%arg0, %arg1, %dma_wait3A, %dma_wait3A_84, %dma_wait3A_85] : memref<2x16x80x2x125xi32, #tpu.memory_space<hbm>> -> memref<1x1x80x2x125xi32, #tpu.memory_space<hbm>>
      %dma_wait3A_87 = tpu.memref_squeeze %dma_wait3A_86 : memref<1x1x80x2x125xi32, #tpu.memory_space<hbm>> -> memref<80x2x125xi32, #tpu.memory_space<hbm>>
      %dma_wait3A_88 = arith.constant 0 : i32
      %dma_wait3A_89 = arith.constant 0 : i32
      %dma_wait3A_90 = tpu.memref_slice %dma_wait3A_87[%run_scoped3A, %dma_wait3A_88, %dma_wait3A_89] : memref<80x2x125xi32, #tpu.memory_space<hbm>> -> memref<1x2x125xi32, #tpu.memory_space<hbm>>
      %dma_wait3A_91 = tpu.memref_squeeze %dma_wait3A_90 : memref<1x2x125xi32, #tpu.memory_space<hbm>> -> memref<2x125xi32, #tpu.memory_space<hbm>>
      %dma_wait3A_92 = arith.constant 0 : i32
      %dma_wait3A_93 = arith.constant 0 : i32
      %dma_wait3A_94 = arith.constant 0 : i32
      %dma_wait3A_95 = tpu.memref_slice %arg3[%arg0, %arg1, %dma_wait3A_92, %dma_wait3A_93, %dma_wait3A_94] : memref<2x16x80x2x125xi32, #tpu.memory_space<hbm>> -> memref<1x1x80x2x125xi32, #tpu.memory_space<hbm>>
      %dma_wait3A_96 = tpu.memref_squeeze %dma_wait3A_95 : memref<1x1x80x2x125xi32, #tpu.memory_space<hbm>> -> memref<80x2x125xi32, #tpu.memory_space<hbm>>
      %dma_wait3A_97 = arith.constant 0 : i32
      %dma_wait3A_98 = arith.constant 0 : i32
      %dma_wait3A_99 = tpu.memref_slice %dma_wait3A_96[%run_scoped3A, %dma_wait3A_97, %dma_wait3A_98] : memref<80x2x125xi32, #tpu.memory_space<hbm>> -> memref<1x2x125xi32, #tpu.memory_space<hbm>>
      %dma_wait3A_100 = tpu.memref_squeeze %dma_wait3A_99 : memref<1x2x125xi32, #tpu.memory_space<hbm>> -> memref<2x125xi32, #tpu.memory_space<hbm>>
      tpu.wait_dma2 semaphore(%run_scoped3A_65 : memref<!tpu.dma_semaphore, #tpu.memory_space<semaphore_mem>>) src(%dma_wait3A_100 : memref<2x125xi32, #tpu.memory_space<hbm>>) dst(%arg7 : memref<2x125xi32, #tpu.memory_space<vmem>>)
      tpu.yield
    }) : () -> ()
    %run_scoped3A_1 = arith.constant 1 : i32
    "tpu.region"() ({
      %run_scoped3A_65 = tpu.sem_alloc : memref<!tpu.dma_semaphore, #tpu.memory_space<semaphore_mem>>
      %dma_start3A_66 = arith.constant 0 : i32
      %dma_start3A_67 = arith.constant 0 : i32
      %dma_start3A_68 = arith.constant 0 : i32
      %dma_start3A_69 = tpu.memref_slice %arg3[%arg0, %arg1, %dma_start3A_66, %dma_start3A_67, %dma_start3A_68] : memref<2x16x80x2x125xi32, #tpu.memory_space<hbm>> -> memref<1x1x80x2x125xi32, #tpu.memory_space<hbm>>
      %dma_start3A_70 = tpu.memref_squeeze %dma_start3A_69 : memref<1x1x80x2x125xi32, #tpu.memory_space<hbm>> -> memref<80x2x125xi32, #tpu.memory_space<hbm>>
      %dma_start3A_71 = arith.constant 0 : i32
      %dma_start3A_72 = arith.constant 0 : i32
      %dma_start3A_73 = tpu.memref_slice %dma_start3A_70[%run_scoped3A_1, %dma_start3A_71, %dma_start3A_72] : memref<80x2x125xi32, #tpu.memory_space<hbm>> -> memref<1x2x125xi32, #tpu.memory_space<hbm>>
      %dma_start3A_74 = tpu.memref_squeeze %dma_start3A_73 : memref<1x2x125xi32, #tpu.memory_space<hbm>> -> memref<2x125xi32, #tpu.memory_space<hbm>>
      %dma_start3A_75 = arith.constant 0 : i32
      %dma_start3A_76 = arith.constant 0 : i32
      %dma_start3A_77 = arith.constant 0 : i32
      %dma_start3A_78 = tpu.memref_slice %arg3[%arg0, %arg1, %dma_start3A_75, %dma_start3A_76, %dma_start3A_77] : memref<2x16x80x2x125xi32, #tpu.memory_space<hbm>> -> memref<1x1x80x2x125xi32, #tpu.memory_space<hbm>>
      %dma_start3A_79 = tpu.memref_squeeze %dma_start3A_78 : memref<1x1x80x2x125xi32, #tpu.memory_space<hbm>> -> memref<80x2x125xi32, #tpu.memory_space<hbm>>
      %dma_start3A_80 = arith.constant 0 : i32
      %dma_start3A_81 = arith.constant 0 : i32
      %dma_start3A_82 = tpu.memref_slice %dma_start3A_79[%run_scoped3A_1, %dma_start3A_80, %dma_start3A_81] : memref<80x2x125xi32, #tpu.memory_space<hbm>> -> memref<1x2x125xi32, #tpu.memory_space<hbm>>
      %dma_start3A_83 = tpu.memref_squeeze %dma_start3A_82 : memref<1x2x125xi32, #tpu.memory_space<hbm>> -> memref<2x125xi32, #tpu.memory_space<hbm>>
      tpu.enqueue_dma source(%dma_start3A_83 : memref<2x125xi32, #tpu.memory_space<hbm>>) target(%arg8 : memref<2x125xi32, #tpu.memory_space<vmem>>) target_semaphore(%run_scoped3A_65 : memref<!tpu.dma_semaphore, #tpu.memory_space<semaphore_mem>>)
      %dma_wait3A = arith.constant 0 : i32
      %dma_wait3A_84 = arith.constant 0 : i32
      %dma_wait3A_85 = arith.constant 0 : i32
      %dma_wait3A_86 = tpu.memref_slice %arg3[%arg0, %arg1, %dma_wait3A, %dma_wait3A_84, %dma_wait3A_85] : memref<2x16x80x2x125xi32, #tpu.memory_space<hbm>> -> memref<1x1x80x2x125xi32, #tpu.memory_space<hbm>>
      %dma_wait3A_87 = tpu.memref_squeeze %dma_wait3A_86 : memref<1x1x80x2x125xi32, #tpu.memory_space<hbm>> -> memref<80x2x125xi32, #tpu.memory_space<hbm>>
      %dma_wait3A_88 = arith.constant 0 : i32
      %dma_wait3A_89 = arith.constant 0 : i32
      %dma_wait3A_90 = tpu.memref_slice %dma_wait3A_87[%run_scoped3A_1, %dma_wait3A_88, %dma_wait3A_89] : memref<80x2x125xi32, #tpu.memory_space<hbm>> -> memref<1x2x125xi32, #tpu.memory_space<hbm>>
      %dma_wait3A_91 = tpu.memref_squeeze %dma_wait3A_90 : memref<1x2x125xi32, #tpu.memory_space<hbm>> -> memref<2x125xi32, #tpu.memory_space<hbm>>
      %dma_wait3A_92 = arith.constant 0 : i32
      %dma_wait3A_93 = arith.constant 0 : i32
      %dma_wait3A_94 = arith.constant 0 : i32
      %dma_wait3A_95 = tpu.memref_slice %arg3[%arg0, %arg1, %dma_wait3A_92, %dma_wait3A_93, %dma_wait3A_94] : memref<2x16x80x2x125xi32, #tpu.memory_space<hbm>> -> memref<1x1x80x2x125xi32, #tpu.memory_space<hbm>>
      %dma_wait3A_96 = tpu.memref_squeeze %dma_wait3A_95 : memref<1x1x80x2x125xi32, #tpu.memory_space<hbm>> -> memref<80x2x125xi32, #tpu.memory_space<hbm>>
      %dma_wait3A_97 = arith.constant 0 : i32
      %dma_wait3A_98 = arith.constant 0 : i32
      %dma_wait3A_99 = tpu.memref_slice %dma_wait3A_96[%run_scoped3A_1, %dma_wait3A_97, %dma_wait3A_98] : memref<80x2x125xi32, #tpu.memory_space<hbm>> -> memref<1x2x125xi32, #tpu.memory_space<hbm>>
      %dma_wait3A_100 = tpu.memref_squeeze %dma_wait3A_99 : memref<1x2x125xi32, #tpu.memory_space<hbm>> -> memref<2x125xi32, #tpu.memory_space<hbm>>
      tpu.wait_dma2 semaphore(%run_scoped3A_65 : memref<!tpu.dma_semaphore, #tpu.memory_space<semaphore_mem>>) src(%dma_wait3A_100 : memref<2x125xi32, #tpu.memory_space<hbm>>) dst(%arg8 : memref<2x125xi32, #tpu.memory_space<vmem>>)
      tpu.yield
    }) : () -> ()
    %dma_start3A = arith.constant 2 : i32
    %dma_start3A_2 = arith.constant 0 : i32
    %dma_start3A_3 = arith.constant 0 : i32
    %dma_start3A_4 = arith.constant 0 : i32
    %dma_start3A_5 = tpu.memref_slice %arg3[%arg0, %arg1, %dma_start3A_2, %dma_start3A_3, %dma_start3A_4] : memref<2x16x80x2x125xi32, #tpu.memory_space<hbm>> -> memref<1x1x80x2x125xi32, #tpu.memory_space<hbm>>
    %dma_start3A_6 = tpu.memref_squeeze %dma_start3A_5 : memref<1x1x80x2x125xi32, #tpu.memory_space<hbm>> -> memref<80x2x125xi32, #tpu.memory_space<hbm>>
    %dma_start3A_7 = arith.constant 0 : i32
    %dma_start3A_8 = arith.constant 0 : i32
    %dma_start3A_9 = tpu.memref_slice %dma_start3A_6[%dma_start3A, %dma_start3A_7, %dma_start3A_8] : memref<80x2x125xi32, #tpu.memory_space<hbm>> -> memref<1x2x125xi32, #tpu.memory_space<hbm>>
    %dma_start3A_10 = tpu.memref_squeeze %dma_start3A_9 : memref<1x2x125xi32, #tpu.memory_space<hbm>> -> memref<2x125xi32, #tpu.memory_space<hbm>>
    %dma_start3A_11 = arith.constant 0 : i32
    %dma_start3A_12 = arith.constant 0 : i32
    %dma_start3A_13 = arith.constant 0 : i32
    %dma_start3A_14 = tpu.memref_slice %arg3[%arg0, %arg1, %dma_start3A_11, %dma_start3A_12, %dma_start3A_13] : memref<2x16x80x2x125xi32, #tpu.memory_space<hbm>> -> memref<1x1x80x2x125xi32, #tpu.memory_space<hbm>>
    %dma_start3A_15 = tpu.memref_squeeze %dma_start3A_14 : memref<1x1x80x2x125xi32, #tpu.memory_space<hbm>> -> memref<80x2x125xi32, #tpu.memory_space<hbm>>
    %dma_start3A_16 = arith.constant 0 : i32
    %dma_start3A_17 = arith.constant 0 : i32
    %dma_start3A_18 = tpu.memref_slice %dma_start3A_15[%dma_start3A, %dma_start3A_16, %dma_start3A_17] : memref<80x2x125xi32, #tpu.memory_space<hbm>> -> memref<1x2x125xi32, #tpu.memory_space<hbm>>
    %dma_start3A_19 = tpu.memref_squeeze %dma_start3A_18 : memref<1x2x125xi32, #tpu.memory_space<hbm>> -> memref<2x125xi32, #tpu.memory_space<hbm>>
    tpu.enqueue_dma source(%dma_start3A_19 : memref<2x125xi32, #tpu.memory_space<hbm>>) target(%arg9 : memref<2x125xi32, #tpu.memory_space<vmem>>) target_semaphore(%arg13 : memref<!tpu.dma_semaphore, #tpu.memory_space<semaphore_mem>>)
    %dma_start3A_20 = arith.constant 3 : i32
    %dma_start3A_21 = arith.constant 0 : i32
    %dma_start3A_22 = arith.constant 0 : i32
    %dma_start3A_23 = arith.constant 0 : i32
    %dma_start3A_24 = tpu.memref_slice %arg3[%arg0, %arg1, %dma_start3A_21, %dma_start3A_22, %dma_start3A_23] : memref<2x16x80x2x125xi32, #tpu.memory_space<hbm>> -> memref<1x1x80x2x125xi32, #tpu.memory_space<hbm>>
    %dma_start3A_25 = tpu.memref_squeeze %dma_start3A_24 : memref<1x1x80x2x125xi32, #tpu.memory_space<hbm>> -> memref<80x2x125xi32, #tpu.memory_space<hbm>>
    %dma_start3A_26 = arith.constant 0 : i32
    %dma_start3A_27 = arith.constant 0 : i32
    %dma_start3A_28 = tpu.memref_slice %dma_start3A_25[%dma_start3A_20, %dma_start3A_26, %dma_start3A_27] : memref<80x2x125xi32, #tpu.memory_space<hbm>> -> memref<1x2x125xi32, #tpu.memory_space<hbm>>
    %dma_start3A_29 = tpu.memref_squeeze %dma_start3A_28 : memref<1x2x125xi32, #tpu.memory_space<hbm>> -> memref<2x125xi32, #tpu.memory_space<hbm>>
    %dma_start3A_30 = arith.constant 0 : i32
    %dma_start3A_31 = arith.constant 0 : i32
    %dma_start3A_32 = arith.constant 0 : i32
    %dma_start3A_33 = tpu.memref_slice %arg3[%arg0, %arg1, %dma_start3A_30, %dma_start3A_31, %dma_start3A_32] : memref<2x16x80x2x125xi32, #tpu.memory_space<hbm>> -> memref<1x1x80x2x125xi32, #tpu.memory_space<hbm>>
    %dma_start3A_34 = tpu.memref_squeeze %dma_start3A_33 : memref<1x1x80x2x125xi32, #tpu.memory_space<hbm>> -> memref<80x2x125xi32, #tpu.memory_space<hbm>>
    %dma_start3A_35 = arith.constant 0 : i32
    %dma_start3A_36 = arith.constant 0 : i32
    %dma_start3A_37 = tpu.memref_slice %dma_start3A_34[%dma_start3A_20, %dma_start3A_35, %dma_start3A_36] : memref<80x2x125xi32, #tpu.memory_space<hbm>> -> memref<1x2x125xi32, #tpu.memory_space<hbm>>
    %dma_start3A_38 = tpu.memref_squeeze %dma_start3A_37 : memref<1x2x125xi32, #tpu.memory_space<hbm>> -> memref<2x125xi32, #tpu.memory_space<hbm>>
    tpu.enqueue_dma source(%dma_start3A_38 : memref<2x125xi32, #tpu.memory_space<hbm>>) target(%arg10 : memref<2x125xi32, #tpu.memory_space<vmem>>) target_semaphore(%arg14 : memref<!tpu.dma_semaphore, #tpu.memory_space<semaphore_mem>>)
    %dma_start3A_39 = arith.constant 0 : i32
    %dma_start3A_40 = arith.constant 0 : i32
    %dma_start3A_41 = tpu.memref_slice %arg7[%dma_start3A_39, %dma_start3A_40] : memref<2x125xi32, #tpu.memory_space<vmem>> -> memref<1x125xi32, #tpu.memory_space<vmem>>
    %dma_start3A_42 = tpu.memref_squeeze %dma_start3A_41 : memref<1x125xi32, #tpu.memory_space<vmem>> -> memref<125xi32, #tpu.memory_space<vmem>>
    %dma_start3A_43 = arith.constant 0 : i32
    %dma_start3A_44 = arith.constant 0 : i32
    %dma_start3A_45 = tpu.memref_slice %arg2[%dma_start3A_43, %dma_start3A_44] : memref<10000x128xf32, #tpu.memory_space<hbm>> -> memref<10000x128xf32, #tpu.memory_space<hbm>>
    tpu.enqueue_indirect_dma source(%dma_start3A_45 : memref<10000x128xf32, #tpu.memory_space<hbm>>) target(%arg15 : memref<125x128xf32, #tpu.memory_space<vmem>>) offsets(%dma_start3A_42 : memref<125xi32, #tpu.memory_space<vmem>>) semaphore(%arg17 : memref<!tpu.dma_semaphore, #tpu.memory_space<semaphore_mem>>)
    %dma_start3A_46 = arith.constant 0 : i32
    %dma_start3A_47 = arith.constant 0 : i32
    %dma_start3A_48 = tpu.memref_slice %arg8[%dma_start3A_46, %dma_start3A_47] : memref<2x125xi32, #tpu.memory_space<vmem>> -> memref<1x125xi32, #tpu.memory_space<vmem>>
    %dma_start3A_49 = tpu.memref_squeeze %dma_start3A_48 : memref<1x125xi32, #tpu.memory_space<vmem>> -> memref<125xi32, #tpu.memory_space<vmem>>
    %dma_start3A_50 = arith.constant 0 : i32
    %dma_start3A_51 = arith.constant 0 : i32
    %dma_start3A_52 = tpu.memref_slice %arg2[%dma_start3A_50, %dma_start3A_51] : memref<10000x128xf32, #tpu.memory_space<hbm>> -> memref<10000x128xf32, #tpu.memory_space<hbm>>
    tpu.enqueue_indirect_dma source(%dma_start3A_52 : memref<10000x128xf32, #tpu.memory_space<hbm>>) target(%arg16 : memref<125x128xf32, #tpu.memory_space<vmem>>) offsets(%dma_start3A_49 : memref<125xi32, #tpu.memory_space<vmem>>) semaphore(%arg18 : memref<!tpu.dma_semaphore, #tpu.memory_space<semaphore_mem>>)
    %scan3A = arith.constant 0 : i32
    %scan3A_53 = arith.constant 20 : i32
    %scan3A_54 = arith.addi %scan3A, %scan3A_53 : i32
    %scan3A_55 = arith.constant 1 : i32
    scf.for %scan3A_65 = %scan3A to %scan3A_54 step %scan3A_55  : i32 {
      %mul3A_66 = arith.constant 4 : i32
      %mul3A_67 = arith.muli %mul3A_66, %scan3A_65 : i32
      %add3A = arith.constant 0 : i32
      %add3A_68 = arith.addi %mul3A_67, %add3A : i32
      %dma_wait3A = arith.constant 0 : i32
      %dma_wait3A_69 = arith.constant 0 : i32
      %dma_wait3A_70 = tpu.memref_slice %arg7[%dma_wait3A, %dma_wait3A_69] : memref<2x125xi32, #tpu.memory_space<vmem>> -> memref<1x125xi32, #tpu.memory_space<vmem>>
      %dma_wait3A_71 = tpu.memref_squeeze %dma_wait3A_70 : memref<1x125xi32, #tpu.memory_space<vmem>> -> memref<125xi32, #tpu.memory_space<vmem>>
      %dma_wait3A_72 = arith.constant 0 : i32
      %dma_wait3A_73 = arith.constant 0 : i32
      %dma_wait3A_74 = tpu.memref_slice %arg2[%dma_wait3A_72, %dma_wait3A_73] : memref<10000x128xf32, #tpu.memory_space<hbm>> -> memref<10000x128xf32, #tpu.memory_space<hbm>>
      tpu.wait_indirect_dma semaphore(%arg17 : memref<!tpu.dma_semaphore, #tpu.memory_space<semaphore_mem>>) src(%dma_wait3A_74 : memref<10000x128xf32, #tpu.memory_space<hbm>>) dst(%arg15 : memref<125x128xf32, #tpu.memory_space<vmem>>)
      %run_scoped3A_75 = arith.constant 1 : i32
      "tpu.region"() ({
        %run_scoped3A_167 = tpu.sem_alloc : memref<!tpu.dma_semaphore, #tpu.memory_space<semaphore_mem>>
        %dma_start3A_168 = arith.constant 0 : i32
        %dma_start3A_169 = tpu.memref_slice %arg7[%run_scoped3A_75, %dma_start3A_168] : memref<2x125xi32, #tpu.memory_space<vmem>> -> memref<1x125xi32, #tpu.memory_space<vmem>>
        %dma_start3A_170 = tpu.memref_squeeze %dma_start3A_169 : memref<1x125xi32, #tpu.memory_space<vmem>> -> memref<125xi32, #tpu.memory_space<vmem>>
        %dma_start3A_171 = arith.constant 0 : i32
        %dma_start3A_172 = arith.constant 0 : i32
        %dma_start3A_173 = tpu.memref_slice %arg19[%dma_start3A_171, %dma_start3A_172] : memref<10240x128xf32, #tpu.memory_space<vmem_shared>> -> memref<10240x128xf32, #tpu.memory_space<vmem_shared>>
        tpu.enqueue_indirect_dma source(%arg15 : memref<125x128xf32, #tpu.memory_space<vmem>>) target(%dma_start3A_173 : memref<10240x128xf32, #tpu.memory_space<vmem_shared>>) offsets(%dma_start3A_170 : memref<125xi32, #tpu.memory_space<vmem>>) semaphore(%run_scoped3A_167 : memref<!tpu.dma_semaphore, #tpu.memory_space<semaphore_mem>>) {add = true}
        %dma_wait3A_174 = arith.constant 0 : i32
        %dma_wait3A_175 = tpu.memref_slice %arg7[%run_scoped3A_75, %dma_wait3A_174] : memref<2x125xi32, #tpu.memory_space<vmem>> -> memref<1x125xi32, #tpu.memory_space<vmem>>
        %dma_wait3A_176 = tpu.memref_squeeze %dma_wait3A_175 : memref<1x125xi32, #tpu.memory_space<vmem>> -> memref<125xi32, #tpu.memory_space<vmem>>
        %dma_wait3A_177 = arith.constant 0 : i32
        %dma_wait3A_178 = arith.constant 0 : i32
        %dma_wait3A_179 = tpu.memref_slice %arg19[%dma_wait3A_177, %dma_wait3A_178] : memref<10240x128xf32, #tpu.memory_space<vmem_shared>> -> memref<10240x128xf32, #tpu.memory_space<vmem_shared>>
        tpu.wait_indirect_dma semaphore(%run_scoped3A_167 : memref<!tpu.dma_semaphore, #tpu.memory_space<semaphore_mem>>) src(%arg15 : memref<125x128xf32, #tpu.memory_space<vmem>>) dst(%dma_wait3A_179 : memref<10240x128xf32, #tpu.memory_space<vmem_shared>>)
        tpu.yield
      }) : () -> ()
      %add3A_76 = arith.constant 4 : i32
      %add3A_77 = arith.addi %add3A_68, %add3A_76 : i32
      %lt3A = arith.constant 80 : i32
      %lt3A_78 = arith.cmpi slt, %add3A_77, %lt3A : i32
      %convert_element_type3A_79 = arith.extui %lt3A_78 : i1 to i32
      %cond3A_80 = arith.constant 0 : i32
      %cond3A_81 = arith.cmpi ne, %convert_element_type3A_79, %cond3A_80 : i32
      scf.if %cond3A_81 {
        %add3A_167 = arith.constant 4 : i32
        %add3A_168 = arith.addi %add3A_68, %add3A_167 : i32
        %dma_start3A_169 = arith.constant 0 : i32
        %dma_start3A_170 = arith.constant 0 : i32
        %dma_start3A_171 = arith.constant 0 : i32
        %dma_start3A_172 = tpu.memref_slice %arg3[%arg0, %arg1, %dma_start3A_169, %dma_start3A_170, %dma_start3A_171] : memref<2x16x80x2x125xi32, #tpu.memory_space<hbm>> -> memref<1x1x80x2x125xi32, #tpu.memory_space<hbm>>
        %dma_start3A_173 = tpu.memref_squeeze %dma_start3A_172 : memref<1x1x80x2x125xi32, #tpu.memory_space<hbm>> -> memref<80x2x125xi32, #tpu.memory_space<hbm>>
        %dma_start3A_174 = arith.constant 0 : i32
        %dma_start3A_175 = arith.constant 0 : i32
        %dma_start3A_176 = tpu.memref_slice %dma_start3A_173[%add3A_168, %dma_start3A_174, %dma_start3A_175] : memref<80x2x125xi32, #tpu.memory_space<hbm>> -> memref<1x2x125xi32, #tpu.memory_space<hbm>>
        %dma_start3A_177 = tpu.memref_squeeze %dma_start3A_176 : memref<1x2x125xi32, #tpu.memory_space<hbm>> -> memref<2x125xi32, #tpu.memory_space<hbm>>
        %dma_start3A_178 = arith.constant 0 : i32
        %dma_start3A_179 = arith.constant 0 : i32
        %dma_start3A_180 = arith.constant 0 : i32
        %dma_start3A_181 = tpu.memref_slice %arg3[%arg0, %arg1, %dma_start3A_178, %dma_start3A_179, %dma_start3A_180] : memref<2x16x80x2x125xi32, #tpu.memory_space<hbm>> -> memref<1x1x80x2x125xi32, #tpu.memory_space<hbm>>
        %dma_start3A_182 = tpu.memref_squeeze %dma_start3A_181 : memref<1x1x80x2x125xi32, #tpu.memory_space<hbm>> -> memref<80x2x125xi32, #tpu.memory_space<hbm>>
        %dma_start3A_183 = arith.constant 0 : i32
        %dma_start3A_184 = arith.constant 0 : i32
        %dma_start3A_185 = tpu.memref_slice %dma_start3A_182[%add3A_168, %dma_start3A_183, %dma_start3A_184] : memref<80x2x125xi32, #tpu.memory_space<hbm>> -> memref<1x2x125xi32, #tpu.memory_space<hbm>>
        %dma_start3A_186 = tpu.memref_squeeze %dma_start3A_185 : memref<1x2x125xi32, #tpu.memory_space<hbm>> -> memref<2x125xi32, #tpu.memory_space<hbm>>
        tpu.enqueue_dma source(%dma_start3A_186 : memref<2x125xi32, #tpu.memory_space<hbm>>) target(%arg7 : memref<2x125xi32, #tpu.memory_space<vmem>>) target_semaphore(%arg11 : memref<!tpu.dma_semaphore, #tpu.memory_space<semaphore_mem>>)
      } else {
      }
      %add3A_82 = arith.constant 2 : i32
      %add3A_83 = arith.addi %add3A_68, %add3A_82 : i32
      %lt3A_84 = arith.constant 80 : i32
      %lt3A_85 = arith.cmpi slt, %add3A_83, %lt3A_84 : i32
      %convert_element_type3A_86 = arith.extui %lt3A_85 : i1 to i32
      %cond3A_87 = arith.constant 0 : i32
      %cond3A_88 = arith.cmpi ne, %convert_element_type3A_86, %cond3A_87 : i32
      scf.if %cond3A_88 {
        %dma_wait3A_167 = arith.constant 0 : i32
        %dma_wait3A_168 = arith.constant 0 : i32
        %dma_wait3A_169 = arith.constant 0 : i32
        %dma_wait3A_170 = arith.constant 0 : i32
        %dma_wait3A_171 = tpu.memref_slice %arg3[%arg0, %arg1, %dma_wait3A_168, %dma_wait3A_169, %dma_wait3A_170] : memref<2x16x80x2x125xi32, #tpu.memory_space<hbm>> -> memref<1x1x80x2x125xi32, #tpu.memory_space<hbm>>
        %dma_wait3A_172 = tpu.memref_squeeze %dma_wait3A_171 : memref<1x1x80x2x125xi32, #tpu.memory_space<hbm>> -> memref<80x2x125xi32, #tpu.memory_space<hbm>>
        %dma_wait3A_173 = arith.constant 0 : i32
        %dma_wait3A_174 = arith.constant 0 : i32
        %dma_wait3A_175 = tpu.memref_slice %dma_wait3A_172[%dma_wait3A_167, %dma_wait3A_173, %dma_wait3A_174] : memref<80x2x125xi32, #tpu.memory_space<hbm>> -> memref<1x2x125xi32, #tpu.memory_space<hbm>>
        %dma_wait3A_176 = tpu.memref_squeeze %dma_wait3A_175 : memref<1x2x125xi32, #tpu.memory_space<hbm>> -> memref<2x125xi32, #tpu.memory_space<hbm>>
        %dma_wait3A_177 = arith.constant 0 : i32
        %dma_wait3A_178 = arith.constant 0 : i32
        %dma_wait3A_179 = arith.constant 0 : i32
        %dma_wait3A_180 = tpu.memref_slice %arg3[%arg0, %arg1, %dma_wait3A_177, %dma_wait3A_178, %dma_wait3A_179] : memref<2x16x80x2x125xi32, #tpu.memory_space<hbm>> -> memref<1x1x80x2x125xi32, #tpu.memory_space<hbm>>
        %dma_wait3A_181 = tpu.memref_squeeze %dma_wait3A_180 : memref<1x1x80x2x125xi32, #tpu.memory_space<hbm>> -> memref<80x2x125xi32, #tpu.memory_space<hbm>>
        %dma_wait3A_182 = arith.constant 0 : i32
        %dma_wait3A_183 = arith.constant 0 : i32
        %dma_wait3A_184 = tpu.memref_slice %dma_wait3A_181[%dma_wait3A_167, %dma_wait3A_182, %dma_wait3A_183] : memref<80x2x125xi32, #tpu.memory_space<hbm>> -> memref<1x2x125xi32, #tpu.memory_space<hbm>>
        %dma_wait3A_185 = tpu.memref_squeeze %dma_wait3A_184 : memref<1x2x125xi32, #tpu.memory_space<hbm>> -> memref<2x125xi32, #tpu.memory_space<hbm>>
        tpu.wait_dma2 semaphore(%arg13 : memref<!tpu.dma_semaphore, #tpu.memory_space<semaphore_mem>>) src(%dma_wait3A_185 : memref<2x125xi32, #tpu.memory_space<hbm>>) dst(%arg9 : memref<2x125xi32, #tpu.memory_space<vmem>>)
        %dma_start3A_186 = arith.constant 0 : i32
        %dma_start3A_187 = arith.constant 0 : i32
        %dma_start3A_188 = tpu.memref_slice %arg9[%dma_start3A_186, %dma_start3A_187] : memref<2x125xi32, #tpu.memory_space<vmem>> -> memref<1x125xi32, #tpu.memory_space<vmem>>
        %dma_start3A_189 = tpu.memref_squeeze %dma_start3A_188 : memref<1x125xi32, #tpu.memory_space<vmem>> -> memref<125xi32, #tpu.memory_space<vmem>>
        %dma_start3A_190 = arith.constant 0 : i32
        %dma_start3A_191 = arith.constant 0 : i32
        %dma_start3A_192 = tpu.memref_slice %arg2[%dma_start3A_190, %dma_start3A_191] : memref<10000x128xf32, #tpu.memory_space<hbm>> -> memref<10000x128xf32, #tpu.memory_space<hbm>>
        tpu.enqueue_indirect_dma source(%dma_start3A_192 : memref<10000x128xf32, #tpu.memory_space<hbm>>) target(%arg15 : memref<125x128xf32, #tpu.memory_space<vmem>>) offsets(%dma_start3A_189 : memref<125xi32, #tpu.memory_space<vmem>>) semaphore(%arg17 : memref<!tpu.dma_semaphore, #tpu.memory_space<semaphore_mem>>)
      } else {
      }
      %mul3A_89 = arith.constant 4 : i32
      %mul3A_90 = arith.muli %mul3A_89, %scan3A_65 : i32
      %add3A_91 = arith.constant 1 : i32
      %add3A_92 = arith.addi %mul3A_90, %add3A_91 : i32
      %dma_wait3A_93 = arith.constant 0 : i32
      %dma_wait3A_94 = arith.constant 0 : i32
      %dma_wait3A_95 = tpu.memref_slice %arg8[%dma_wait3A_93, %dma_wait3A_94] : memref<2x125xi32, #tpu.memory_space<vmem>> -> memref<1x125xi32, #tpu.memory_space<vmem>>
      %dma_wait3A_96 = tpu.memref_squeeze %dma_wait3A_95 : memref<1x125xi32, #tpu.memory_space<vmem>> -> memref<125xi32, #tpu.memory_space<vmem>>
      %dma_wait3A_97 = arith.constant 0 : i32
      %dma_wait3A_98 = arith.constant 0 : i32
      %dma_wait3A_99 = tpu.memref_slice %arg2[%dma_wait3A_97, %dma_wait3A_98] : memref<10000x128xf32, #tpu.memory_space<hbm>> -> memref<10000x128xf32, #tpu.memory_space<hbm>>
      tpu.wait_indirect_dma semaphore(%arg18 : memref<!tpu.dma_semaphore, #tpu.memory_space<semaphore_mem>>) src(%dma_wait3A_99 : memref<10000x128xf32, #tpu.memory_space<hbm>>) dst(%arg16 : memref<125x128xf32, #tpu.memory_space<vmem>>)
      %run_scoped3A_100 = arith.constant 1 : i32
      "tpu.region"() ({
        %run_scoped3A_167 = tpu.sem_alloc : memref<!tpu.dma_semaphore, #tpu.memory_space<semaphore_mem>>
        %dma_start3A_168 = arith.constant 0 : i32
        %dma_start3A_169 = tpu.memref_slice %arg8[%run_scoped3A_100, %dma_start3A_168] : memref<2x125xi32, #tpu.memory_space<vmem>> -> memref<1x125xi32, #tpu.memory_space<vmem>>
        %dma_start3A_170 = tpu.memref_squeeze %dma_start3A_169 : memref<1x125xi32, #tpu.memory_space<vmem>> -> memref<125xi32, #tpu.memory_space<vmem>>
        %dma_start3A_171 = arith.constant 0 : i32
        %dma_start3A_172 = arith.constant 0 : i32
        %dma_start3A_173 = tpu.memref_slice %arg19[%dma_start3A_171, %dma_start3A_172] : memref<10240x128xf32, #tpu.memory_space<vmem_shared>> -> memref<10240x128xf32, #tpu.memory_space<vmem_shared>>
        tpu.enqueue_indirect_dma source(%arg16 : memref<125x128xf32, #tpu.memory_space<vmem>>) target(%dma_start3A_173 : memref<10240x128xf32, #tpu.memory_space<vmem_shared>>) offsets(%dma_start3A_170 : memref<125xi32, #tpu.memory_space<vmem>>) semaphore(%run_scoped3A_167 : memref<!tpu.dma_semaphore, #tpu.memory_space<semaphore_mem>>) {add = true}
        %dma_wait3A_174 = arith.constant 0 : i32
        %dma_wait3A_175 = tpu.memref_slice %arg8[%run_scoped3A_100, %dma_wait3A_174] : memref<2x125xi32, #tpu.memory_space<vmem>> -> memref<1x125xi32, #tpu.memory_space<vmem>>
        %dma_wait3A_176 = tpu.memref_squeeze %dma_wait3A_175 : memref<1x125xi32, #tpu.memory_space<vmem>> -> memref<125xi32, #tpu.memory_space<vmem>>
        %dma_wait3A_177 = arith.constant 0 : i32
        %dma_wait3A_178 = arith.constant 0 : i32
        %dma_wait3A_179 = tpu.memref_slice %arg19[%dma_wait3A_177, %dma_wait3A_178] : memref<10240x128xf32, #tpu.memory_space<vmem_shared>> -> memref<10240x128xf32, #tpu.memory_space<vmem_shared>>
        tpu.wait_indirect_dma semaphore(%run_scoped3A_167 : memref<!tpu.dma_semaphore, #tpu.memory_space<semaphore_mem>>) src(%arg16 : memref<125x128xf32, #tpu.memory_space<vmem>>) dst(%dma_wait3A_179 : memref<10240x128xf32, #tpu.memory_space<vmem_shared>>)
        tpu.yield
      }) : () -> ()
      %add3A_101 = arith.constant 4 : i32
      %add3A_102 = arith.addi %add3A_92, %add3A_101 : i32
      %lt3A_103 = arith.constant 80 : i32
      %lt3A_104 = arith.cmpi slt, %add3A_102, %lt3A_103 : i32
      %convert_element_type3A_105 = arith.extui %lt3A_104 : i1 to i32
      %cond3A_106 = arith.constant 0 : i32
      %cond3A_107 = arith.cmpi ne, %convert_element_type3A_105, %cond3A_106 : i32
      scf.if %cond3A_107 {
        %add3A_167 = arith.constant 4 : i32
        %add3A_168 = arith.addi %add3A_92, %add3A_167 : i32
        %dma_start3A_169 = arith.constant 0 : i32
        %dma_start3A_170 = arith.constant 0 : i32
        %dma_start3A_171 = arith.constant 0 : i32
        %dma_start3A_172 = tpu.memref_slice %arg3[%arg0, %arg1, %dma_start3A_169, %dma_start3A_170, %dma_start3A_171] : memref<2x16x80x2x125xi32, #tpu.memory_space<hbm>> -> memref<1x1x80x2x125xi32, #tpu.memory_space<hbm>>
        %dma_start3A_173 = tpu.memref_squeeze %dma_start3A_172 : memref<1x1x80x2x125xi32, #tpu.memory_space<hbm>> -> memref<80x2x125xi32, #tpu.memory_space<hbm>>
        %dma_start3A_174 = arith.constant 0 : i32
        %dma_start3A_175 = arith.constant 0 : i32
        %dma_start3A_176 = tpu.memref_slice %dma_start3A_173[%add3A_168, %dma_start3A_174, %dma_start3A_175] : memref<80x2x125xi32, #tpu.memory_space<hbm>> -> memref<1x2x125xi32, #tpu.memory_space<hbm>>
        %dma_start3A_177 = tpu.memref_squeeze %dma_start3A_176 : memref<1x2x125xi32, #tpu.memory_space<hbm>> -> memref<2x125xi32, #tpu.memory_space<hbm>>
        %dma_start3A_178 = arith.constant 0 : i32
        %dma_start3A_179 = arith.constant 0 : i32
        %dma_start3A_180 = arith.constant 0 : i32
        %dma_start3A_181 = tpu.memref_slice %arg3[%arg0, %arg1, %dma_start3A_178, %dma_start3A_179, %dma_start3A_180] : memref<2x16x80x2x125xi32, #tpu.memory_space<hbm>> -> memref<1x1x80x2x125xi32, #tpu.memory_space<hbm>>
        %dma_start3A_182 = tpu.memref_squeeze %dma_start3A_181 : memref<1x1x80x2x125xi32, #tpu.memory_space<hbm>> -> memref<80x2x125xi32, #tpu.memory_space<hbm>>
        %dma_start3A_183 = arith.constant 0 : i32
        %dma_start3A_184 = arith.constant 0 : i32
        %dma_start3A_185 = tpu.memref_slice %dma_start3A_182[%add3A_168, %dma_start3A_183, %dma_start3A_184] : memref<80x2x125xi32, #tpu.memory_space<hbm>> -> memref<1x2x125xi32, #tpu.memory_space<hbm>>
        %dma_start3A_186 = tpu.memref_squeeze %dma_start3A_185 : memref<1x2x125xi32, #tpu.memory_space<hbm>> -> memref<2x125xi32, #tpu.memory_space<hbm>>
        tpu.enqueue_dma source(%dma_start3A_186 : memref<2x125xi32, #tpu.memory_space<hbm>>) target(%arg8 : memref<2x125xi32, #tpu.memory_space<vmem>>) target_semaphore(%arg12 : memref<!tpu.dma_semaphore, #tpu.memory_space<semaphore_mem>>)
      } else {
      }
      %add3A_108 = arith.constant 2 : i32
      %add3A_109 = arith.addi %add3A_92, %add3A_108 : i32
      %lt3A_110 = arith.constant 80 : i32
      %lt3A_111 = arith.cmpi slt, %add3A_109, %lt3A_110 : i32
      %convert_element_type3A_112 = arith.extui %lt3A_111 : i1 to i32
      %cond3A_113 = arith.constant 0 : i32
      %cond3A_114 = arith.cmpi ne, %convert_element_type3A_112, %cond3A_113 : i32
      scf.if %cond3A_114 {
        %dma_wait3A_167 = arith.constant 0 : i32
        %dma_wait3A_168 = arith.constant 0 : i32
        %dma_wait3A_169 = arith.constant 0 : i32
        %dma_wait3A_170 = arith.constant 0 : i32
        %dma_wait3A_171 = tpu.memref_slice %arg3[%arg0, %arg1, %dma_wait3A_168, %dma_wait3A_169, %dma_wait3A_170] : memref<2x16x80x2x125xi32, #tpu.memory_space<hbm>> -> memref<1x1x80x2x125xi32, #tpu.memory_space<hbm>>
        %dma_wait3A_172 = tpu.memref_squeeze %dma_wait3A_171 : memref<1x1x80x2x125xi32, #tpu.memory_space<hbm>> -> memref<80x2x125xi32, #tpu.memory_space<hbm>>
        %dma_wait3A_173 = arith.constant 0 : i32
        %dma_wait3A_174 = arith.constant 0 : i32
        %dma_wait3A_175 = tpu.memref_slice %dma_wait3A_172[%dma_wait3A_167, %dma_wait3A_173, %dma_wait3A_174] : memref<80x2x125xi32, #tpu.memory_space<hbm>> -> memref<1x2x125xi32, #tpu.memory_space<hbm>>
        %dma_wait3A_176 = tpu.memref_squeeze %dma_wait3A_175 : memref<1x2x125xi32, #tpu.memory_space<hbm>> -> memref<2x125xi32, #tpu.memory_space<hbm>>
        %dma_wait3A_177 = arith.constant 0 : i32
        %dma_wait3A_178 = arith.constant 0 : i32
        %dma_wait3A_179 = arith.constant 0 : i32
        %dma_wait3A_180 = tpu.memref_slice %arg3[%arg0, %arg1, %dma_wait3A_177, %dma_wait3A_178, %dma_wait3A_179] : memref<2x16x80x2x125xi32, #tpu.memory_space<hbm>> -> memref<1x1x80x2x125xi32, #tpu.memory_space<hbm>>
        %dma_wait3A_181 = tpu.memref_squeeze %dma_wait3A_180 : memref<1x1x80x2x125xi32, #tpu.memory_space<hbm>> -> memref<80x2x125xi32, #tpu.memory_space<hbm>>
        %dma_wait3A_182 = arith.constant 0 : i32
        %dma_wait3A_183 = arith.constant 0 : i32
        %dma_wait3A_184 = tpu.memref_slice %dma_wait3A_181[%dma_wait3A_167, %dma_wait3A_182, %dma_wait3A_183] : memref<80x2x125xi32, #tpu.memory_space<hbm>> -> memref<1x2x125xi32, #tpu.memory_space<hbm>>
        %dma_wait3A_185 = tpu.memref_squeeze %dma_wait3A_184 : memref<1x2x125xi32, #tpu.memory_space<hbm>> -> memref<2x125xi32, #tpu.memory_space<hbm>>
        tpu.wait_dma2 semaphore(%arg14 : memref<!tpu.dma_semaphore, #tpu.memory_space<semaphore_mem>>) src(%dma_wait3A_185 : memref<2x125xi32, #tpu.memory_space<hbm>>) dst(%arg10 : memref<2x125xi32, #tpu.memory_space<vmem>>)
        %dma_start3A_186 = arith.constant 0 : i32
        %dma_start3A_187 = arith.constant 0 : i32
        %dma_start3A_188 = tpu.memref_slice %arg10[%dma_start3A_186, %dma_start3A_187] : memref<2x125xi32, #tpu.memory_space<vmem>> -> memref<1x125xi32, #tpu.memory_space<vmem>>
        %dma_start3A_189 = tpu.memref_squeeze %dma_start3A_188 : memref<1x125xi32, #tpu.memory_space<vmem>> -> memref<125xi32, #tpu.memory_space<vmem>>
        %dma_start3A_190 = arith.constant 0 : i32
        %dma_start3A_191 = arith.constant 0 : i32
        %dma_start3A_192 = tpu.memref_slice %arg2[%dma_start3A_190, %dma_start3A_191] : memref<10000x128xf32, #tpu.memory_space<hbm>> -> memref<10000x128xf32, #tpu.memory_space<hbm>>
        tpu.enqueue_indirect_dma source(%dma_start3A_192 : memref<10000x128xf32, #tpu.memory_space<hbm>>) target(%arg16 : memref<125x128xf32, #tpu.memory_space<vmem>>) offsets(%dma_start3A_189 : memref<125xi32, #tpu.memory_space<vmem>>) semaphore(%arg18 : memref<!tpu.dma_semaphore, #tpu.memory_space<semaphore_mem>>)
      } else {
      }
      %mul3A_115 = arith.constant 4 : i32
      %mul3A_116 = arith.muli %mul3A_115, %scan3A_65 : i32
      %add3A_117 = arith.constant 2 : i32
      %add3A_118 = arith.addi %mul3A_116, %add3A_117 : i32
      %dma_wait3A_119 = arith.constant 0 : i32
      %dma_wait3A_120 = arith.constant 0 : i32
      %dma_wait3A_121 = tpu.memref_slice %arg9[%dma_wait3A_119, %dma_wait3A_120] : memref<2x125xi32, #tpu.memory_space<vmem>> -> memref<1x125xi32, #tpu.memory_space<vmem>>
      %dma_wait3A_122 = tpu.memref_squeeze %dma_wait3A_121 : memref<1x125xi32, #tpu.memory_space<vmem>> -> memref<125xi32, #tpu.memory_space<vmem>>
      %dma_wait3A_123 = arith.constant 0 : i32
      %dma_wait3A_124 = arith.constant 0 : i32
      %dma_wait3A_125 = tpu.memref_slice %arg2[%dma_wait3A_123, %dma_wait3A_124] : memref<10000x128xf32, #tpu.memory_space<hbm>> -> memref<10000x128xf32, #tpu.memory_space<hbm>>
      tpu.wait_indirect_dma semaphore(%arg17 : memref<!tpu.dma_semaphore, #tpu.memory_space<semaphore_mem>>) src(%dma_wait3A_125 : memref<10000x128xf32, #tpu.memory_space<hbm>>) dst(%arg15 : memref<125x128xf32, #tpu.memory_space<vmem>>)
      %run_scoped3A_126 = arith.constant 1 : i32
      "tpu.region"() ({
        %run_scoped3A_167 = tpu.sem_alloc : memref<!tpu.dma_semaphore, #tpu.memory_space<semaphore_mem>>
        %dma_start3A_168 = arith.constant 0 : i32
        %dma_start3A_169 = tpu.memref_slice %arg9[%run_scoped3A_126, %dma_start3A_168] : memref<2x125xi32, #tpu.memory_space<vmem>> -> memref<1x125xi32, #tpu.memory_space<vmem>>
        %dma_start3A_170 = tpu.memref_squeeze %dma_start3A_169 : memref<1x125xi32, #tpu.memory_space<vmem>> -> memref<125xi32, #tpu.memory_space<vmem>>
        %dma_start3A_171 = arith.constant 0 : i32
        %dma_start3A_172 = arith.constant 0 : i32
        %dma_start3A_173 = tpu.memref_slice %arg19[%dma_start3A_171, %dma_start3A_172] : memref<10240x128xf32, #tpu.memory_space<vmem_shared>> -> memref<10240x128xf32, #tpu.memory_space<vmem_shared>>
        tpu.enqueue_indirect_dma source(%arg15 : memref<125x128xf32, #tpu.memory_space<vmem>>) target(%dma_start3A_173 : memref<10240x128xf32, #tpu.memory_space<vmem_shared>>) offsets(%dma_start3A_170 : memref<125xi32, #tpu.memory_space<vmem>>) semaphore(%run_scoped3A_167 : memref<!tpu.dma_semaphore, #tpu.memory_space<semaphore_mem>>) {add = true}
        %dma_wait3A_174 = arith.constant 0 : i32
        %dma_wait3A_175 = tpu.memref_slice %arg9[%run_scoped3A_126, %dma_wait3A_174] : memref<2x125xi32, #tpu.memory_space<vmem>> -> memref<1x125xi32, #tpu.memory_space<vmem>>
        %dma_wait3A_176 = tpu.memref_squeeze %dma_wait3A_175 : memref<1x125xi32, #tpu.memory_space<vmem>> -> memref<125xi32, #tpu.memory_space<vmem>>
        %dma_wait3A_177 = arith.constant 0 : i32
        %dma_wait3A_178 = arith.constant 0 : i32
        %dma_wait3A_179 = tpu.memref_slice %arg19[%dma_wait3A_177, %dma_wait3A_178] : memref<10240x128xf32, #tpu.memory_space<vmem_shared>> -> memref<10240x128xf32, #tpu.memory_space<vmem_shared>>
        tpu.wait_indirect_dma semaphore(%run_scoped3A_167 : memref<!tpu.dma_semaphore, #tpu.memory_space<semaphore_mem>>) src(%arg15 : memref<125x128xf32, #tpu.memory_space<vmem>>) dst(%dma_wait3A_179 : memref<10240x128xf32, #tpu.memory_space<vmem_shared>>)
        tpu.yield
      }) : () -> ()
      %add3A_127 = arith.constant 4 : i32
      %add3A_128 = arith.addi %add3A_118, %add3A_127 : i32
      %lt3A_129 = arith.constant 80 : i32
      %lt3A_130 = arith.cmpi slt, %add3A_128, %lt3A_129 : i32
      %convert_element_type3A_131 = arith.extui %lt3A_130 : i1 to i32
      %cond3A_132 = arith.constant 0 : i32
      %cond3A_133 = arith.cmpi ne, %convert_element_type3A_131, %cond3A_132 : i32
      scf.if %cond3A_133 {
        %add3A_167 = arith.constant 4 : i32
        %add3A_168 = arith.addi %add3A_118, %add3A_167 : i32
        %dma_start3A_169 = arith.constant 0 : i32
        %dma_start3A_170 = arith.constant 0 : i32
        %dma_start3A_171 = arith.constant 0 : i32
        %dma_start3A_172 = tpu.memref_slice %arg3[%arg0, %arg1, %dma_start3A_169, %dma_start3A_170, %dma_start3A_171] : memref<2x16x80x2x125xi32, #tpu.memory_space<hbm>> -> memref<1x1x80x2x125xi32, #tpu.memory_space<hbm>>
        %dma_start3A_173 = tpu.memref_squeeze %dma_start3A_172 : memref<1x1x80x2x125xi32, #tpu.memory_space<hbm>> -> memref<80x2x125xi32, #tpu.memory_space<hbm>>
        %dma_start3A_174 = arith.constant 0 : i32
        %dma_start3A_175 = arith.constant 0 : i32
        %dma_start3A_176 = tpu.memref_slice %dma_start3A_173[%add3A_168, %dma_start3A_174, %dma_start3A_175] : memref<80x2x125xi32, #tpu.memory_space<hbm>> -> memref<1x2x125xi32, #tpu.memory_space<hbm>>
        %dma_start3A_177 = tpu.memref_squeeze %dma_start3A_176 : memref<1x2x125xi32, #tpu.memory_space<hbm>> -> memref<2x125xi32, #tpu.memory_space<hbm>>
        %dma_start3A_178 = arith.constant 0 : i32
        %dma_start3A_179 = arith.constant 0 : i32
        %dma_start3A_180 = arith.constant 0 : i32
        %dma_start3A_181 = tpu.memref_slice %arg3[%arg0, %arg1, %dma_start3A_178, %dma_start3A_179, %dma_start3A_180] : memref<2x16x80x2x125xi32, #tpu.memory_space<hbm>> -> memref<1x1x80x2x125xi32, #tpu.memory_space<hbm>>
        %dma_start3A_182 = tpu.memref_squeeze %dma_start3A_181 : memref<1x1x80x2x125xi32, #tpu.memory_space<hbm>> -> memref<80x2x125xi32, #tpu.memory_space<hbm>>
        %dma_start3A_183 = arith.constant 0 : i32
        %dma_start3A_184 = arith.constant 0 : i32
        %dma_start3A_185 = tpu.memref_slice %dma_start3A_182[%add3A_168, %dma_start3A_183, %dma_start3A_184] : memref<80x2x125xi32, #tpu.memory_space<hbm>> -> memref<1x2x125xi32, #tpu.memory_space<hbm>>
        %dma_start3A_186 = tpu.memref_squeeze %dma_start3A_185 : memref<1x2x125xi32, #tpu.memory_space<hbm>> -> memref<2x125xi32, #tpu.memory_space<hbm>>
        tpu.enqueue_dma source(%dma_start3A_186 : memref<2x125xi32, #tpu.memory_space<hbm>>) target(%arg9 : memref<2x125xi32, #tpu.memory_space<vmem>>) target_semaphore(%arg13 : memref<!tpu.dma_semaphore, #tpu.memory_space<semaphore_mem>>)
      } else {
      }
      %add3A_134 = arith.constant 2 : i32
      %add3A_135 = arith.addi %add3A_118, %add3A_134 : i32
      %lt3A_136 = arith.constant 80 : i32
      %lt3A_137 = arith.cmpi slt, %add3A_135, %lt3A_136 : i32
      %convert_element_type3A_138 = arith.extui %lt3A_137 : i1 to i32
      %cond3A_139 = arith.constant 0 : i32
      %cond3A_140 = arith.cmpi ne, %convert_element_type3A_138, %cond3A_139 : i32
      scf.if %cond3A_140 {
        %dma_wait3A_167 = arith.constant 0 : i32
        %dma_wait3A_168 = arith.constant 0 : i32
        %dma_wait3A_169 = arith.constant 0 : i32
        %dma_wait3A_170 = arith.constant 0 : i32
        %dma_wait3A_171 = tpu.memref_slice %arg3[%arg0, %arg1, %dma_wait3A_168, %dma_wait3A_169, %dma_wait3A_170] : memref<2x16x80x2x125xi32, #tpu.memory_space<hbm>> -> memref<1x1x80x2x125xi32, #tpu.memory_space<hbm>>
        %dma_wait3A_172 = tpu.memref_squeeze %dma_wait3A_171 : memref<1x1x80x2x125xi32, #tpu.memory_space<hbm>> -> memref<80x2x125xi32, #tpu.memory_space<hbm>>
        %dma_wait3A_173 = arith.constant 0 : i32
        %dma_wait3A_174 = arith.constant 0 : i32
        %dma_wait3A_175 = tpu.memref_slice %dma_wait3A_172[%dma_wait3A_167, %dma_wait3A_173, %dma_wait3A_174] : memref<80x2x125xi32, #tpu.memory_space<hbm>> -> memref<1x2x125xi32, #tpu.memory_space<hbm>>
        %dma_wait3A_176 = tpu.memref_squeeze %dma_wait3A_175 : memref<1x2x125xi32, #tpu.memory_space<hbm>> -> memref<2x125xi32, #tpu.memory_space<hbm>>
        %dma_wait3A_177 = arith.constant 0 : i32
        %dma_wait3A_178 = arith.constant 0 : i32
        %dma_wait3A_179 = arith.constant 0 : i32
        %dma_wait3A_180 = tpu.memref_slice %arg3[%arg0, %arg1, %dma_wait3A_177, %dma_wait3A_178, %dma_wait3A_179] : memref<2x16x80x2x125xi32, #tpu.memory_space<hbm>> -> memref<1x1x80x2x125xi32, #tpu.memory_space<hbm>>
        %dma_wait3A_181 = tpu.memref_squeeze %dma_wait3A_180 : memref<1x1x80x2x125xi32, #tpu.memory_space<hbm>> -> memref<80x2x125xi32, #tpu.memory_space<hbm>>
        %dma_wait3A_182 = arith.constant 0 : i32
        %dma_wait3A_183 = arith.constant 0 : i32
        %dma_wait3A_184 = tpu.memref_slice %dma_wait3A_181[%dma_wait3A_167, %dma_wait3A_182, %dma_wait3A_183] : memref<80x2x125xi32, #tpu.memory_space<hbm>> -> memref<1x2x125xi32, #tpu.memory_space<hbm>>
        %dma_wait3A_185 = tpu.memref_squeeze %dma_wait3A_184 : memref<1x2x125xi32, #tpu.memory_space<hbm>> -> memref<2x125xi32, #tpu.memory_space<hbm>>
        tpu.wait_dma2 semaphore(%arg11 : memref<!tpu.dma_semaphore, #tpu.memory_space<semaphore_mem>>) src(%dma_wait3A_185 : memref<2x125xi32, #tpu.memory_space<hbm>>) dst(%arg7 : memref<2x125xi32, #tpu.memory_space<vmem>>)
        %dma_start3A_186 = arith.constant 0 : i32
        %dma_start3A_187 = arith.constant 0 : i32
        %dma_start3A_188 = tpu.memref_slice %arg7[%dma_start3A_186, %dma_start3A_187] : memref<2x125xi32, #tpu.memory_space<vmem>> -> memref<1x125xi32, #tpu.memory_space<vmem>>
        %dma_start3A_189 = tpu.memref_squeeze %dma_start3A_188 : memref<1x125xi32, #tpu.memory_space<vmem>> -> memref<125xi32, #tpu.memory_space<vmem>>
        %dma_start3A_190 = arith.constant 0 : i32
        %dma_start3A_191 = arith.constant 0 : i32
        %dma_start3A_192 = tpu.memref_slice %arg2[%dma_start3A_190, %dma_start3A_191] : memref<10000x128xf32, #tpu.memory_space<hbm>> -> memref<10000x128xf32, #tpu.memory_space<hbm>>
        tpu.enqueue_indirect_dma source(%dma_start3A_192 : memref<10000x128xf32, #tpu.memory_space<hbm>>) target(%arg15 : memref<125x128xf32, #tpu.memory_space<vmem>>) offsets(%dma_start3A_189 : memref<125xi32, #tpu.memory_space<vmem>>) semaphore(%arg17 : memref<!tpu.dma_semaphore, #tpu.memory_space<semaphore_mem>>)
      } else {
      }
      %mul3A_141 = arith.constant 4 : i32
      %mul3A_142 = arith.muli %mul3A_141, %scan3A_65 : i32
      %add3A_143 = arith.constant 3 : i32
      %add3A_144 = arith.addi %mul3A_142, %add3A_143 : i32
      %dma_wait3A_145 = arith.constant 0 : i32
      %dma_wait3A_146 = arith.constant 0 : i32
      %dma_wait3A_147 = tpu.memref_slice %arg10[%dma_wait3A_145, %dma_wait3A_146] : memref<2x125xi32, #tpu.memory_space<vmem>> -> memref<1x125xi32, #tpu.memory_space<vmem>>
      %dma_wait3A_148 = tpu.memref_squeeze %dma_wait3A_147 : memref<1x125xi32, #tpu.memory_space<vmem>> -> memref<125xi32, #tpu.memory_space<vmem>>
      %dma_wait3A_149 = arith.constant 0 : i32
      %dma_wait3A_150 = arith.constant 0 : i32
      %dma_wait3A_151 = tpu.memref_slice %arg2[%dma_wait3A_149, %dma_wait3A_150] : memref<10000x128xf32, #tpu.memory_space<hbm>> -> memref<10000x128xf32, #tpu.memory_space<hbm>>
      tpu.wait_indirect_dma semaphore(%arg18 : memref<!tpu.dma_semaphore, #tpu.memory_space<semaphore_mem>>) src(%dma_wait3A_151 : memref<10000x128xf32, #tpu.memory_space<hbm>>) dst(%arg16 : memref<125x128xf32, #tpu.memory_space<vmem>>)
      %run_scoped3A_152 = arith.constant 1 : i32
      "tpu.region"() ({
        %run_scoped3A_167 = tpu.sem_alloc : memref<!tpu.dma_semaphore, #tpu.memory_space<semaphore_mem>>
        %dma_start3A_168 = arith.constant 0 : i32
        %dma_start3A_169 = tpu.memref_slice %arg10[%run_scoped3A_152, %dma_start3A_168] : memref<2x125xi32, #tpu.memory_space<vmem>> -> memref<1x125xi32, #tpu.memory_space<vmem>>
        %dma_start3A_170 = tpu.memref_squeeze %dma_start3A_169 : memref<1x125xi32, #tpu.memory_space<vmem>> -> memref<125xi32, #tpu.memory_space<vmem>>
        %dma_start3A_171 = arith.constant 0 : i32
        %dma_start3A_172 = arith.constant 0 : i32
        %dma_start3A_173 = tpu.memref_slice %arg19[%dma_start3A_171, %dma_start3A_172] : memref<10240x128xf32, #tpu.memory_space<vmem_shared>> -> memref<10240x128xf32, #tpu.memory_space<vmem_shared>>
        tpu.enqueue_indirect_dma source(%arg16 : memref<125x128xf32, #tpu.memory_space<vmem>>) target(%dma_start3A_173 : memref<10240x128xf32, #tpu.memory_space<vmem_shared>>) offsets(%dma_start3A_170 : memref<125xi32, #tpu.memory_space<vmem>>) semaphore(%run_scoped3A_167 : memref<!tpu.dma_semaphore, #tpu.memory_space<semaphore_mem>>) {add = true}
        %dma_wait3A_174 = arith.constant 0 : i32
        %dma_wait3A_175 = tpu.memref_slice %arg10[%run_scoped3A_152, %dma_wait3A_174] : memref<2x125xi32, #tpu.memory_space<vmem>> -> memref<1x125xi32, #tpu.memory_space<vmem>>
        %dma_wait3A_176 = tpu.memref_squeeze %dma_wait3A_175 : memref<1x125xi32, #tpu.memory_space<vmem>> -> memref<125xi32, #tpu.memory_space<vmem>>
        %dma_wait3A_177 = arith.constant 0 : i32
        %dma_wait3A_178 = arith.constant 0 : i32
        %dma_wait3A_179 = tpu.memref_slice %arg19[%dma_wait3A_177, %dma_wait3A_178] : memref<10240x128xf32, #tpu.memory_space<vmem_shared>> -> memref<10240x128xf32, #tpu.memory_space<vmem_shared>>
        tpu.wait_indirect_dma semaphore(%run_scoped3A_167 : memref<!tpu.dma_semaphore, #tpu.memory_space<semaphore_mem>>) src(%arg16 : memref<125x128xf32, #tpu.memory_space<vmem>>) dst(%dma_wait3A_179 : memref<10240x128xf32, #tpu.memory_space<vmem_shared>>)
        tpu.yield
      }) : () -> ()
      %add3A_153 = arith.constant 4 : i32
      %add3A_154 = arith.addi %add3A_144, %add3A_153 : i32
      %lt3A_155 = arith.constant 80 : i32
      %lt3A_156 = arith.cmpi slt, %add3A_154, %lt3A_155 : i32
      %convert_element_type3A_157 = arith.extui %lt3A_156 : i1 to i32
      %cond3A_158 = arith.constant 0 : i32
      %cond3A_159 = arith.cmpi ne, %convert_element_type3A_157, %cond3A_158 : i32
      scf.if %cond3A_159 {
        %add3A_167 = arith.constant 4 : i32
        %add3A_168 = arith.addi %add3A_144, %add3A_167 : i32
        %dma_start3A_169 = arith.constant 0 : i32
        %dma_start3A_170 = arith.constant 0 : i32
        %dma_start3A_171 = arith.constant 0 : i32
        %dma_start3A_172 = tpu.memref_slice %arg3[%arg0, %arg1, %dma_start3A_169, %dma_start3A_170, %dma_start3A_171] : memref<2x16x80x2x125xi32, #tpu.memory_space<hbm>> -> memref<1x1x80x2x125xi32, #tpu.memory_space<hbm>>
        %dma_start3A_173 = tpu.memref_squeeze %dma_start3A_172 : memref<1x1x80x2x125xi32, #tpu.memory_space<hbm>> -> memref<80x2x125xi32, #tpu.memory_space<hbm>>
        %dma_start3A_174 = arith.constant 0 : i32
        %dma_start3A_175 = arith.constant 0 : i32
        %dma_start3A_176 = tpu.memref_slice %dma_start3A_173[%add3A_168, %dma_start3A_174, %dma_start3A_175] : memref<80x2x125xi32, #tpu.memory_space<hbm>> -> memref<1x2x125xi32, #tpu.memory_space<hbm>>
        %dma_start3A_177 = tpu.memref_squeeze %dma_start3A_176 : memref<1x2x125xi32, #tpu.memory_space<hbm>> -> memref<2x125xi32, #tpu.memory_space<hbm>>
        %dma_start3A_178 = arith.constant 0 : i32
        %dma_start3A_179 = arith.constant 0 : i32
        %dma_start3A_180 = arith.constant 0 : i32
        %dma_start3A_181 = tpu.memref_slice %arg3[%arg0, %arg1, %dma_start3A_178, %dma_start3A_179, %dma_start3A_180] : memref<2x16x80x2x125xi32, #tpu.memory_space<hbm>> -> memref<1x1x80x2x125xi32, #tpu.memory_space<hbm>>
        %dma_start3A_182 = tpu.memref_squeeze %dma_start3A_181 : memref<1x1x80x2x125xi32, #tpu.memory_space<hbm>> -> memref<80x2x125xi32, #tpu.memory_space<hbm>>
        %dma_start3A_183 = arith.constant 0 : i32
        %dma_start3A_184 = arith.constant 0 : i32
        %dma_start3A_185 = tpu.memref_slice %dma_start3A_182[%add3A_168, %dma_start3A_183, %dma_start3A_184] : memref<80x2x125xi32, #tpu.memory_space<hbm>> -> memref<1x2x125xi32, #tpu.memory_space<hbm>>
        %dma_start3A_186 = tpu.memref_squeeze %dma_start3A_185 : memref<1x2x125xi32, #tpu.memory_space<hbm>> -> memref<2x125xi32, #tpu.memory_space<hbm>>
        tpu.enqueue_dma source(%dma_start3A_186 : memref<2x125xi32, #tpu.memory_space<hbm>>) target(%arg10 : memref<2x125xi32, #tpu.memory_space<vmem>>) target_semaphore(%arg14 : memref<!tpu.dma_semaphore, #tpu.memory_space<semaphore_mem>>)
      } else {
      }
      %add3A_160 = arith.constant 2 : i32
      %add3A_161 = arith.addi %add3A_144, %add3A_160 : i32
      %lt3A_162 = arith.constant 80 : i32
      %lt3A_163 = arith.cmpi slt, %add3A_161, %lt3A_162 : i32
      %convert_element_type3A_164 = arith.extui %lt3A_163 : i1 to i32
      %cond3A_165 = arith.constant 0 : i32
      %cond3A_166 = arith.cmpi ne, %convert_element_type3A_164, %cond3A_165 : i32
      scf.if %cond3A_166 {
        %dma_wait3A_167 = arith.constant 0 : i32
        %dma_wait3A_168 = arith.constant 0 : i32
        %dma_wait3A_169 = arith.constant 0 : i32
        %dma_wait3A_170 = arith.constant 0 : i32
        %dma_wait3A_171 = tpu.memref_slice %arg3[%arg0, %arg1, %dma_wait3A_168, %dma_wait3A_169, %dma_wait3A_170] : memref<2x16x80x2x125xi32, #tpu.memory_space<hbm>> -> memref<1x1x80x2x125xi32, #tpu.memory_space<hbm>>
        %dma_wait3A_172 = tpu.memref_squeeze %dma_wait3A_171 : memref<1x1x80x2x125xi32, #tpu.memory_space<hbm>> -> memref<80x2x125xi32, #tpu.memory_space<hbm>>
        %dma_wait3A_173 = arith.constant 0 : i32
        %dma_wait3A_174 = arith.constant 0 : i32
        %dma_wait3A_175 = tpu.memref_slice %dma_wait3A_172[%dma_wait3A_167, %dma_wait3A_173, %dma_wait3A_174] : memref<80x2x125xi32, #tpu.memory_space<hbm>> -> memref<1x2x125xi32, #tpu.memory_space<hbm>>
        %dma_wait3A_176 = tpu.memref_squeeze %dma_wait3A_175 : memref<1x2x125xi32, #tpu.memory_space<hbm>> -> memref<2x125xi32, #tpu.memory_space<hbm>>
        %dma_wait3A_177 = arith.constant 0 : i32
        %dma_wait3A_178 = arith.constant 0 : i32
        %dma_wait3A_179 = arith.constant 0 : i32
        %dma_wait3A_180 = tpu.memref_slice %arg3[%arg0, %arg1, %dma_wait3A_177, %dma_wait3A_178, %dma_wait3A_179] : memref<2x16x80x2x125xi32, #tpu.memory_space<hbm>> -> memref<1x1x80x2x125xi32, #tpu.memory_space<hbm>>
        %dma_wait3A_181 = tpu.memref_squeeze %dma_wait3A_180 : memref<1x1x80x2x125xi32, #tpu.memory_space<hbm>> -> memref<80x2x125xi32, #tpu.memory_space<hbm>>
        %dma_wait3A_182 = arith.constant 0 : i32
        %dma_wait3A_183 = arith.constant 0 : i32
        %dma_wait3A_184 = tpu.memref_slice %dma_wait3A_181[%dma_wait3A_167, %dma_wait3A_182, %dma_wait3A_183] : memref<80x2x125xi32, #tpu.memory_space<hbm>> -> memref<1x2x125xi32, #tpu.memory_space<hbm>>
        %dma_wait3A_185 = tpu.memref_squeeze %dma_wait3A_184 : memref<1x2x125xi32, #tpu.memory_space<hbm>> -> memref<2x125xi32, #tpu.memory_space<hbm>>
        tpu.wait_dma2 semaphore(%arg12 : memref<!tpu.dma_semaphore, #tpu.memory_space<semaphore_mem>>) src(%dma_wait3A_185 : memref<2x125xi32, #tpu.memory_space<hbm>>) dst(%arg8 : memref<2x125xi32, #tpu.memory_space<vmem>>)
        %dma_start3A_186 = arith.constant 0 : i32
        %dma_start3A_187 = arith.constant 0 : i32
        %dma_start3A_188 = tpu.memref_slice %arg8[%dma_start3A_186, %dma_start3A_187] : memref<2x125xi32, #tpu.memory_space<vmem>> -> memref<1x125xi32, #tpu.memory_space<vmem>>
        %dma_start3A_189 = tpu.memref_squeeze %dma_start3A_188 : memref<1x125xi32, #tpu.memory_space<vmem>> -> memref<125xi32, #tpu.memory_space<vmem>>
        %dma_start3A_190 = arith.constant 0 : i32
        %dma_start3A_191 = arith.constant 0 : i32
        %dma_start3A_192 = tpu.memref_slice %arg2[%dma_start3A_190, %dma_start3A_191] : memref<10000x128xf32, #tpu.memory_space<hbm>> -> memref<10000x128xf32, #tpu.memory_space<hbm>>
        tpu.enqueue_indirect_dma source(%dma_start3A_192 : memref<10000x128xf32, #tpu.memory_space<hbm>>) target(%arg16 : memref<125x128xf32, #tpu.memory_space<vmem>>) offsets(%dma_start3A_189 : memref<125xi32, #tpu.memory_space<vmem>>) semaphore(%arg18 : memref<!tpu.dma_semaphore, #tpu.memory_space<semaphore_mem>>)
      } else {
      }
    }
    %scan3A_56 = arith.constant 20 : i32
    %barrier3A_57 = arith.constant 0 : index
    tpu.barrier barrier_id(%barrier3A_57)
    %eq3A = arith.constant 0 : i32
    %eq3A_58 = arith.cmpi eq, %arg0, %eq3A : i32
    %convert_element_type3A = arith.extui %eq3A_58 : i1 to i32
    %cond3A = arith.constant 0 : i32
    %cond3A_59 = arith.cmpi ne, %convert_element_type3A, %cond3A : i32
    scf.if %cond3A_59 {
      "tpu.region"() ({
        %run_scoped3A_65 = tpu.sem_alloc : memref<!tpu.dma_semaphore, #tpu.memory_space<semaphore_mem>>
        %dma_start3A_66 = arith.constant 0 : i32
        %dma_start3A_67 = tpu.memref_slice %arg5[%multiple_of3A, %dma_start3A_66] : memref<10240x128xf32, #tpu.memory_space<hbm>> -> memref<640x128xf32, #tpu.memory_space<hbm>>
        %dma_start3A_68 = arith.constant 0 : i32
        %dma_start3A_69 = tpu.memref_slice %arg19[%multiple_of3A, %dma_start3A_68] : memref<10240x128xf32, #tpu.memory_space<vmem_shared>> -> memref<640x128xf32, #tpu.memory_space<vmem_shared>>
        tpu.enqueue_dma source(%dma_start3A_69 : memref<640x128xf32, #tpu.memory_space<vmem_shared>>) target(%dma_start3A_67 : memref<640x128xf32, #tpu.memory_space<hbm>>) target_semaphore(%run_scoped3A_65 : memref<!tpu.dma_semaphore, #tpu.memory_space<semaphore_mem>>)
        %dma_wait3A = arith.constant 0 : i32
        %dma_wait3A_70 = tpu.memref_slice %arg5[%multiple_of3A, %dma_wait3A] : memref<10240x128xf32, #tpu.memory_space<hbm>> -> memref<640x128xf32, #tpu.memory_space<hbm>>
        %dma_wait3A_71 = arith.constant 0 : i32
        %dma_wait3A_72 = tpu.memref_slice %arg19[%multiple_of3A, %dma_wait3A_71] : memref<10240x128xf32, #tpu.memory_space<vmem_shared>> -> memref<640x128xf32, #tpu.memory_space<vmem_shared>>
        tpu.wait_dma2 semaphore(%run_scoped3A_65 : memref<!tpu.dma_semaphore, #tpu.memory_space<semaphore_mem>>) src(%dma_wait3A_72 : memref<640x128xf32, #tpu.memory_space<vmem_shared>>) dst(%dma_wait3A_70 : memref<640x128xf32, #tpu.memory_space<hbm>>)
        tpu.yield
      }) : () -> ()
    } else {
    }
    %eq3A_60 = arith.constant 1 : i32
    %eq3A_61 = arith.cmpi eq, %arg0, %eq3A_60 : i32
    %convert_element_type3A_62 = arith.extui %eq3A_61 : i1 to i32
    %cond3A_63 = arith.constant 0 : i32
    %cond3A_64 = arith.cmpi ne, %convert_element_type3A_62, %cond3A_63 : i32
    scf.if %cond3A_64 {
      "tpu.region"() ({
        %run_scoped3A_65 = tpu.sem_alloc : memref<!tpu.dma_semaphore, #tpu.memory_space<semaphore_mem>>
        %dma_start3A_66 = arith.constant 0 : i32
        %dma_start3A_67 = tpu.memref_slice %arg6[%multiple_of3A, %dma_start3A_66] : memref<10240x128xf32, #tpu.memory_space<hbm>> -> memref<640x128xf32, #tpu.memory_space<hbm>>
        %dma_start3A_68 = arith.constant 0 : i32
        %dma_start3A_69 = tpu.memref_slice %arg19[%multiple_of3A, %dma_start3A_68] : memref<10240x128xf32, #tpu.memory_space<vmem_shared>> -> memref<640x128xf32, #tpu.memory_space<vmem_shared>>
        tpu.enqueue_dma source(%dma_start3A_69 : memref<640x128xf32, #tpu.memory_space<vmem_shared>>) target(%dma_start3A_67 : memref<640x128xf32, #tpu.memory_space<hbm>>) target_semaphore(%run_scoped3A_65 : memref<!tpu.dma_semaphore, #tpu.memory_space<semaphore_mem>>)
        %dma_wait3A = arith.constant 0 : i32
        %dma_wait3A_70 = tpu.memref_slice %arg6[%multiple_of3A, %dma_wait3A] : memref<10240x128xf32, #tpu.memory_space<hbm>> -> memref<640x128xf32, #tpu.memory_space<hbm>>
        %dma_wait3A_71 = arith.constant 0 : i32
        %dma_wait3A_72 = tpu.memref_slice %arg19[%multiple_of3A, %dma_wait3A_71] : memref<10240x128xf32, #tpu.memory_space<vmem_shared>> -> memref<640x128xf32, #tpu.memory_space<vmem_shared>>
        tpu.wait_dma2 semaphore(%run_scoped3A_65 : memref<!tpu.dma_semaphore, #tpu.memory_space<semaphore_mem>>) src(%dma_wait3A_72 : memref<640x128xf32, #tpu.memory_space<vmem_shared>>) dst(%dma_wait3A_70 : memref<640x128xf32, #tpu.memory_space<hbm>>)
        tpu.yield
      }) : () -> ()
    } else {
    }
    return
  }
}

#map = affine_map<(d0, d1) -> (0, 0)>
#map1 = affine_map<(d0, d1) -> (0, 0, 0, 0)>
module attributes {stable_mosaic.version = 14 : i64} {
  func.func @agg(%arg0: i32, %arg1: i32, %arg2: memref<10000x128xf32, #tpu.memory_space<hbm>>, %arg3: memref<10000x128xf32, #tpu.memory_space<hbm>>, %arg4: memref<16x160x2x125xi32, #tpu.memory_space<hbm>>, %arg5: memref<10240x128xf32, #tpu.memory_space<hbm>>, %arg6: memref<10240x128xf32, #tpu.memory_space<hbm>>, %arg7: memref<10240x128xf32, #tpu.memory_space<hbm>>, %arg8: memref<2x125xi32, #tpu.memory_space<vmem>>, %arg9: memref<2x125xi32, #tpu.memory_space<vmem>>, %arg10: memref<2x125xi32, #tpu.memory_space<vmem>>, %arg11: memref<2x125xi32, #tpu.memory_space<vmem>>, %arg12: memref<!tpu.dma_semaphore, #tpu.memory_space<semaphore_mem>>, %arg13: memref<!tpu.dma_semaphore, #tpu.memory_space<semaphore_mem>>, %arg14: memref<!tpu.dma_semaphore, #tpu.memory_space<semaphore_mem>>, %arg15: memref<!tpu.dma_semaphore, #tpu.memory_space<semaphore_mem>>, %arg16: memref<125x128xf32, #tpu.memory_space<vmem>>, %arg17: memref<125x128xf32, #tpu.memory_space<vmem>>, %arg18: memref<!tpu.dma_semaphore, #tpu.memory_space<semaphore_mem>>, %arg19: memref<!tpu.dma_semaphore, #tpu.memory_space<semaphore_mem>>, %arg20: memref<10240x128xf32, #tpu.memory_space<vmem_shared>>) attributes {dimension_semantics = [#tpu.dimension_semantics<core_parallel>, #tpu.dimension_semantics<subcore_parallel>], iteration_bounds = array<i64: 2, 16>, scalar_prefetch = 0 : i64, scratch_operands = 13 : i64, tpu.core_type = #tpu.core_type<sc_vector_subcore>, window_params = [{transform_indices = #map}, {transform_indices = #map}, {transform_indices = #map1}, {transform_indices = #map}, {transform_indices = #map}, {transform_indices = #map}]} {
    %eq3A = arith.constant 0 : i32
    %eq3A_0 = arith.cmpi eq, %arg0, %eq3A : i32
    %convert_element_type3A = arith.extui %eq3A_0 : i1 to i32
    %cond3A = arith.constant 0 : i32
    %cond3A_1 = arith.cmpi ne, %convert_element_type3A, %cond3A : i32
    scf.if %cond3A_1 {
      %mul3A = arith.constant 640 : i32
      %mul3A_7 = arith.muli %arg1, %mul3A : i32
      %multiple_of3A = tpu.assume_multiple %mul3A_7, 640 : i32
      "tpu.region"() ({
        %run_scoped3A_65 = tpu.sem_alloc : memref<!tpu.dma_semaphore, #tpu.memory_space<semaphore_mem>>
        %dma_start3A_66 = arith.constant 0 : i32
        %dma_start3A_67 = tpu.memref_slice %arg20[%multiple_of3A, %dma_start3A_66] : memref<10240x128xf32, #tpu.memory_space<vmem_shared>> -> memref<640x128xf32, #tpu.memory_space<vmem_shared>>
        %dma_start3A_68 = arith.constant 0 : i32
        %dma_start3A_69 = tpu.memref_slice %arg5[%multiple_of3A, %dma_start3A_68] : memref<10240x128xf32, #tpu.memory_space<hbm>> -> memref<640x128xf32, #tpu.memory_space<hbm>>
        tpu.enqueue_dma source(%dma_start3A_69 : memref<640x128xf32, #tpu.memory_space<hbm>>) target(%dma_start3A_67 : memref<640x128xf32, #tpu.memory_space<vmem_shared>>) target_semaphore(%run_scoped3A_65 : memref<!tpu.dma_semaphore, #tpu.memory_space<semaphore_mem>>)
        %dma_wait3A = arith.constant 0 : i32
        %dma_wait3A_70 = tpu.memref_slice %arg20[%multiple_of3A, %dma_wait3A] : memref<10240x128xf32, #tpu.memory_space<vmem_shared>> -> memref<640x128xf32, #tpu.memory_space<vmem_shared>>
        %dma_wait3A_71 = arith.constant 0 : i32
        %dma_wait3A_72 = tpu.memref_slice %arg5[%multiple_of3A, %dma_wait3A_71] : memref<10240x128xf32, #tpu.memory_space<hbm>> -> memref<640x128xf32, #tpu.memory_space<hbm>>
        tpu.wait_dma2 semaphore(%run_scoped3A_65 : memref<!tpu.dma_semaphore, #tpu.memory_space<semaphore_mem>>) src(%dma_wait3A_72 : memref<640x128xf32, #tpu.memory_space<hbm>>) dst(%dma_wait3A_70 : memref<640x128xf32, #tpu.memory_space<vmem_shared>>)
        tpu.yield
      }) : () -> ()
      %barrier3A = arith.constant 0 : index
      tpu.barrier barrier_id(%barrier3A)
      %run_scoped3A = arith.constant 0 : i32
      "tpu.region"() ({
        %run_scoped3A_65 = tpu.sem_alloc : memref<!tpu.dma_semaphore, #tpu.memory_space<semaphore_mem>>
        %dma_start3A_66 = arith.constant 0 : i32
        %dma_start3A_67 = arith.constant 0 : i32
        %dma_start3A_68 = arith.constant 0 : i32
        %dma_start3A_69 = tpu.memref_slice %arg4[%arg1, %dma_start3A_66, %dma_start3A_67, %dma_start3A_68] : memref<16x160x2x125xi32, #tpu.memory_space<hbm>> -> memref<1x160x2x125xi32, #tpu.memory_space<hbm>>
        %dma_start3A_70 = tpu.memref_squeeze %dma_start3A_69 : memref<1x160x2x125xi32, #tpu.memory_space<hbm>> -> memref<160x2x125xi32, #tpu.memory_space<hbm>>
        %dma_start3A_71 = arith.constant 0 : i32
        %dma_start3A_72 = arith.constant 0 : i32
        %dma_start3A_73 = tpu.memref_slice %dma_start3A_70[%run_scoped3A, %dma_start3A_71, %dma_start3A_72] : memref<160x2x125xi32, #tpu.memory_space<hbm>> -> memref<1x2x125xi32, #tpu.memory_space<hbm>>
        %dma_start3A_74 = tpu.memref_squeeze %dma_start3A_73 : memref<1x2x125xi32, #tpu.memory_space<hbm>> -> memref<2x125xi32, #tpu.memory_space<hbm>>
        %dma_start3A_75 = arith.constant 0 : i32
        %dma_start3A_76 = arith.constant 0 : i32
        %dma_start3A_77 = arith.constant 0 : i32
        %dma_start3A_78 = tpu.memref_slice %arg4[%arg1, %dma_start3A_75, %dma_start3A_76, %dma_start3A_77] : memref<16x160x2x125xi32, #tpu.memory_space<hbm>> -> memref<1x160x2x125xi32, #tpu.memory_space<hbm>>
        %dma_start3A_79 = tpu.memref_squeeze %dma_start3A_78 : memref<1x160x2x125xi32, #tpu.memory_space<hbm>> -> memref<160x2x125xi32, #tpu.memory_space<hbm>>
        %dma_start3A_80 = arith.constant 0 : i32
        %dma_start3A_81 = arith.constant 0 : i32
        %dma_start3A_82 = tpu.memref_slice %dma_start3A_79[%run_scoped3A, %dma_start3A_80, %dma_start3A_81] : memref<160x2x125xi32, #tpu.memory_space<hbm>> -> memref<1x2x125xi32, #tpu.memory_space<hbm>>
        %dma_start3A_83 = tpu.memref_squeeze %dma_start3A_82 : memref<1x2x125xi32, #tpu.memory_space<hbm>> -> memref<2x125xi32, #tpu.memory_space<hbm>>
        tpu.enqueue_dma source(%dma_start3A_83 : memref<2x125xi32, #tpu.memory_space<hbm>>) target(%arg8 : memref<2x125xi32, #tpu.memory_space<vmem>>) target_semaphore(%run_scoped3A_65 : memref<!tpu.dma_semaphore, #tpu.memory_space<semaphore_mem>>)
        %dma_wait3A = arith.constant 0 : i32
        %dma_wait3A_84 = arith.constant 0 : i32
        %dma_wait3A_85 = arith.constant 0 : i32
        %dma_wait3A_86 = tpu.memref_slice %arg4[%arg1, %dma_wait3A, %dma_wait3A_84, %dma_wait3A_85] : memref<16x160x2x125xi32, #tpu.memory_space<hbm>> -> memref<1x160x2x125xi32, #tpu.memory_space<hbm>>
        %dma_wait3A_87 = tpu.memref_squeeze %dma_wait3A_86 : memref<1x160x2x125xi32, #tpu.memory_space<hbm>> -> memref<160x2x125xi32, #tpu.memory_space<hbm>>
        %dma_wait3A_88 = arith.constant 0 : i32
        %dma_wait3A_89 = arith.constant 0 : i32
        %dma_wait3A_90 = tpu.memref_slice %dma_wait3A_87[%run_scoped3A, %dma_wait3A_88, %dma_wait3A_89] : memref<160x2x125xi32, #tpu.memory_space<hbm>> -> memref<1x2x125xi32, #tpu.memory_space<hbm>>
        %dma_wait3A_91 = tpu.memref_squeeze %dma_wait3A_90 : memref<1x2x125xi32, #tpu.memory_space<hbm>> -> memref<2x125xi32, #tpu.memory_space<hbm>>
        %dma_wait3A_92 = arith.constant 0 : i32
        %dma_wait3A_93 = arith.constant 0 : i32
        %dma_wait3A_94 = arith.constant 0 : i32
        %dma_wait3A_95 = tpu.memref_slice %arg4[%arg1, %dma_wait3A_92, %dma_wait3A_93, %dma_wait3A_94] : memref<16x160x2x125xi32, #tpu.memory_space<hbm>> -> memref<1x160x2x125xi32, #tpu.memory_space<hbm>>
        %dma_wait3A_96 = tpu.memref_squeeze %dma_wait3A_95 : memref<1x160x2x125xi32, #tpu.memory_space<hbm>> -> memref<160x2x125xi32, #tpu.memory_space<hbm>>
        %dma_wait3A_97 = arith.constant 0 : i32
        %dma_wait3A_98 = arith.constant 0 : i32
        %dma_wait3A_99 = tpu.memref_slice %dma_wait3A_96[%run_scoped3A, %dma_wait3A_97, %dma_wait3A_98] : memref<160x2x125xi32, #tpu.memory_space<hbm>> -> memref<1x2x125xi32, #tpu.memory_space<hbm>>
        %dma_wait3A_100 = tpu.memref_squeeze %dma_wait3A_99 : memref<1x2x125xi32, #tpu.memory_space<hbm>> -> memref<2x125xi32, #tpu.memory_space<hbm>>
        tpu.wait_dma2 semaphore(%run_scoped3A_65 : memref<!tpu.dma_semaphore, #tpu.memory_space<semaphore_mem>>) src(%dma_wait3A_100 : memref<2x125xi32, #tpu.memory_space<hbm>>) dst(%arg8 : memref<2x125xi32, #tpu.memory_space<vmem>>)
        tpu.yield
      }) : () -> ()
      %run_scoped3A_8 = arith.constant 1 : i32
      "tpu.region"() ({
        %run_scoped3A_65 = tpu.sem_alloc : memref<!tpu.dma_semaphore, #tpu.memory_space<semaphore_mem>>
        %dma_start3A_66 = arith.constant 0 : i32
        %dma_start3A_67 = arith.constant 0 : i32
        %dma_start3A_68 = arith.constant 0 : i32
        %dma_start3A_69 = tpu.memref_slice %arg4[%arg1, %dma_start3A_66, %dma_start3A_67, %dma_start3A_68] : memref<16x160x2x125xi32, #tpu.memory_space<hbm>> -> memref<1x160x2x125xi32, #tpu.memory_space<hbm>>
        %dma_start3A_70 = tpu.memref_squeeze %dma_start3A_69 : memref<1x160x2x125xi32, #tpu.memory_space<hbm>> -> memref<160x2x125xi32, #tpu.memory_space<hbm>>
        %dma_start3A_71 = arith.constant 0 : i32
        %dma_start3A_72 = arith.constant 0 : i32
        %dma_start3A_73 = tpu.memref_slice %dma_start3A_70[%run_scoped3A_8, %dma_start3A_71, %dma_start3A_72] : memref<160x2x125xi32, #tpu.memory_space<hbm>> -> memref<1x2x125xi32, #tpu.memory_space<hbm>>
        %dma_start3A_74 = tpu.memref_squeeze %dma_start3A_73 : memref<1x2x125xi32, #tpu.memory_space<hbm>> -> memref<2x125xi32, #tpu.memory_space<hbm>>
        %dma_start3A_75 = arith.constant 0 : i32
        %dma_start3A_76 = arith.constant 0 : i32
        %dma_start3A_77 = arith.constant 0 : i32
        %dma_start3A_78 = tpu.memref_slice %arg4[%arg1, %dma_start3A_75, %dma_start3A_76, %dma_start3A_77] : memref<16x160x2x125xi32, #tpu.memory_space<hbm>> -> memref<1x160x2x125xi32, #tpu.memory_space<hbm>>
        %dma_start3A_79 = tpu.memref_squeeze %dma_start3A_78 : memref<1x160x2x125xi32, #tpu.memory_space<hbm>> -> memref<160x2x125xi32, #tpu.memory_space<hbm>>
        %dma_start3A_80 = arith.constant 0 : i32
        %dma_start3A_81 = arith.constant 0 : i32
        %dma_start3A_82 = tpu.memref_slice %dma_start3A_79[%run_scoped3A_8, %dma_start3A_80, %dma_start3A_81] : memref<160x2x125xi32, #tpu.memory_space<hbm>> -> memref<1x2x125xi32, #tpu.memory_space<hbm>>
        %dma_start3A_83 = tpu.memref_squeeze %dma_start3A_82 : memref<1x2x125xi32, #tpu.memory_space<hbm>> -> memref<2x125xi32, #tpu.memory_space<hbm>>
        tpu.enqueue_dma source(%dma_start3A_83 : memref<2x125xi32, #tpu.memory_space<hbm>>) target(%arg9 : memref<2x125xi32, #tpu.memory_space<vmem>>) target_semaphore(%run_scoped3A_65 : memref<!tpu.dma_semaphore, #tpu.memory_space<semaphore_mem>>)
        %dma_wait3A = arith.constant 0 : i32
        %dma_wait3A_84 = arith.constant 0 : i32
        %dma_wait3A_85 = arith.constant 0 : i32
        %dma_wait3A_86 = tpu.memref_slice %arg4[%arg1, %dma_wait3A, %dma_wait3A_84, %dma_wait3A_85] : memref<16x160x2x125xi32, #tpu.memory_space<hbm>> -> memref<1x160x2x125xi32, #tpu.memory_space<hbm>>
        %dma_wait3A_87 = tpu.memref_squeeze %dma_wait3A_86 : memref<1x160x2x125xi32, #tpu.memory_space<hbm>> -> memref<160x2x125xi32, #tpu.memory_space<hbm>>
        %dma_wait3A_88 = arith.constant 0 : i32
        %dma_wait3A_89 = arith.constant 0 : i32
        %dma_wait3A_90 = tpu.memref_slice %dma_wait3A_87[%run_scoped3A_8, %dma_wait3A_88, %dma_wait3A_89] : memref<160x2x125xi32, #tpu.memory_space<hbm>> -> memref<1x2x125xi32, #tpu.memory_space<hbm>>
        %dma_wait3A_91 = tpu.memref_squeeze %dma_wait3A_90 : memref<1x2x125xi32, #tpu.memory_space<hbm>> -> memref<2x125xi32, #tpu.memory_space<hbm>>
        %dma_wait3A_92 = arith.constant 0 : i32
        %dma_wait3A_93 = arith.constant 0 : i32
        %dma_wait3A_94 = arith.constant 0 : i32
        %dma_wait3A_95 = tpu.memref_slice %arg4[%arg1, %dma_wait3A_92, %dma_wait3A_93, %dma_wait3A_94] : memref<16x160x2x125xi32, #tpu.memory_space<hbm>> -> memref<1x160x2x125xi32, #tpu.memory_space<hbm>>
        %dma_wait3A_96 = tpu.memref_squeeze %dma_wait3A_95 : memref<1x160x2x125xi32, #tpu.memory_space<hbm>> -> memref<160x2x125xi32, #tpu.memory_space<hbm>>
        %dma_wait3A_97 = arith.constant 0 : i32
        %dma_wait3A_98 = arith.constant 0 : i32
        %dma_wait3A_99 = tpu.memref_slice %dma_wait3A_96[%run_scoped3A_8, %dma_wait3A_97, %dma_wait3A_98] : memref<160x2x125xi32, #tpu.memory_space<hbm>> -> memref<1x2x125xi32, #tpu.memory_space<hbm>>
        %dma_wait3A_100 = tpu.memref_squeeze %dma_wait3A_99 : memref<1x2x125xi32, #tpu.memory_space<hbm>> -> memref<2x125xi32, #tpu.memory_space<hbm>>
        tpu.wait_dma2 semaphore(%run_scoped3A_65 : memref<!tpu.dma_semaphore, #tpu.memory_space<semaphore_mem>>) src(%dma_wait3A_100 : memref<2x125xi32, #tpu.memory_space<hbm>>) dst(%arg9 : memref<2x125xi32, #tpu.memory_space<vmem>>)
        tpu.yield
      }) : () -> ()
      %dma_start3A = arith.constant 2 : i32
      %dma_start3A_9 = arith.constant 0 : i32
      %dma_start3A_10 = arith.constant 0 : i32
      %dma_start3A_11 = arith.constant 0 : i32
      %dma_start3A_12 = tpu.memref_slice %arg4[%arg1, %dma_start3A_9, %dma_start3A_10, %dma_start3A_11] : memref<16x160x2x125xi32, #tpu.memory_space<hbm>> -> memref<1x160x2x125xi32, #tpu.memory_space<hbm>>
      %dma_start3A_13 = tpu.memref_squeeze %dma_start3A_12 : memref<1x160x2x125xi32, #tpu.memory_space<hbm>> -> memref<160x2x125xi32, #tpu.memory_space<hbm>>
      %dma_start3A_14 = arith.constant 0 : i32
      %dma_start3A_15 = arith.constant 0 : i32
      %dma_start3A_16 = tpu.memref_slice %dma_start3A_13[%dma_start3A, %dma_start3A_14, %dma_start3A_15] : memref<160x2x125xi32, #tpu.memory_space<hbm>> -> memref<1x2x125xi32, #tpu.memory_space<hbm>>
      %dma_start3A_17 = tpu.memref_squeeze %dma_start3A_16 : memref<1x2x125xi32, #tpu.memory_space<hbm>> -> memref<2x125xi32, #tpu.memory_space<hbm>>
      %dma_start3A_18 = arith.constant 0 : i32
      %dma_start3A_19 = arith.constant 0 : i32
      %dma_start3A_20 = arith.constant 0 : i32
      %dma_start3A_21 = tpu.memref_slice %arg4[%arg1, %dma_start3A_18, %dma_start3A_19, %dma_start3A_20] : memref<16x160x2x125xi32, #tpu.memory_space<hbm>> -> memref<1x160x2x125xi32, #tpu.memory_space<hbm>>
      %dma_start3A_22 = tpu.memref_squeeze %dma_start3A_21 : memref<1x160x2x125xi32, #tpu.memory_space<hbm>> -> memref<160x2x125xi32, #tpu.memory_space<hbm>>
      %dma_start3A_23 = arith.constant 0 : i32
      %dma_start3A_24 = arith.constant 0 : i32
      %dma_start3A_25 = tpu.memref_slice %dma_start3A_22[%dma_start3A, %dma_start3A_23, %dma_start3A_24] : memref<160x2x125xi32, #tpu.memory_space<hbm>> -> memref<1x2x125xi32, #tpu.memory_space<hbm>>
      %dma_start3A_26 = tpu.memref_squeeze %dma_start3A_25 : memref<1x2x125xi32, #tpu.memory_space<hbm>> -> memref<2x125xi32, #tpu.memory_space<hbm>>
      tpu.enqueue_dma source(%dma_start3A_26 : memref<2x125xi32, #tpu.memory_space<hbm>>) target(%arg10 : memref<2x125xi32, #tpu.memory_space<vmem>>) target_semaphore(%arg14 : memref<!tpu.dma_semaphore, #tpu.memory_space<semaphore_mem>>)
      %dma_start3A_27 = arith.constant 3 : i32
      %dma_start3A_28 = arith.constant 0 : i32
      %dma_start3A_29 = arith.constant 0 : i32
      %dma_start3A_30 = arith.constant 0 : i32
      %dma_start3A_31 = tpu.memref_slice %arg4[%arg1, %dma_start3A_28, %dma_start3A_29, %dma_start3A_30] : memref<16x160x2x125xi32, #tpu.memory_space<hbm>> -> memref<1x160x2x125xi32, #tpu.memory_space<hbm>>
      %dma_start3A_32 = tpu.memref_squeeze %dma_start3A_31 : memref<1x160x2x125xi32, #tpu.memory_space<hbm>> -> memref<160x2x125xi32, #tpu.memory_space<hbm>>
      %dma_start3A_33 = arith.constant 0 : i32
      %dma_start3A_34 = arith.constant 0 : i32
      %dma_start3A_35 = tpu.memref_slice %dma_start3A_32[%dma_start3A_27, %dma_start3A_33, %dma_start3A_34] : memref<160x2x125xi32, #tpu.memory_space<hbm>> -> memref<1x2x125xi32, #tpu.memory_space<hbm>>
      %dma_start3A_36 = tpu.memref_squeeze %dma_start3A_35 : memref<1x2x125xi32, #tpu.memory_space<hbm>> -> memref<2x125xi32, #tpu.memory_space<hbm>>
      %dma_start3A_37 = arith.constant 0 : i32
      %dma_start3A_38 = arith.constant 0 : i32
      %dma_start3A_39 = arith.constant 0 : i32
      %dma_start3A_40 = tpu.memref_slice %arg4[%arg1, %dma_start3A_37, %dma_start3A_38, %dma_start3A_39] : memref<16x160x2x125xi32, #tpu.memory_space<hbm>> -> memref<1x160x2x125xi32, #tpu.memory_space<hbm>>
      %dma_start3A_41 = tpu.memref_squeeze %dma_start3A_40 : memref<1x160x2x125xi32, #tpu.memory_space<hbm>> -> memref<160x2x125xi32, #tpu.memory_space<hbm>>
      %dma_start3A_42 = arith.constant 0 : i32
      %dma_start3A_43 = arith.constant 0 : i32
      %dma_start3A_44 = tpu.memref_slice %dma_start3A_41[%dma_start3A_27, %dma_start3A_42, %dma_start3A_43] : memref<160x2x125xi32, #tpu.memory_space<hbm>> -> memref<1x2x125xi32, #tpu.memory_space<hbm>>
      %dma_start3A_45 = tpu.memref_squeeze %dma_start3A_44 : memref<1x2x125xi32, #tpu.memory_space<hbm>> -> memref<2x125xi32, #tpu.memory_space<hbm>>
      tpu.enqueue_dma source(%dma_start3A_45 : memref<2x125xi32, #tpu.memory_space<hbm>>) target(%arg11 : memref<2x125xi32, #tpu.memory_space<vmem>>) target_semaphore(%arg15 : memref<!tpu.dma_semaphore, #tpu.memory_space<semaphore_mem>>)
      %dma_start3A_46 = arith.constant 0 : i32
      %dma_start3A_47 = arith.constant 0 : i32
      %dma_start3A_48 = tpu.memref_slice %arg8[%dma_start3A_46, %dma_start3A_47] : memref<2x125xi32, #tpu.memory_space<vmem>> -> memref<1x125xi32, #tpu.memory_space<vmem>>
      %dma_start3A_49 = tpu.memref_squeeze %dma_start3A_48 : memref<1x125xi32, #tpu.memory_space<vmem>> -> memref<125xi32, #tpu.memory_space<vmem>>
      %dma_start3A_50 = arith.constant 0 : i32
      %dma_start3A_51 = arith.constant 0 : i32
      %dma_start3A_52 = tpu.memref_slice %arg2[%dma_start3A_50, %dma_start3A_51] : memref<10000x128xf32, #tpu.memory_space<hbm>> -> memref<10000x128xf32, #tpu.memory_space<hbm>>
      tpu.enqueue_indirect_dma source(%dma_start3A_52 : memref<10000x128xf32, #tpu.memory_space<hbm>>) target(%arg16 : memref<125x128xf32, #tpu.memory_space<vmem>>) offsets(%dma_start3A_49 : memref<125xi32, #tpu.memory_space<vmem>>) semaphore(%arg18 : memref<!tpu.dma_semaphore, #tpu.memory_space<semaphore_mem>>)
      %dma_start3A_53 = arith.constant 0 : i32
      %dma_start3A_54 = arith.constant 0 : i32
      %dma_start3A_55 = tpu.memref_slice %arg9[%dma_start3A_53, %dma_start3A_54] : memref<2x125xi32, #tpu.memory_space<vmem>> -> memref<1x125xi32, #tpu.memory_space<vmem>>
      %dma_start3A_56 = tpu.memref_squeeze %dma_start3A_55 : memref<1x125xi32, #tpu.memory_space<vmem>> -> memref<125xi32, #tpu.memory_space<vmem>>
      %dma_start3A_57 = arith.constant 0 : i32
      %dma_start3A_58 = arith.constant 0 : i32
      %dma_start3A_59 = tpu.memref_slice %arg2[%dma_start3A_57, %dma_start3A_58] : memref<10000x128xf32, #tpu.memory_space<hbm>> -> memref<10000x128xf32, #tpu.memory_space<hbm>>
      tpu.enqueue_indirect_dma source(%dma_start3A_59 : memref<10000x128xf32, #tpu.memory_space<hbm>>) target(%arg17 : memref<125x128xf32, #tpu.memory_space<vmem>>) offsets(%dma_start3A_56 : memref<125xi32, #tpu.memory_space<vmem>>) semaphore(%arg19 : memref<!tpu.dma_semaphore, #tpu.memory_space<semaphore_mem>>)
      %scan3A = arith.constant 0 : i32
      %scan3A_60 = arith.constant 40 : i32
      %scan3A_61 = arith.addi %scan3A, %scan3A_60 : i32
      %scan3A_62 = arith.constant 1 : i32
      scf.for %scan3A_65 = %scan3A to %scan3A_61 step %scan3A_62  : i32 {
        %mul3A_66 = arith.constant 4 : i32
        %mul3A_67 = arith.muli %mul3A_66, %scan3A_65 : i32
        %add3A = arith.constant 0 : i32
        %add3A_68 = arith.addi %mul3A_67, %add3A : i32
        %dma_wait3A = arith.constant 0 : i32
        %dma_wait3A_69 = arith.constant 0 : i32
        %dma_wait3A_70 = tpu.memref_slice %arg8[%dma_wait3A, %dma_wait3A_69] : memref<2x125xi32, #tpu.memory_space<vmem>> -> memref<1x125xi32, #tpu.memory_space<vmem>>
        %dma_wait3A_71 = tpu.memref_squeeze %dma_wait3A_70 : memref<1x125xi32, #tpu.memory_space<vmem>> -> memref<125xi32, #tpu.memory_space<vmem>>
        %dma_wait3A_72 = arith.constant 0 : i32
        %dma_wait3A_73 = arith.constant 0 : i32
        %dma_wait3A_74 = tpu.memref_slice %arg2[%dma_wait3A_72, %dma_wait3A_73] : memref<10000x128xf32, #tpu.memory_space<hbm>> -> memref<10000x128xf32, #tpu.memory_space<hbm>>
        tpu.wait_indirect_dma semaphore(%arg18 : memref<!tpu.dma_semaphore, #tpu.memory_space<semaphore_mem>>) src(%dma_wait3A_74 : memref<10000x128xf32, #tpu.memory_space<hbm>>) dst(%arg16 : memref<125x128xf32, #tpu.memory_space<vmem>>)
        %run_scoped3A_75 = arith.constant 1 : i32
        "tpu.region"() ({
          %run_scoped3A_167 = tpu.sem_alloc : memref<!tpu.dma_semaphore, #tpu.memory_space<semaphore_mem>>
          %dma_start3A_168 = arith.constant 0 : i32
          %dma_start3A_169 = tpu.memref_slice %arg8[%run_scoped3A_75, %dma_start3A_168] : memref<2x125xi32, #tpu.memory_space<vmem>> -> memref<1x125xi32, #tpu.memory_space<vmem>>
          %dma_start3A_170 = tpu.memref_squeeze %dma_start3A_169 : memref<1x125xi32, #tpu.memory_space<vmem>> -> memref<125xi32, #tpu.memory_space<vmem>>
          %dma_start3A_171 = arith.constant 0 : i32
          %dma_start3A_172 = arith.constant 0 : i32
          %dma_start3A_173 = tpu.memref_slice %arg20[%dma_start3A_171, %dma_start3A_172] : memref<10240x128xf32, #tpu.memory_space<vmem_shared>> -> memref<10240x128xf32, #tpu.memory_space<vmem_shared>>
          tpu.enqueue_indirect_dma source(%arg16 : memref<125x128xf32, #tpu.memory_space<vmem>>) target(%dma_start3A_173 : memref<10240x128xf32, #tpu.memory_space<vmem_shared>>) offsets(%dma_start3A_170 : memref<125xi32, #tpu.memory_space<vmem>>) semaphore(%run_scoped3A_167 : memref<!tpu.dma_semaphore, #tpu.memory_space<semaphore_mem>>) {add = true}
          %dma_wait3A_174 = arith.constant 0 : i32
          %dma_wait3A_175 = tpu.memref_slice %arg8[%run_scoped3A_75, %dma_wait3A_174] : memref<2x125xi32, #tpu.memory_space<vmem>> -> memref<1x125xi32, #tpu.memory_space<vmem>>
          %dma_wait3A_176 = tpu.memref_squeeze %dma_wait3A_175 : memref<1x125xi32, #tpu.memory_space<vmem>> -> memref<125xi32, #tpu.memory_space<vmem>>
          %dma_wait3A_177 = arith.constant 0 : i32
          %dma_wait3A_178 = arith.constant 0 : i32
          %dma_wait3A_179 = tpu.memref_slice %arg20[%dma_wait3A_177, %dma_wait3A_178] : memref<10240x128xf32, #tpu.memory_space<vmem_shared>> -> memref<10240x128xf32, #tpu.memory_space<vmem_shared>>
          tpu.wait_indirect_dma semaphore(%run_scoped3A_167 : memref<!tpu.dma_semaphore, #tpu.memory_space<semaphore_mem>>) src(%arg16 : memref<125x128xf32, #tpu.memory_space<vmem>>) dst(%dma_wait3A_179 : memref<10240x128xf32, #tpu.memory_space<vmem_shared>>)
          tpu.yield
        }) : () -> ()
        %add3A_76 = arith.constant 4 : i32
        %add3A_77 = arith.addi %add3A_68, %add3A_76 : i32
        %lt3A = arith.constant 160 : i32
        %lt3A_78 = arith.cmpi slt, %add3A_77, %lt3A : i32
        %convert_element_type3A_79 = arith.extui %lt3A_78 : i1 to i32
        %cond3A_80 = arith.constant 0 : i32
        %cond3A_81 = arith.cmpi ne, %convert_element_type3A_79, %cond3A_80 : i32
        scf.if %cond3A_81 {
          %add3A_167 = arith.constant 4 : i32
          %add3A_168 = arith.addi %add3A_68, %add3A_167 : i32
          %dma_start3A_169 = arith.constant 0 : i32
          %dma_start3A_170 = arith.constant 0 : i32
          %dma_start3A_171 = arith.constant 0 : i32
          %dma_start3A_172 = tpu.memref_slice %arg4[%arg1, %dma_start3A_169, %dma_start3A_170, %dma_start3A_171] : memref<16x160x2x125xi32, #tpu.memory_space<hbm>> -> memref<1x160x2x125xi32, #tpu.memory_space<hbm>>
          %dma_start3A_173 = tpu.memref_squeeze %dma_start3A_172 : memref<1x160x2x125xi32, #tpu.memory_space<hbm>> -> memref<160x2x125xi32, #tpu.memory_space<hbm>>
          %dma_start3A_174 = arith.constant 0 : i32
          %dma_start3A_175 = arith.constant 0 : i32
          %dma_start3A_176 = tpu.memref_slice %dma_start3A_173[%add3A_168, %dma_start3A_174, %dma_start3A_175] : memref<160x2x125xi32, #tpu.memory_space<hbm>> -> memref<1x2x125xi32, #tpu.memory_space<hbm>>
          %dma_start3A_177 = tpu.memref_squeeze %dma_start3A_176 : memref<1x2x125xi32, #tpu.memory_space<hbm>> -> memref<2x125xi32, #tpu.memory_space<hbm>>
          %dma_start3A_178 = arith.constant 0 : i32
          %dma_start3A_179 = arith.constant 0 : i32
          %dma_start3A_180 = arith.constant 0 : i32
          %dma_start3A_181 = tpu.memref_slice %arg4[%arg1, %dma_start3A_178, %dma_start3A_179, %dma_start3A_180] : memref<16x160x2x125xi32, #tpu.memory_space<hbm>> -> memref<1x160x2x125xi32, #tpu.memory_space<hbm>>
          %dma_start3A_182 = tpu.memref_squeeze %dma_start3A_181 : memref<1x160x2x125xi32, #tpu.memory_space<hbm>> -> memref<160x2x125xi32, #tpu.memory_space<hbm>>
          %dma_start3A_183 = arith.constant 0 : i32
          %dma_start3A_184 = arith.constant 0 : i32
          %dma_start3A_185 = tpu.memref_slice %dma_start3A_182[%add3A_168, %dma_start3A_183, %dma_start3A_184] : memref<160x2x125xi32, #tpu.memory_space<hbm>> -> memref<1x2x125xi32, #tpu.memory_space<hbm>>
          %dma_start3A_186 = tpu.memref_squeeze %dma_start3A_185 : memref<1x2x125xi32, #tpu.memory_space<hbm>> -> memref<2x125xi32, #tpu.memory_space<hbm>>
          tpu.enqueue_dma source(%dma_start3A_186 : memref<2x125xi32, #tpu.memory_space<hbm>>) target(%arg8 : memref<2x125xi32, #tpu.memory_space<vmem>>) target_semaphore(%arg12 : memref<!tpu.dma_semaphore, #tpu.memory_space<semaphore_mem>>)
        } else {
        }
        %add3A_82 = arith.constant 2 : i32
        %add3A_83 = arith.addi %add3A_68, %add3A_82 : i32
        %lt3A_84 = arith.constant 160 : i32
        %lt3A_85 = arith.cmpi slt, %add3A_83, %lt3A_84 : i32
        %convert_element_type3A_86 = arith.extui %lt3A_85 : i1 to i32
        %cond3A_87 = arith.constant 0 : i32
        %cond3A_88 = arith.cmpi ne, %convert_element_type3A_86, %cond3A_87 : i32
        scf.if %cond3A_88 {
          %dma_wait3A_167 = arith.constant 0 : i32
          %dma_wait3A_168 = arith.constant 0 : i32
          %dma_wait3A_169 = arith.constant 0 : i32
          %dma_wait3A_170 = arith.constant 0 : i32
          %dma_wait3A_171 = tpu.memref_slice %arg4[%arg1, %dma_wait3A_168, %dma_wait3A_169, %dma_wait3A_170] : memref<16x160x2x125xi32, #tpu.memory_space<hbm>> -> memref<1x160x2x125xi32, #tpu.memory_space<hbm>>
          %dma_wait3A_172 = tpu.memref_squeeze %dma_wait3A_171 : memref<1x160x2x125xi32, #tpu.memory_space<hbm>> -> memref<160x2x125xi32, #tpu.memory_space<hbm>>
          %dma_wait3A_173 = arith.constant 0 : i32
          %dma_wait3A_174 = arith.constant 0 : i32
          %dma_wait3A_175 = tpu.memref_slice %dma_wait3A_172[%dma_wait3A_167, %dma_wait3A_173, %dma_wait3A_174] : memref<160x2x125xi32, #tpu.memory_space<hbm>> -> memref<1x2x125xi32, #tpu.memory_space<hbm>>
          %dma_wait3A_176 = tpu.memref_squeeze %dma_wait3A_175 : memref<1x2x125xi32, #tpu.memory_space<hbm>> -> memref<2x125xi32, #tpu.memory_space<hbm>>
          %dma_wait3A_177 = arith.constant 0 : i32
          %dma_wait3A_178 = arith.constant 0 : i32
          %dma_wait3A_179 = arith.constant 0 : i32
          %dma_wait3A_180 = tpu.memref_slice %arg4[%arg1, %dma_wait3A_177, %dma_wait3A_178, %dma_wait3A_179] : memref<16x160x2x125xi32, #tpu.memory_space<hbm>> -> memref<1x160x2x125xi32, #tpu.memory_space<hbm>>
          %dma_wait3A_181 = tpu.memref_squeeze %dma_wait3A_180 : memref<1x160x2x125xi32, #tpu.memory_space<hbm>> -> memref<160x2x125xi32, #tpu.memory_space<hbm>>
          %dma_wait3A_182 = arith.constant 0 : i32
          %dma_wait3A_183 = arith.constant 0 : i32
          %dma_wait3A_184 = tpu.memref_slice %dma_wait3A_181[%dma_wait3A_167, %dma_wait3A_182, %dma_wait3A_183] : memref<160x2x125xi32, #tpu.memory_space<hbm>> -> memref<1x2x125xi32, #tpu.memory_space<hbm>>
          %dma_wait3A_185 = tpu.memref_squeeze %dma_wait3A_184 : memref<1x2x125xi32, #tpu.memory_space<hbm>> -> memref<2x125xi32, #tpu.memory_space<hbm>>
          tpu.wait_dma2 semaphore(%arg14 : memref<!tpu.dma_semaphore, #tpu.memory_space<semaphore_mem>>) src(%dma_wait3A_185 : memref<2x125xi32, #tpu.memory_space<hbm>>) dst(%arg10 : memref<2x125xi32, #tpu.memory_space<vmem>>)
          %dma_start3A_186 = arith.constant 0 : i32
          %dma_start3A_187 = arith.constant 0 : i32
          %dma_start3A_188 = tpu.memref_slice %arg10[%dma_start3A_186, %dma_start3A_187] : memref<2x125xi32, #tpu.memory_space<vmem>> -> memref<1x125xi32, #tpu.memory_space<vmem>>
          %dma_start3A_189 = tpu.memref_squeeze %dma_start3A_188 : memref<1x125xi32, #tpu.memory_space<vmem>> -> memref<125xi32, #tpu.memory_space<vmem>>
          %dma_start3A_190 = arith.constant 0 : i32
          %dma_start3A_191 = arith.constant 0 : i32
          %dma_start3A_192 = tpu.memref_slice %arg2[%dma_start3A_190, %dma_start3A_191] : memref<10000x128xf32, #tpu.memory_space<hbm>> -> memref<10000x128xf32, #tpu.memory_space<hbm>>
          tpu.enqueue_indirect_dma source(%dma_start3A_192 : memref<10000x128xf32, #tpu.memory_space<hbm>>) target(%arg16 : memref<125x128xf32, #tpu.memory_space<vmem>>) offsets(%dma_start3A_189 : memref<125xi32, #tpu.memory_space<vmem>>) semaphore(%arg18 : memref<!tpu.dma_semaphore, #tpu.memory_space<semaphore_mem>>)
        } else {
        }
        %mul3A_89 = arith.constant 4 : i32
        %mul3A_90 = arith.muli %mul3A_89, %scan3A_65 : i32
        %add3A_91 = arith.constant 1 : i32
        %add3A_92 = arith.addi %mul3A_90, %add3A_91 : i32
        %dma_wait3A_93 = arith.constant 0 : i32
        %dma_wait3A_94 = arith.constant 0 : i32
        %dma_wait3A_95 = tpu.memref_slice %arg9[%dma_wait3A_93, %dma_wait3A_94] : memref<2x125xi32, #tpu.memory_space<vmem>> -> memref<1x125xi32, #tpu.memory_space<vmem>>
        %dma_wait3A_96 = tpu.memref_squeeze %dma_wait3A_95 : memref<1x125xi32, #tpu.memory_space<vmem>> -> memref<125xi32, #tpu.memory_space<vmem>>
        %dma_wait3A_97 = arith.constant 0 : i32
        %dma_wait3A_98 = arith.constant 0 : i32
        %dma_wait3A_99 = tpu.memref_slice %arg2[%dma_wait3A_97, %dma_wait3A_98] : memref<10000x128xf32, #tpu.memory_space<hbm>> -> memref<10000x128xf32, #tpu.memory_space<hbm>>
        tpu.wait_indirect_dma semaphore(%arg19 : memref<!tpu.dma_semaphore, #tpu.memory_space<semaphore_mem>>) src(%dma_wait3A_99 : memref<10000x128xf32, #tpu.memory_space<hbm>>) dst(%arg17 : memref<125x128xf32, #tpu.memory_space<vmem>>)
        %run_scoped3A_100 = arith.constant 1 : i32
        "tpu.region"() ({
          %run_scoped3A_167 = tpu.sem_alloc : memref<!tpu.dma_semaphore, #tpu.memory_space<semaphore_mem>>
          %dma_start3A_168 = arith.constant 0 : i32
          %dma_start3A_169 = tpu.memref_slice %arg9[%run_scoped3A_100, %dma_start3A_168] : memref<2x125xi32, #tpu.memory_space<vmem>> -> memref<1x125xi32, #tpu.memory_space<vmem>>
          %dma_start3A_170 = tpu.memref_squeeze %dma_start3A_169 : memref<1x125xi32, #tpu.memory_space<vmem>> -> memref<125xi32, #tpu.memory_space<vmem>>
          %dma_start3A_171 = arith.constant 0 : i32
          %dma_start3A_172 = arith.constant 0 : i32
          %dma_start3A_173 = tpu.memref_slice %arg20[%dma_start3A_171, %dma_start3A_172] : memref<10240x128xf32, #tpu.memory_space<vmem_shared>> -> memref<10240x128xf32, #tpu.memory_space<vmem_shared>>
          tpu.enqueue_indirect_dma source(%arg17 : memref<125x128xf32, #tpu.memory_space<vmem>>) target(%dma_start3A_173 : memref<10240x128xf32, #tpu.memory_space<vmem_shared>>) offsets(%dma_start3A_170 : memref<125xi32, #tpu.memory_space<vmem>>) semaphore(%run_scoped3A_167 : memref<!tpu.dma_semaphore, #tpu.memory_space<semaphore_mem>>) {add = true}
          %dma_wait3A_174 = arith.constant 0 : i32
          %dma_wait3A_175 = tpu.memref_slice %arg9[%run_scoped3A_100, %dma_wait3A_174] : memref<2x125xi32, #tpu.memory_space<vmem>> -> memref<1x125xi32, #tpu.memory_space<vmem>>
          %dma_wait3A_176 = tpu.memref_squeeze %dma_wait3A_175 : memref<1x125xi32, #tpu.memory_space<vmem>> -> memref<125xi32, #tpu.memory_space<vmem>>
          %dma_wait3A_177 = arith.constant 0 : i32
          %dma_wait3A_178 = arith.constant 0 : i32
          %dma_wait3A_179 = tpu.memref_slice %arg20[%dma_wait3A_177, %dma_wait3A_178] : memref<10240x128xf32, #tpu.memory_space<vmem_shared>> -> memref<10240x128xf32, #tpu.memory_space<vmem_shared>>
          tpu.wait_indirect_dma semaphore(%run_scoped3A_167 : memref<!tpu.dma_semaphore, #tpu.memory_space<semaphore_mem>>) src(%arg17 : memref<125x128xf32, #tpu.memory_space<vmem>>) dst(%dma_wait3A_179 : memref<10240x128xf32, #tpu.memory_space<vmem_shared>>)
          tpu.yield
        }) : () -> ()
        %add3A_101 = arith.constant 4 : i32
        %add3A_102 = arith.addi %add3A_92, %add3A_101 : i32
        %lt3A_103 = arith.constant 160 : i32
        %lt3A_104 = arith.cmpi slt, %add3A_102, %lt3A_103 : i32
        %convert_element_type3A_105 = arith.extui %lt3A_104 : i1 to i32
        %cond3A_106 = arith.constant 0 : i32
        %cond3A_107 = arith.cmpi ne, %convert_element_type3A_105, %cond3A_106 : i32
        scf.if %cond3A_107 {
          %add3A_167 = arith.constant 4 : i32
          %add3A_168 = arith.addi %add3A_92, %add3A_167 : i32
          %dma_start3A_169 = arith.constant 0 : i32
          %dma_start3A_170 = arith.constant 0 : i32
          %dma_start3A_171 = arith.constant 0 : i32
          %dma_start3A_172 = tpu.memref_slice %arg4[%arg1, %dma_start3A_169, %dma_start3A_170, %dma_start3A_171] : memref<16x160x2x125xi32, #tpu.memory_space<hbm>> -> memref<1x160x2x125xi32, #tpu.memory_space<hbm>>
          %dma_start3A_173 = tpu.memref_squeeze %dma_start3A_172 : memref<1x160x2x125xi32, #tpu.memory_space<hbm>> -> memref<160x2x125xi32, #tpu.memory_space<hbm>>
          %dma_start3A_174 = arith.constant 0 : i32
          %dma_start3A_175 = arith.constant 0 : i32
          %dma_start3A_176 = tpu.memref_slice %dma_start3A_173[%add3A_168, %dma_start3A_174, %dma_start3A_175] : memref<160x2x125xi32, #tpu.memory_space<hbm>> -> memref<1x2x125xi32, #tpu.memory_space<hbm>>
          %dma_start3A_177 = tpu.memref_squeeze %dma_start3A_176 : memref<1x2x125xi32, #tpu.memory_space<hbm>> -> memref<2x125xi32, #tpu.memory_space<hbm>>
          %dma_start3A_178 = arith.constant 0 : i32
          %dma_start3A_179 = arith.constant 0 : i32
          %dma_start3A_180 = arith.constant 0 : i32
          %dma_start3A_181 = tpu.memref_slice %arg4[%arg1, %dma_start3A_178, %dma_start3A_179, %dma_start3A_180] : memref<16x160x2x125xi32, #tpu.memory_space<hbm>> -> memref<1x160x2x125xi32, #tpu.memory_space<hbm>>
          %dma_start3A_182 = tpu.memref_squeeze %dma_start3A_181 : memref<1x160x2x125xi32, #tpu.memory_space<hbm>> -> memref<160x2x125xi32, #tpu.memory_space<hbm>>
          %dma_start3A_183 = arith.constant 0 : i32
          %dma_start3A_184 = arith.constant 0 : i32
          %dma_start3A_185 = tpu.memref_slice %dma_start3A_182[%add3A_168, %dma_start3A_183, %dma_start3A_184] : memref<160x2x125xi32, #tpu.memory_space<hbm>> -> memref<1x2x125xi32, #tpu.memory_space<hbm>>
          %dma_start3A_186 = tpu.memref_squeeze %dma_start3A_185 : memref<1x2x125xi32, #tpu.memory_space<hbm>> -> memref<2x125xi32, #tpu.memory_space<hbm>>
          tpu.enqueue_dma source(%dma_start3A_186 : memref<2x125xi32, #tpu.memory_space<hbm>>) target(%arg9 : memref<2x125xi32, #tpu.memory_space<vmem>>) target_semaphore(%arg13 : memref<!tpu.dma_semaphore, #tpu.memory_space<semaphore_mem>>)
        } else {
        }
        %add3A_108 = arith.constant 2 : i32
        %add3A_109 = arith.addi %add3A_92, %add3A_108 : i32
        %lt3A_110 = arith.constant 160 : i32
        %lt3A_111 = arith.cmpi slt, %add3A_109, %lt3A_110 : i32
        %convert_element_type3A_112 = arith.extui %lt3A_111 : i1 to i32
        %cond3A_113 = arith.constant 0 : i32
        %cond3A_114 = arith.cmpi ne, %convert_element_type3A_112, %cond3A_113 : i32
        scf.if %cond3A_114 {
          %dma_wait3A_167 = arith.constant 0 : i32
          %dma_wait3A_168 = arith.constant 0 : i32
          %dma_wait3A_169 = arith.constant 0 : i32
          %dma_wait3A_170 = arith.constant 0 : i32
          %dma_wait3A_171 = tpu.memref_slice %arg4[%arg1, %dma_wait3A_168, %dma_wait3A_169, %dma_wait3A_170] : memref<16x160x2x125xi32, #tpu.memory_space<hbm>> -> memref<1x160x2x125xi32, #tpu.memory_space<hbm>>
          %dma_wait3A_172 = tpu.memref_squeeze %dma_wait3A_171 : memref<1x160x2x125xi32, #tpu.memory_space<hbm>> -> memref<160x2x125xi32, #tpu.memory_space<hbm>>
          %dma_wait3A_173 = arith.constant 0 : i32
          %dma_wait3A_174 = arith.constant 0 : i32
          %dma_wait3A_175 = tpu.memref_slice %dma_wait3A_172[%dma_wait3A_167, %dma_wait3A_173, %dma_wait3A_174] : memref<160x2x125xi32, #tpu.memory_space<hbm>> -> memref<1x2x125xi32, #tpu.memory_space<hbm>>
          %dma_wait3A_176 = tpu.memref_squeeze %dma_wait3A_175 : memref<1x2x125xi32, #tpu.memory_space<hbm>> -> memref<2x125xi32, #tpu.memory_space<hbm>>
          %dma_wait3A_177 = arith.constant 0 : i32
          %dma_wait3A_178 = arith.constant 0 : i32
          %dma_wait3A_179 = arith.constant 0 : i32
          %dma_wait3A_180 = tpu.memref_slice %arg4[%arg1, %dma_wait3A_177, %dma_wait3A_178, %dma_wait3A_179] : memref<16x160x2x125xi32, #tpu.memory_space<hbm>> -> memref<1x160x2x125xi32, #tpu.memory_space<hbm>>
          %dma_wait3A_181 = tpu.memref_squeeze %dma_wait3A_180 : memref<1x160x2x125xi32, #tpu.memory_space<hbm>> -> memref<160x2x125xi32, #tpu.memory_space<hbm>>
          %dma_wait3A_182 = arith.constant 0 : i32
          %dma_wait3A_183 = arith.constant 0 : i32
          %dma_wait3A_184 = tpu.memref_slice %dma_wait3A_181[%dma_wait3A_167, %dma_wait3A_182, %dma_wait3A_183] : memref<160x2x125xi32, #tpu.memory_space<hbm>> -> memref<1x2x125xi32, #tpu.memory_space<hbm>>
          %dma_wait3A_185 = tpu.memref_squeeze %dma_wait3A_184 : memref<1x2x125xi32, #tpu.memory_space<hbm>> -> memref<2x125xi32, #tpu.memory_space<hbm>>
          tpu.wait_dma2 semaphore(%arg15 : memref<!tpu.dma_semaphore, #tpu.memory_space<semaphore_mem>>) src(%dma_wait3A_185 : memref<2x125xi32, #tpu.memory_space<hbm>>) dst(%arg11 : memref<2x125xi32, #tpu.memory_space<vmem>>)
          %dma_start3A_186 = arith.constant 0 : i32
          %dma_start3A_187 = arith.constant 0 : i32
          %dma_start3A_188 = tpu.memref_slice %arg11[%dma_start3A_186, %dma_start3A_187] : memref<2x125xi32, #tpu.memory_space<vmem>> -> memref<1x125xi32, #tpu.memory_space<vmem>>
          %dma_start3A_189 = tpu.memref_squeeze %dma_start3A_188 : memref<1x125xi32, #tpu.memory_space<vmem>> -> memref<125xi32, #tpu.memory_space<vmem>>
          %dma_start3A_190 = arith.constant 0 : i32
          %dma_start3A_191 = arith.constant 0 : i32
          %dma_start3A_192 = tpu.memref_slice %arg2[%dma_start3A_190, %dma_start3A_191] : memref<10000x128xf32, #tpu.memory_space<hbm>> -> memref<10000x128xf32, #tpu.memory_space<hbm>>
          tpu.enqueue_indirect_dma source(%dma_start3A_192 : memref<10000x128xf32, #tpu.memory_space<hbm>>) target(%arg17 : memref<125x128xf32, #tpu.memory_space<vmem>>) offsets(%dma_start3A_189 : memref<125xi32, #tpu.memory_space<vmem>>) semaphore(%arg19 : memref<!tpu.dma_semaphore, #tpu.memory_space<semaphore_mem>>)
        } else {
        }
        %mul3A_115 = arith.constant 4 : i32
        %mul3A_116 = arith.muli %mul3A_115, %scan3A_65 : i32
        %add3A_117 = arith.constant 2 : i32
        %add3A_118 = arith.addi %mul3A_116, %add3A_117 : i32
        %dma_wait3A_119 = arith.constant 0 : i32
        %dma_wait3A_120 = arith.constant 0 : i32
        %dma_wait3A_121 = tpu.memref_slice %arg10[%dma_wait3A_119, %dma_wait3A_120] : memref<2x125xi32, #tpu.memory_space<vmem>> -> memref<1x125xi32, #tpu.memory_space<vmem>>
        %dma_wait3A_122 = tpu.memref_squeeze %dma_wait3A_121 : memref<1x125xi32, #tpu.memory_space<vmem>> -> memref<125xi32, #tpu.memory_space<vmem>>
        %dma_wait3A_123 = arith.constant 0 : i32
        %dma_wait3A_124 = arith.constant 0 : i32
        %dma_wait3A_125 = tpu.memref_slice %arg2[%dma_wait3A_123, %dma_wait3A_124] : memref<10000x128xf32, #tpu.memory_space<hbm>> -> memref<10000x128xf32, #tpu.memory_space<hbm>>
        tpu.wait_indirect_dma semaphore(%arg18 : memref<!tpu.dma_semaphore, #tpu.memory_space<semaphore_mem>>) src(%dma_wait3A_125 : memref<10000x128xf32, #tpu.memory_space<hbm>>) dst(%arg16 : memref<125x128xf32, #tpu.memory_space<vmem>>)
        %run_scoped3A_126 = arith.constant 1 : i32
        "tpu.region"() ({
          %run_scoped3A_167 = tpu.sem_alloc : memref<!tpu.dma_semaphore, #tpu.memory_space<semaphore_mem>>
          %dma_start3A_168 = arith.constant 0 : i32
          %dma_start3A_169 = tpu.memref_slice %arg10[%run_scoped3A_126, %dma_start3A_168] : memref<2x125xi32, #tpu.memory_space<vmem>> -> memref<1x125xi32, #tpu.memory_space<vmem>>
          %dma_start3A_170 = tpu.memref_squeeze %dma_start3A_169 : memref<1x125xi32, #tpu.memory_space<vmem>> -> memref<125xi32, #tpu.memory_space<vmem>>
          %dma_start3A_171 = arith.constant 0 : i32
          %dma_start3A_172 = arith.constant 0 : i32
          %dma_start3A_173 = tpu.memref_slice %arg20[%dma_start3A_171, %dma_start3A_172] : memref<10240x128xf32, #tpu.memory_space<vmem_shared>> -> memref<10240x128xf32, #tpu.memory_space<vmem_shared>>
          tpu.enqueue_indirect_dma source(%arg16 : memref<125x128xf32, #tpu.memory_space<vmem>>) target(%dma_start3A_173 : memref<10240x128xf32, #tpu.memory_space<vmem_shared>>) offsets(%dma_start3A_170 : memref<125xi32, #tpu.memory_space<vmem>>) semaphore(%run_scoped3A_167 : memref<!tpu.dma_semaphore, #tpu.memory_space<semaphore_mem>>) {add = true}
          %dma_wait3A_174 = arith.constant 0 : i32
          %dma_wait3A_175 = tpu.memref_slice %arg10[%run_scoped3A_126, %dma_wait3A_174] : memref<2x125xi32, #tpu.memory_space<vmem>> -> memref<1x125xi32, #tpu.memory_space<vmem>>
          %dma_wait3A_176 = tpu.memref_squeeze %dma_wait3A_175 : memref<1x125xi32, #tpu.memory_space<vmem>> -> memref<125xi32, #tpu.memory_space<vmem>>
          %dma_wait3A_177 = arith.constant 0 : i32
          %dma_wait3A_178 = arith.constant 0 : i32
          %dma_wait3A_179 = tpu.memref_slice %arg20[%dma_wait3A_177, %dma_wait3A_178] : memref<10240x128xf32, #tpu.memory_space<vmem_shared>> -> memref<10240x128xf32, #tpu.memory_space<vmem_shared>>
          tpu.wait_indirect_dma semaphore(%run_scoped3A_167 : memref<!tpu.dma_semaphore, #tpu.memory_space<semaphore_mem>>) src(%arg16 : memref<125x128xf32, #tpu.memory_space<vmem>>) dst(%dma_wait3A_179 : memref<10240x128xf32, #tpu.memory_space<vmem_shared>>)
          tpu.yield
        }) : () -> ()
        %add3A_127 = arith.constant 4 : i32
        %add3A_128 = arith.addi %add3A_118, %add3A_127 : i32
        %lt3A_129 = arith.constant 160 : i32
        %lt3A_130 = arith.cmpi slt, %add3A_128, %lt3A_129 : i32
        %convert_element_type3A_131 = arith.extui %lt3A_130 : i1 to i32
        %cond3A_132 = arith.constant 0 : i32
        %cond3A_133 = arith.cmpi ne, %convert_element_type3A_131, %cond3A_132 : i32
        scf.if %cond3A_133 {
          %add3A_167 = arith.constant 4 : i32
          %add3A_168 = arith.addi %add3A_118, %add3A_167 : i32
          %dma_start3A_169 = arith.constant 0 : i32
          %dma_start3A_170 = arith.constant 0 : i32
          %dma_start3A_171 = arith.constant 0 : i32
          %dma_start3A_172 = tpu.memref_slice %arg4[%arg1, %dma_start3A_169, %dma_start3A_170, %dma_start3A_171] : memref<16x160x2x125xi32, #tpu.memory_space<hbm>> -> memref<1x160x2x125xi32, #tpu.memory_space<hbm>>
          %dma_start3A_173 = tpu.memref_squeeze %dma_start3A_172 : memref<1x160x2x125xi32, #tpu.memory_space<hbm>> -> memref<160x2x125xi32, #tpu.memory_space<hbm>>
          %dma_start3A_174 = arith.constant 0 : i32
          %dma_start3A_175 = arith.constant 0 : i32
          %dma_start3A_176 = tpu.memref_slice %dma_start3A_173[%add3A_168, %dma_start3A_174, %dma_start3A_175] : memref<160x2x125xi32, #tpu.memory_space<hbm>> -> memref<1x2x125xi32, #tpu.memory_space<hbm>>
          %dma_start3A_177 = tpu.memref_squeeze %dma_start3A_176 : memref<1x2x125xi32, #tpu.memory_space<hbm>> -> memref<2x125xi32, #tpu.memory_space<hbm>>
          %dma_start3A_178 = arith.constant 0 : i32
          %dma_start3A_179 = arith.constant 0 : i32
          %dma_start3A_180 = arith.constant 0 : i32
          %dma_start3A_181 = tpu.memref_slice %arg4[%arg1, %dma_start3A_178, %dma_start3A_179, %dma_start3A_180] : memref<16x160x2x125xi32, #tpu.memory_space<hbm>> -> memref<1x160x2x125xi32, #tpu.memory_space<hbm>>
          %dma_start3A_182 = tpu.memref_squeeze %dma_start3A_181 : memref<1x160x2x125xi32, #tpu.memory_space<hbm>> -> memref<160x2x125xi32, #tpu.memory_space<hbm>>
          %dma_start3A_183 = arith.constant 0 : i32
          %dma_start3A_184 = arith.constant 0 : i32
          %dma_start3A_185 = tpu.memref_slice %dma_start3A_182[%add3A_168, %dma_start3A_183, %dma_start3A_184] : memref<160x2x125xi32, #tpu.memory_space<hbm>> -> memref<1x2x125xi32, #tpu.memory_space<hbm>>
          %dma_start3A_186 = tpu.memref_squeeze %dma_start3A_185 : memref<1x2x125xi32, #tpu.memory_space<hbm>> -> memref<2x125xi32, #tpu.memory_space<hbm>>
          tpu.enqueue_dma source(%dma_start3A_186 : memref<2x125xi32, #tpu.memory_space<hbm>>) target(%arg10 : memref<2x125xi32, #tpu.memory_space<vmem>>) target_semaphore(%arg14 : memref<!tpu.dma_semaphore, #tpu.memory_space<semaphore_mem>>)
        } else {
        }
        %add3A_134 = arith.constant 2 : i32
        %add3A_135 = arith.addi %add3A_118, %add3A_134 : i32
        %lt3A_136 = arith.constant 160 : i32
        %lt3A_137 = arith.cmpi slt, %add3A_135, %lt3A_136 : i32
        %convert_element_type3A_138 = arith.extui %lt3A_137 : i1 to i32
        %cond3A_139 = arith.constant 0 : i32
        %cond3A_140 = arith.cmpi ne, %convert_element_type3A_138, %cond3A_139 : i32
        scf.if %cond3A_140 {
          %dma_wait3A_167 = arith.constant 0 : i32
          %dma_wait3A_168 = arith.constant 0 : i32
          %dma_wait3A_169 = arith.constant 0 : i32
          %dma_wait3A_170 = arith.constant 0 : i32
          %dma_wait3A_171 = tpu.memref_slice %arg4[%arg1, %dma_wait3A_168, %dma_wait3A_169, %dma_wait3A_170] : memref<16x160x2x125xi32, #tpu.memory_space<hbm>> -> memref<1x160x2x125xi32, #tpu.memory_space<hbm>>
          %dma_wait3A_172 = tpu.memref_squeeze %dma_wait3A_171 : memref<1x160x2x125xi32, #tpu.memory_space<hbm>> -> memref<160x2x125xi32, #tpu.memory_space<hbm>>
          %dma_wait3A_173 = arith.constant 0 : i32
          %dma_wait3A_174 = arith.constant 0 : i32
          %dma_wait3A_175 = tpu.memref_slice %dma_wait3A_172[%dma_wait3A_167, %dma_wait3A_173, %dma_wait3A_174] : memref<160x2x125xi32, #tpu.memory_space<hbm>> -> memref<1x2x125xi32, #tpu.memory_space<hbm>>
          %dma_wait3A_176 = tpu.memref_squeeze %dma_wait3A_175 : memref<1x2x125xi32, #tpu.memory_space<hbm>> -> memref<2x125xi32, #tpu.memory_space<hbm>>
          %dma_wait3A_177 = arith.constant 0 : i32
          %dma_wait3A_178 = arith.constant 0 : i32
          %dma_wait3A_179 = arith.constant 0 : i32
          %dma_wait3A_180 = tpu.memref_slice %arg4[%arg1, %dma_wait3A_177, %dma_wait3A_178, %dma_wait3A_179] : memref<16x160x2x125xi32, #tpu.memory_space<hbm>> -> memref<1x160x2x125xi32, #tpu.memory_space<hbm>>
          %dma_wait3A_181 = tpu.memref_squeeze %dma_wait3A_180 : memref<1x160x2x125xi32, #tpu.memory_space<hbm>> -> memref<160x2x125xi32, #tpu.memory_space<hbm>>
          %dma_wait3A_182 = arith.constant 0 : i32
          %dma_wait3A_183 = arith.constant 0 : i32
          %dma_wait3A_184 = tpu.memref_slice %dma_wait3A_181[%dma_wait3A_167, %dma_wait3A_182, %dma_wait3A_183] : memref<160x2x125xi32, #tpu.memory_space<hbm>> -> memref<1x2x125xi32, #tpu.memory_space<hbm>>
          %dma_wait3A_185 = tpu.memref_squeeze %dma_wait3A_184 : memref<1x2x125xi32, #tpu.memory_space<hbm>> -> memref<2x125xi32, #tpu.memory_space<hbm>>
          tpu.wait_dma2 semaphore(%arg12 : memref<!tpu.dma_semaphore, #tpu.memory_space<semaphore_mem>>) src(%dma_wait3A_185 : memref<2x125xi32, #tpu.memory_space<hbm>>) dst(%arg8 : memref<2x125xi32, #tpu.memory_space<vmem>>)
          %dma_start3A_186 = arith.constant 0 : i32
          %dma_start3A_187 = arith.constant 0 : i32
          %dma_start3A_188 = tpu.memref_slice %arg8[%dma_start3A_186, %dma_start3A_187] : memref<2x125xi32, #tpu.memory_space<vmem>> -> memref<1x125xi32, #tpu.memory_space<vmem>>
          %dma_start3A_189 = tpu.memref_squeeze %dma_start3A_188 : memref<1x125xi32, #tpu.memory_space<vmem>> -> memref<125xi32, #tpu.memory_space<vmem>>
          %dma_start3A_190 = arith.constant 0 : i32
          %dma_start3A_191 = arith.constant 0 : i32
          %dma_start3A_192 = tpu.memref_slice %arg2[%dma_start3A_190, %dma_start3A_191] : memref<10000x128xf32, #tpu.memory_space<hbm>> -> memref<10000x128xf32, #tpu.memory_space<hbm>>
          tpu.enqueue_indirect_dma source(%dma_start3A_192 : memref<10000x128xf32, #tpu.memory_space<hbm>>) target(%arg16 : memref<125x128xf32, #tpu.memory_space<vmem>>) offsets(%dma_start3A_189 : memref<125xi32, #tpu.memory_space<vmem>>) semaphore(%arg18 : memref<!tpu.dma_semaphore, #tpu.memory_space<semaphore_mem>>)
        } else {
        }
        %mul3A_141 = arith.constant 4 : i32
        %mul3A_142 = arith.muli %mul3A_141, %scan3A_65 : i32
        %add3A_143 = arith.constant 3 : i32
        %add3A_144 = arith.addi %mul3A_142, %add3A_143 : i32
        %dma_wait3A_145 = arith.constant 0 : i32
        %dma_wait3A_146 = arith.constant 0 : i32
        %dma_wait3A_147 = tpu.memref_slice %arg11[%dma_wait3A_145, %dma_wait3A_146] : memref<2x125xi32, #tpu.memory_space<vmem>> -> memref<1x125xi32, #tpu.memory_space<vmem>>
        %dma_wait3A_148 = tpu.memref_squeeze %dma_wait3A_147 : memref<1x125xi32, #tpu.memory_space<vmem>> -> memref<125xi32, #tpu.memory_space<vmem>>
        %dma_wait3A_149 = arith.constant 0 : i32
        %dma_wait3A_150 = arith.constant 0 : i32
        %dma_wait3A_151 = tpu.memref_slice %arg2[%dma_wait3A_149, %dma_wait3A_150] : memref<10000x128xf32, #tpu.memory_space<hbm>> -> memref<10000x128xf32, #tpu.memory_space<hbm>>
        tpu.wait_indirect_dma semaphore(%arg19 : memref<!tpu.dma_semaphore, #tpu.memory_space<semaphore_mem>>) src(%dma_wait3A_151 : memref<10000x128xf32, #tpu.memory_space<hbm>>) dst(%arg17 : memref<125x128xf32, #tpu.memory_space<vmem>>)
        %run_scoped3A_152 = arith.constant 1 : i32
        "tpu.region"() ({
          %run_scoped3A_167 = tpu.sem_alloc : memref<!tpu.dma_semaphore, #tpu.memory_space<semaphore_mem>>
          %dma_start3A_168 = arith.constant 0 : i32
          %dma_start3A_169 = tpu.memref_slice %arg11[%run_scoped3A_152, %dma_start3A_168] : memref<2x125xi32, #tpu.memory_space<vmem>> -> memref<1x125xi32, #tpu.memory_space<vmem>>
          %dma_start3A_170 = tpu.memref_squeeze %dma_start3A_169 : memref<1x125xi32, #tpu.memory_space<vmem>> -> memref<125xi32, #tpu.memory_space<vmem>>
          %dma_start3A_171 = arith.constant 0 : i32
          %dma_start3A_172 = arith.constant 0 : i32
          %dma_start3A_173 = tpu.memref_slice %arg20[%dma_start3A_171, %dma_start3A_172] : memref<10240x128xf32, #tpu.memory_space<vmem_shared>> -> memref<10240x128xf32, #tpu.memory_space<vmem_shared>>
          tpu.enqueue_indirect_dma source(%arg17 : memref<125x128xf32, #tpu.memory_space<vmem>>) target(%dma_start3A_173 : memref<10240x128xf32, #tpu.memory_space<vmem_shared>>) offsets(%dma_start3A_170 : memref<125xi32, #tpu.memory_space<vmem>>) semaphore(%run_scoped3A_167 : memref<!tpu.dma_semaphore, #tpu.memory_space<semaphore_mem>>) {add = true}
          %dma_wait3A_174 = arith.constant 0 : i32
          %dma_wait3A_175 = tpu.memref_slice %arg11[%run_scoped3A_152, %dma_wait3A_174] : memref<2x125xi32, #tpu.memory_space<vmem>> -> memref<1x125xi32, #tpu.memory_space<vmem>>
          %dma_wait3A_176 = tpu.memref_squeeze %dma_wait3A_175 : memref<1x125xi32, #tpu.memory_space<vmem>> -> memref<125xi32, #tpu.memory_space<vmem>>
          %dma_wait3A_177 = arith.constant 0 : i32
          %dma_wait3A_178 = arith.constant 0 : i32
          %dma_wait3A_179 = tpu.memref_slice %arg20[%dma_wait3A_177, %dma_wait3A_178] : memref<10240x128xf32, #tpu.memory_space<vmem_shared>> -> memref<10240x128xf32, #tpu.memory_space<vmem_shared>>
          tpu.wait_indirect_dma semaphore(%run_scoped3A_167 : memref<!tpu.dma_semaphore, #tpu.memory_space<semaphore_mem>>) src(%arg17 : memref<125x128xf32, #tpu.memory_space<vmem>>) dst(%dma_wait3A_179 : memref<10240x128xf32, #tpu.memory_space<vmem_shared>>)
          tpu.yield
        }) : () -> ()
        %add3A_153 = arith.constant 4 : i32
        %add3A_154 = arith.addi %add3A_144, %add3A_153 : i32
        %lt3A_155 = arith.constant 160 : i32
        %lt3A_156 = arith.cmpi slt, %add3A_154, %lt3A_155 : i32
        %convert_element_type3A_157 = arith.extui %lt3A_156 : i1 to i32
        %cond3A_158 = arith.constant 0 : i32
        %cond3A_159 = arith.cmpi ne, %convert_element_type3A_157, %cond3A_158 : i32
        scf.if %cond3A_159 {
          %add3A_167 = arith.constant 4 : i32
          %add3A_168 = arith.addi %add3A_144, %add3A_167 : i32
          %dma_start3A_169 = arith.constant 0 : i32
          %dma_start3A_170 = arith.constant 0 : i32
          %dma_start3A_171 = arith.constant 0 : i32
          %dma_start3A_172 = tpu.memref_slice %arg4[%arg1, %dma_start3A_169, %dma_start3A_170, %dma_start3A_171] : memref<16x160x2x125xi32, #tpu.memory_space<hbm>> -> memref<1x160x2x125xi32, #tpu.memory_space<hbm>>
          %dma_start3A_173 = tpu.memref_squeeze %dma_start3A_172 : memref<1x160x2x125xi32, #tpu.memory_space<hbm>> -> memref<160x2x125xi32, #tpu.memory_space<hbm>>
          %dma_start3A_174 = arith.constant 0 : i32
          %dma_start3A_175 = arith.constant 0 : i32
          %dma_start3A_176 = tpu.memref_slice %dma_start3A_173[%add3A_168, %dma_start3A_174, %dma_start3A_175] : memref<160x2x125xi32, #tpu.memory_space<hbm>> -> memref<1x2x125xi32, #tpu.memory_space<hbm>>
          %dma_start3A_177 = tpu.memref_squeeze %dma_start3A_176 : memref<1x2x125xi32, #tpu.memory_space<hbm>> -> memref<2x125xi32, #tpu.memory_space<hbm>>
          %dma_start3A_178 = arith.constant 0 : i32
          %dma_start3A_179 = arith.constant 0 : i32
          %dma_start3A_180 = arith.constant 0 : i32
          %dma_start3A_181 = tpu.memref_slice %arg4[%arg1, %dma_start3A_178, %dma_start3A_179, %dma_start3A_180] : memref<16x160x2x125xi32, #tpu.memory_space<hbm>> -> memref<1x160x2x125xi32, #tpu.memory_space<hbm>>
          %dma_start3A_182 = tpu.memref_squeeze %dma_start3A_181 : memref<1x160x2x125xi32, #tpu.memory_space<hbm>> -> memref<160x2x125xi32, #tpu.memory_space<hbm>>
          %dma_start3A_183 = arith.constant 0 : i32
          %dma_start3A_184 = arith.constant 0 : i32
          %dma_start3A_185 = tpu.memref_slice %dma_start3A_182[%add3A_168, %dma_start3A_183, %dma_start3A_184] : memref<160x2x125xi32, #tpu.memory_space<hbm>> -> memref<1x2x125xi32, #tpu.memory_space<hbm>>
          %dma_start3A_186 = tpu.memref_squeeze %dma_start3A_185 : memref<1x2x125xi32, #tpu.memory_space<hbm>> -> memref<2x125xi32, #tpu.memory_space<hbm>>
          tpu.enqueue_dma source(%dma_start3A_186 : memref<2x125xi32, #tpu.memory_space<hbm>>) target(%arg11 : memref<2x125xi32, #tpu.memory_space<vmem>>) target_semaphore(%arg15 : memref<!tpu.dma_semaphore, #tpu.memory_space<semaphore_mem>>)
        } else {
        }
        %add3A_160 = arith.constant 2 : i32
        %add3A_161 = arith.addi %add3A_144, %add3A_160 : i32
        %lt3A_162 = arith.constant 160 : i32
        %lt3A_163 = arith.cmpi slt, %add3A_161, %lt3A_162 : i32
        %convert_element_type3A_164 = arith.extui %lt3A_163 : i1 to i32
        %cond3A_165 = arith.constant 0 : i32
        %cond3A_166 = arith.cmpi ne, %convert_element_type3A_164, %cond3A_165 : i32
        scf.if %cond3A_166 {
          %dma_wait3A_167 = arith.constant 0 : i32
          %dma_wait3A_168 = arith.constant 0 : i32
          %dma_wait3A_169 = arith.constant 0 : i32
          %dma_wait3A_170 = arith.constant 0 : i32
          %dma_wait3A_171 = tpu.memref_slice %arg4[%arg1, %dma_wait3A_168, %dma_wait3A_169, %dma_wait3A_170] : memref<16x160x2x125xi32, #tpu.memory_space<hbm>> -> memref<1x160x2x125xi32, #tpu.memory_space<hbm>>
          %dma_wait3A_172 = tpu.memref_squeeze %dma_wait3A_171 : memref<1x160x2x125xi32, #tpu.memory_space<hbm>> -> memref<160x2x125xi32, #tpu.memory_space<hbm>>
          %dma_wait3A_173 = arith.constant 0 : i32
          %dma_wait3A_174 = arith.constant 0 : i32
          %dma_wait3A_175 = tpu.memref_slice %dma_wait3A_172[%dma_wait3A_167, %dma_wait3A_173, %dma_wait3A_174] : memref<160x2x125xi32, #tpu.memory_space<hbm>> -> memref<1x2x125xi32, #tpu.memory_space<hbm>>
          %dma_wait3A_176 = tpu.memref_squeeze %dma_wait3A_175 : memref<1x2x125xi32, #tpu.memory_space<hbm>> -> memref<2x125xi32, #tpu.memory_space<hbm>>
          %dma_wait3A_177 = arith.constant 0 : i32
          %dma_wait3A_178 = arith.constant 0 : i32
          %dma_wait3A_179 = arith.constant 0 : i32
          %dma_wait3A_180 = tpu.memref_slice %arg4[%arg1, %dma_wait3A_177, %dma_wait3A_178, %dma_wait3A_179] : memref<16x160x2x125xi32, #tpu.memory_space<hbm>> -> memref<1x160x2x125xi32, #tpu.memory_space<hbm>>
          %dma_wait3A_181 = tpu.memref_squeeze %dma_wait3A_180 : memref<1x160x2x125xi32, #tpu.memory_space<hbm>> -> memref<160x2x125xi32, #tpu.memory_space<hbm>>
          %dma_wait3A_182 = arith.constant 0 : i32
          %dma_wait3A_183 = arith.constant 0 : i32
          %dma_wait3A_184 = tpu.memref_slice %dma_wait3A_181[%dma_wait3A_167, %dma_wait3A_182, %dma_wait3A_183] : memref<160x2x125xi32, #tpu.memory_space<hbm>> -> memref<1x2x125xi32, #tpu.memory_space<hbm>>
          %dma_wait3A_185 = tpu.memref_squeeze %dma_wait3A_184 : memref<1x2x125xi32, #tpu.memory_space<hbm>> -> memref<2x125xi32, #tpu.memory_space<hbm>>
          tpu.wait_dma2 semaphore(%arg13 : memref<!tpu.dma_semaphore, #tpu.memory_space<semaphore_mem>>) src(%dma_wait3A_185 : memref<2x125xi32, #tpu.memory_space<hbm>>) dst(%arg9 : memref<2x125xi32, #tpu.memory_space<vmem>>)
          %dma_start3A_186 = arith.constant 0 : i32
          %dma_start3A_187 = arith.constant 0 : i32
          %dma_start3A_188 = tpu.memref_slice %arg9[%dma_start3A_186, %dma_start3A_187] : memref<2x125xi32, #tpu.memory_space<vmem>> -> memref<1x125xi32, #tpu.memory_space<vmem>>
          %dma_start3A_189 = tpu.memref_squeeze %dma_start3A_188 : memref<1x125xi32, #tpu.memory_space<vmem>> -> memref<125xi32, #tpu.memory_space<vmem>>
          %dma_start3A_190 = arith.constant 0 : i32
          %dma_start3A_191 = arith.constant 0 : i32
          %dma_start3A_192 = tpu.memref_slice %arg2[%dma_start3A_190, %dma_start3A_191] : memref<10000x128xf32, #tpu.memory_space<hbm>> -> memref<10000x128xf32, #tpu.memory_space<hbm>>
          tpu.enqueue_indirect_dma source(%dma_start3A_192 : memref<10000x128xf32, #tpu.memory_space<hbm>>) target(%arg17 : memref<125x128xf32, #tpu.memory_space<vmem>>) offsets(%dma_start3A_189 : memref<125xi32, #tpu.memory_space<vmem>>) semaphore(%arg19 : memref<!tpu.dma_semaphore, #tpu.memory_space<semaphore_mem>>)
        } else {
        }
      }
      %scan3A_63 = arith.constant 40 : i32
      %barrier3A_64 = arith.constant 0 : index
      tpu.barrier barrier_id(%barrier3A_64)
      "tpu.region"() ({
        %run_scoped3A_65 = tpu.sem_alloc : memref<!tpu.dma_semaphore, #tpu.memory_space<semaphore_mem>>
        %dma_start3A_66 = arith.constant 0 : i32
        %dma_start3A_67 = tpu.memref_slice %arg6[%multiple_of3A, %dma_start3A_66] : memref<10240x128xf32, #tpu.memory_space<hbm>> -> memref<640x128xf32, #tpu.memory_space<hbm>>
        %dma_start3A_68 = arith.constant 0 : i32
        %dma_start3A_69 = tpu.memref_slice %arg20[%multiple_of3A, %dma_start3A_68] : memref<10240x128xf32, #tpu.memory_space<vmem_shared>> -> memref<640x128xf32, #tpu.memory_space<vmem_shared>>
        tpu.enqueue_dma source(%dma_start3A_69 : memref<640x128xf32, #tpu.memory_space<vmem_shared>>) target(%dma_start3A_67 : memref<640x128xf32, #tpu.memory_space<hbm>>) target_semaphore(%run_scoped3A_65 : memref<!tpu.dma_semaphore, #tpu.memory_space<semaphore_mem>>)
        %dma_wait3A = arith.constant 0 : i32
        %dma_wait3A_70 = tpu.memref_slice %arg6[%multiple_of3A, %dma_wait3A] : memref<10240x128xf32, #tpu.memory_space<hbm>> -> memref<640x128xf32, #tpu.memory_space<hbm>>
        %dma_wait3A_71 = arith.constant 0 : i32
        %dma_wait3A_72 = tpu.memref_slice %arg20[%multiple_of3A, %dma_wait3A_71] : memref<10240x128xf32, #tpu.memory_space<vmem_shared>> -> memref<640x128xf32, #tpu.memory_space<vmem_shared>>
        tpu.wait_dma2 semaphore(%run_scoped3A_65 : memref<!tpu.dma_semaphore, #tpu.memory_space<semaphore_mem>>) src(%dma_wait3A_72 : memref<640x128xf32, #tpu.memory_space<vmem_shared>>) dst(%dma_wait3A_70 : memref<640x128xf32, #tpu.memory_space<hbm>>)
        tpu.yield
      }) : () -> ()
    } else {
    }
    %eq3A_2 = arith.constant 1 : i32
    %eq3A_3 = arith.cmpi eq, %arg0, %eq3A_2 : i32
    %convert_element_type3A_4 = arith.extui %eq3A_3 : i1 to i32
    %cond3A_5 = arith.constant 0 : i32
    %cond3A_6 = arith.cmpi ne, %convert_element_type3A_4, %cond3A_5 : i32
    scf.if %cond3A_6 {
      %mul3A = arith.constant 640 : i32
      %mul3A_7 = arith.muli %arg1, %mul3A : i32
      %multiple_of3A = tpu.assume_multiple %mul3A_7, 640 : i32
      "tpu.region"() ({
        %run_scoped3A_65 = tpu.sem_alloc : memref<!tpu.dma_semaphore, #tpu.memory_space<semaphore_mem>>
        %dma_start3A_66 = arith.constant 0 : i32
        %dma_start3A_67 = tpu.memref_slice %arg20[%multiple_of3A, %dma_start3A_66] : memref<10240x128xf32, #tpu.memory_space<vmem_shared>> -> memref<640x128xf32, #tpu.memory_space<vmem_shared>>
        %dma_start3A_68 = arith.constant 0 : i32
        %dma_start3A_69 = tpu.memref_slice %arg5[%multiple_of3A, %dma_start3A_68] : memref<10240x128xf32, #tpu.memory_space<hbm>> -> memref<640x128xf32, #tpu.memory_space<hbm>>
        tpu.enqueue_dma source(%dma_start3A_69 : memref<640x128xf32, #tpu.memory_space<hbm>>) target(%dma_start3A_67 : memref<640x128xf32, #tpu.memory_space<vmem_shared>>) target_semaphore(%run_scoped3A_65 : memref<!tpu.dma_semaphore, #tpu.memory_space<semaphore_mem>>)
        %dma_wait3A = arith.constant 0 : i32
        %dma_wait3A_70 = tpu.memref_slice %arg20[%multiple_of3A, %dma_wait3A] : memref<10240x128xf32, #tpu.memory_space<vmem_shared>> -> memref<640x128xf32, #tpu.memory_space<vmem_shared>>
        %dma_wait3A_71 = arith.constant 0 : i32
        %dma_wait3A_72 = tpu.memref_slice %arg5[%multiple_of3A, %dma_wait3A_71] : memref<10240x128xf32, #tpu.memory_space<hbm>> -> memref<640x128xf32, #tpu.memory_space<hbm>>
        tpu.wait_dma2 semaphore(%run_scoped3A_65 : memref<!tpu.dma_semaphore, #tpu.memory_space<semaphore_mem>>) src(%dma_wait3A_72 : memref<640x128xf32, #tpu.memory_space<hbm>>) dst(%dma_wait3A_70 : memref<640x128xf32, #tpu.memory_space<vmem_shared>>)
        tpu.yield
      }) : () -> ()
      %barrier3A = arith.constant 0 : index
      tpu.barrier barrier_id(%barrier3A)
      %run_scoped3A = arith.constant 0 : i32
      "tpu.region"() ({
        %run_scoped3A_65 = tpu.sem_alloc : memref<!tpu.dma_semaphore, #tpu.memory_space<semaphore_mem>>
        %dma_start3A_66 = arith.constant 0 : i32
        %dma_start3A_67 = arith.constant 0 : i32
        %dma_start3A_68 = arith.constant 0 : i32
        %dma_start3A_69 = tpu.memref_slice %arg4[%arg1, %dma_start3A_66, %dma_start3A_67, %dma_start3A_68] : memref<16x160x2x125xi32, #tpu.memory_space<hbm>> -> memref<1x160x2x125xi32, #tpu.memory_space<hbm>>
        %dma_start3A_70 = tpu.memref_squeeze %dma_start3A_69 : memref<1x160x2x125xi32, #tpu.memory_space<hbm>> -> memref<160x2x125xi32, #tpu.memory_space<hbm>>
        %dma_start3A_71 = arith.constant 0 : i32
        %dma_start3A_72 = arith.constant 0 : i32
        %dma_start3A_73 = tpu.memref_slice %dma_start3A_70[%run_scoped3A, %dma_start3A_71, %dma_start3A_72] : memref<160x2x125xi32, #tpu.memory_space<hbm>> -> memref<1x2x125xi32, #tpu.memory_space<hbm>>
        %dma_start3A_74 = tpu.memref_squeeze %dma_start3A_73 : memref<1x2x125xi32, #tpu.memory_space<hbm>> -> memref<2x125xi32, #tpu.memory_space<hbm>>
        %dma_start3A_75 = arith.constant 0 : i32
        %dma_start3A_76 = arith.constant 0 : i32
        %dma_start3A_77 = arith.constant 0 : i32
        %dma_start3A_78 = tpu.memref_slice %arg4[%arg1, %dma_start3A_75, %dma_start3A_76, %dma_start3A_77] : memref<16x160x2x125xi32, #tpu.memory_space<hbm>> -> memref<1x160x2x125xi32, #tpu.memory_space<hbm>>
        %dma_start3A_79 = tpu.memref_squeeze %dma_start3A_78 : memref<1x160x2x125xi32, #tpu.memory_space<hbm>> -> memref<160x2x125xi32, #tpu.memory_space<hbm>>
        %dma_start3A_80 = arith.constant 0 : i32
        %dma_start3A_81 = arith.constant 0 : i32
        %dma_start3A_82 = tpu.memref_slice %dma_start3A_79[%run_scoped3A, %dma_start3A_80, %dma_start3A_81] : memref<160x2x125xi32, #tpu.memory_space<hbm>> -> memref<1x2x125xi32, #tpu.memory_space<hbm>>
        %dma_start3A_83 = tpu.memref_squeeze %dma_start3A_82 : memref<1x2x125xi32, #tpu.memory_space<hbm>> -> memref<2x125xi32, #tpu.memory_space<hbm>>
        tpu.enqueue_dma source(%dma_start3A_83 : memref<2x125xi32, #tpu.memory_space<hbm>>) target(%arg8 : memref<2x125xi32, #tpu.memory_space<vmem>>) target_semaphore(%run_scoped3A_65 : memref<!tpu.dma_semaphore, #tpu.memory_space<semaphore_mem>>)
        %dma_wait3A = arith.constant 0 : i32
        %dma_wait3A_84 = arith.constant 0 : i32
        %dma_wait3A_85 = arith.constant 0 : i32
        %dma_wait3A_86 = tpu.memref_slice %arg4[%arg1, %dma_wait3A, %dma_wait3A_84, %dma_wait3A_85] : memref<16x160x2x125xi32, #tpu.memory_space<hbm>> -> memref<1x160x2x125xi32, #tpu.memory_space<hbm>>
        %dma_wait3A_87 = tpu.memref_squeeze %dma_wait3A_86 : memref<1x160x2x125xi32, #tpu.memory_space<hbm>> -> memref<160x2x125xi32, #tpu.memory_space<hbm>>
        %dma_wait3A_88 = arith.constant 0 : i32
        %dma_wait3A_89 = arith.constant 0 : i32
        %dma_wait3A_90 = tpu.memref_slice %dma_wait3A_87[%run_scoped3A, %dma_wait3A_88, %dma_wait3A_89] : memref<160x2x125xi32, #tpu.memory_space<hbm>> -> memref<1x2x125xi32, #tpu.memory_space<hbm>>
        %dma_wait3A_91 = tpu.memref_squeeze %dma_wait3A_90 : memref<1x2x125xi32, #tpu.memory_space<hbm>> -> memref<2x125xi32, #tpu.memory_space<hbm>>
        %dma_wait3A_92 = arith.constant 0 : i32
        %dma_wait3A_93 = arith.constant 0 : i32
        %dma_wait3A_94 = arith.constant 0 : i32
        %dma_wait3A_95 = tpu.memref_slice %arg4[%arg1, %dma_wait3A_92, %dma_wait3A_93, %dma_wait3A_94] : memref<16x160x2x125xi32, #tpu.memory_space<hbm>> -> memref<1x160x2x125xi32, #tpu.memory_space<hbm>>
        %dma_wait3A_96 = tpu.memref_squeeze %dma_wait3A_95 : memref<1x160x2x125xi32, #tpu.memory_space<hbm>> -> memref<160x2x125xi32, #tpu.memory_space<hbm>>
        %dma_wait3A_97 = arith.constant 0 : i32
        %dma_wait3A_98 = arith.constant 0 : i32
        %dma_wait3A_99 = tpu.memref_slice %dma_wait3A_96[%run_scoped3A, %dma_wait3A_97, %dma_wait3A_98] : memref<160x2x125xi32, #tpu.memory_space<hbm>> -> memref<1x2x125xi32, #tpu.memory_space<hbm>>
        %dma_wait3A_100 = tpu.memref_squeeze %dma_wait3A_99 : memref<1x2x125xi32, #tpu.memory_space<hbm>> -> memref<2x125xi32, #tpu.memory_space<hbm>>
        tpu.wait_dma2 semaphore(%run_scoped3A_65 : memref<!tpu.dma_semaphore, #tpu.memory_space<semaphore_mem>>) src(%dma_wait3A_100 : memref<2x125xi32, #tpu.memory_space<hbm>>) dst(%arg8 : memref<2x125xi32, #tpu.memory_space<vmem>>)
        tpu.yield
      }) : () -> ()
      %run_scoped3A_8 = arith.constant 1 : i32
      "tpu.region"() ({
        %run_scoped3A_65 = tpu.sem_alloc : memref<!tpu.dma_semaphore, #tpu.memory_space<semaphore_mem>>
        %dma_start3A_66 = arith.constant 0 : i32
        %dma_start3A_67 = arith.constant 0 : i32
        %dma_start3A_68 = arith.constant 0 : i32
        %dma_start3A_69 = tpu.memref_slice %arg4[%arg1, %dma_start3A_66, %dma_start3A_67, %dma_start3A_68] : memref<16x160x2x125xi32, #tpu.memory_space<hbm>> -> memref<1x160x2x125xi32, #tpu.memory_space<hbm>>
        %dma_start3A_70 = tpu.memref_squeeze %dma_start3A_69 : memref<1x160x2x125xi32, #tpu.memory_space<hbm>> -> memref<160x2x125xi32, #tpu.memory_space<hbm>>
        %dma_start3A_71 = arith.constant 0 : i32
        %dma_start3A_72 = arith.constant 0 : i32
        %dma_start3A_73 = tpu.memref_slice %dma_start3A_70[%run_scoped3A_8, %dma_start3A_71, %dma_start3A_72] : memref<160x2x125xi32, #tpu.memory_space<hbm>> -> memref<1x2x125xi32, #tpu.memory_space<hbm>>
        %dma_start3A_74 = tpu.memref_squeeze %dma_start3A_73 : memref<1x2x125xi32, #tpu.memory_space<hbm>> -> memref<2x125xi32, #tpu.memory_space<hbm>>
        %dma_start3A_75 = arith.constant 0 : i32
        %dma_start3A_76 = arith.constant 0 : i32
        %dma_start3A_77 = arith.constant 0 : i32
        %dma_start3A_78 = tpu.memref_slice %arg4[%arg1, %dma_start3A_75, %dma_start3A_76, %dma_start3A_77] : memref<16x160x2x125xi32, #tpu.memory_space<hbm>> -> memref<1x160x2x125xi32, #tpu.memory_space<hbm>>
        %dma_start3A_79 = tpu.memref_squeeze %dma_start3A_78 : memref<1x160x2x125xi32, #tpu.memory_space<hbm>> -> memref<160x2x125xi32, #tpu.memory_space<hbm>>
        %dma_start3A_80 = arith.constant 0 : i32
        %dma_start3A_81 = arith.constant 0 : i32
        %dma_start3A_82 = tpu.memref_slice %dma_start3A_79[%run_scoped3A_8, %dma_start3A_80, %dma_start3A_81] : memref<160x2x125xi32, #tpu.memory_space<hbm>> -> memref<1x2x125xi32, #tpu.memory_space<hbm>>
        %dma_start3A_83 = tpu.memref_squeeze %dma_start3A_82 : memref<1x2x125xi32, #tpu.memory_space<hbm>> -> memref<2x125xi32, #tpu.memory_space<hbm>>
        tpu.enqueue_dma source(%dma_start3A_83 : memref<2x125xi32, #tpu.memory_space<hbm>>) target(%arg9 : memref<2x125xi32, #tpu.memory_space<vmem>>) target_semaphore(%run_scoped3A_65 : memref<!tpu.dma_semaphore, #tpu.memory_space<semaphore_mem>>)
        %dma_wait3A = arith.constant 0 : i32
        %dma_wait3A_84 = arith.constant 0 : i32
        %dma_wait3A_85 = arith.constant 0 : i32
        %dma_wait3A_86 = tpu.memref_slice %arg4[%arg1, %dma_wait3A, %dma_wait3A_84, %dma_wait3A_85] : memref<16x160x2x125xi32, #tpu.memory_space<hbm>> -> memref<1x160x2x125xi32, #tpu.memory_space<hbm>>
        %dma_wait3A_87 = tpu.memref_squeeze %dma_wait3A_86 : memref<1x160x2x125xi32, #tpu.memory_space<hbm>> -> memref<160x2x125xi32, #tpu.memory_space<hbm>>
        %dma_wait3A_88 = arith.constant 0 : i32
        %dma_wait3A_89 = arith.constant 0 : i32
        %dma_wait3A_90 = tpu.memref_slice %dma_wait3A_87[%run_scoped3A_8, %dma_wait3A_88, %dma_wait3A_89] : memref<160x2x125xi32, #tpu.memory_space<hbm>> -> memref<1x2x125xi32, #tpu.memory_space<hbm>>
        %dma_wait3A_91 = tpu.memref_squeeze %dma_wait3A_90 : memref<1x2x125xi32, #tpu.memory_space<hbm>> -> memref<2x125xi32, #tpu.memory_space<hbm>>
        %dma_wait3A_92 = arith.constant 0 : i32
        %dma_wait3A_93 = arith.constant 0 : i32
        %dma_wait3A_94 = arith.constant 0 : i32
        %dma_wait3A_95 = tpu.memref_slice %arg4[%arg1, %dma_wait3A_92, %dma_wait3A_93, %dma_wait3A_94] : memref<16x160x2x125xi32, #tpu.memory_space<hbm>> -> memref<1x160x2x125xi32, #tpu.memory_space<hbm>>
        %dma_wait3A_96 = tpu.memref_squeeze %dma_wait3A_95 : memref<1x160x2x125xi32, #tpu.memory_space<hbm>> -> memref<160x2x125xi32, #tpu.memory_space<hbm>>
        %dma_wait3A_97 = arith.constant 0 : i32
        %dma_wait3A_98 = arith.constant 0 : i32
        %dma_wait3A_99 = tpu.memref_slice %dma_wait3A_96[%run_scoped3A_8, %dma_wait3A_97, %dma_wait3A_98] : memref<160x2x125xi32, #tpu.memory_space<hbm>> -> memref<1x2x125xi32, #tpu.memory_space<hbm>>
        %dma_wait3A_100 = tpu.memref_squeeze %dma_wait3A_99 : memref<1x2x125xi32, #tpu.memory_space<hbm>> -> memref<2x125xi32, #tpu.memory_space<hbm>>
        tpu.wait_dma2 semaphore(%run_scoped3A_65 : memref<!tpu.dma_semaphore, #tpu.memory_space<semaphore_mem>>) src(%dma_wait3A_100 : memref<2x125xi32, #tpu.memory_space<hbm>>) dst(%arg9 : memref<2x125xi32, #tpu.memory_space<vmem>>)
        tpu.yield
      }) : () -> ()
      %dma_start3A = arith.constant 2 : i32
      %dma_start3A_9 = arith.constant 0 : i32
      %dma_start3A_10 = arith.constant 0 : i32
      %dma_start3A_11 = arith.constant 0 : i32
      %dma_start3A_12 = tpu.memref_slice %arg4[%arg1, %dma_start3A_9, %dma_start3A_10, %dma_start3A_11] : memref<16x160x2x125xi32, #tpu.memory_space<hbm>> -> memref<1x160x2x125xi32, #tpu.memory_space<hbm>>
      %dma_start3A_13 = tpu.memref_squeeze %dma_start3A_12 : memref<1x160x2x125xi32, #tpu.memory_space<hbm>> -> memref<160x2x125xi32, #tpu.memory_space<hbm>>
      %dma_start3A_14 = arith.constant 0 : i32
      %dma_start3A_15 = arith.constant 0 : i32
      %dma_start3A_16 = tpu.memref_slice %dma_start3A_13[%dma_start3A, %dma_start3A_14, %dma_start3A_15] : memref<160x2x125xi32, #tpu.memory_space<hbm>> -> memref<1x2x125xi32, #tpu.memory_space<hbm>>
      %dma_start3A_17 = tpu.memref_squeeze %dma_start3A_16 : memref<1x2x125xi32, #tpu.memory_space<hbm>> -> memref<2x125xi32, #tpu.memory_space<hbm>>
      %dma_start3A_18 = arith.constant 0 : i32
      %dma_start3A_19 = arith.constant 0 : i32
      %dma_start3A_20 = arith.constant 0 : i32
      %dma_start3A_21 = tpu.memref_slice %arg4[%arg1, %dma_start3A_18, %dma_start3A_19, %dma_start3A_20] : memref<16x160x2x125xi32, #tpu.memory_space<hbm>> -> memref<1x160x2x125xi32, #tpu.memory_space<hbm>>
      %dma_start3A_22 = tpu.memref_squeeze %dma_start3A_21 : memref<1x160x2x125xi32, #tpu.memory_space<hbm>> -> memref<160x2x125xi32, #tpu.memory_space<hbm>>
      %dma_start3A_23 = arith.constant 0 : i32
      %dma_start3A_24 = arith.constant 0 : i32
      %dma_start3A_25 = tpu.memref_slice %dma_start3A_22[%dma_start3A, %dma_start3A_23, %dma_start3A_24] : memref<160x2x125xi32, #tpu.memory_space<hbm>> -> memref<1x2x125xi32, #tpu.memory_space<hbm>>
      %dma_start3A_26 = tpu.memref_squeeze %dma_start3A_25 : memref<1x2x125xi32, #tpu.memory_space<hbm>> -> memref<2x125xi32, #tpu.memory_space<hbm>>
      tpu.enqueue_dma source(%dma_start3A_26 : memref<2x125xi32, #tpu.memory_space<hbm>>) target(%arg10 : memref<2x125xi32, #tpu.memory_space<vmem>>) target_semaphore(%arg14 : memref<!tpu.dma_semaphore, #tpu.memory_space<semaphore_mem>>)
      %dma_start3A_27 = arith.constant 3 : i32
      %dma_start3A_28 = arith.constant 0 : i32
      %dma_start3A_29 = arith.constant 0 : i32
      %dma_start3A_30 = arith.constant 0 : i32
      %dma_start3A_31 = tpu.memref_slice %arg4[%arg1, %dma_start3A_28, %dma_start3A_29, %dma_start3A_30] : memref<16x160x2x125xi32, #tpu.memory_space<hbm>> -> memref<1x160x2x125xi32, #tpu.memory_space<hbm>>
      %dma_start3A_32 = tpu.memref_squeeze %dma_start3A_31 : memref<1x160x2x125xi32, #tpu.memory_space<hbm>> -> memref<160x2x125xi32, #tpu.memory_space<hbm>>
      %dma_start3A_33 = arith.constant 0 : i32
      %dma_start3A_34 = arith.constant 0 : i32
      %dma_start3A_35 = tpu.memref_slice %dma_start3A_32[%dma_start3A_27, %dma_start3A_33, %dma_start3A_34] : memref<160x2x125xi32, #tpu.memory_space<hbm>> -> memref<1x2x125xi32, #tpu.memory_space<hbm>>
      %dma_start3A_36 = tpu.memref_squeeze %dma_start3A_35 : memref<1x2x125xi32, #tpu.memory_space<hbm>> -> memref<2x125xi32, #tpu.memory_space<hbm>>
      %dma_start3A_37 = arith.constant 0 : i32
      %dma_start3A_38 = arith.constant 0 : i32
      %dma_start3A_39 = arith.constant 0 : i32
      %dma_start3A_40 = tpu.memref_slice %arg4[%arg1, %dma_start3A_37, %dma_start3A_38, %dma_start3A_39] : memref<16x160x2x125xi32, #tpu.memory_space<hbm>> -> memref<1x160x2x125xi32, #tpu.memory_space<hbm>>
      %dma_start3A_41 = tpu.memref_squeeze %dma_start3A_40 : memref<1x160x2x125xi32, #tpu.memory_space<hbm>> -> memref<160x2x125xi32, #tpu.memory_space<hbm>>
      %dma_start3A_42 = arith.constant 0 : i32
      %dma_start3A_43 = arith.constant 0 : i32
      %dma_start3A_44 = tpu.memref_slice %dma_start3A_41[%dma_start3A_27, %dma_start3A_42, %dma_start3A_43] : memref<160x2x125xi32, #tpu.memory_space<hbm>> -> memref<1x2x125xi32, #tpu.memory_space<hbm>>
      %dma_start3A_45 = tpu.memref_squeeze %dma_start3A_44 : memref<1x2x125xi32, #tpu.memory_space<hbm>> -> memref<2x125xi32, #tpu.memory_space<hbm>>
      tpu.enqueue_dma source(%dma_start3A_45 : memref<2x125xi32, #tpu.memory_space<hbm>>) target(%arg11 : memref<2x125xi32, #tpu.memory_space<vmem>>) target_semaphore(%arg15 : memref<!tpu.dma_semaphore, #tpu.memory_space<semaphore_mem>>)
      %dma_start3A_46 = arith.constant 0 : i32
      %dma_start3A_47 = arith.constant 0 : i32
      %dma_start3A_48 = tpu.memref_slice %arg8[%dma_start3A_46, %dma_start3A_47] : memref<2x125xi32, #tpu.memory_space<vmem>> -> memref<1x125xi32, #tpu.memory_space<vmem>>
      %dma_start3A_49 = tpu.memref_squeeze %dma_start3A_48 : memref<1x125xi32, #tpu.memory_space<vmem>> -> memref<125xi32, #tpu.memory_space<vmem>>
      %dma_start3A_50 = arith.constant 0 : i32
      %dma_start3A_51 = arith.constant 0 : i32
      %dma_start3A_52 = tpu.memref_slice %arg3[%dma_start3A_50, %dma_start3A_51] : memref<10000x128xf32, #tpu.memory_space<hbm>> -> memref<10000x128xf32, #tpu.memory_space<hbm>>
      tpu.enqueue_indirect_dma source(%dma_start3A_52 : memref<10000x128xf32, #tpu.memory_space<hbm>>) target(%arg16 : memref<125x128xf32, #tpu.memory_space<vmem>>) offsets(%dma_start3A_49 : memref<125xi32, #tpu.memory_space<vmem>>) semaphore(%arg18 : memref<!tpu.dma_semaphore, #tpu.memory_space<semaphore_mem>>)
      %dma_start3A_53 = arith.constant 0 : i32
      %dma_start3A_54 = arith.constant 0 : i32
      %dma_start3A_55 = tpu.memref_slice %arg9[%dma_start3A_53, %dma_start3A_54] : memref<2x125xi32, #tpu.memory_space<vmem>> -> memref<1x125xi32, #tpu.memory_space<vmem>>
      %dma_start3A_56 = tpu.memref_squeeze %dma_start3A_55 : memref<1x125xi32, #tpu.memory_space<vmem>> -> memref<125xi32, #tpu.memory_space<vmem>>
      %dma_start3A_57 = arith.constant 0 : i32
      %dma_start3A_58 = arith.constant 0 : i32
      %dma_start3A_59 = tpu.memref_slice %arg3[%dma_start3A_57, %dma_start3A_58] : memref<10000x128xf32, #tpu.memory_space<hbm>> -> memref<10000x128xf32, #tpu.memory_space<hbm>>
      tpu.enqueue_indirect_dma source(%dma_start3A_59 : memref<10000x128xf32, #tpu.memory_space<hbm>>) target(%arg17 : memref<125x128xf32, #tpu.memory_space<vmem>>) offsets(%dma_start3A_56 : memref<125xi32, #tpu.memory_space<vmem>>) semaphore(%arg19 : memref<!tpu.dma_semaphore, #tpu.memory_space<semaphore_mem>>)
      %scan3A = arith.constant 0 : i32
      %scan3A_60 = arith.constant 40 : i32
      %scan3A_61 = arith.addi %scan3A, %scan3A_60 : i32
      %scan3A_62 = arith.constant 1 : i32
      scf.for %scan3A_65 = %scan3A to %scan3A_61 step %scan3A_62  : i32 {
        %mul3A_66 = arith.constant 4 : i32
        %mul3A_67 = arith.muli %mul3A_66, %scan3A_65 : i32
        %add3A = arith.constant 0 : i32
        %add3A_68 = arith.addi %mul3A_67, %add3A : i32
        %dma_wait3A = arith.constant 0 : i32
        %dma_wait3A_69 = arith.constant 0 : i32
        %dma_wait3A_70 = tpu.memref_slice %arg8[%dma_wait3A, %dma_wait3A_69] : memref<2x125xi32, #tpu.memory_space<vmem>> -> memref<1x125xi32, #tpu.memory_space<vmem>>
        %dma_wait3A_71 = tpu.memref_squeeze %dma_wait3A_70 : memref<1x125xi32, #tpu.memory_space<vmem>> -> memref<125xi32, #tpu.memory_space<vmem>>
        %dma_wait3A_72 = arith.constant 0 : i32
        %dma_wait3A_73 = arith.constant 0 : i32
        %dma_wait3A_74 = tpu.memref_slice %arg3[%dma_wait3A_72, %dma_wait3A_73] : memref<10000x128xf32, #tpu.memory_space<hbm>> -> memref<10000x128xf32, #tpu.memory_space<hbm>>
        tpu.wait_indirect_dma semaphore(%arg18 : memref<!tpu.dma_semaphore, #tpu.memory_space<semaphore_mem>>) src(%dma_wait3A_74 : memref<10000x128xf32, #tpu.memory_space<hbm>>) dst(%arg16 : memref<125x128xf32, #tpu.memory_space<vmem>>)
        %run_scoped3A_75 = arith.constant 1 : i32
        "tpu.region"() ({
          %run_scoped3A_167 = tpu.sem_alloc : memref<!tpu.dma_semaphore, #tpu.memory_space<semaphore_mem>>
          %dma_start3A_168 = arith.constant 0 : i32
          %dma_start3A_169 = tpu.memref_slice %arg8[%run_scoped3A_75, %dma_start3A_168] : memref<2x125xi32, #tpu.memory_space<vmem>> -> memref<1x125xi32, #tpu.memory_space<vmem>>
          %dma_start3A_170 = tpu.memref_squeeze %dma_start3A_169 : memref<1x125xi32, #tpu.memory_space<vmem>> -> memref<125xi32, #tpu.memory_space<vmem>>
          %dma_start3A_171 = arith.constant 0 : i32
          %dma_start3A_172 = arith.constant 0 : i32
          %dma_start3A_173 = tpu.memref_slice %arg20[%dma_start3A_171, %dma_start3A_172] : memref<10240x128xf32, #tpu.memory_space<vmem_shared>> -> memref<10240x128xf32, #tpu.memory_space<vmem_shared>>
          tpu.enqueue_indirect_dma source(%arg16 : memref<125x128xf32, #tpu.memory_space<vmem>>) target(%dma_start3A_173 : memref<10240x128xf32, #tpu.memory_space<vmem_shared>>) offsets(%dma_start3A_170 : memref<125xi32, #tpu.memory_space<vmem>>) semaphore(%run_scoped3A_167 : memref<!tpu.dma_semaphore, #tpu.memory_space<semaphore_mem>>) {add = true}
          %dma_wait3A_174 = arith.constant 0 : i32
          %dma_wait3A_175 = tpu.memref_slice %arg8[%run_scoped3A_75, %dma_wait3A_174] : memref<2x125xi32, #tpu.memory_space<vmem>> -> memref<1x125xi32, #tpu.memory_space<vmem>>
          %dma_wait3A_176 = tpu.memref_squeeze %dma_wait3A_175 : memref<1x125xi32, #tpu.memory_space<vmem>> -> memref<125xi32, #tpu.memory_space<vmem>>
          %dma_wait3A_177 = arith.constant 0 : i32
          %dma_wait3A_178 = arith.constant 0 : i32
          %dma_wait3A_179 = tpu.memref_slice %arg20[%dma_wait3A_177, %dma_wait3A_178] : memref<10240x128xf32, #tpu.memory_space<vmem_shared>> -> memref<10240x128xf32, #tpu.memory_space<vmem_shared>>
          tpu.wait_indirect_dma semaphore(%run_scoped3A_167 : memref<!tpu.dma_semaphore, #tpu.memory_space<semaphore_mem>>) src(%arg16 : memref<125x128xf32, #tpu.memory_space<vmem>>) dst(%dma_wait3A_179 : memref<10240x128xf32, #tpu.memory_space<vmem_shared>>)
          tpu.yield
        }) : () -> ()
        %add3A_76 = arith.constant 4 : i32
        %add3A_77 = arith.addi %add3A_68, %add3A_76 : i32
        %lt3A = arith.constant 160 : i32
        %lt3A_78 = arith.cmpi slt, %add3A_77, %lt3A : i32
        %convert_element_type3A_79 = arith.extui %lt3A_78 : i1 to i32
        %cond3A_80 = arith.constant 0 : i32
        %cond3A_81 = arith.cmpi ne, %convert_element_type3A_79, %cond3A_80 : i32
        scf.if %cond3A_81 {
          %add3A_167 = arith.constant 4 : i32
          %add3A_168 = arith.addi %add3A_68, %add3A_167 : i32
          %dma_start3A_169 = arith.constant 0 : i32
          %dma_start3A_170 = arith.constant 0 : i32
          %dma_start3A_171 = arith.constant 0 : i32
          %dma_start3A_172 = tpu.memref_slice %arg4[%arg1, %dma_start3A_169, %dma_start3A_170, %dma_start3A_171] : memref<16x160x2x125xi32, #tpu.memory_space<hbm>> -> memref<1x160x2x125xi32, #tpu.memory_space<hbm>>
          %dma_start3A_173 = tpu.memref_squeeze %dma_start3A_172 : memref<1x160x2x125xi32, #tpu.memory_space<hbm>> -> memref<160x2x125xi32, #tpu.memory_space<hbm>>
          %dma_start3A_174 = arith.constant 0 : i32
          %dma_start3A_175 = arith.constant 0 : i32
          %dma_start3A_176 = tpu.memref_slice %dma_start3A_173[%add3A_168, %dma_start3A_174, %dma_start3A_175] : memref<160x2x125xi32, #tpu.memory_space<hbm>> -> memref<1x2x125xi32, #tpu.memory_space<hbm>>
          %dma_start3A_177 = tpu.memref_squeeze %dma_start3A_176 : memref<1x2x125xi32, #tpu.memory_space<hbm>> -> memref<2x125xi32, #tpu.memory_space<hbm>>
          %dma_start3A_178 = arith.constant 0 : i32
          %dma_start3A_179 = arith.constant 0 : i32
          %dma_start3A_180 = arith.constant 0 : i32
          %dma_start3A_181 = tpu.memref_slice %arg4[%arg1, %dma_start3A_178, %dma_start3A_179, %dma_start3A_180] : memref<16x160x2x125xi32, #tpu.memory_space<hbm>> -> memref<1x160x2x125xi32, #tpu.memory_space<hbm>>
          %dma_start3A_182 = tpu.memref_squeeze %dma_start3A_181 : memref<1x160x2x125xi32, #tpu.memory_space<hbm>> -> memref<160x2x125xi32, #tpu.memory_space<hbm>>
          %dma_start3A_183 = arith.constant 0 : i32
          %dma_start3A_184 = arith.constant 0 : i32
          %dma_start3A_185 = tpu.memref_slice %dma_start3A_182[%add3A_168, %dma_start3A_183, %dma_start3A_184] : memref<160x2x125xi32, #tpu.memory_space<hbm>> -> memref<1x2x125xi32, #tpu.memory_space<hbm>>
          %dma_start3A_186 = tpu.memref_squeeze %dma_start3A_185 : memref<1x2x125xi32, #tpu.memory_space<hbm>> -> memref<2x125xi32, #tpu.memory_space<hbm>>
          tpu.enqueue_dma source(%dma_start3A_186 : memref<2x125xi32, #tpu.memory_space<hbm>>) target(%arg8 : memref<2x125xi32, #tpu.memory_space<vmem>>) target_semaphore(%arg12 : memref<!tpu.dma_semaphore, #tpu.memory_space<semaphore_mem>>)
        } else {
        }
        %add3A_82 = arith.constant 2 : i32
        %add3A_83 = arith.addi %add3A_68, %add3A_82 : i32
        %lt3A_84 = arith.constant 160 : i32
        %lt3A_85 = arith.cmpi slt, %add3A_83, %lt3A_84 : i32
        %convert_element_type3A_86 = arith.extui %lt3A_85 : i1 to i32
        %cond3A_87 = arith.constant 0 : i32
        %cond3A_88 = arith.cmpi ne, %convert_element_type3A_86, %cond3A_87 : i32
        scf.if %cond3A_88 {
          %dma_wait3A_167 = arith.constant 0 : i32
          %dma_wait3A_168 = arith.constant 0 : i32
          %dma_wait3A_169 = arith.constant 0 : i32
          %dma_wait3A_170 = arith.constant 0 : i32
          %dma_wait3A_171 = tpu.memref_slice %arg4[%arg1, %dma_wait3A_168, %dma_wait3A_169, %dma_wait3A_170] : memref<16x160x2x125xi32, #tpu.memory_space<hbm>> -> memref<1x160x2x125xi32, #tpu.memory_space<hbm>>
          %dma_wait3A_172 = tpu.memref_squeeze %dma_wait3A_171 : memref<1x160x2x125xi32, #tpu.memory_space<hbm>> -> memref<160x2x125xi32, #tpu.memory_space<hbm>>
          %dma_wait3A_173 = arith.constant 0 : i32
          %dma_wait3A_174 = arith.constant 0 : i32
          %dma_wait3A_175 = tpu.memref_slice %dma_wait3A_172[%dma_wait3A_167, %dma_wait3A_173, %dma_wait3A_174] : memref<160x2x125xi32, #tpu.memory_space<hbm>> -> memref<1x2x125xi32, #tpu.memory_space<hbm>>
          %dma_wait3A_176 = tpu.memref_squeeze %dma_wait3A_175 : memref<1x2x125xi32, #tpu.memory_space<hbm>> -> memref<2x125xi32, #tpu.memory_space<hbm>>
          %dma_wait3A_177 = arith.constant 0 : i32
          %dma_wait3A_178 = arith.constant 0 : i32
          %dma_wait3A_179 = arith.constant 0 : i32
          %dma_wait3A_180 = tpu.memref_slice %arg4[%arg1, %dma_wait3A_177, %dma_wait3A_178, %dma_wait3A_179] : memref<16x160x2x125xi32, #tpu.memory_space<hbm>> -> memref<1x160x2x125xi32, #tpu.memory_space<hbm>>
          %dma_wait3A_181 = tpu.memref_squeeze %dma_wait3A_180 : memref<1x160x2x125xi32, #tpu.memory_space<hbm>> -> memref<160x2x125xi32, #tpu.memory_space<hbm>>
          %dma_wait3A_182 = arith.constant 0 : i32
          %dma_wait3A_183 = arith.constant 0 : i32
          %dma_wait3A_184 = tpu.memref_slice %dma_wait3A_181[%dma_wait3A_167, %dma_wait3A_182, %dma_wait3A_183] : memref<160x2x125xi32, #tpu.memory_space<hbm>> -> memref<1x2x125xi32, #tpu.memory_space<hbm>>
          %dma_wait3A_185 = tpu.memref_squeeze %dma_wait3A_184 : memref<1x2x125xi32, #tpu.memory_space<hbm>> -> memref<2x125xi32, #tpu.memory_space<hbm>>
          tpu.wait_dma2 semaphore(%arg14 : memref<!tpu.dma_semaphore, #tpu.memory_space<semaphore_mem>>) src(%dma_wait3A_185 : memref<2x125xi32, #tpu.memory_space<hbm>>) dst(%arg10 : memref<2x125xi32, #tpu.memory_space<vmem>>)
          %dma_start3A_186 = arith.constant 0 : i32
          %dma_start3A_187 = arith.constant 0 : i32
          %dma_start3A_188 = tpu.memref_slice %arg10[%dma_start3A_186, %dma_start3A_187] : memref<2x125xi32, #tpu.memory_space<vmem>> -> memref<1x125xi32, #tpu.memory_space<vmem>>
          %dma_start3A_189 = tpu.memref_squeeze %dma_start3A_188 : memref<1x125xi32, #tpu.memory_space<vmem>> -> memref<125xi32, #tpu.memory_space<vmem>>
          %dma_start3A_190 = arith.constant 0 : i32
          %dma_start3A_191 = arith.constant 0 : i32
          %dma_start3A_192 = tpu.memref_slice %arg3[%dma_start3A_190, %dma_start3A_191] : memref<10000x128xf32, #tpu.memory_space<hbm>> -> memref<10000x128xf32, #tpu.memory_space<hbm>>
          tpu.enqueue_indirect_dma source(%dma_start3A_192 : memref<10000x128xf32, #tpu.memory_space<hbm>>) target(%arg16 : memref<125x128xf32, #tpu.memory_space<vmem>>) offsets(%dma_start3A_189 : memref<125xi32, #tpu.memory_space<vmem>>) semaphore(%arg18 : memref<!tpu.dma_semaphore, #tpu.memory_space<semaphore_mem>>)
        } else {
        }
        %mul3A_89 = arith.constant 4 : i32
        %mul3A_90 = arith.muli %mul3A_89, %scan3A_65 : i32
        %add3A_91 = arith.constant 1 : i32
        %add3A_92 = arith.addi %mul3A_90, %add3A_91 : i32
        %dma_wait3A_93 = arith.constant 0 : i32
        %dma_wait3A_94 = arith.constant 0 : i32
        %dma_wait3A_95 = tpu.memref_slice %arg9[%dma_wait3A_93, %dma_wait3A_94] : memref<2x125xi32, #tpu.memory_space<vmem>> -> memref<1x125xi32, #tpu.memory_space<vmem>>
        %dma_wait3A_96 = tpu.memref_squeeze %dma_wait3A_95 : memref<1x125xi32, #tpu.memory_space<vmem>> -> memref<125xi32, #tpu.memory_space<vmem>>
        %dma_wait3A_97 = arith.constant 0 : i32
        %dma_wait3A_98 = arith.constant 0 : i32
        %dma_wait3A_99 = tpu.memref_slice %arg3[%dma_wait3A_97, %dma_wait3A_98] : memref<10000x128xf32, #tpu.memory_space<hbm>> -> memref<10000x128xf32, #tpu.memory_space<hbm>>
        tpu.wait_indirect_dma semaphore(%arg19 : memref<!tpu.dma_semaphore, #tpu.memory_space<semaphore_mem>>) src(%dma_wait3A_99 : memref<10000x128xf32, #tpu.memory_space<hbm>>) dst(%arg17 : memref<125x128xf32, #tpu.memory_space<vmem>>)
        %run_scoped3A_100 = arith.constant 1 : i32
        "tpu.region"() ({
          %run_scoped3A_167 = tpu.sem_alloc : memref<!tpu.dma_semaphore, #tpu.memory_space<semaphore_mem>>
          %dma_start3A_168 = arith.constant 0 : i32
          %dma_start3A_169 = tpu.memref_slice %arg9[%run_scoped3A_100, %dma_start3A_168] : memref<2x125xi32, #tpu.memory_space<vmem>> -> memref<1x125xi32, #tpu.memory_space<vmem>>
          %dma_start3A_170 = tpu.memref_squeeze %dma_start3A_169 : memref<1x125xi32, #tpu.memory_space<vmem>> -> memref<125xi32, #tpu.memory_space<vmem>>
          %dma_start3A_171 = arith.constant 0 : i32
          %dma_start3A_172 = arith.constant 0 : i32
          %dma_start3A_173 = tpu.memref_slice %arg20[%dma_start3A_171, %dma_start3A_172] : memref<10240x128xf32, #tpu.memory_space<vmem_shared>> -> memref<10240x128xf32, #tpu.memory_space<vmem_shared>>
          tpu.enqueue_indirect_dma source(%arg17 : memref<125x128xf32, #tpu.memory_space<vmem>>) target(%dma_start3A_173 : memref<10240x128xf32, #tpu.memory_space<vmem_shared>>) offsets(%dma_start3A_170 : memref<125xi32, #tpu.memory_space<vmem>>) semaphore(%run_scoped3A_167 : memref<!tpu.dma_semaphore, #tpu.memory_space<semaphore_mem>>) {add = true}
          %dma_wait3A_174 = arith.constant 0 : i32
          %dma_wait3A_175 = tpu.memref_slice %arg9[%run_scoped3A_100, %dma_wait3A_174] : memref<2x125xi32, #tpu.memory_space<vmem>> -> memref<1x125xi32, #tpu.memory_space<vmem>>
          %dma_wait3A_176 = tpu.memref_squeeze %dma_wait3A_175 : memref<1x125xi32, #tpu.memory_space<vmem>> -> memref<125xi32, #tpu.memory_space<vmem>>
          %dma_wait3A_177 = arith.constant 0 : i32
          %dma_wait3A_178 = arith.constant 0 : i32
          %dma_wait3A_179 = tpu.memref_slice %arg20[%dma_wait3A_177, %dma_wait3A_178] : memref<10240x128xf32, #tpu.memory_space<vmem_shared>> -> memref<10240x128xf32, #tpu.memory_space<vmem_shared>>
          tpu.wait_indirect_dma semaphore(%run_scoped3A_167 : memref<!tpu.dma_semaphore, #tpu.memory_space<semaphore_mem>>) src(%arg17 : memref<125x128xf32, #tpu.memory_space<vmem>>) dst(%dma_wait3A_179 : memref<10240x128xf32, #tpu.memory_space<vmem_shared>>)
          tpu.yield
        }) : () -> ()
        %add3A_101 = arith.constant 4 : i32
        %add3A_102 = arith.addi %add3A_92, %add3A_101 : i32
        %lt3A_103 = arith.constant 160 : i32
        %lt3A_104 = arith.cmpi slt, %add3A_102, %lt3A_103 : i32
        %convert_element_type3A_105 = arith.extui %lt3A_104 : i1 to i32
        %cond3A_106 = arith.constant 0 : i32
        %cond3A_107 = arith.cmpi ne, %convert_element_type3A_105, %cond3A_106 : i32
        scf.if %cond3A_107 {
          %add3A_167 = arith.constant 4 : i32
          %add3A_168 = arith.addi %add3A_92, %add3A_167 : i32
          %dma_start3A_169 = arith.constant 0 : i32
          %dma_start3A_170 = arith.constant 0 : i32
          %dma_start3A_171 = arith.constant 0 : i32
          %dma_start3A_172 = tpu.memref_slice %arg4[%arg1, %dma_start3A_169, %dma_start3A_170, %dma_start3A_171] : memref<16x160x2x125xi32, #tpu.memory_space<hbm>> -> memref<1x160x2x125xi32, #tpu.memory_space<hbm>>
          %dma_start3A_173 = tpu.memref_squeeze %dma_start3A_172 : memref<1x160x2x125xi32, #tpu.memory_space<hbm>> -> memref<160x2x125xi32, #tpu.memory_space<hbm>>
          %dma_start3A_174 = arith.constant 0 : i32
          %dma_start3A_175 = arith.constant 0 : i32
          %dma_start3A_176 = tpu.memref_slice %dma_start3A_173[%add3A_168, %dma_start3A_174, %dma_start3A_175] : memref<160x2x125xi32, #tpu.memory_space<hbm>> -> memref<1x2x125xi32, #tpu.memory_space<hbm>>
          %dma_start3A_177 = tpu.memref_squeeze %dma_start3A_176 : memref<1x2x125xi32, #tpu.memory_space<hbm>> -> memref<2x125xi32, #tpu.memory_space<hbm>>
          %dma_start3A_178 = arith.constant 0 : i32
          %dma_start3A_179 = arith.constant 0 : i32
          %dma_start3A_180 = arith.constant 0 : i32
          %dma_start3A_181 = tpu.memref_slice %arg4[%arg1, %dma_start3A_178, %dma_start3A_179, %dma_start3A_180] : memref<16x160x2x125xi32, #tpu.memory_space<hbm>> -> memref<1x160x2x125xi32, #tpu.memory_space<hbm>>
          %dma_start3A_182 = tpu.memref_squeeze %dma_start3A_181 : memref<1x160x2x125xi32, #tpu.memory_space<hbm>> -> memref<160x2x125xi32, #tpu.memory_space<hbm>>
          %dma_start3A_183 = arith.constant 0 : i32
          %dma_start3A_184 = arith.constant 0 : i32
          %dma_start3A_185 = tpu.memref_slice %dma_start3A_182[%add3A_168, %dma_start3A_183, %dma_start3A_184] : memref<160x2x125xi32, #tpu.memory_space<hbm>> -> memref<1x2x125xi32, #tpu.memory_space<hbm>>
          %dma_start3A_186 = tpu.memref_squeeze %dma_start3A_185 : memref<1x2x125xi32, #tpu.memory_space<hbm>> -> memref<2x125xi32, #tpu.memory_space<hbm>>
          tpu.enqueue_dma source(%dma_start3A_186 : memref<2x125xi32, #tpu.memory_space<hbm>>) target(%arg9 : memref<2x125xi32, #tpu.memory_space<vmem>>) target_semaphore(%arg13 : memref<!tpu.dma_semaphore, #tpu.memory_space<semaphore_mem>>)
        } else {
        }
        %add3A_108 = arith.constant 2 : i32
        %add3A_109 = arith.addi %add3A_92, %add3A_108 : i32
        %lt3A_110 = arith.constant 160 : i32
        %lt3A_111 = arith.cmpi slt, %add3A_109, %lt3A_110 : i32
        %convert_element_type3A_112 = arith.extui %lt3A_111 : i1 to i32
        %cond3A_113 = arith.constant 0 : i32
        %cond3A_114 = arith.cmpi ne, %convert_element_type3A_112, %cond3A_113 : i32
        scf.if %cond3A_114 {
          %dma_wait3A_167 = arith.constant 0 : i32
          %dma_wait3A_168 = arith.constant 0 : i32
          %dma_wait3A_169 = arith.constant 0 : i32
          %dma_wait3A_170 = arith.constant 0 : i32
          %dma_wait3A_171 = tpu.memref_slice %arg4[%arg1, %dma_wait3A_168, %dma_wait3A_169, %dma_wait3A_170] : memref<16x160x2x125xi32, #tpu.memory_space<hbm>> -> memref<1x160x2x125xi32, #tpu.memory_space<hbm>>
          %dma_wait3A_172 = tpu.memref_squeeze %dma_wait3A_171 : memref<1x160x2x125xi32, #tpu.memory_space<hbm>> -> memref<160x2x125xi32, #tpu.memory_space<hbm>>
          %dma_wait3A_173 = arith.constant 0 : i32
          %dma_wait3A_174 = arith.constant 0 : i32
          %dma_wait3A_175 = tpu.memref_slice %dma_wait3A_172[%dma_wait3A_167, %dma_wait3A_173, %dma_wait3A_174] : memref<160x2x125xi32, #tpu.memory_space<hbm>> -> memref<1x2x125xi32, #tpu.memory_space<hbm>>
          %dma_wait3A_176 = tpu.memref_squeeze %dma_wait3A_175 : memref<1x2x125xi32, #tpu.memory_space<hbm>> -> memref<2x125xi32, #tpu.memory_space<hbm>>
          %dma_wait3A_177 = arith.constant 0 : i32
          %dma_wait3A_178 = arith.constant 0 : i32
          %dma_wait3A_179 = arith.constant 0 : i32
          %dma_wait3A_180 = tpu.memref_slice %arg4[%arg1, %dma_wait3A_177, %dma_wait3A_178, %dma_wait3A_179] : memref<16x160x2x125xi32, #tpu.memory_space<hbm>> -> memref<1x160x2x125xi32, #tpu.memory_space<hbm>>
          %dma_wait3A_181 = tpu.memref_squeeze %dma_wait3A_180 : memref<1x160x2x125xi32, #tpu.memory_space<hbm>> -> memref<160x2x125xi32, #tpu.memory_space<hbm>>
          %dma_wait3A_182 = arith.constant 0 : i32
          %dma_wait3A_183 = arith.constant 0 : i32
          %dma_wait3A_184 = tpu.memref_slice %dma_wait3A_181[%dma_wait3A_167, %dma_wait3A_182, %dma_wait3A_183] : memref<160x2x125xi32, #tpu.memory_space<hbm>> -> memref<1x2x125xi32, #tpu.memory_space<hbm>>
          %dma_wait3A_185 = tpu.memref_squeeze %dma_wait3A_184 : memref<1x2x125xi32, #tpu.memory_space<hbm>> -> memref<2x125xi32, #tpu.memory_space<hbm>>
          tpu.wait_dma2 semaphore(%arg15 : memref<!tpu.dma_semaphore, #tpu.memory_space<semaphore_mem>>) src(%dma_wait3A_185 : memref<2x125xi32, #tpu.memory_space<hbm>>) dst(%arg11 : memref<2x125xi32, #tpu.memory_space<vmem>>)
          %dma_start3A_186 = arith.constant 0 : i32
          %dma_start3A_187 = arith.constant 0 : i32
          %dma_start3A_188 = tpu.memref_slice %arg11[%dma_start3A_186, %dma_start3A_187] : memref<2x125xi32, #tpu.memory_space<vmem>> -> memref<1x125xi32, #tpu.memory_space<vmem>>
          %dma_start3A_189 = tpu.memref_squeeze %dma_start3A_188 : memref<1x125xi32, #tpu.memory_space<vmem>> -> memref<125xi32, #tpu.memory_space<vmem>>
          %dma_start3A_190 = arith.constant 0 : i32
          %dma_start3A_191 = arith.constant 0 : i32
          %dma_start3A_192 = tpu.memref_slice %arg3[%dma_start3A_190, %dma_start3A_191] : memref<10000x128xf32, #tpu.memory_space<hbm>> -> memref<10000x128xf32, #tpu.memory_space<hbm>>
          tpu.enqueue_indirect_dma source(%dma_start3A_192 : memref<10000x128xf32, #tpu.memory_space<hbm>>) target(%arg17 : memref<125x128xf32, #tpu.memory_space<vmem>>) offsets(%dma_start3A_189 : memref<125xi32, #tpu.memory_space<vmem>>) semaphore(%arg19 : memref<!tpu.dma_semaphore, #tpu.memory_space<semaphore_mem>>)
        } else {
        }
        %mul3A_115 = arith.constant 4 : i32
        %mul3A_116 = arith.muli %mul3A_115, %scan3A_65 : i32
        %add3A_117 = arith.constant 2 : i32
        %add3A_118 = arith.addi %mul3A_116, %add3A_117 : i32
        %dma_wait3A_119 = arith.constant 0 : i32
        %dma_wait3A_120 = arith.constant 0 : i32
        %dma_wait3A_121 = tpu.memref_slice %arg10[%dma_wait3A_119, %dma_wait3A_120] : memref<2x125xi32, #tpu.memory_space<vmem>> -> memref<1x125xi32, #tpu.memory_space<vmem>>
        %dma_wait3A_122 = tpu.memref_squeeze %dma_wait3A_121 : memref<1x125xi32, #tpu.memory_space<vmem>> -> memref<125xi32, #tpu.memory_space<vmem>>
        %dma_wait3A_123 = arith.constant 0 : i32
        %dma_wait3A_124 = arith.constant 0 : i32
        %dma_wait3A_125 = tpu.memref_slice %arg3[%dma_wait3A_123, %dma_wait3A_124] : memref<10000x128xf32, #tpu.memory_space<hbm>> -> memref<10000x128xf32, #tpu.memory_space<hbm>>
        tpu.wait_indirect_dma semaphore(%arg18 : memref<!tpu.dma_semaphore, #tpu.memory_space<semaphore_mem>>) src(%dma_wait3A_125 : memref<10000x128xf32, #tpu.memory_space<hbm>>) dst(%arg16 : memref<125x128xf32, #tpu.memory_space<vmem>>)
        %run_scoped3A_126 = arith.constant 1 : i32
        "tpu.region"() ({
          %run_scoped3A_167 = tpu.sem_alloc : memref<!tpu.dma_semaphore, #tpu.memory_space<semaphore_mem>>
          %dma_start3A_168 = arith.constant 0 : i32
          %dma_start3A_169 = tpu.memref_slice %arg10[%run_scoped3A_126, %dma_start3A_168] : memref<2x125xi32, #tpu.memory_space<vmem>> -> memref<1x125xi32, #tpu.memory_space<vmem>>
          %dma_start3A_170 = tpu.memref_squeeze %dma_start3A_169 : memref<1x125xi32, #tpu.memory_space<vmem>> -> memref<125xi32, #tpu.memory_space<vmem>>
          %dma_start3A_171 = arith.constant 0 : i32
          %dma_start3A_172 = arith.constant 0 : i32
          %dma_start3A_173 = tpu.memref_slice %arg20[%dma_start3A_171, %dma_start3A_172] : memref<10240x128xf32, #tpu.memory_space<vmem_shared>> -> memref<10240x128xf32, #tpu.memory_space<vmem_shared>>
          tpu.enqueue_indirect_dma source(%arg16 : memref<125x128xf32, #tpu.memory_space<vmem>>) target(%dma_start3A_173 : memref<10240x128xf32, #tpu.memory_space<vmem_shared>>) offsets(%dma_start3A_170 : memref<125xi32, #tpu.memory_space<vmem>>) semaphore(%run_scoped3A_167 : memref<!tpu.dma_semaphore, #tpu.memory_space<semaphore_mem>>) {add = true}
          %dma_wait3A_174 = arith.constant 0 : i32
          %dma_wait3A_175 = tpu.memref_slice %arg10[%run_scoped3A_126, %dma_wait3A_174] : memref<2x125xi32, #tpu.memory_space<vmem>> -> memref<1x125xi32, #tpu.memory_space<vmem>>
          %dma_wait3A_176 = tpu.memref_squeeze %dma_wait3A_175 : memref<1x125xi32, #tpu.memory_space<vmem>> -> memref<125xi32, #tpu.memory_space<vmem>>
          %dma_wait3A_177 = arith.constant 0 : i32
          %dma_wait3A_178 = arith.constant 0 : i32
          %dma_wait3A_179 = tpu.memref_slice %arg20[%dma_wait3A_177, %dma_wait3A_178] : memref<10240x128xf32, #tpu.memory_space<vmem_shared>> -> memref<10240x128xf32, #tpu.memory_space<vmem_shared>>
          tpu.wait_indirect_dma semaphore(%run_scoped3A_167 : memref<!tpu.dma_semaphore, #tpu.memory_space<semaphore_mem>>) src(%arg16 : memref<125x128xf32, #tpu.memory_space<vmem>>) dst(%dma_wait3A_179 : memref<10240x128xf32, #tpu.memory_space<vmem_shared>>)
          tpu.yield
        }) : () -> ()
        %add3A_127 = arith.constant 4 : i32
        %add3A_128 = arith.addi %add3A_118, %add3A_127 : i32
        %lt3A_129 = arith.constant 160 : i32
        %lt3A_130 = arith.cmpi slt, %add3A_128, %lt3A_129 : i32
        %convert_element_type3A_131 = arith.extui %lt3A_130 : i1 to i32
        %cond3A_132 = arith.constant 0 : i32
        %cond3A_133 = arith.cmpi ne, %convert_element_type3A_131, %cond3A_132 : i32
        scf.if %cond3A_133 {
          %add3A_167 = arith.constant 4 : i32
          %add3A_168 = arith.addi %add3A_118, %add3A_167 : i32
          %dma_start3A_169 = arith.constant 0 : i32
          %dma_start3A_170 = arith.constant 0 : i32
          %dma_start3A_171 = arith.constant 0 : i32
          %dma_start3A_172 = tpu.memref_slice %arg4[%arg1, %dma_start3A_169, %dma_start3A_170, %dma_start3A_171] : memref<16x160x2x125xi32, #tpu.memory_space<hbm>> -> memref<1x160x2x125xi32, #tpu.memory_space<hbm>>
          %dma_start3A_173 = tpu.memref_squeeze %dma_start3A_172 : memref<1x160x2x125xi32, #tpu.memory_space<hbm>> -> memref<160x2x125xi32, #tpu.memory_space<hbm>>
          %dma_start3A_174 = arith.constant 0 : i32
          %dma_start3A_175 = arith.constant 0 : i32
          %dma_start3A_176 = tpu.memref_slice %dma_start3A_173[%add3A_168, %dma_start3A_174, %dma_start3A_175] : memref<160x2x125xi32, #tpu.memory_space<hbm>> -> memref<1x2x125xi32, #tpu.memory_space<hbm>>
          %dma_start3A_177 = tpu.memref_squeeze %dma_start3A_176 : memref<1x2x125xi32, #tpu.memory_space<hbm>> -> memref<2x125xi32, #tpu.memory_space<hbm>>
          %dma_start3A_178 = arith.constant 0 : i32
          %dma_start3A_179 = arith.constant 0 : i32
          %dma_start3A_180 = arith.constant 0 : i32
          %dma_start3A_181 = tpu.memref_slice %arg4[%arg1, %dma_start3A_178, %dma_start3A_179, %dma_start3A_180] : memref<16x160x2x125xi32, #tpu.memory_space<hbm>> -> memref<1x160x2x125xi32, #tpu.memory_space<hbm>>
          %dma_start3A_182 = tpu.memref_squeeze %dma_start3A_181 : memref<1x160x2x125xi32, #tpu.memory_space<hbm>> -> memref<160x2x125xi32, #tpu.memory_space<hbm>>
          %dma_start3A_183 = arith.constant 0 : i32
          %dma_start3A_184 = arith.constant 0 : i32
          %dma_start3A_185 = tpu.memref_slice %dma_start3A_182[%add3A_168, %dma_start3A_183, %dma_start3A_184] : memref<160x2x125xi32, #tpu.memory_space<hbm>> -> memref<1x2x125xi32, #tpu.memory_space<hbm>>
          %dma_start3A_186 = tpu.memref_squeeze %dma_start3A_185 : memref<1x2x125xi32, #tpu.memory_space<hbm>> -> memref<2x125xi32, #tpu.memory_space<hbm>>
          tpu.enqueue_dma source(%dma_start3A_186 : memref<2x125xi32, #tpu.memory_space<hbm>>) target(%arg10 : memref<2x125xi32, #tpu.memory_space<vmem>>) target_semaphore(%arg14 : memref<!tpu.dma_semaphore, #tpu.memory_space<semaphore_mem>>)
        } else {
        }
        %add3A_134 = arith.constant 2 : i32
        %add3A_135 = arith.addi %add3A_118, %add3A_134 : i32
        %lt3A_136 = arith.constant 160 : i32
        %lt3A_137 = arith.cmpi slt, %add3A_135, %lt3A_136 : i32
        %convert_element_type3A_138 = arith.extui %lt3A_137 : i1 to i32
        %cond3A_139 = arith.constant 0 : i32
        %cond3A_140 = arith.cmpi ne, %convert_element_type3A_138, %cond3A_139 : i32
        scf.if %cond3A_140 {
          %dma_wait3A_167 = arith.constant 0 : i32
          %dma_wait3A_168 = arith.constant 0 : i32
          %dma_wait3A_169 = arith.constant 0 : i32
          %dma_wait3A_170 = arith.constant 0 : i32
          %dma_wait3A_171 = tpu.memref_slice %arg4[%arg1, %dma_wait3A_168, %dma_wait3A_169, %dma_wait3A_170] : memref<16x160x2x125xi32, #tpu.memory_space<hbm>> -> memref<1x160x2x125xi32, #tpu.memory_space<hbm>>
          %dma_wait3A_172 = tpu.memref_squeeze %dma_wait3A_171 : memref<1x160x2x125xi32, #tpu.memory_space<hbm>> -> memref<160x2x125xi32, #tpu.memory_space<hbm>>
          %dma_wait3A_173 = arith.constant 0 : i32
          %dma_wait3A_174 = arith.constant 0 : i32
          %dma_wait3A_175 = tpu.memref_slice %dma_wait3A_172[%dma_wait3A_167, %dma_wait3A_173, %dma_wait3A_174] : memref<160x2x125xi32, #tpu.memory_space<hbm>> -> memref<1x2x125xi32, #tpu.memory_space<hbm>>
          %dma_wait3A_176 = tpu.memref_squeeze %dma_wait3A_175 : memref<1x2x125xi32, #tpu.memory_space<hbm>> -> memref<2x125xi32, #tpu.memory_space<hbm>>
          %dma_wait3A_177 = arith.constant 0 : i32
          %dma_wait3A_178 = arith.constant 0 : i32
          %dma_wait3A_179 = arith.constant 0 : i32
          %dma_wait3A_180 = tpu.memref_slice %arg4[%arg1, %dma_wait3A_177, %dma_wait3A_178, %dma_wait3A_179] : memref<16x160x2x125xi32, #tpu.memory_space<hbm>> -> memref<1x160x2x125xi32, #tpu.memory_space<hbm>>
          %dma_wait3A_181 = tpu.memref_squeeze %dma_wait3A_180 : memref<1x160x2x125xi32, #tpu.memory_space<hbm>> -> memref<160x2x125xi32, #tpu.memory_space<hbm>>
          %dma_wait3A_182 = arith.constant 0 : i32
          %dma_wait3A_183 = arith.constant 0 : i32
          %dma_wait3A_184 = tpu.memref_slice %dma_wait3A_181[%dma_wait3A_167, %dma_wait3A_182, %dma_wait3A_183] : memref<160x2x125xi32, #tpu.memory_space<hbm>> -> memref<1x2x125xi32, #tpu.memory_space<hbm>>
          %dma_wait3A_185 = tpu.memref_squeeze %dma_wait3A_184 : memref<1x2x125xi32, #tpu.memory_space<hbm>> -> memref<2x125xi32, #tpu.memory_space<hbm>>
          tpu.wait_dma2 semaphore(%arg12 : memref<!tpu.dma_semaphore, #tpu.memory_space<semaphore_mem>>) src(%dma_wait3A_185 : memref<2x125xi32, #tpu.memory_space<hbm>>) dst(%arg8 : memref<2x125xi32, #tpu.memory_space<vmem>>)
          %dma_start3A_186 = arith.constant 0 : i32
          %dma_start3A_187 = arith.constant 0 : i32
          %dma_start3A_188 = tpu.memref_slice %arg8[%dma_start3A_186, %dma_start3A_187] : memref<2x125xi32, #tpu.memory_space<vmem>> -> memref<1x125xi32, #tpu.memory_space<vmem>>
          %dma_start3A_189 = tpu.memref_squeeze %dma_start3A_188 : memref<1x125xi32, #tpu.memory_space<vmem>> -> memref<125xi32, #tpu.memory_space<vmem>>
          %dma_start3A_190 = arith.constant 0 : i32
          %dma_start3A_191 = arith.constant 0 : i32
          %dma_start3A_192 = tpu.memref_slice %arg3[%dma_start3A_190, %dma_start3A_191] : memref<10000x128xf32, #tpu.memory_space<hbm>> -> memref<10000x128xf32, #tpu.memory_space<hbm>>
          tpu.enqueue_indirect_dma source(%dma_start3A_192 : memref<10000x128xf32, #tpu.memory_space<hbm>>) target(%arg16 : memref<125x128xf32, #tpu.memory_space<vmem>>) offsets(%dma_start3A_189 : memref<125xi32, #tpu.memory_space<vmem>>) semaphore(%arg18 : memref<!tpu.dma_semaphore, #tpu.memory_space<semaphore_mem>>)
        } else {
        }
        %mul3A_141 = arith.constant 4 : i32
        %mul3A_142 = arith.muli %mul3A_141, %scan3A_65 : i32
        %add3A_143 = arith.constant 3 : i32
        %add3A_144 = arith.addi %mul3A_142, %add3A_143 : i32
        %dma_wait3A_145 = arith.constant 0 : i32
        %dma_wait3A_146 = arith.constant 0 : i32
        %dma_wait3A_147 = tpu.memref_slice %arg11[%dma_wait3A_145, %dma_wait3A_146] : memref<2x125xi32, #tpu.memory_space<vmem>> -> memref<1x125xi32, #tpu.memory_space<vmem>>
        %dma_wait3A_148 = tpu.memref_squeeze %dma_wait3A_147 : memref<1x125xi32, #tpu.memory_space<vmem>> -> memref<125xi32, #tpu.memory_space<vmem>>
        %dma_wait3A_149 = arith.constant 0 : i32
        %dma_wait3A_150 = arith.constant 0 : i32
        %dma_wait3A_151 = tpu.memref_slice %arg3[%dma_wait3A_149, %dma_wait3A_150] : memref<10000x128xf32, #tpu.memory_space<hbm>> -> memref<10000x128xf32, #tpu.memory_space<hbm>>
        tpu.wait_indirect_dma semaphore(%arg19 : memref<!tpu.dma_semaphore, #tpu.memory_space<semaphore_mem>>) src(%dma_wait3A_151 : memref<10000x128xf32, #tpu.memory_space<hbm>>) dst(%arg17 : memref<125x128xf32, #tpu.memory_space<vmem>>)
        %run_scoped3A_152 = arith.constant 1 : i32
        "tpu.region"() ({
          %run_scoped3A_167 = tpu.sem_alloc : memref<!tpu.dma_semaphore, #tpu.memory_space<semaphore_mem>>
          %dma_start3A_168 = arith.constant 0 : i32
          %dma_start3A_169 = tpu.memref_slice %arg11[%run_scoped3A_152, %dma_start3A_168] : memref<2x125xi32, #tpu.memory_space<vmem>> -> memref<1x125xi32, #tpu.memory_space<vmem>>
          %dma_start3A_170 = tpu.memref_squeeze %dma_start3A_169 : memref<1x125xi32, #tpu.memory_space<vmem>> -> memref<125xi32, #tpu.memory_space<vmem>>
          %dma_start3A_171 = arith.constant 0 : i32
          %dma_start3A_172 = arith.constant 0 : i32
          %dma_start3A_173 = tpu.memref_slice %arg20[%dma_start3A_171, %dma_start3A_172] : memref<10240x128xf32, #tpu.memory_space<vmem_shared>> -> memref<10240x128xf32, #tpu.memory_space<vmem_shared>>
          tpu.enqueue_indirect_dma source(%arg17 : memref<125x128xf32, #tpu.memory_space<vmem>>) target(%dma_start3A_173 : memref<10240x128xf32, #tpu.memory_space<vmem_shared>>) offsets(%dma_start3A_170 : memref<125xi32, #tpu.memory_space<vmem>>) semaphore(%run_scoped3A_167 : memref<!tpu.dma_semaphore, #tpu.memory_space<semaphore_mem>>) {add = true}
          %dma_wait3A_174 = arith.constant 0 : i32
          %dma_wait3A_175 = tpu.memref_slice %arg11[%run_scoped3A_152, %dma_wait3A_174] : memref<2x125xi32, #tpu.memory_space<vmem>> -> memref<1x125xi32, #tpu.memory_space<vmem>>
          %dma_wait3A_176 = tpu.memref_squeeze %dma_wait3A_175 : memref<1x125xi32, #tpu.memory_space<vmem>> -> memref<125xi32, #tpu.memory_space<vmem>>
          %dma_wait3A_177 = arith.constant 0 : i32
          %dma_wait3A_178 = arith.constant 0 : i32
          %dma_wait3A_179 = tpu.memref_slice %arg20[%dma_wait3A_177, %dma_wait3A_178] : memref<10240x128xf32, #tpu.memory_space<vmem_shared>> -> memref<10240x128xf32, #tpu.memory_space<vmem_shared>>
          tpu.wait_indirect_dma semaphore(%run_scoped3A_167 : memref<!tpu.dma_semaphore, #tpu.memory_space<semaphore_mem>>) src(%arg17 : memref<125x128xf32, #tpu.memory_space<vmem>>) dst(%dma_wait3A_179 : memref<10240x128xf32, #tpu.memory_space<vmem_shared>>)
          tpu.yield
        }) : () -> ()
        %add3A_153 = arith.constant 4 : i32
        %add3A_154 = arith.addi %add3A_144, %add3A_153 : i32
        %lt3A_155 = arith.constant 160 : i32
        %lt3A_156 = arith.cmpi slt, %add3A_154, %lt3A_155 : i32
        %convert_element_type3A_157 = arith.extui %lt3A_156 : i1 to i32
        %cond3A_158 = arith.constant 0 : i32
        %cond3A_159 = arith.cmpi ne, %convert_element_type3A_157, %cond3A_158 : i32
        scf.if %cond3A_159 {
          %add3A_167 = arith.constant 4 : i32
          %add3A_168 = arith.addi %add3A_144, %add3A_167 : i32
          %dma_start3A_169 = arith.constant 0 : i32
          %dma_start3A_170 = arith.constant 0 : i32
          %dma_start3A_171 = arith.constant 0 : i32
          %dma_start3A_172 = tpu.memref_slice %arg4[%arg1, %dma_start3A_169, %dma_start3A_170, %dma_start3A_171] : memref<16x160x2x125xi32, #tpu.memory_space<hbm>> -> memref<1x160x2x125xi32, #tpu.memory_space<hbm>>
          %dma_start3A_173 = tpu.memref_squeeze %dma_start3A_172 : memref<1x160x2x125xi32, #tpu.memory_space<hbm>> -> memref<160x2x125xi32, #tpu.memory_space<hbm>>
          %dma_start3A_174 = arith.constant 0 : i32
          %dma_start3A_175 = arith.constant 0 : i32
          %dma_start3A_176 = tpu.memref_slice %dma_start3A_173[%add3A_168, %dma_start3A_174, %dma_start3A_175] : memref<160x2x125xi32, #tpu.memory_space<hbm>> -> memref<1x2x125xi32, #tpu.memory_space<hbm>>
          %dma_start3A_177 = tpu.memref_squeeze %dma_start3A_176 : memref<1x2x125xi32, #tpu.memory_space<hbm>> -> memref<2x125xi32, #tpu.memory_space<hbm>>
          %dma_start3A_178 = arith.constant 0 : i32
          %dma_start3A_179 = arith.constant 0 : i32
          %dma_start3A_180 = arith.constant 0 : i32
          %dma_start3A_181 = tpu.memref_slice %arg4[%arg1, %dma_start3A_178, %dma_start3A_179, %dma_start3A_180] : memref<16x160x2x125xi32, #tpu.memory_space<hbm>> -> memref<1x160x2x125xi32, #tpu.memory_space<hbm>>
          %dma_start3A_182 = tpu.memref_squeeze %dma_start3A_181 : memref<1x160x2x125xi32, #tpu.memory_space<hbm>> -> memref<160x2x125xi32, #tpu.memory_space<hbm>>
          %dma_start3A_183 = arith.constant 0 : i32
          %dma_start3A_184 = arith.constant 0 : i32
          %dma_start3A_185 = tpu.memref_slice %dma_start3A_182[%add3A_168, %dma_start3A_183, %dma_start3A_184] : memref<160x2x125xi32, #tpu.memory_space<hbm>> -> memref<1x2x125xi32, #tpu.memory_space<hbm>>
          %dma_start3A_186 = tpu.memref_squeeze %dma_start3A_185 : memref<1x2x125xi32, #tpu.memory_space<hbm>> -> memref<2x125xi32, #tpu.memory_space<hbm>>
          tpu.enqueue_dma source(%dma_start3A_186 : memref<2x125xi32, #tpu.memory_space<hbm>>) target(%arg11 : memref<2x125xi32, #tpu.memory_space<vmem>>) target_semaphore(%arg15 : memref<!tpu.dma_semaphore, #tpu.memory_space<semaphore_mem>>)
        } else {
        }
        %add3A_160 = arith.constant 2 : i32
        %add3A_161 = arith.addi %add3A_144, %add3A_160 : i32
        %lt3A_162 = arith.constant 160 : i32
        %lt3A_163 = arith.cmpi slt, %add3A_161, %lt3A_162 : i32
        %convert_element_type3A_164 = arith.extui %lt3A_163 : i1 to i32
        %cond3A_165 = arith.constant 0 : i32
        %cond3A_166 = arith.cmpi ne, %convert_element_type3A_164, %cond3A_165 : i32
        scf.if %cond3A_166 {
          %dma_wait3A_167 = arith.constant 0 : i32
          %dma_wait3A_168 = arith.constant 0 : i32
          %dma_wait3A_169 = arith.constant 0 : i32
          %dma_wait3A_170 = arith.constant 0 : i32
          %dma_wait3A_171 = tpu.memref_slice %arg4[%arg1, %dma_wait3A_168, %dma_wait3A_169, %dma_wait3A_170] : memref<16x160x2x125xi32, #tpu.memory_space<hbm>> -> memref<1x160x2x125xi32, #tpu.memory_space<hbm>>
          %dma_wait3A_172 = tpu.memref_squeeze %dma_wait3A_171 : memref<1x160x2x125xi32, #tpu.memory_space<hbm>> -> memref<160x2x125xi32, #tpu.memory_space<hbm>>
          %dma_wait3A_173 = arith.constant 0 : i32
          %dma_wait3A_174 = arith.constant 0 : i32
          %dma_wait3A_175 = tpu.memref_slice %dma_wait3A_172[%dma_wait3A_167, %dma_wait3A_173, %dma_wait3A_174] : memref<160x2x125xi32, #tpu.memory_space<hbm>> -> memref<1x2x125xi32, #tpu.memory_space<hbm>>
          %dma_wait3A_176 = tpu.memref_squeeze %dma_wait3A_175 : memref<1x2x125xi32, #tpu.memory_space<hbm>> -> memref<2x125xi32, #tpu.memory_space<hbm>>
          %dma_wait3A_177 = arith.constant 0 : i32
          %dma_wait3A_178 = arith.constant 0 : i32
          %dma_wait3A_179 = arith.constant 0 : i32
          %dma_wait3A_180 = tpu.memref_slice %arg4[%arg1, %dma_wait3A_177, %dma_wait3A_178, %dma_wait3A_179] : memref<16x160x2x125xi32, #tpu.memory_space<hbm>> -> memref<1x160x2x125xi32, #tpu.memory_space<hbm>>
          %dma_wait3A_181 = tpu.memref_squeeze %dma_wait3A_180 : memref<1x160x2x125xi32, #tpu.memory_space<hbm>> -> memref<160x2x125xi32, #tpu.memory_space<hbm>>
          %dma_wait3A_182 = arith.constant 0 : i32
          %dma_wait3A_183 = arith.constant 0 : i32
          %dma_wait3A_184 = tpu.memref_slice %dma_wait3A_181[%dma_wait3A_167, %dma_wait3A_182, %dma_wait3A_183] : memref<160x2x125xi32, #tpu.memory_space<hbm>> -> memref<1x2x125xi32, #tpu.memory_space<hbm>>
          %dma_wait3A_185 = tpu.memref_squeeze %dma_wait3A_184 : memref<1x2x125xi32, #tpu.memory_space<hbm>> -> memref<2x125xi32, #tpu.memory_space<hbm>>
          tpu.wait_dma2 semaphore(%arg13 : memref<!tpu.dma_semaphore, #tpu.memory_space<semaphore_mem>>) src(%dma_wait3A_185 : memref<2x125xi32, #tpu.memory_space<hbm>>) dst(%arg9 : memref<2x125xi32, #tpu.memory_space<vmem>>)
          %dma_start3A_186 = arith.constant 0 : i32
          %dma_start3A_187 = arith.constant 0 : i32
          %dma_start3A_188 = tpu.memref_slice %arg9[%dma_start3A_186, %dma_start3A_187] : memref<2x125xi32, #tpu.memory_space<vmem>> -> memref<1x125xi32, #tpu.memory_space<vmem>>
          %dma_start3A_189 = tpu.memref_squeeze %dma_start3A_188 : memref<1x125xi32, #tpu.memory_space<vmem>> -> memref<125xi32, #tpu.memory_space<vmem>>
          %dma_start3A_190 = arith.constant 0 : i32
          %dma_start3A_191 = arith.constant 0 : i32
          %dma_start3A_192 = tpu.memref_slice %arg3[%dma_start3A_190, %dma_start3A_191] : memref<10000x128xf32, #tpu.memory_space<hbm>> -> memref<10000x128xf32, #tpu.memory_space<hbm>>
          tpu.enqueue_indirect_dma source(%dma_start3A_192 : memref<10000x128xf32, #tpu.memory_space<hbm>>) target(%arg17 : memref<125x128xf32, #tpu.memory_space<vmem>>) offsets(%dma_start3A_189 : memref<125xi32, #tpu.memory_space<vmem>>) semaphore(%arg19 : memref<!tpu.dma_semaphore, #tpu.memory_space<semaphore_mem>>)
        } else {
        }
      }
      %scan3A_63 = arith.constant 40 : i32
      %barrier3A_64 = arith.constant 0 : index
      tpu.barrier barrier_id(%barrier3A_64)
      "tpu.region"() ({
        %run_scoped3A_65 = tpu.sem_alloc : memref<!tpu.dma_semaphore, #tpu.memory_space<semaphore_mem>>
        %dma_start3A_66 = arith.constant 0 : i32
        %dma_start3A_67 = tpu.memref_slice %arg7[%multiple_of3A, %dma_start3A_66] : memref<10240x128xf32, #tpu.memory_space<hbm>> -> memref<640x128xf32, #tpu.memory_space<hbm>>
        %dma_start3A_68 = arith.constant 0 : i32
        %dma_start3A_69 = tpu.memref_slice %arg20[%multiple_of3A, %dma_start3A_68] : memref<10240x128xf32, #tpu.memory_space<vmem_shared>> -> memref<640x128xf32, #tpu.memory_space<vmem_shared>>
        tpu.enqueue_dma source(%dma_start3A_69 : memref<640x128xf32, #tpu.memory_space<vmem_shared>>) target(%dma_start3A_67 : memref<640x128xf32, #tpu.memory_space<hbm>>) target_semaphore(%run_scoped3A_65 : memref<!tpu.dma_semaphore, #tpu.memory_space<semaphore_mem>>)
        %dma_wait3A = arith.constant 0 : i32
        %dma_wait3A_70 = tpu.memref_slice %arg7[%multiple_of3A, %dma_wait3A] : memref<10240x128xf32, #tpu.memory_space<hbm>> -> memref<640x128xf32, #tpu.memory_space<hbm>>
        %dma_wait3A_71 = arith.constant 0 : i32
        %dma_wait3A_72 = tpu.memref_slice %arg20[%multiple_of3A, %dma_wait3A_71] : memref<10240x128xf32, #tpu.memory_space<vmem_shared>> -> memref<640x128xf32, #tpu.memory_space<vmem_shared>>
        tpu.wait_dma2 semaphore(%run_scoped3A_65 : memref<!tpu.dma_semaphore, #tpu.memory_space<semaphore_mem>>) src(%dma_wait3A_72 : memref<640x128xf32, #tpu.memory_space<vmem_shared>>) dst(%dma_wait3A_70 : memref<640x128xf32, #tpu.memory_space<hbm>>)
        tpu.yield
      }) : () -> ()
    } else {
    }
    return
  }
}

#map = affine_map<(d0, d1) -> (0, 0, 0, 0)>
#map1 = affine_map<(d0, d1) -> (0, 0)>
module attributes {stable_mosaic.version = 14 : i64} {
  func.func @deg(%arg0: i32, %arg1: i32, %arg2: memref<2x16x80x125xi32, #tpu.memory_space<hbm>>, %arg3: memref<125x128xf32, #tpu.memory_space<hbm>>, %arg4: memref<10240x128xf32, #tpu.memory_space<hbm>>, %arg5: memref<10240x128xf32, #tpu.memory_space<hbm>>, %arg6: memref<10240x128xf32, #tpu.memory_space<hbm>>, %arg7: memref<80x125xi32, #tpu.memory_space<vmem>>, %arg8: memref<125x128xf32, #tpu.memory_space<vmem>>, %arg9: memref<10240x128xf32, #tpu.memory_space<vmem_shared>>) attributes {dimension_semantics = [#tpu.dimension_semantics<core_parallel>, #tpu.dimension_semantics<subcore_parallel>], iteration_bounds = array<i64: 2, 16>, scalar_prefetch = 0 : i64, scratch_operands = 3 : i64, tpu.core_type = #tpu.core_type<sc_vector_subcore>, window_params = [{transform_indices = #map}, {transform_indices = #map1}, {transform_indices = #map1}, {transform_indices = #map1}, {transform_indices = #map1}]} {
    %mul3A = arith.constant 640 : i32
    %mul3A_0 = arith.muli %arg1, %mul3A : i32
    %multiple_of3A = tpu.assume_multiple %mul3A_0, 640 : i32
    "tpu.region"() ({
      %run_scoped3A = tpu.sem_alloc : memref<!tpu.dma_semaphore, #tpu.memory_space<semaphore_mem>>
      %dma_start3A = arith.constant 0 : i32
      %dma_start3A_13 = tpu.memref_slice %arg9[%multiple_of3A, %dma_start3A] : memref<10240x128xf32, #tpu.memory_space<vmem_shared>> -> memref<640x128xf32, #tpu.memory_space<vmem_shared>>
      %dma_start3A_14 = arith.constant 0 : i32
      %dma_start3A_15 = tpu.memref_slice %arg4[%multiple_of3A, %dma_start3A_14] : memref<10240x128xf32, #tpu.memory_space<hbm>> -> memref<640x128xf32, #tpu.memory_space<hbm>>
      tpu.enqueue_dma source(%dma_start3A_15 : memref<640x128xf32, #tpu.memory_space<hbm>>) target(%dma_start3A_13 : memref<640x128xf32, #tpu.memory_space<vmem_shared>>) target_semaphore(%run_scoped3A : memref<!tpu.dma_semaphore, #tpu.memory_space<semaphore_mem>>)
      %dma_wait3A = arith.constant 0 : i32
      %dma_wait3A_16 = tpu.memref_slice %arg9[%multiple_of3A, %dma_wait3A] : memref<10240x128xf32, #tpu.memory_space<vmem_shared>> -> memref<640x128xf32, #tpu.memory_space<vmem_shared>>
      %dma_wait3A_17 = arith.constant 0 : i32
      %dma_wait3A_18 = tpu.memref_slice %arg4[%multiple_of3A, %dma_wait3A_17] : memref<10240x128xf32, #tpu.memory_space<hbm>> -> memref<640x128xf32, #tpu.memory_space<hbm>>
      tpu.wait_dma2 semaphore(%run_scoped3A : memref<!tpu.dma_semaphore, #tpu.memory_space<semaphore_mem>>) src(%dma_wait3A_18 : memref<640x128xf32, #tpu.memory_space<hbm>>) dst(%dma_wait3A_16 : memref<640x128xf32, #tpu.memory_space<vmem_shared>>)
      tpu.yield
    }) : () -> ()
    "tpu.region"() ({
      %run_scoped3A = tpu.sem_alloc : memref<!tpu.dma_semaphore, #tpu.memory_space<semaphore_mem>>
      tpu.enqueue_dma source(%arg3 : memref<125x128xf32, #tpu.memory_space<hbm>>) target(%arg8 : memref<125x128xf32, #tpu.memory_space<vmem>>) target_semaphore(%run_scoped3A : memref<!tpu.dma_semaphore, #tpu.memory_space<semaphore_mem>>)
      tpu.wait_dma2 semaphore(%run_scoped3A : memref<!tpu.dma_semaphore, #tpu.memory_space<semaphore_mem>>) src(%arg3 : memref<125x128xf32, #tpu.memory_space<hbm>>) dst(%arg8 : memref<125x128xf32, #tpu.memory_space<vmem>>)
      tpu.yield
    }) : () -> ()
    "tpu.region"() ({
      %run_scoped3A = tpu.sem_alloc : memref<!tpu.dma_semaphore, #tpu.memory_space<semaphore_mem>>
      %dma_start3A = arith.constant 0 : i32
      %dma_start3A_13 = arith.constant 0 : i32
      %dma_start3A_14 = tpu.memref_slice %arg2[%arg0, %arg1, %dma_start3A, %dma_start3A_13] : memref<2x16x80x125xi32, #tpu.memory_space<hbm>> -> memref<1x1x80x125xi32, #tpu.memory_space<hbm>>
      %dma_start3A_15 = tpu.memref_squeeze %dma_start3A_14 : memref<1x1x80x125xi32, #tpu.memory_space<hbm>> -> memref<80x125xi32, #tpu.memory_space<hbm>>
      %dma_start3A_16 = arith.constant 0 : i32
      %dma_start3A_17 = arith.constant 0 : i32
      %dma_start3A_18 = tpu.memref_slice %arg2[%arg0, %arg1, %dma_start3A_16, %dma_start3A_17] : memref<2x16x80x125xi32, #tpu.memory_space<hbm>> -> memref<1x1x80x125xi32, #tpu.memory_space<hbm>>
      %dma_start3A_19 = tpu.memref_squeeze %dma_start3A_18 : memref<1x1x80x125xi32, #tpu.memory_space<hbm>> -> memref<80x125xi32, #tpu.memory_space<hbm>>
      tpu.enqueue_dma source(%dma_start3A_19 : memref<80x125xi32, #tpu.memory_space<hbm>>) target(%arg7 : memref<80x125xi32, #tpu.memory_space<vmem>>) target_semaphore(%run_scoped3A : memref<!tpu.dma_semaphore, #tpu.memory_space<semaphore_mem>>)
      %dma_wait3A = arith.constant 0 : i32
      %dma_wait3A_20 = arith.constant 0 : i32
      %dma_wait3A_21 = tpu.memref_slice %arg2[%arg0, %arg1, %dma_wait3A, %dma_wait3A_20] : memref<2x16x80x125xi32, #tpu.memory_space<hbm>> -> memref<1x1x80x125xi32, #tpu.memory_space<hbm>>
      %dma_wait3A_22 = tpu.memref_squeeze %dma_wait3A_21 : memref<1x1x80x125xi32, #tpu.memory_space<hbm>> -> memref<80x125xi32, #tpu.memory_space<hbm>>
      %dma_wait3A_23 = arith.constant 0 : i32
      %dma_wait3A_24 = arith.constant 0 : i32
      %dma_wait3A_25 = tpu.memref_slice %arg2[%arg0, %arg1, %dma_wait3A_23, %dma_wait3A_24] : memref<2x16x80x125xi32, #tpu.memory_space<hbm>> -> memref<1x1x80x125xi32, #tpu.memory_space<hbm>>
      %dma_wait3A_26 = tpu.memref_squeeze %dma_wait3A_25 : memref<1x1x80x125xi32, #tpu.memory_space<hbm>> -> memref<80x125xi32, #tpu.memory_space<hbm>>
      tpu.wait_dma2 semaphore(%run_scoped3A : memref<!tpu.dma_semaphore, #tpu.memory_space<semaphore_mem>>) src(%dma_wait3A_26 : memref<80x125xi32, #tpu.memory_space<hbm>>) dst(%arg7 : memref<80x125xi32, #tpu.memory_space<vmem>>)
      tpu.yield
    }) : () -> ()
    %barrier3A = arith.constant 0 : index
    tpu.barrier barrier_id(%barrier3A)
    %scan3A = arith.constant 0 : i32
    %scan3A_1 = arith.constant 80 : i32
    %scan3A_2 = arith.addi %scan3A, %scan3A_1 : i32
    %scan3A_3 = arith.constant 1 : i32
    scf.for %scan3A_13 = %scan3A to %scan3A_2 step %scan3A_3  : i32 {
      "tpu.region"() ({
        %run_scoped3A = tpu.sem_alloc : memref<!tpu.dma_semaphore, #tpu.memory_space<semaphore_mem>>
        %dma_start3A = arith.constant 0 : i32
        %dma_start3A_14 = tpu.memref_slice %arg7[%scan3A_13, %dma_start3A] : memref<80x125xi32, #tpu.memory_space<vmem>> -> memref<1x125xi32, #tpu.memory_space<vmem>>
        %dma_start3A_15 = tpu.memref_squeeze %dma_start3A_14 : memref<1x125xi32, #tpu.memory_space<vmem>> -> memref<125xi32, #tpu.memory_space<vmem>>
        %dma_start3A_16 = arith.constant 0 : i32
        %dma_start3A_17 = arith.constant 0 : i32
        %dma_start3A_18 = tpu.memref_slice %arg9[%dma_start3A_16, %dma_start3A_17] : memref<10240x128xf32, #tpu.memory_space<vmem_shared>> -> memref<10240x128xf32, #tpu.memory_space<vmem_shared>>
        tpu.enqueue_indirect_dma source(%arg8 : memref<125x128xf32, #tpu.memory_space<vmem>>) target(%dma_start3A_18 : memref<10240x128xf32, #tpu.memory_space<vmem_shared>>) offsets(%dma_start3A_15 : memref<125xi32, #tpu.memory_space<vmem>>) semaphore(%run_scoped3A : memref<!tpu.dma_semaphore, #tpu.memory_space<semaphore_mem>>) {add = true}
        %dma_wait3A = arith.constant 0 : i32
        %dma_wait3A_19 = tpu.memref_slice %arg7[%scan3A_13, %dma_wait3A] : memref<80x125xi32, #tpu.memory_space<vmem>> -> memref<1x125xi32, #tpu.memory_space<vmem>>
        %dma_wait3A_20 = tpu.memref_squeeze %dma_wait3A_19 : memref<1x125xi32, #tpu.memory_space<vmem>> -> memref<125xi32, #tpu.memory_space<vmem>>
        %dma_wait3A_21 = arith.constant 0 : i32
        %dma_wait3A_22 = arith.constant 0 : i32
        %dma_wait3A_23 = tpu.memref_slice %arg9[%dma_wait3A_21, %dma_wait3A_22] : memref<10240x128xf32, #tpu.memory_space<vmem_shared>> -> memref<10240x128xf32, #tpu.memory_space<vmem_shared>>
        tpu.wait_indirect_dma semaphore(%run_scoped3A : memref<!tpu.dma_semaphore, #tpu.memory_space<semaphore_mem>>) src(%arg8 : memref<125x128xf32, #tpu.memory_space<vmem>>) dst(%dma_wait3A_23 : memref<10240x128xf32, #tpu.memory_space<vmem_shared>>)
        tpu.yield
      }) : () -> ()
    }
    %scan3A_4 = arith.constant 80 : i32
    %barrier3A_5 = arith.constant 0 : index
    tpu.barrier barrier_id(%barrier3A_5)
    %eq3A = arith.constant 0 : i32
    %eq3A_6 = arith.cmpi eq, %arg0, %eq3A : i32
    %convert_element_type3A = arith.extui %eq3A_6 : i1 to i32
    %cond3A = arith.constant 0 : i32
    %cond3A_7 = arith.cmpi ne, %convert_element_type3A, %cond3A : i32
    scf.if %cond3A_7 {
      "tpu.region"() ({
        %run_scoped3A = tpu.sem_alloc : memref<!tpu.dma_semaphore, #tpu.memory_space<semaphore_mem>>
        %dma_start3A = arith.constant 0 : i32
        %dma_start3A_13 = tpu.memref_slice %arg5[%multiple_of3A, %dma_start3A] : memref<10240x128xf32, #tpu.memory_space<hbm>> -> memref<640x128xf32, #tpu.memory_space<hbm>>
        %dma_start3A_14 = arith.constant 0 : i32
        %dma_start3A_15 = tpu.memref_slice %arg9[%multiple_of3A, %dma_start3A_14] : memref<10240x128xf32, #tpu.memory_space<vmem_shared>> -> memref<640x128xf32, #tpu.memory_space<vmem_shared>>
        tpu.enqueue_dma source(%dma_start3A_15 : memref<640x128xf32, #tpu.memory_space<vmem_shared>>) target(%dma_start3A_13 : memref<640x128xf32, #tpu.memory_space<hbm>>) target_semaphore(%run_scoped3A : memref<!tpu.dma_semaphore, #tpu.memory_space<semaphore_mem>>)
        %dma_wait3A = arith.constant 0 : i32
        %dma_wait3A_16 = tpu.memref_slice %arg5[%multiple_of3A, %dma_wait3A] : memref<10240x128xf32, #tpu.memory_space<hbm>> -> memref<640x128xf32, #tpu.memory_space<hbm>>
        %dma_wait3A_17 = arith.constant 0 : i32
        %dma_wait3A_18 = tpu.memref_slice %arg9[%multiple_of3A, %dma_wait3A_17] : memref<10240x128xf32, #tpu.memory_space<vmem_shared>> -> memref<640x128xf32, #tpu.memory_space<vmem_shared>>
        tpu.wait_dma2 semaphore(%run_scoped3A : memref<!tpu.dma_semaphore, #tpu.memory_space<semaphore_mem>>) src(%dma_wait3A_18 : memref<640x128xf32, #tpu.memory_space<vmem_shared>>) dst(%dma_wait3A_16 : memref<640x128xf32, #tpu.memory_space<hbm>>)
        tpu.yield
      }) : () -> ()
    } else {
    }
    %eq3A_8 = arith.constant 1 : i32
    %eq3A_9 = arith.cmpi eq, %arg0, %eq3A_8 : i32
    %convert_element_type3A_10 = arith.extui %eq3A_9 : i1 to i32
    %cond3A_11 = arith.constant 0 : i32
    %cond3A_12 = arith.cmpi ne, %convert_element_type3A_10, %cond3A_11 : i32
    scf.if %cond3A_12 {
      "tpu.region"() ({
        %run_scoped3A = tpu.sem_alloc : memref<!tpu.dma_semaphore, #tpu.memory_space<semaphore_mem>>
        %dma_start3A = arith.constant 0 : i32
        %dma_start3A_13 = tpu.memref_slice %arg6[%multiple_of3A, %dma_start3A] : memref<10240x128xf32, #tpu.memory_space<hbm>> -> memref<640x128xf32, #tpu.memory_space<hbm>>
        %dma_start3A_14 = arith.constant 0 : i32
        %dma_start3A_15 = tpu.memref_slice %arg9[%multiple_of3A, %dma_start3A_14] : memref<10240x128xf32, #tpu.memory_space<vmem_shared>> -> memref<640x128xf32, #tpu.memory_space<vmem_shared>>
        tpu.enqueue_dma source(%dma_start3A_15 : memref<640x128xf32, #tpu.memory_space<vmem_shared>>) target(%dma_start3A_13 : memref<640x128xf32, #tpu.memory_space<hbm>>) target_semaphore(%run_scoped3A : memref<!tpu.dma_semaphore, #tpu.memory_space<semaphore_mem>>)
        %dma_wait3A = arith.constant 0 : i32
        %dma_wait3A_16 = tpu.memref_slice %arg6[%multiple_of3A, %dma_wait3A] : memref<10240x128xf32, #tpu.memory_space<hbm>> -> memref<640x128xf32, #tpu.memory_space<hbm>>
        %dma_wait3A_17 = arith.constant 0 : i32
        %dma_wait3A_18 = tpu.memref_slice %arg9[%multiple_of3A, %dma_wait3A_17] : memref<10240x128xf32, #tpu.memory_space<vmem_shared>> -> memref<640x128xf32, #tpu.memory_space<vmem_shared>>
        tpu.wait_dma2 semaphore(%run_scoped3A : memref<!tpu.dma_semaphore, #tpu.memory_space<semaphore_mem>>) src(%dma_wait3A_18 : memref<640x128xf32, #tpu.memory_space<vmem_shared>>) dst(%dma_wait3A_16 : memref<640x128xf32, #tpu.memory_space<hbm>>)
        tpu.yield
      }) : () -> ()
    } else {
    }
    return
  }
}

module attributes {stable_mosaic.version = 14 : i64} {
  func.func @kern(%arg0: i32, %arg1: memref<1000x128xf32, #tpu.memory_space<vmem>>, %arg2: memref<1000x128xf32, #tpu.memory_space<vmem>>, %arg3: memref<1000x8xf32, #tpu.memory_space<vmem>>, %arg4: memref<1000x8xf32, #tpu.memory_space<vmem>>, %arg5: memref<1000x64xf32, #tpu.memory_space<vmem>>, %arg6: memref<1000x64xf32, #tpu.memory_space<vmem>>, %arg7: memref<128x256xbf16, #tpu.memory_space<vmem>>, %arg8: memref<128x256xbf16, #tpu.memory_space<vmem>>, %arg9: memref<64x256xbf16, #tpu.memory_space<vmem>>, %arg10: memref<64x256xbf16, #tpu.memory_space<vmem>>, %arg11: memref<1x256xf32, #tpu.memory_space<vmem>>, %arg12: memref<1000x256xf32, #tpu.memory_space<vmem>>, %arg13: memref<1x256xf32, #tpu.memory_space<vmem>>, %arg14: memref<1x256xf32, #tpu.memory_space<vmem>>) attributes {dimension_semantics = [#tpu.dimension_semantics<arbitrary>], iteration_bounds = array<i64: 10>, scalar_prefetch = 0 : i64, scratch_operands = 0 : i64, tpu.core_type = #tpu.core_type<tc>, window_params = [{transform_indices = @transform_0, window_bounds = array<i64: 1000, 128>}, {transform_indices = @transform_1, window_bounds = array<i64: 1000, 128>}, {transform_indices = @transform_2, window_bounds = array<i64: 1000, 8>}, {transform_indices = @transform_3, window_bounds = array<i64: 1000, 8>}, {transform_indices = @transform_4, window_bounds = array<i64: 1000, 64>}, {transform_indices = @transform_5, window_bounds = array<i64: 1000, 64>}, {pipeline_mode = #tpu.pipeline_mode<synchronous>, transform_indices = @transform_6, window_bounds = array<i64: 128, 256>}, {pipeline_mode = #tpu.pipeline_mode<synchronous>, transform_indices = @transform_7, window_bounds = array<i64: 128, 256>}, {pipeline_mode = #tpu.pipeline_mode<synchronous>, transform_indices = @transform_8, window_bounds = array<i64: 64, 256>}, {pipeline_mode = #tpu.pipeline_mode<synchronous>, transform_indices = @transform_9, window_bounds = array<i64: 64, 256>}, {pipeline_mode = #tpu.pipeline_mode<synchronous>, transform_indices = @transform_10, window_bounds = array<i64: 1, 256>}, {transform_indices = @transform_11, window_bounds = array<i64: 1000, 256>}, {pipeline_mode = #tpu.pipeline_mode<synchronous>, transform_indices = @transform_12, window_bounds = array<i64: 1, 256>}, {pipeline_mode = #tpu.pipeline_mode<synchronous>, transform_indices = @transform_13, window_bounds = array<i64: 1, 256>}]} {
    %get3A = arith.constant 0 : index
    %get3A_0 = arith.constant 0 : index
    %get3A_1 = vector.load %arg3[%get3A, %get3A_0] : memref<1000x8xf32, #tpu.memory_space<vmem>>, vector<1000x1xf32>
    %get3A_2 = arith.constant 0 : index
    %get3A_3 = arith.constant 0 : index
    %get3A_4 = vector.load %arg4[%get3A_2, %get3A_3] : memref<1000x8xf32, #tpu.memory_space<vmem>>, vector<1000x1xf32>
    %add3A = arith.addf %get3A_1, %get3A_4 : vector<1000x1xf32>
    %max3A = arith.constant 1.000000e+00 : f32
    %max3A_5 = vector.broadcast %max3A : f32 to vector<1000x1xf32>
    %max3A_6 = arith.maximumf %add3A, %max3A_5 : vector<1000x1xf32>
    %div3A = arith.constant 1.000000e+00 : f32
    %div3A_7 = vector.broadcast %div3A : f32 to vector<1000x1xf32>
    %div3A_8 = arith.divf %div3A_7, %max3A_6 : vector<1000x1xf32>
    %get3A_9 = arith.constant 0 : index
    %get3A_10 = arith.constant 0 : index
    %get3A_11 = vector.load %arg1[%get3A_9, %get3A_10] : memref<1000x128xf32, #tpu.memory_space<vmem>>, vector<1000x128xf32>
    %mul3A = vector.broadcast %div3A_8 : vector<1000x1xf32> to vector<1000x128xf32>
    %mul3A_12 = arith.mulf %get3A_11, %mul3A : vector<1000x128xf32>
    %convert_element_type3A = arith.truncf %mul3A_12 : vector<1000x128xf32> to vector<1000x128xbf16>
    %get3A_13 = arith.constant 0 : index
    %get3A_14 = arith.constant 0 : index
    %get3A_15 = vector.load %arg7[%get3A_13, %get3A_14] : memref<128x256xbf16, #tpu.memory_space<vmem>>, vector<128x256xbf16>
    %dot_general3A = arith.constant dense<0.000000e+00> : vector<1000x256xf32>
    %dot_general3A_16 = tpu.matmul %convert_element_type3A, %get3A_15, %dot_general3A {dimension_numbers = #tpu.dot_dimension_numbers<[1], [0], [0], [1], [0, 0, 1, 1], [], []>, transpose_lhs_hint = false} : vector<1000x128xbf16>, vector<128x256xbf16>, vector<1000x256xf32> -> vector<1000x256xf32>
    %get3A_17 = arith.constant 0 : index
    %get3A_18 = arith.constant 0 : index
    %get3A_19 = vector.load %arg2[%get3A_17, %get3A_18] : memref<1000x128xf32, #tpu.memory_space<vmem>>, vector<1000x128xf32>
    %mul3A_20 = vector.broadcast %div3A_8 : vector<1000x1xf32> to vector<1000x128xf32>
    %mul3A_21 = arith.mulf %get3A_19, %mul3A_20 : vector<1000x128xf32>
    %convert_element_type3A_22 = arith.truncf %mul3A_21 : vector<1000x128xf32> to vector<1000x128xbf16>
    %get3A_23 = arith.constant 0 : index
    %get3A_24 = arith.constant 0 : index
    %get3A_25 = vector.load %arg8[%get3A_23, %get3A_24] : memref<128x256xbf16, #tpu.memory_space<vmem>>, vector<128x256xbf16>
    %dot_general3A_26 = arith.constant dense<0.000000e+00> : vector<1000x256xf32>
    %dot_general3A_27 = tpu.matmul %convert_element_type3A_22, %get3A_25, %dot_general3A_26 {dimension_numbers = #tpu.dot_dimension_numbers<[1], [0], [0], [1], [0, 0, 1, 1], [], []>, transpose_lhs_hint = false} : vector<1000x128xbf16>, vector<128x256xbf16>, vector<1000x256xf32> -> vector<1000x256xf32>
    %add3A_28 = arith.addf %dot_general3A_16, %dot_general3A_27 : vector<1000x256xf32>
    %get3A_29 = arith.constant 0 : index
    %get3A_30 = arith.constant 0 : index
    %get3A_31 = vector.load %arg5[%get3A_29, %get3A_30] : memref<1000x64xf32, #tpu.memory_space<vmem>>, vector<1000x64xf32>
    %convert_element_type3A_32 = arith.truncf %get3A_31 : vector<1000x64xf32> to vector<1000x64xbf16>
    %get3A_33 = arith.constant 0 : index
    %get3A_34 = arith.constant 0 : index
    %get3A_35 = vector.load %arg9[%get3A_33, %get3A_34] : memref<64x256xbf16, #tpu.memory_space<vmem>>, vector<64x256xbf16>
    %dot_general3A_36 = arith.constant dense<0.000000e+00> : vector<1000x256xf32>
    %dot_general3A_37 = tpu.matmul %convert_element_type3A_32, %get3A_35, %dot_general3A_36 {dimension_numbers = #tpu.dot_dimension_numbers<[1], [0], [0], [1], [0, 0, 1, 1], [], []>, transpose_lhs_hint = false} : vector<1000x64xbf16>, vector<64x256xbf16>, vector<1000x256xf32> -> vector<1000x256xf32>
    %add3A_38 = arith.addf %add3A_28, %dot_general3A_37 : vector<1000x256xf32>
    %get3A_39 = arith.constant 0 : index
    %get3A_40 = arith.constant 0 : index
    %get3A_41 = vector.load %arg6[%get3A_39, %get3A_40] : memref<1000x64xf32, #tpu.memory_space<vmem>>, vector<1000x64xf32>
    %convert_element_type3A_42 = arith.truncf %get3A_41 : vector<1000x64xf32> to vector<1000x64xbf16>
    %get3A_43 = arith.constant 0 : index
    %get3A_44 = arith.constant 0 : index
    %get3A_45 = vector.load %arg10[%get3A_43, %get3A_44] : memref<64x256xbf16, #tpu.memory_space<vmem>>, vector<64x256xbf16>
    %dot_general3A_46 = arith.constant dense<0.000000e+00> : vector<1000x256xf32>
    %dot_general3A_47 = tpu.matmul %convert_element_type3A_42, %get3A_45, %dot_general3A_46 {dimension_numbers = #tpu.dot_dimension_numbers<[1], [0], [0], [1], [0, 0, 1, 1], [], []>, transpose_lhs_hint = false} : vector<1000x64xbf16>, vector<64x256xbf16>, vector<1000x256xf32> -> vector<1000x256xf32>
    %add3A_48 = arith.addf %add3A_38, %dot_general3A_47 : vector<1000x256xf32>
    %get3A_49 = arith.constant 0 : index
    %get3A_50 = arith.constant 0 : index
    %get3A_51 = vector.load %arg11[%get3A_49, %get3A_50] : memref<1x256xf32, #tpu.memory_space<vmem>>, vector<1x256xf32>
    %add3A_52 = vector.broadcast %get3A_51 : vector<1x256xf32> to vector<1000x256xf32>
    %add3A_53 = arith.addf %add3A_48, %add3A_52 : vector<1000x256xf32>
    %max3A_54 = arith.constant 0.000000e+00 : f32
    %max3A_55 = vector.broadcast %max3A_54 : f32 to vector<1000x256xf32>
    %max3A_56 = arith.maximumf %add3A_53, %max3A_55 : vector<1000x256xf32>
    %swap3A = arith.constant 0 : index
    %swap3A_57 = arith.constant 0 : index
    %swap3A_58 = vector.load %arg12[%swap3A, %swap3A_57] : memref<1000x256xf32, #tpu.memory_space<vmem>>, vector<1000x256xf32>
    tpu.vector_store %arg12[%swap3A, %swap3A_57], %max3A_56 {strides = array<i32>} : memref<1000x256xf32, #tpu.memory_space<vmem>>, vector<1000x256xf32>,
    %eq3A = arith.constant 0 : i32
    %eq3A_59 = arith.cmpi eq, %arg0, %eq3A : i32
    %convert_element_type3A_60 = arith.extui %eq3A_59 : i1 to i32
    %cond3A = arith.constant 0 : i32
    %cond3A_61 = arith.cmpi ne, %convert_element_type3A_60, %cond3A : i32
    scf.if %cond3A_61 {
      %broadcast_in_dim3A_81 = arith.constant 0.000000e+00 : f32
      %broadcast_in_dim3A_82 = vector.broadcast %broadcast_in_dim3A_81 : f32 to vector<1x256xf32>
      %swap3A_83 = arith.constant 0 : index
      %swap3A_84 = arith.constant 0 : index
      %swap3A_85 = vector.load %arg13[%swap3A_83, %swap3A_84] : memref<1x256xf32, #tpu.memory_space<vmem>>, vector<1x256xf32>
      tpu.vector_store %arg13[%swap3A_83, %swap3A_84], %broadcast_in_dim3A_82 {strides = array<i32>} : memref<1x256xf32, #tpu.memory_space<vmem>>, vector<1x256xf32>,
      %broadcast_in_dim3A_86 = arith.constant 0.000000e+00 : f32
      %broadcast_in_dim3A_87 = vector.broadcast %broadcast_in_dim3A_86 : f32 to vector<1x256xf32>
      %swap3A_88 = arith.constant 0 : index
      %swap3A_89 = arith.constant 0 : index
      %swap3A_90 = vector.load %arg14[%swap3A_88, %swap3A_89] : memref<1x256xf32, #tpu.memory_space<vmem>>, vector<1x256xf32>
      tpu.vector_store %arg14[%swap3A_88, %swap3A_89], %broadcast_in_dim3A_87 {strides = array<i32>} : memref<1x256xf32, #tpu.memory_space<vmem>>, vector<1x256xf32>,
    } else {
    }
    %get3A_62 = arith.constant 0 : index
    %get3A_63 = arith.constant 0 : index
    %get3A_64 = vector.load %arg13[%get3A_62, %get3A_63] : memref<1x256xf32, #tpu.memory_space<vmem>>, vector<1x256xf32>
    %reduce_sum3A = arith.constant dense<0.000000e+00> : vector<256xf32>
    %reduce_sum3A_65 = vector.multi_reduction <add>, %max3A_56, %reduce_sum3A [0] : vector<1000x256xf32> to vector<256xf32>
    %broadcast_in_dim3A = vector.shape_cast %reduce_sum3A_65 : vector<256xf32> to vector<1x256xf32>
    %add3A_66 = arith.addf %get3A_64, %broadcast_in_dim3A : vector<1x256xf32>
    %swap3A_67 = arith.constant 0 : index
    %swap3A_68 = arith.constant 0 : index
    %swap3A_69 = vector.load %arg13[%swap3A_67, %swap3A_68] : memref<1x256xf32, #tpu.memory_space<vmem>>, vector<1x256xf32>
    tpu.vector_store %arg13[%swap3A_67, %swap3A_68], %add3A_66 {strides = array<i32>} : memref<1x256xf32, #tpu.memory_space<vmem>>, vector<1x256xf32>,
    %get3A_70 = arith.constant 0 : index
    %get3A_71 = arith.constant 0 : index
    %get3A_72 = vector.load %arg14[%get3A_70, %get3A_71] : memref<1x256xf32, #tpu.memory_space<vmem>>, vector<1x256xf32>
    %mul3A_73 = arith.mulf %max3A_56, %max3A_56 : vector<1000x256xf32>
    %reduce_sum3A_74 = arith.constant dense<0.000000e+00> : vector<256xf32>
    %reduce_sum3A_75 = vector.multi_reduction <add>, %mul3A_73, %reduce_sum3A_74 [0] : vector<1000x256xf32> to vector<256xf32>
    %broadcast_in_dim3A_76 = vector.shape_cast %reduce_sum3A_75 : vector<256xf32> to vector<1x256xf32>
    %add3A_77 = arith.addf %get3A_72, %broadcast_in_dim3A_76 : vector<1x256xf32>
    %swap3A_78 = arith.constant 0 : index
    %swap3A_79 = arith.constant 0 : index
    %swap3A_80 = vector.load %arg14[%swap3A_78, %swap3A_79] : memref<1x256xf32, #tpu.memory_space<vmem>>, vector<1x256xf32>
    tpu.vector_store %arg14[%swap3A_78, %swap3A_79], %add3A_77 {strides = array<i32>} : memref<1x256xf32, #tpu.memory_space<vmem>>, vector<1x256xf32>,
    return
  }
  func.func @transform_0(%arg0: i32) -> (i32, i32) {
    %c0_i32 = arith.constant 0 : i32
    %c0_i32_0 = arith.constant 0 : i32
    return %arg0, %c0_i32 : i32, i32
  }
  func.func @transform_1(%arg0: i32) -> (i32, i32) {
    %c0_i32 = arith.constant 0 : i32
    %c0_i32_0 = arith.constant 0 : i32
    return %arg0, %c0_i32 : i32, i32
  }
  func.func @transform_2(%arg0: i32) -> (i32, i32) {
    %c0_i32 = arith.constant 0 : i32
    %c0_i32_0 = arith.constant 0 : i32
    return %arg0, %c0_i32 : i32, i32
  }
  func.func @transform_3(%arg0: i32) -> (i32, i32) {
    %c0_i32 = arith.constant 0 : i32
    %c0_i32_0 = arith.constant 0 : i32
    return %arg0, %c0_i32 : i32, i32
  }
  func.func @transform_4(%arg0: i32) -> (i32, i32) {
    %c0_i32 = arith.constant 0 : i32
    %c0_i32_0 = arith.constant 0 : i32
    return %arg0, %c0_i32 : i32, i32
  }
  func.func @transform_5(%arg0: i32) -> (i32, i32) {
    %c0_i32 = arith.constant 0 : i32
    %c0_i32_0 = arith.constant 0 : i32
    return %arg0, %c0_i32 : i32, i32
  }
  func.func @transform_6(%arg0: i32) -> (i32, i32) {
    %c0_i32 = arith.constant 0 : i32
    %c0_i32_0 = arith.constant 0 : i32
    %c0_i32_1 = arith.constant 0 : i32
    return %c0_i32, %c0_i32_0 : i32, i32
  }
  func.func @transform_7(%arg0: i32) -> (i32, i32) {
    %c0_i32 = arith.constant 0 : i32
    %c0_i32_0 = arith.constant 0 : i32
    %c0_i32_1 = arith.constant 0 : i32
    return %c0_i32, %c0_i32_0 : i32, i32
  }
  func.func @transform_8(%arg0: i32) -> (i32, i32) {
    %c0_i32 = arith.constant 0 : i32
    %c0_i32_0 = arith.constant 0 : i32
    %c0_i32_1 = arith.constant 0 : i32
    return %c0_i32, %c0_i32_0 : i32, i32
  }
  func.func @transform_9(%arg0: i32) -> (i32, i32) {
    %c0_i32 = arith.constant 0 : i32
    %c0_i32_0 = arith.constant 0 : i32
    %c0_i32_1 = arith.constant 0 : i32
    return %c0_i32, %c0_i32_0 : i32, i32
  }
  func.func @transform_10(%arg0: i32) -> (i32, i32) {
    %c0_i32 = arith.constant 0 : i32
    %c0_i32_0 = arith.constant 0 : i32
    %c0_i32_1 = arith.constant 0 : i32
    return %c0_i32, %c0_i32_0 : i32, i32
  }
  func.func @transform_11(%arg0: i32) -> (i32, i32) {
    %c0_i32 = arith.constant 0 : i32
    %c0_i32_0 = arith.constant 0 : i32
    return %arg0, %c0_i32 : i32, i32
  }
  func.func @transform_12(%arg0: i32) -> (i32, i32) {
    %c0_i32 = arith.constant 0 : i32
    %c0_i32_0 = arith.constant 0 : i32
    %c0_i32_1 = arith.constant 0 : i32
    return %c0_i32, %c0_i32_0 : i32, i32
  }
  func.func @transform_13(%arg0: i32) -> (i32, i32) {
    %c0_i32 = arith.constant 0 : i32
    %c0_i32_0 = arith.constant 0 : i32
    %c0_i32_1 = arith.constant 0 : i32
    return %c0_i32, %c0_i32_0 : i32, i32
  }
}

module attributes {stable_mosaic.version = 14 : i64} {
  func.func @kern(%arg0: i32, %arg1: memref<1000x256xf32, #tpu.memory_space<vmem>>, %arg2: memref<1x256xf32, #tpu.memory_space<vmem>>, %arg3: memref<1x256xf32, #tpu.memory_space<vmem>>, %arg4: memref<1x256xf32, #tpu.memory_space<vmem>>, %arg5: memref<1x256xf32, #tpu.memory_space<vmem>>, %arg6: memref<1000x128xf32, #tpu.memory_space<vmem>>, %arg7: memref<1000x128xf32, #tpu.memory_space<vmem>>) attributes {dimension_semantics = [#tpu.dimension_semantics<arbitrary>], iteration_bounds = array<i64: 10>, scalar_prefetch = 0 : i64, scratch_operands = 0 : i64, tpu.core_type = #tpu.core_type<tc>, window_params = [{transform_indices = @transform_0, window_bounds = array<i64: 1000, 256>}, {pipeline_mode = #tpu.pipeline_mode<synchronous>, transform_indices = @transform_1, window_bounds = array<i64: 1, 256>}, {pipeline_mode = #tpu.pipeline_mode<synchronous>, transform_indices = @transform_2, window_bounds = array<i64: 1, 256>}, {pipeline_mode = #tpu.pipeline_mode<synchronous>, transform_indices = @transform_3, window_bounds = array<i64: 1, 256>}, {pipeline_mode = #tpu.pipeline_mode<synchronous>, transform_indices = @transform_4, window_bounds = array<i64: 1, 256>}, {transform_indices = @transform_5, window_bounds = array<i64: 1000, 128>}, {transform_indices = @transform_6, window_bounds = array<i64: 1000, 128>}]} {
    %get3A = arith.constant 0 : index
    %get3A_0 = arith.constant 0 : index
    %get3A_1 = vector.load %arg2[%get3A, %get3A_0] : memref<1x256xf32, #tpu.memory_space<vmem>>, vector<1x256xf32>
    %div3A = arith.constant 1.000000e+04 : f32
    %div3A_2 = vector.broadcast %div3A : f32 to vector<1x256xf32>
    %div3A_3 = arith.divf %get3A_1, %div3A_2 : vector<1x256xf32>
    %get3A_4 = arith.constant 0 : index
    %get3A_5 = arith.constant 0 : index
    %get3A_6 = vector.load %arg3[%get3A_4, %get3A_5] : memref<1x256xf32, #tpu.memory_space<vmem>>, vector<1x256xf32>
    %div3A_7 = arith.constant 1.000000e+04 : f32
    %div3A_8 = vector.broadcast %div3A_7 : f32 to vector<1x256xf32>
    %div3A_9 = arith.divf %get3A_6, %div3A_8 : vector<1x256xf32>
    %mul3A = arith.mulf %div3A_3, %div3A_3 : vector<1x256xf32>
    %sub3A = arith.subf %div3A_9, %mul3A : vector<1x256xf32>
    %get3A_10 = arith.constant 0 : index
    %get3A_11 = arith.constant 0 : index
    %get3A_12 = vector.load %arg4[%get3A_10, %get3A_11] : memref<1x256xf32, #tpu.memory_space<vmem>>, vector<1x256xf32>
    %add3A = arith.constant 9.99999974E-6 : f32
    %add3A_13 = vector.broadcast %add3A : f32 to vector<1x256xf32>
    %add3A_14 = arith.addf %sub3A, %add3A_13 : vector<1x256xf32>
    %rsqrt3A = math.rsqrt %add3A_14 : vector<1x256xf32>
    %mul3A_15 = arith.mulf %get3A_12, %rsqrt3A : vector<1x256xf32>
    %get3A_16 = arith.constant 0 : index
    %get3A_17 = arith.constant 0 : index
    %get3A_18 = vector.load %arg5[%get3A_16, %get3A_17] : memref<1x256xf32, #tpu.memory_space<vmem>>, vector<1x256xf32>
    %mul3A_19 = arith.mulf %div3A_3, %mul3A_15 : vector<1x256xf32>
    %sub3A_20 = arith.subf %get3A_18, %mul3A_19 : vector<1x256xf32>
    %get3A_21 = arith.constant 0 : index
    %get3A_22 = arith.constant 0 : index
    %get3A_23 = vector.load %arg1[%get3A_21, %get3A_22] : memref<1000x256xf32, #tpu.memory_space<vmem>>, vector<1000x256xf32>
    %mul3A_24 = vector.broadcast %mul3A_15 : vector<1x256xf32> to vector<1000x256xf32>
    %mul3A_25 = arith.mulf %get3A_23, %mul3A_24 : vector<1000x256xf32>
    %add3A_26 = vector.broadcast %sub3A_20 : vector<1x256xf32> to vector<1000x256xf32>
    %add3A_27 = arith.addf %mul3A_25, %add3A_26 : vector<1000x256xf32>
    %slice3A = vector.extract_strided_slice %add3A_27 {offsets = [0, 0], sizes = [1000, 128], strides = [1, 1]} : vector<1000x256xf32> to vector<1000x128xf32>
    %swap3A = arith.constant 0 : index
    %swap3A_28 = arith.constant 0 : index
    %swap3A_29 = vector.load %arg6[%swap3A, %swap3A_28] : memref<1000x128xf32, #tpu.memory_space<vmem>>, vector<1000x128xf32>
    tpu.vector_store %arg6[%swap3A, %swap3A_28], %slice3A {strides = array<i32>} : memref<1000x128xf32, #tpu.memory_space<vmem>>, vector<1000x128xf32>,
    %slice3A_30 = vector.extract_strided_slice %add3A_27 {offsets = [0, 128], sizes = [1000, 128], strides = [1, 1]} : vector<1000x256xf32> to vector<1000x128xf32>
    %swap3A_31 = arith.constant 0 : index
    %swap3A_32 = arith.constant 0 : index
    %swap3A_33 = vector.load %arg7[%swap3A_31, %swap3A_32] : memref<1000x128xf32, #tpu.memory_space<vmem>>, vector<1000x128xf32>
    tpu.vector_store %arg7[%swap3A_31, %swap3A_32], %slice3A_30 {strides = array<i32>} : memref<1000x128xf32, #tpu.memory_space<vmem>>, vector<1000x128xf32>,
    return
  }
  func.func @transform_0(%arg0: i32) -> (i32, i32) {
    %c0_i32 = arith.constant 0 : i32
    %c0_i32_0 = arith.constant 0 : i32
    return %arg0, %c0_i32 : i32, i32
  }
  func.func @transform_1(%arg0: i32) -> (i32, i32) {
    %c0_i32 = arith.constant 0 : i32
    %c0_i32_0 = arith.constant 0 : i32
    %c0_i32_1 = arith.constant 0 : i32
    return %c0_i32, %c0_i32_0 : i32, i32
  }
  func.func @transform_2(%arg0: i32) -> (i32, i32) {
    %c0_i32 = arith.constant 0 : i32
    %c0_i32_0 = arith.constant 0 : i32
    %c0_i32_1 = arith.constant 0 : i32
    return %c0_i32, %c0_i32_0 : i32, i32
  }
  func.func @transform_3(%arg0: i32) -> (i32, i32) {
    %c0_i32 = arith.constant 0 : i32
    %c0_i32_0 = arith.constant 0 : i32
    %c0_i32_1 = arith.constant 0 : i32
    return %c0_i32, %c0_i32_0 : i32, i32
  }
  func.func @transform_4(%arg0: i32) -> (i32, i32) {
    %c0_i32 = arith.constant 0 : i32
    %c0_i32_0 = arith.constant 0 : i32
    %c0_i32_1 = arith.constant 0 : i32
    return %c0_i32, %c0_i32_0 : i32, i32
  }
  func.func @transform_5(%arg0: i32) -> (i32, i32) {
    %c0_i32 = arith.constant 0 : i32
    %c0_i32_0 = arith.constant 0 : i32
    return %arg0, %c0_i32 : i32, i32
  }
  func.func @transform_6(%arg0: i32) -> (i32, i32) {
    %c0_i32 = arith.constant 0 : i32
    %c0_i32_0 = arith.constant 0 : i32
    return %arg0, %c0_i32 : i32, i32
  }
}

module attributes {stable_mosaic.version = 14 : i64} {
  func.func @kern(%arg0: i32, %arg1: memref<1000x128xf32, #tpu.memory_space<vmem>>, %arg2: memref<1000x128xf32, #tpu.memory_space<vmem>>, %arg3: memref<1000x8xf32, #tpu.memory_space<vmem>>, %arg4: memref<1000x8xf32, #tpu.memory_space<vmem>>, %arg5: memref<1000x128xf32, #tpu.memory_space<vmem>>, %arg6: memref<1000x128xf32, #tpu.memory_space<vmem>>, %arg7: memref<128x256xbf16, #tpu.memory_space<vmem>>, %arg8: memref<128x256xbf16, #tpu.memory_space<vmem>>, %arg9: memref<128x256xbf16, #tpu.memory_space<vmem>>, %arg10: memref<128x256xbf16, #tpu.memory_space<vmem>>, %arg11: memref<1x256xf32, #tpu.memory_space<vmem>>, %arg12: memref<1000x256xf32, #tpu.memory_space<vmem>>, %arg13: memref<1x256xf32, #tpu.memory_space<vmem>>, %arg14: memref<1x256xf32, #tpu.memory_space<vmem>>) attributes {dimension_semantics = [#tpu.dimension_semantics<arbitrary>], iteration_bounds = array<i64: 10>, scalar_prefetch = 0 : i64, scratch_operands = 0 : i64, tpu.core_type = #tpu.core_type<tc>, window_params = [{transform_indices = @transform_0, window_bounds = array<i64: 1000, 128>}, {transform_indices = @transform_1, window_bounds = array<i64: 1000, 128>}, {transform_indices = @transform_2, window_bounds = array<i64: 1000, 8>}, {transform_indices = @transform_3, window_bounds = array<i64: 1000, 8>}, {transform_indices = @transform_4, window_bounds = array<i64: 1000, 128>}, {transform_indices = @transform_5, window_bounds = array<i64: 1000, 128>}, {pipeline_mode = #tpu.pipeline_mode<synchronous>, transform_indices = @transform_6, window_bounds = array<i64: 128, 256>}, {pipeline_mode = #tpu.pipeline_mode<synchronous>, transform_indices = @transform_7, window_bounds = array<i64: 128, 256>}, {pipeline_mode = #tpu.pipeline_mode<synchronous>, transform_indices = @transform_8, window_bounds = array<i64: 128, 256>}, {pipeline_mode = #tpu.pipeline_mode<synchronous>, transform_indices = @transform_9, window_bounds = array<i64: 128, 256>}, {pipeline_mode = #tpu.pipeline_mode<synchronous>, transform_indices = @transform_10, window_bounds = array<i64: 1, 256>}, {transform_indices = @transform_11, window_bounds = array<i64: 1000, 256>}, {pipeline_mode = #tpu.pipeline_mode<synchronous>, transform_indices = @transform_12, window_bounds = array<i64: 1, 256>}, {pipeline_mode = #tpu.pipeline_mode<synchronous>, transform_indices = @transform_13, window_bounds = array<i64: 1, 256>}]} {
    %get3A = arith.constant 0 : index
    %get3A_0 = arith.constant 0 : index
    %get3A_1 = vector.load %arg3[%get3A, %get3A_0] : memref<1000x8xf32, #tpu.memory_space<vmem>>, vector<1000x1xf32>
    %get3A_2 = arith.constant 0 : index
    %get3A_3 = arith.constant 0 : index
    %get3A_4 = vector.load %arg4[%get3A_2, %get3A_3] : memref<1000x8xf32, #tpu.memory_space<vmem>>, vector<1000x1xf32>
    %add3A = arith.addf %get3A_1, %get3A_4 : vector<1000x1xf32>
    %max3A = arith.constant 1.000000e+00 : f32
    %max3A_5 = vector.broadcast %max3A : f32 to vector<1000x1xf32>
    %max3A_6 = arith.maximumf %add3A, %max3A_5 : vector<1000x1xf32>
    %div3A = arith.constant 1.000000e+00 : f32
    %div3A_7 = vector.broadcast %div3A : f32 to vector<1000x1xf32>
    %div3A_8 = arith.divf %div3A_7, %max3A_6 : vector<1000x1xf32>
    %get3A_9 = arith.constant 0 : index
    %get3A_10 = arith.constant 0 : index
    %get3A_11 = vector.load %arg1[%get3A_9, %get3A_10] : memref<1000x128xf32, #tpu.memory_space<vmem>>, vector<1000x128xf32>
    %mul3A = vector.broadcast %div3A_8 : vector<1000x1xf32> to vector<1000x128xf32>
    %mul3A_12 = arith.mulf %get3A_11, %mul3A : vector<1000x128xf32>
    %convert_element_type3A = arith.truncf %mul3A_12 : vector<1000x128xf32> to vector<1000x128xbf16>
    %get3A_13 = arith.constant 0 : index
    %get3A_14 = arith.constant 0 : index
    %get3A_15 = vector.load %arg7[%get3A_13, %get3A_14] : memref<128x256xbf16, #tpu.memory_space<vmem>>, vector<128x256xbf16>
    %dot_general3A = arith.constant dense<0.000000e+00> : vector<1000x256xf32>
    %dot_general3A_16 = tpu.matmul %convert_element_type3A, %get3A_15, %dot_general3A {dimension_numbers = #tpu.dot_dimension_numbers<[1], [0], [0], [1], [0, 0, 1, 1], [], []>, transpose_lhs_hint = false} : vector<1000x128xbf16>, vector<128x256xbf16>, vector<1000x256xf32> -> vector<1000x256xf32>
    %get3A_17 = arith.constant 0 : index
    %get3A_18 = arith.constant 0 : index
    %get3A_19 = vector.load %arg2[%get3A_17, %get3A_18] : memref<1000x128xf32, #tpu.memory_space<vmem>>, vector<1000x128xf32>
    %mul3A_20 = vector.broadcast %div3A_8 : vector<1000x1xf32> to vector<1000x128xf32>
    %mul3A_21 = arith.mulf %get3A_19, %mul3A_20 : vector<1000x128xf32>
    %convert_element_type3A_22 = arith.truncf %mul3A_21 : vector<1000x128xf32> to vector<1000x128xbf16>
    %get3A_23 = arith.constant 0 : index
    %get3A_24 = arith.constant 0 : index
    %get3A_25 = vector.load %arg8[%get3A_23, %get3A_24] : memref<128x256xbf16, #tpu.memory_space<vmem>>, vector<128x256xbf16>
    %dot_general3A_26 = arith.constant dense<0.000000e+00> : vector<1000x256xf32>
    %dot_general3A_27 = tpu.matmul %convert_element_type3A_22, %get3A_25, %dot_general3A_26 {dimension_numbers = #tpu.dot_dimension_numbers<[1], [0], [0], [1], [0, 0, 1, 1], [], []>, transpose_lhs_hint = false} : vector<1000x128xbf16>, vector<128x256xbf16>, vector<1000x256xf32> -> vector<1000x256xf32>
    %add3A_28 = arith.addf %dot_general3A_16, %dot_general3A_27 : vector<1000x256xf32>
    %get3A_29 = arith.constant 0 : index
    %get3A_30 = arith.constant 0 : index
    %get3A_31 = vector.load %arg5[%get3A_29, %get3A_30] : memref<1000x128xf32, #tpu.memory_space<vmem>>, vector<1000x128xf32>
    %convert_element_type3A_32 = arith.truncf %get3A_31 : vector<1000x128xf32> to vector<1000x128xbf16>
    %get3A_33 = arith.constant 0 : index
    %get3A_34 = arith.constant 0 : index
    %get3A_35 = vector.load %arg9[%get3A_33, %get3A_34] : memref<128x256xbf16, #tpu.memory_space<vmem>>, vector<128x256xbf16>
    %dot_general3A_36 = arith.constant dense<0.000000e+00> : vector<1000x256xf32>
    %dot_general3A_37 = tpu.matmul %convert_element_type3A_32, %get3A_35, %dot_general3A_36 {dimension_numbers = #tpu.dot_dimension_numbers<[1], [0], [0], [1], [0, 0, 1, 1], [], []>, transpose_lhs_hint = false} : vector<1000x128xbf16>, vector<128x256xbf16>, vector<1000x256xf32> -> vector<1000x256xf32>
    %add3A_38 = arith.addf %add3A_28, %dot_general3A_37 : vector<1000x256xf32>
    %get3A_39 = arith.constant 0 : index
    %get3A_40 = arith.constant 0 : index
    %get3A_41 = vector.load %arg6[%get3A_39, %get3A_40] : memref<1000x128xf32, #tpu.memory_space<vmem>>, vector<1000x128xf32>
    %convert_element_type3A_42 = arith.truncf %get3A_41 : vector<1000x128xf32> to vector<1000x128xbf16>
    %get3A_43 = arith.constant 0 : index
    %get3A_44 = arith.constant 0 : index
    %get3A_45 = vector.load %arg10[%get3A_43, %get3A_44] : memref<128x256xbf16, #tpu.memory_space<vmem>>, vector<128x256xbf16>
    %dot_general3A_46 = arith.constant dense<0.000000e+00> : vector<1000x256xf32>
    %dot_general3A_47 = tpu.matmul %convert_element_type3A_42, %get3A_45, %dot_general3A_46 {dimension_numbers = #tpu.dot_dimension_numbers<[1], [0], [0], [1], [0, 0, 1, 1], [], []>, transpose_lhs_hint = false} : vector<1000x128xbf16>, vector<128x256xbf16>, vector<1000x256xf32> -> vector<1000x256xf32>
    %add3A_48 = arith.addf %add3A_38, %dot_general3A_47 : vector<1000x256xf32>
    %get3A_49 = arith.constant 0 : index
    %get3A_50 = arith.constant 0 : index
    %get3A_51 = vector.load %arg11[%get3A_49, %get3A_50] : memref<1x256xf32, #tpu.memory_space<vmem>>, vector<1x256xf32>
    %add3A_52 = vector.broadcast %get3A_51 : vector<1x256xf32> to vector<1000x256xf32>
    %add3A_53 = arith.addf %add3A_48, %add3A_52 : vector<1000x256xf32>
    %max3A_54 = arith.constant 0.000000e+00 : f32
    %max3A_55 = vector.broadcast %max3A_54 : f32 to vector<1000x256xf32>
    %max3A_56 = arith.maximumf %add3A_53, %max3A_55 : vector<1000x256xf32>
    %swap3A = arith.constant 0 : index
    %swap3A_57 = arith.constant 0 : index
    %swap3A_58 = vector.load %arg12[%swap3A, %swap3A_57] : memref<1000x256xf32, #tpu.memory_space<vmem>>, vector<1000x256xf32>
    tpu.vector_store %arg12[%swap3A, %swap3A_57], %max3A_56 {strides = array<i32>} : memref<1000x256xf32, #tpu.memory_space<vmem>>, vector<1000x256xf32>,
    %eq3A = arith.constant 0 : i32
    %eq3A_59 = arith.cmpi eq, %arg0, %eq3A : i32
    %convert_element_type3A_60 = arith.extui %eq3A_59 : i1 to i32
    %cond3A = arith.constant 0 : i32
    %cond3A_61 = arith.cmpi ne, %convert_element_type3A_60, %cond3A : i32
    scf.if %cond3A_61 {
      %broadcast_in_dim3A_81 = arith.constant 0.000000e+00 : f32
      %broadcast_in_dim3A_82 = vector.broadcast %broadcast_in_dim3A_81 : f32 to vector<1x256xf32>
      %swap3A_83 = arith.constant 0 : index
      %swap3A_84 = arith.constant 0 : index
      %swap3A_85 = vector.load %arg13[%swap3A_83, %swap3A_84] : memref<1x256xf32, #tpu.memory_space<vmem>>, vector<1x256xf32>
      tpu.vector_store %arg13[%swap3A_83, %swap3A_84], %broadcast_in_dim3A_82 {strides = array<i32>} : memref<1x256xf32, #tpu.memory_space<vmem>>, vector<1x256xf32>,
      %broadcast_in_dim3A_86 = arith.constant 0.000000e+00 : f32
      %broadcast_in_dim3A_87 = vector.broadcast %broadcast_in_dim3A_86 : f32 to vector<1x256xf32>
      %swap3A_88 = arith.constant 0 : index
      %swap3A_89 = arith.constant 0 : index
      %swap3A_90 = vector.load %arg14[%swap3A_88, %swap3A_89] : memref<1x256xf32, #tpu.memory_space<vmem>>, vector<1x256xf32>
      tpu.vector_store %arg14[%swap3A_88, %swap3A_89], %broadcast_in_dim3A_87 {strides = array<i32>} : memref<1x256xf32, #tpu.memory_space<vmem>>, vector<1x256xf32>,
    } else {
    }
    %get3A_62 = arith.constant 0 : index
    %get3A_63 = arith.constant 0 : index
    %get3A_64 = vector.load %arg13[%get3A_62, %get3A_63] : memref<1x256xf32, #tpu.memory_space<vmem>>, vector<1x256xf32>
    %reduce_sum3A = arith.constant dense<0.000000e+00> : vector<256xf32>
    %reduce_sum3A_65 = vector.multi_reduction <add>, %max3A_56, %reduce_sum3A [0] : vector<1000x256xf32> to vector<256xf32>
    %broadcast_in_dim3A = vector.shape_cast %reduce_sum3A_65 : vector<256xf32> to vector<1x256xf32>
    %add3A_66 = arith.addf %get3A_64, %broadcast_in_dim3A : vector<1x256xf32>
    %swap3A_67 = arith.constant 0 : index
    %swap3A_68 = arith.constant 0 : index
    %swap3A_69 = vector.load %arg13[%swap3A_67, %swap3A_68] : memref<1x256xf32, #tpu.memory_space<vmem>>, vector<1x256xf32>
    tpu.vector_store %arg13[%swap3A_67, %swap3A_68], %add3A_66 {strides = array<i32>} : memref<1x256xf32, #tpu.memory_space<vmem>>, vector<1x256xf32>,
    %get3A_70 = arith.constant 0 : index
    %get3A_71 = arith.constant 0 : index
    %get3A_72 = vector.load %arg14[%get3A_70, %get3A_71] : memref<1x256xf32, #tpu.memory_space<vmem>>, vector<1x256xf32>
    %mul3A_73 = arith.mulf %max3A_56, %max3A_56 : vector<1000x256xf32>
    %reduce_sum3A_74 = arith.constant dense<0.000000e+00> : vector<256xf32>
    %reduce_sum3A_75 = vector.multi_reduction <add>, %mul3A_73, %reduce_sum3A_74 [0] : vector<1000x256xf32> to vector<256xf32>
    %broadcast_in_dim3A_76 = vector.shape_cast %reduce_sum3A_75 : vector<256xf32> to vector<1x256xf32>
    %add3A_77 = arith.addf %get3A_72, %broadcast_in_dim3A_76 : vector<1x256xf32>
    %swap3A_78 = arith.constant 0 : index
    %swap3A_79 = arith.constant 0 : index
    %swap3A_80 = vector.load %arg14[%swap3A_78, %swap3A_79] : memref<1x256xf32, #tpu.memory_space<vmem>>, vector<1x256xf32>
    tpu.vector_store %arg14[%swap3A_78, %swap3A_79], %add3A_77 {strides = array<i32>} : memref<1x256xf32, #tpu.memory_space<vmem>>, vector<1x256xf32>,
    return
  }
  func.func @transform_0(%arg0: i32) -> (i32, i32) {
    %c0_i32 = arith.constant 0 : i32
    %c0_i32_0 = arith.constant 0 : i32
    return %arg0, %c0_i32 : i32, i32
  }
  func.func @transform_1(%arg0: i32) -> (i32, i32) {
    %c0_i32 = arith.constant 0 : i32
    %c0_i32_0 = arith.constant 0 : i32
    return %arg0, %c0_i32 : i32, i32
  }
  func.func @transform_2(%arg0: i32) -> (i32, i32) {
    %c0_i32 = arith.constant 0 : i32
    %c0_i32_0 = arith.constant 0 : i32
    return %arg0, %c0_i32 : i32, i32
  }
  func.func @transform_3(%arg0: i32) -> (i32, i32) {
    %c0_i32 = arith.constant 0 : i32
    %c0_i32_0 = arith.constant 0 : i32
    return %arg0, %c0_i32 : i32, i32
  }
  func.func @transform_4(%arg0: i32) -> (i32, i32) {
    %c0_i32 = arith.constant 0 : i32
    %c0_i32_0 = arith.constant 0 : i32
    return %arg0, %c0_i32 : i32, i32
  }
  func.func @transform_5(%arg0: i32) -> (i32, i32) {
    %c0_i32 = arith.constant 0 : i32
    %c0_i32_0 = arith.constant 0 : i32
    return %arg0, %c0_i32 : i32, i32
  }
  func.func @transform_6(%arg0: i32) -> (i32, i32) {
    %c0_i32 = arith.constant 0 : i32
    %c0_i32_0 = arith.constant 0 : i32
    %c0_i32_1 = arith.constant 0 : i32
    return %c0_i32, %c0_i32_0 : i32, i32
  }
  func.func @transform_7(%arg0: i32) -> (i32, i32) {
    %c0_i32 = arith.constant 0 : i32
    %c0_i32_0 = arith.constant 0 : i32
    %c0_i32_1 = arith.constant 0 : i32
    return %c0_i32, %c0_i32_0 : i32, i32
  }
  func.func @transform_8(%arg0: i32) -> (i32, i32) {
    %c0_i32 = arith.constant 0 : i32
    %c0_i32_0 = arith.constant 0 : i32
    %c0_i32_1 = arith.constant 0 : i32
    return %c0_i32, %c0_i32_0 : i32, i32
  }
  func.func @transform_9(%arg0: i32) -> (i32, i32) {
    %c0_i32 = arith.constant 0 : i32
    %c0_i32_0 = arith.constant 0 : i32
    %c0_i32_1 = arith.constant 0 : i32
    return %c0_i32, %c0_i32_0 : i32, i32
  }
  func.func @transform_10(%arg0: i32) -> (i32, i32) {
    %c0_i32 = arith.constant 0 : i32
    %c0_i32_0 = arith.constant 0 : i32
    %c0_i32_1 = arith.constant 0 : i32
    return %c0_i32, %c0_i32_0 : i32, i32
  }
  func.func @transform_11(%arg0: i32) -> (i32, i32) {
    %c0_i32 = arith.constant 0 : i32
    %c0_i32_0 = arith.constant 0 : i32
    return %arg0, %c0_i32 : i32, i32
  }
  func.func @transform_12(%arg0: i32) -> (i32, i32) {
    %c0_i32 = arith.constant 0 : i32
    %c0_i32_0 = arith.constant 0 : i32
    %c0_i32_1 = arith.constant 0 : i32
    return %c0_i32, %c0_i32_0 : i32, i32
  }
  func.func @transform_13(%arg0: i32) -> (i32, i32) {
    %c0_i32 = arith.constant 0 : i32
    %c0_i32_0 = arith.constant 0 : i32
    %c0_i32_1 = arith.constant 0 : i32
    return %c0_i32, %c0_i32_0 : i32, i32
  }
}

module attributes {stable_mosaic.version = 14 : i64} {
  func.func @kern(%arg0: i32, %arg1: memref<1000x256xf32, #tpu.memory_space<vmem>>, %arg2: memref<1x256xf32, #tpu.memory_space<vmem>>, %arg3: memref<1x256xf32, #tpu.memory_space<vmem>>, %arg4: memref<1x256xf32, #tpu.memory_space<vmem>>, %arg5: memref<1x256xf32, #tpu.memory_space<vmem>>, %arg6: memref<1000x1xi32, #tpu.memory_space<vmem>>, %arg7: memref<10x1xi32, #tpu.memory_space<smem>>, %arg8: memref<10x1xi32, #tpu.memory_space<smem>>, %arg9: memref<256x8xf32, #tpu.memory_space<vmem>>, %arg10: memref<1x8xf32, #tpu.memory_space<vmem>>, %arg11: memref<8x10xf32, #tpu.memory_space<vmem>>, %arg12: memref<1x10xf32, #tpu.memory_space<vmem>>, %arg13: memref<64x10xf32, #tpu.memory_space<vmem>>, %arg14: memref<64x256xf32, #tpu.memory_space<vmem>>) attributes {dimension_semantics = [#tpu.dimension_semantics<arbitrary>], iteration_bounds = array<i64: 10>, scalar_prefetch = 0 : i64, scratch_operands = 1 : i64, tpu.core_type = #tpu.core_type<tc>, window_params = [{transform_indices = @transform_0, window_bounds = array<i64: 1000, 256>}, {pipeline_mode = #tpu.pipeline_mode<synchronous>, transform_indices = @transform_1, window_bounds = array<i64: 1, 256>}, {pipeline_mode = #tpu.pipeline_mode<synchronous>, transform_indices = @transform_2, window_bounds = array<i64: 1, 256>}, {pipeline_mode = #tpu.pipeline_mode<synchronous>, transform_indices = @transform_3, window_bounds = array<i64: 1, 256>}, {pipeline_mode = #tpu.pipeline_mode<synchronous>, transform_indices = @transform_4, window_bounds = array<i64: 1, 256>}, {transform_indices = @transform_5, window_bounds = array<i64: 1000, 1>}, {transform_indices = @transform_6, window_bounds = array<i64: 10, 1>}, {transform_indices = @transform_7, window_bounds = array<i64: 10, 1>}, {pipeline_mode = #tpu.pipeline_mode<synchronous>, transform_indices = @transform_8, window_bounds = array<i64: 256, 8>}, {pipeline_mode = #tpu.pipeline_mode<synchronous>, transform_indices = @transform_9, window_bounds = array<i64: 1, 8>}, {pipeline_mode = #tpu.pipeline_mode<synchronous>, transform_indices = @transform_10, window_bounds = array<i64: 8, 10>}, {pipeline_mode = #tpu.pipeline_mode<synchronous>, transform_indices = @transform_11, window_bounds = array<i64: 1, 10>}, {pipeline_mode = #tpu.pipeline_mode<synchronous>, transform_indices = @transform_12, window_bounds = array<i64: 64, 10>}]} {
    %eq3A = arith.constant 0 : i32
    %eq3A_0 = arith.cmpi eq, %arg0, %eq3A : i32
    %convert_element_type3A = arith.extui %eq3A_0 : i1 to i32
    %cond3A = arith.constant 0 : i32
    %cond3A_1 = arith.cmpi ne, %convert_element_type3A, %cond3A : i32
    scf.if %cond3A_1 {
      %broadcast_in_dim3A = arith.constant 0xFF800000 : f32
      %broadcast_in_dim3A_53 = vector.broadcast %broadcast_in_dim3A : f32 to vector<64x256xf32>
      %swap3A = arith.constant 0 : index
      %swap3A_54 = arith.constant 0 : index
      %swap3A_55 = vector.load %arg14[%swap3A, %swap3A_54] : memref<64x256xf32, #tpu.memory_space<vmem>>, vector<64x256xf32>
      tpu.vector_store %arg14[%swap3A, %swap3A_54], %broadcast_in_dim3A_53 {strides = array<i32>} : memref<64x256xf32, #tpu.memory_space<vmem>>, vector<64x256xf32>,
    } else {
    }
    %get3A = arith.constant 0 : index
    %get3A_2 = arith.constant 0 : index
    %get3A_3 = vector.load %arg2[%get3A, %get3A_2] : memref<1x256xf32, #tpu.memory_space<vmem>>, vector<1x256xf32>
    %div3A = arith.constant 1.000000e+04 : f32
    %div3A_4 = vector.broadcast %div3A : f32 to vector<1x256xf32>
    %div3A_5 = arith.divf %get3A_3, %div3A_4 : vector<1x256xf32>
    %get3A_6 = arith.constant 0 : index
    %get3A_7 = arith.constant 0 : index
    %get3A_8 = vector.load %arg3[%get3A_6, %get3A_7] : memref<1x256xf32, #tpu.memory_space<vmem>>, vector<1x256xf32>
    %div3A_9 = arith.constant 1.000000e+04 : f32
    %div3A_10 = vector.broadcast %div3A_9 : f32 to vector<1x256xf32>
    %div3A_11 = arith.divf %get3A_8, %div3A_10 : vector<1x256xf32>
    %mul3A = arith.mulf %div3A_5, %div3A_5 : vector<1x256xf32>
    %sub3A = arith.subf %div3A_11, %mul3A : vector<1x256xf32>
    %get3A_12 = arith.constant 0 : index
    %get3A_13 = arith.constant 0 : index
    %get3A_14 = vector.load %arg4[%get3A_12, %get3A_13] : memref<1x256xf32, #tpu.memory_space<vmem>>, vector<1x256xf32>
    %add3A = arith.constant 9.99999974E-6 : f32
    %add3A_15 = vector.broadcast %add3A : f32 to vector<1x256xf32>
    %add3A_16 = arith.addf %sub3A, %add3A_15 : vector<1x256xf32>
    %rsqrt3A = math.rsqrt %add3A_16 : vector<1x256xf32>
    %mul3A_17 = arith.mulf %get3A_14, %rsqrt3A : vector<1x256xf32>
    %get3A_18 = arith.constant 0 : index
    %get3A_19 = arith.constant 0 : index
    %get3A_20 = vector.load %arg5[%get3A_18, %get3A_19] : memref<1x256xf32, #tpu.memory_space<vmem>>, vector<1x256xf32>
    %mul3A_21 = arith.mulf %div3A_5, %mul3A_17 : vector<1x256xf32>
    %sub3A_22 = arith.subf %get3A_20, %mul3A_21 : vector<1x256xf32>
    %get3A_23 = arith.constant 0 : index
    %get3A_24 = arith.constant 0 : index
    %get3A_25 = vector.load %arg1[%get3A_23, %get3A_24] : memref<1000x256xf32, #tpu.memory_space<vmem>>, vector<1000x256xf32>
    %mul3A_26 = vector.broadcast %mul3A_17 : vector<1x256xf32> to vector<1000x256xf32>
    %mul3A_27 = arith.mulf %get3A_25, %mul3A_26 : vector<1000x256xf32>
    %add3A_28 = vector.broadcast %sub3A_22 : vector<1x256xf32> to vector<1000x256xf32>
    %add3A_29 = arith.addf %mul3A_27, %add3A_28 : vector<1000x256xf32>
    %get3A_30 = arith.constant 0 : index
    %get3A_31 = arith.constant 0 : index
    %get3A_32 = vector.load %arg6[%get3A_30, %get3A_31] : memref<1000x1xi32, #tpu.memory_space<vmem>>, vector<1000x1xi32>
    %get3A_33 = arith.index_cast %arg0 : i32 to index
    %get3A_34 = arith.constant 0 : index
    %get3A_35 = memref.load %arg7[%get3A_33, %get3A_34] : memref<10x1xi32, #tpu.memory_space<smem>>
    %get3A_36 = arith.index_cast %arg0 : i32 to index
    %get3A_37 = arith.constant 0 : index
    %get3A_38 = memref.load %arg8[%get3A_36, %get3A_37] : memref<10x1xi32, #tpu.memory_space<smem>>
    %add3A_39 = arith.constant 1 : i32
    %add3A_40 = arith.addi %get3A_38, %add3A_39 : i32
    %while3A = arith.subi %add3A_40, %get3A_35 : i32
    %while3A_41 = arith.addi %get3A_35, %while3A : i32
    %while3A_42 = arith.constant 1 : i32
    %while3A_43 = arith.divsi %while3A, %while3A_42 : i32
    %while3A_44 = arith.muli %while3A_43, %while3A_42 : i32
    %while3A_45 = arith.addi %get3A_35, %while3A_44 : i32
    %while3A_46 = arith.constant 1 : i32
    scf.for %while3A_53 = %get3A_35 to %while3A_45 step %while3A_46  : i32 {
      %eq3A_54 = vector.broadcast %while3A_53 : i32 to vector<1000x1xi32>
      %eq3A_55 = arith.cmpi eq, %get3A_32, %eq3A_54 : vector<1000x1xi32>
      %jit3A = arith.constant 0xFF800000 : f32
      %broadcast_in_dim3A = vector.shape_cast %eq3A_55 : vector<1000x1xi1> to vector<1000x1xi1>
      %broadcast_in_dim3A_56 = vector.broadcast %broadcast_in_dim3A : vector<1000x1xi1> to vector<1000x256xi1>
      %broadcast_in_dim3A_57 = vector.broadcast %jit3A : f32 to vector<1000x256xf32>
      %select_n3A = arith.select %broadcast_in_dim3A_56, %add3A_29, %broadcast_in_dim3A_57 : vector<1000x256xi1>, vector<1000x256xf32>
      %reduce_max3A = arith.constant dense<0xFF800000> : vector<256xf32>
      %reduce_max3A_58 = vector.multi_reduction <maximumf>, %select_n3A, %reduce_max3A [0] : vector<1000x256xf32> to vector<256xf32>
      %broadcast_in_dim3A_59 = vector.shape_cast %reduce_max3A_58 : vector<256xf32> to vector<1x256xf32>
      %get3A_60 = arith.index_cast %while3A_53 : i32 to index
      %get3A_61 = arith.constant 0 : index
      %get3A_62 = vector.load %arg14[%get3A_60, %get3A_61] : memref<64x256xf32, #tpu.memory_space<vmem>>, vector<1x256xf32>
      %max3A = arith.maximumf %get3A_62, %broadcast_in_dim3A_59 : vector<1x256xf32>
      %swap3A = arith.index_cast %while3A_53 : i32 to index
      %swap3A_63 = arith.constant 0 : index
      %swap3A_64 = vector.load %arg14[%swap3A, %swap3A_63] : memref<64x256xf32, #tpu.memory_space<vmem>>, vector<1x256xf32>
      tpu.vector_store %arg14[%swap3A, %swap3A_63], %max3A {strides = array<i32>} : memref<64x256xf32, #tpu.memory_space<vmem>>, vector<1x256xf32>,
    }
    %while3A_47 = arith.constant 1 : i32
    scf.for %while3A_53 = %while3A_45 to %while3A_41 step %while3A_47  : i32 {
      %eq3A_54 = vector.broadcast %while3A_53 : i32 to vector<1000x1xi32>
      %eq3A_55 = arith.cmpi eq, %get3A_32, %eq3A_54 : vector<1000x1xi32>
      %jit3A = arith.constant 0xFF800000 : f32
      %broadcast_in_dim3A = vector.shape_cast %eq3A_55 : vector<1000x1xi1> to vector<1000x1xi1>
      %broadcast_in_dim3A_56 = vector.broadcast %broadcast_in_dim3A : vector<1000x1xi1> to vector<1000x256xi1>
      %broadcast_in_dim3A_57 = vector.broadcast %jit3A : f32 to vector<1000x256xf32>
      %select_n3A = arith.select %broadcast_in_dim3A_56, %add3A_29, %broadcast_in_dim3A_57 : vector<1000x256xi1>, vector<1000x256xf32>
      %reduce_max3A = arith.constant dense<0xFF800000> : vector<256xf32>
      %reduce_max3A_58 = vector.multi_reduction <maximumf>, %select_n3A, %reduce_max3A [0] : vector<1000x256xf32> to vector<256xf32>
      %broadcast_in_dim3A_59 = vector.shape_cast %reduce_max3A_58 : vector<256xf32> to vector<1x256xf32>
      %get3A_60 = arith.index_cast %while3A_53 : i32 to index
      %get3A_61 = arith.constant 0 : index
      %get3A_62 = vector.load %arg14[%get3A_60, %get3A_61] : memref<64x256xf32, #tpu.memory_space<vmem>>, vector<1x256xf32>
      %max3A = arith.maximumf %get3A_62, %broadcast_in_dim3A_59 : vector<1x256xf32>
      %swap3A = arith.index_cast %while3A_53 : i32 to index
      %swap3A_63 = arith.constant 0 : index
      %swap3A_64 = vector.load %arg14[%swap3A, %swap3A_63] : memref<64x256xf32, #tpu.memory_space<vmem>>, vector<1x256xf32>
      tpu.vector_store %arg14[%swap3A, %swap3A_63], %max3A {strides = array<i32>} : memref<64x256xf32, #tpu.memory_space<vmem>>, vector<1x256xf32>,
    }
    %eq3A_48 = arith.constant 9 : i32
    %eq3A_49 = arith.cmpi eq, %arg0, %eq3A_48 : i32
    %convert_element_type3A_50 = arith.extui %eq3A_49 : i1 to i32
    %cond3A_51 = arith.constant 0 : i32
    %cond3A_52 = arith.cmpi ne, %convert_element_type3A_50, %cond3A_51 : i32
    scf.if %cond3A_52 {
      %get3A_53 = arith.constant 0 : index
      %get3A_54 = arith.constant 0 : index
      %get3A_55 = vector.load %arg14[%get3A_53, %get3A_54] : memref<64x256xf32, #tpu.memory_space<vmem>>, vector<64x256xf32>
      %get3A_56 = arith.constant 0 : index
      %get3A_57 = arith.constant 0 : index
      %get3A_58 = vector.load %arg9[%get3A_56, %get3A_57] : memref<256x8xf32, #tpu.memory_space<vmem>>, vector<256x8xf32>
      %dot_general3A = arith.constant dense<0.000000e+00> : vector<64x8xf32>
      %dot_general3A_59 = tpu.matmul %get3A_55, %get3A_58, %dot_general3A {dimension_numbers = #tpu.dot_dimension_numbers<[1], [0], [0], [1], [0, 0, 1, 1], [], []>, transpose_lhs_hint = false} : vector<64x256xf32>, vector<256x8xf32>, vector<64x8xf32> -> vector<64x8xf32>
      %get3A_60 = arith.constant 0 : index
      %get3A_61 = arith.constant 0 : index
      %get3A_62 = vector.load %arg10[%get3A_60, %get3A_61] : memref<1x8xf32, #tpu.memory_space<vmem>>, vector<1x8xf32>
      %add3A_63 = vector.broadcast %get3A_62 : vector<1x8xf32> to vector<64x8xf32>
      %add3A_64 = arith.addf %dot_general3A_59, %add3A_63 : vector<64x8xf32>
      %max3A = arith.constant 0.000000e+00 : f32
      %max3A_65 = vector.broadcast %max3A : f32 to vector<64x8xf32>
      %max3A_66 = arith.maximumf %add3A_64, %max3A_65 : vector<64x8xf32>
      %get3A_67 = arith.constant 0 : index
      %get3A_68 = arith.constant 0 : index
      %get3A_69 = vector.load %arg11[%get3A_67, %get3A_68] : memref<8x10xf32, #tpu.memory_space<vmem>>, vector<8x10xf32>
      %dot_general3A_70 = arith.constant dense<0.000000e+00> : vector<64x10xf32>
      %dot_general3A_71 = tpu.matmul %max3A_66, %get3A_69, %dot_general3A_70 {dimension_numbers = #tpu.dot_dimension_numbers<[1], [0], [0], [1], [0, 0, 1, 1], [], []>, transpose_lhs_hint = false} : vector<64x8xf32>, vector<8x10xf32>, vector<64x10xf32> -> vector<64x10xf32>
      %get3A_72 = arith.constant 0 : index
      %get3A_73 = arith.constant 0 : index
      %get3A_74 = vector.load %arg12[%get3A_72, %get3A_73] : memref<1x10xf32, #tpu.memory_space<vmem>>, vector<1x10xf32>
      %add3A_75 = vector.broadcast %get3A_74 : vector<1x10xf32> to vector<64x10xf32>
      %add3A_76 = arith.addf %dot_general3A_71, %add3A_75 : vector<64x10xf32>
      %max3A_77 = arith.constant 0.000000e+00 : f32
      %max3A_78 = vector.broadcast %max3A_77 : f32 to vector<64x10xf32>
      %max3A_79 = arith.maximumf %add3A_76, %max3A_78 : vector<64x10xf32>
      %reduce_max3A = arith.constant dense<0xFF800000> : vector<64xf32>
      %reduce_max3A_80 = vector.multi_reduction <maximumf>, %max3A_79, %reduce_max3A [1] : vector<64x10xf32> to vector<64xf32>
      %broadcast_in_dim3A = vector.shape_cast %reduce_max3A_80 : vector<64xf32> to vector<64x1xf32>
      %sub3A_81 = vector.broadcast %broadcast_in_dim3A : vector<64x1xf32> to vector<64x10xf32>
      %sub3A_82 = arith.subf %max3A_79, %sub3A_81 : vector<64x10xf32>
      %exp3A = math.exp %sub3A_82 : vector<64x10xf32>
      %reduce_sum3A = arith.constant dense<0.000000e+00> : vector<64xf32>
      %reduce_sum3A_83 = vector.multi_reduction <add>, %exp3A, %reduce_sum3A [1] : vector<64x10xf32> to vector<64xf32>
      %broadcast_in_dim3A_84 = vector.shape_cast %reduce_sum3A_83 : vector<64xf32> to vector<64x1xf32>
      %div3A_85 = vector.broadcast %broadcast_in_dim3A_84 : vector<64x1xf32> to vector<64x10xf32>
      %div3A_86 = arith.divf %exp3A, %div3A_85 : vector<64x10xf32>
      %swap3A = arith.constant 0 : index
      %swap3A_87 = arith.constant 0 : index
      %swap3A_88 = vector.load %arg13[%swap3A, %swap3A_87] : memref<64x10xf32, #tpu.memory_space<vmem>>, vector<64x10xf32>
      tpu.vector_store %arg13[%swap3A, %swap3A_87], %div3A_86 {strides = array<i32>} : memref<64x10xf32, #tpu.memory_space<vmem>>, vector<64x10xf32>,
    } else {
    }
    return
  }
  func.func @transform_0(%arg0: i32) -> (i32, i32) {
    %c0_i32 = arith.constant 0 : i32
    %c0_i32_0 = arith.constant 0 : i32
    return %arg0, %c0_i32 : i32, i32
  }
  func.func @transform_1(%arg0: i32) -> (i32, i32) {
    %c0_i32 = arith.constant 0 : i32
    %c0_i32_0 = arith.constant 0 : i32
    %c0_i32_1 = arith.constant 0 : i32
    return %c0_i32, %c0_i32_0 : i32, i32
  }
  func.func @transform_2(%arg0: i32) -> (i32, i32) {
    %c0_i32 = arith.constant 0 : i32
    %c0_i32_0 = arith.constant 0 : i32
    %c0_i32_1 = arith.constant 0 : i32
    return %c0_i32, %c0_i32_0 : i32, i32
  }
  func.func @transform_3(%arg0: i32) -> (i32, i32) {
    %c0_i32 = arith.constant 0 : i32
    %c0_i32_0 = arith.constant 0 : i32
    %c0_i32_1 = arith.constant 0 : i32
    return %c0_i32, %c0_i32_0 : i32, i32
  }
  func.func @transform_4(%arg0: i32) -> (i32, i32) {
    %c0_i32 = arith.constant 0 : i32
    %c0_i32_0 = arith.constant 0 : i32
    %c0_i32_1 = arith.constant 0 : i32
    return %c0_i32, %c0_i32_0 : i32, i32
  }
  func.func @transform_5(%arg0: i32) -> (i32, i32) {
    %c0_i32 = arith.constant 0 : i32
    %c0_i32_0 = arith.constant 0 : i32
    return %arg0, %c0_i32 : i32, i32
  }
  func.func @transform_6(%arg0: i32) -> (i32, i32) {
    %c0_i32 = arith.constant 0 : i32
    %c0_i32_0 = arith.constant 0 : i32
    %c0_i32_1 = arith.constant 0 : i32
    return %c0_i32, %c0_i32_0 : i32, i32
  }
  func.func @transform_7(%arg0: i32) -> (i32, i32) {
    %c0_i32 = arith.constant 0 : i32
    %c0_i32_0 = arith.constant 0 : i32
    %c0_i32_1 = arith.constant 0 : i32
    return %c0_i32, %c0_i32_0 : i32, i32
  }
  func.func @transform_8(%arg0: i32) -> (i32, i32) {
    %c0_i32 = arith.constant 0 : i32
    %c0_i32_0 = arith.constant 0 : i32
    %c0_i32_1 = arith.constant 0 : i32
    return %c0_i32, %c0_i32_0 : i32, i32
  }
  func.func @transform_9(%arg0: i32) -> (i32, i32) {
    %c0_i32 = arith.constant 0 : i32
    %c0_i32_0 = arith.constant 0 : i32
    %c0_i32_1 = arith.constant 0 : i32
    return %c0_i32, %c0_i32_0 : i32, i32
  }
  func.func @transform_10(%arg0: i32) -> (i32, i32) {
    %c0_i32 = arith.constant 0 : i32
    %c0_i32_0 = arith.constant 0 : i32
    %c0_i32_1 = arith.constant 0 : i32
    return %c0_i32, %c0_i32_0 : i32, i32
  }
  func.func @transform_11(%arg0: i32) -> (i32, i32) {
    %c0_i32 = arith.constant 0 : i32
    %c0_i32_0 = arith.constant 0 : i32
    %c0_i32_1 = arith.constant 0 : i32
    return %c0_i32, %c0_i32_0 : i32, i32
  }
  func.func @transform_12(%arg0: i32) -> (i32, i32) {
    %c0_i32 = arith.constant 0 : i32
    %c0_i32_0 = arith.constant 0 : i32
    %c0_i32_1 = arith.constant 0 : i32
    return %c0_i32, %c0_i32_0 : i32, i32
  }
}

</mosaic_0001>

<sc_bundles>
// kernel: kernel.12.cloned.1.call-start
scs
__scs_entry_jumppad:
0x0: {  	(pc) =	sbr.rel $0x88, $3  }
0x1: {  	(tag) =	ssettag $0x0;
	lr =	simm.s32 $0x1  }
0x2: {  	[smem:$0x3F8B] =	sst lr;
	_ =	strace $0xD0000000  }
0x3: {  	_ = 	snop  }
0x4: {  	_ = 	snop  }
0x5: {  	_ = 	snop  }
0x6: {  	_ = 	snop  }
0x7: {  	_ = 	snop  }
__scs_overlays_trampoline_lowered:
0x8: {  	[smem:$0x3F9A] =	sst s0  }
0x9: {  	[smem:$0x3F9B] =	sst s1  }
0xa: {  	[smem:$0x3F9C] =	sst s2  }
0xb: {  	[smem:$0x3F9D] =	sst s3  }
0xc: {  	[smem:$0x3F9E] =	sst s4  }
0xd: {  	[smem:$0x3F9F] =	sst s5  }
0xe: {  	[smem:$0x3FA0] =	sst s6  }
0xf: {  	[smem:$0x3FA1] =	sst s7  }
0x10: {  	[smem:$0x3FA2] =	sst s8  }
0x11: {  	[smem:$0x3FA3] =	sst s9;
	s0 =	simm.s32 @!p0 $0x0  }
0x12: {  	s1 =	sld [smem:$0x3F89];
	s0 =	simm.s32 @p0 $0x1  }
0x13: {  	[smem:$0x3FA4] =	sst s0;
	s0 =	simm.s32 @!p1 $0x0  }
0x14: {  	s2 =	sld [smem:$0x3F88];
	s0 =	simm.s32 @p1 $0x1  }
0x15: {  	[smem:$0x3FA5] =	sst s0;
	s0 =	simm.s32 @!p2 $0x0  }
0x16: {  	s3 =	sld [smem:$0x3FDB];
	s0 =	simm.s32 @p2 $0x1  }
0x17: {  	s4 =	simm.s32 $0x1BF5;
	[smem:$0x3FA7] =	sst s0  }
0x18: {  	s0 =	sld [smem:$0x3F8A];
	_ =	swait.ge [sflag:s4], $0x0  }
0x19: {  	s7 =	sld [smem:$0x3F8B]  }
0x1a: {  	s8 =	sadd.s32 $0xFFFFE003, lr  }
0x1b: {  	s9 =	sadd.s32 $0xFFFFFEF7, lr;
	s5 =	simm.s32 $0xFFFFFFFF;
	p2 =	slt.u32 s8, $0xFFFFF086  }
0x1c: {  	p1 =	slt.u32 s9, $0xF7A;
	s5 =	simm.s32 @!p2 $0x0  }
0x1d: {  	s5 =	simm.s32 @p1 $0x1;
	p0 =	seq.s32 s7, s2  }
0x1e: {  	s7 =	smul.u32 @!p0 $0xF7A, s2;
	p2 =	seq.s32 @!p0 s5, $0x0  }
0x1f: {  	s9 =	smul.u32 $0xF7A, s1;
	s8 =	simm.s32 @!p0 $0x1BF5;
	p2 =	por !p2, p0  }
0x20: {  	[sflag:s8] =	ssyncset.s32 @!p0 $0xFFFFF086;
	s6 =	sadd.s32 @!p0 s3, s7;
	s7 =	simm.s32 @!p0 $0x108  }
0x21: {  	s3 =	sadd.s32 s3, s9;
	s6 =	sadd.s32 @!p0 $0x88, s6;
	s7 =	simm.s32 @p2 $0x1082  }
0x22: {  	[simem:s7], [sflag:s8] =	dma.local @!p0 [hbm:s6], $0xF7A  }
0x23: {  	s9 =	sor.u32 $0xD0000000, s2;
	s6 =	simm.s32 $0x108;
	_ =	swait.ge @!p0 [sflag:s8], $0x0  }
0x24: {  	s3 =	sadd.s32 $0x88, s3;
	s6 =	simm.s32 @!p1 $0x1082;
	[sflag:s4] =	ssyncset.s32 $0xFFFFF086  }
0x25: {  	[simem:s6], [sflag:s4] =	dma.local [hbm:s3], $0xF7A  }
0x26: {  	[smem:$0x3F8B] =	sst s1;
	(tag) =	ssettag s2;
	_ =	strace s9  }
0x27: {  	s1 =	sld [smem:$0x3F9B]  }
0x28: {  	s2 =	sld [smem:$0x3F9C]  }
0x29: {  	s4 =	sld [smem:$0x3F9E]  }
0x2a: {  	p0 =	seq.s32 s5, $0x0;
	s5 =	sld [smem:$0x3F9F]  }
0x2b: {  	s6 =	sld [smem:$0x3FA0]  }
0x2c: {  	s7 =	sld [smem:$0x3FA1]  }
0x2d: {  	s3 =	simm.s32 $0x108;
	s8 =	sld [smem:$0x3FA2]  }
0x2e: {  	s3 =	simm.s32 @!p0 $0x1082;
	s9 =	sld [smem:$0x3FA3]  }
0x2f: {  	lr =	sadd.s32 s0, s3;
	s0 =	sld [smem:$0x3F9A]  }
0x30: {  	s3 =	sld [smem:$0x3F9D]  }
0x31: {  	[smem:$0x3FA6] =	sst s10  }
0x32: {  	s10 =	sld [smem:$0x3FA4];
	_ =	sdelay $0x3  }
0x33: {  	p0 =	seq.s32 s10, $0x1;
	s10 =	sld [smem:$0x3FA6];
	_ =	sdelay $0x3  }
0x34: {  	[smem:$0x3FA6] =	sst s10  }
0x35: {  	s10 =	sld [smem:$0x3FA5];
	_ =	sdelay $0x3  }
0x36: {  	p1 =	seq.s32 s10, $0x1;
	s10 =	sld [smem:$0x3FA6];
	_ =	sdelay $0x3  }
0x37: {  	[smem:$0x3FA6] =	sst s10  }
0x38: {  	s10 =	sld [smem:$0x3FA7]  }
0x39: {  	_ = 	snop;
	(pc) =	sbr.ind lr, $3  }
0x3a: {  	_ = 	snop  }
0x3b: {  	_ = 	snop  }
0x3c: {  	p2 =	seq.s32 s10, $0x1;
	s10 =	sld [smem:$0x3FA6]  }
0x3d: {  	_ =	shalt  }
0x3e: {  	_ =	shalt  }
0x3f: {  	_ =	shalt  }
0x40: {  	_ =	shalt  }
0x41: {  	_ =	shalt  }
0x42: {  	_ =	shalt  }
0x43: {  	_ =	shalt  }
0x44: {  	_ =	shalt  }
0x45: {  	_ =	shalt  }
0x46: {  	_ =	shalt  }
0x47: {  	_ =	shalt  }
0x48: {  	_ =	shalt  }
0x49: {  	_ =	shalt  }
0x4a: {  	_ =	shalt  }
0x4b: {  	_ =	shalt  }
0x4c: {  	_ =	shalt  }
0x4d: {  	_ =	shalt  }
0x4e: {  	_ =	shalt  }
0x4f: {  	_ =	shalt  }
0x50: {  	_ =	shalt  }
0x51: {  	_ =	shalt  }
0x52: {  	_ =	shalt  }
0x53: {  	_ =	shalt  }
0x54: {  	_ =	shalt  }
0x55: {  	_ =	shalt  }
0x56: {  	_ =	shalt  }
0x57: {  	_ =	shalt  }
0x58: {  	_ =	shalt  }
0x59: {  	_ =	shalt  }
0x5a: {  	_ =	shalt  }
0x5b: {  	_ =	shalt  }
0x5c: {  	_ =	shalt  }
0x5d: {  	_ =	shalt  }
0x5e: {  	_ =	shalt  }
0x5f: {  	_ =	shalt  }
0x60: {  	_ =	shalt  }
0x61: {  	_ =	shalt  }
0x62: {  	_ =	shalt  }
0x63: {  	_ =	shalt  }
0x64: {  	_ =	shalt  }
0x65: {  	_ =	shalt  }
0x66: {  	_ =	shalt  }
0x67: {  	_ =	shalt  }
0x68: {  	_ =	shalt  }
0x69: {  	_ =	shalt  }
0x6a: {  	_ =	shalt  }
0x6b: {  	_ =	shalt  }
0x6c: {  	_ =	shalt  }
0x6d: {  	_ =	shalt  }
0x6e: {  	_ =	shalt  }
0x6f: {  	_ =	shalt  }
0x70: {  	_ =	shalt  }
0x71: {  	_ =	shalt  }
0x72: {  	_ =	shalt  }
0x73: {  	_ =	shalt  }
0x74: {  	_ =	shalt  }
0x75: {  	_ =	shalt  }
0x76: {  	_ =	shalt  }
0x77: {  	_ =	shalt  }
0x78: {  	_ =	shalt  }
0x79: {  	_ =	shalt  }
0x7a: {  	_ =	shalt  }
0x7b: {  	_ =	shalt  }
0x7c: {  	_ =	shalt  }
0x7d: {  	_ =	shalt  }
0x7e: {  	_ =	shalt  }
0x7f: {  	_ =	shalt  }
0x80: {  	_ =	shalt  }
0x81: {  	_ =	shalt  }
0x82: {  	_ =	shalt  }
0x83: {  	_ =	shalt  }
0x84: {  	_ =	shalt  }
0x85: {  	_ =	shalt  }
0x86: {  	_ =	shalt  }
0x87: {  	_ =	shalt  }
.Lfunc_end0:
.L_simem_size_0:
called_computation_lowered:
.L_overlay_start_0:
0x88: {  	s2 =	sld [smem:$0x3FD9]  }
0x89: {  	s3 =	sld [smem:$0x3FFE];
	_ =	sdelay $0x1  }
0x8a: {  	s1 =	srdreg.scid  }
0x8b: {  	s0 =	sand.u32 $0x1, s1  }
0x8c: {  	s17 =	sshll.u32 s0, $0xA;
	s2 =	sadd.s32 s3, s2  }
0x8d: {  	s2 =	sadd.s32 s2, s17  }
0x8e: {  	[smem:$0x3FB2] =	sst s2  }
0x8f: {  	_ = 	snop  }
0x90: {  	(tm) =	ssettm $0x1  }
0x91: {  	s18 =	sld [smem:$0x3FFB];
	_ =	sdelay $0x3  }
0x92: {  	_ =	strace s18  }
0x93: {  	s2 =	sld [smem:$0x3FFC];
	_ =	sdelay $0x3  }
0x94: {  	_ =	strace s2  }
0x95: {  	s2 =	sld [smem:$0x3FFD];
	_ =	sdelay $0x3  }
0x96: {  	_ =	strace s2  }
0x97: {  	_ =	strace $0x8FFFFFFF  }
0x98: {  	s19 =	sld [smem:$0x3FDB];
	_ =	sdelay $0x1  }
0x99: {  	s20 =	simm.s32 $_scs_section_size  }
0x9a: {  	s4 =	simm.s32 $_size__tile_overlayer_lowered;
	s5 =	simm.s32 $_tile_overlayer_lowered  }
0x9b: {  	s6 =	simm.s32 $0x1BFF;
	s21 =	sshll.u32 s5, $0x1;
	s3 =	sadd.s32 s20, s19  }
0x9c: {  	s22 =	simm.s32 $0x0;
	s4 =	sshll.u32 s4, $0x1;
	s5 =	sadd.s32 s21, s3  }
0x9d: {  	[timem:s22], [sflag:s6] =	dma.local [hbm:s5], s4  }
0x9e: {  	_ =	swait.ge [sflag:s6], s4  }
0x9f: {  	s4 =	ssub.s32 $0x0, s4;
	[sflag:s6] =	ssyncset.done $0x0  }
0xa0: {  	[sflag:s6] =	ssyncadd.s32 s4;
	_ =	sdelay $0x1  }
0xa1: {  	s23 =	simm.s32 $0x1B8B  }
0xa2: {  	_ =	swait.ge [sflag:s23], $0x1  }
0xa3: {  	[sflag:s23] =	ssyncset.done $0x0  }
0xa4: {  	[sflag:s23] =	ssyncadd.s32 $0xFFFFFFFF  }
0xa5: {  	s4 =	sld [smem:$0x0]  }
0xa6: {  	s5 =	sand.u32 $0xFFFFFFFE, s1  }
0xa7: {  	p0 =	sne.s32 s1, s5  }
0xa8: {  	s5 =	sshll.u32 @p0 s5, $0xE  }
0xa9: {  	s5 =	sadd.s32 @p0 $0x11B8D, s5;
	s6 =	sshll.u32 @p0 s4, $0x11  }
0xaa: {  	s5 =	sor.u32 @p0 s6, s5  }
0xab: {  	[sflag:s5] =	ssyncadd.remote.s32 @p0 $0x1;
	_ =	sdelay $0x1  }
0xac: {  	s5 =	simm.s32 @p0 $0x1B8D  }
0xad: {  	_ =	swait.eq @p0 [sflag:s5], $0x1  }
0xae: {  	[sflag:s5] =	ssyncadd.s32 @p0 $0xFFFFFFFF  }
0xaf: {  	s6 =	sshll.u32 @!p0 s1, $0xE  }
0xb0: {  	s6 =	sor.u32 @!p0 $0x4000, s6;
	s5 =	simm.s32 @!p0 $0x1B8D  }
0xb1: {  	s4 =	sshll.u32 @!p0 s4, $0x11;
	s6 =	sadd.s32 @!p0 $0x11B8D, s6;
	_ =	swait.eq @!p0 [sflag:s5], $0x1  }
0xb2: {  	s4 =	sor.u32 @!p0 s4, s6;
	[sflag:s5] =	ssyncadd.s32 @!p0 $0xFFFFFFFF  }
0xb3: {  	s25 =	simm.s32 $0x1B8E;
	s24 =	sld [smem:$0x3FFE];
	[sflag:s4] =	ssyncadd.remote.s32 @!p0 $0x1  }
0xb4: {  	s26 =	simm.s32 $execute0_lowered;
	[smem:$0x3FD2] =	sst s25  }
0xb5: {  	s5 =	sshll.u32 s26, $0x1;
	_ =	strace $0x80000049;
	[dreg:$0x1] =	wrdreg $0xFFFFFFFF  }
0xb6: {  	s28 =	simm.s32 $_size_execute0_lowered;
	s3 =	sadd.s32 s3, s5;
	[dreg:$0x0] =	wrdreg $0x0  }
0xb7: {  	s5 =	sshll.u32 s28, $0x1;
	[dreg:$0x2] =	wrdreg s3  }
0xb8: {  	[dreg:$0x3] =	wrdreg s5  }
0xb9: {  	[dreg:$0x4] =	wrdreg $0xC0  }
0xba: {  	_ =	task [dreg:s22], $0x5FFFF  }
0xbb: {  	[dreg:$0x1] =	wrdreg $0xFFFFFFFF  }
0xbc: {  	[dreg:$0x0] =	wrdreg $0x60  }
0xbd: {  	[dreg:$0x2] =	wrdreg s24  }
0xbe: {  	[dreg:$0x3] =	wrdreg $0x68000  }
0xbf: {  	[dreg:$0x4] =	wrdreg $0x9  }
0xc0: {  	_ =	task.clear_ibuf [dreg:s22], $0x5FFFF;
	_ =	strace $0x90000049  }
0xc1: {  	s29 =	simm.s32 $0x9;
	_ =	strace $0x8000004B  }
0xc2: {  	_ =	swait.ge [sflag:s29], $0x1  }
0xc3: {  	[sflag:s29] =	ssyncadd.s32 $0xFFFFFFFF  }
0xc4: {  	_ =	strace $0x9000004B  }
0xc5: {  	_ =	sfence  }
0xc6: {  	s30 =	sld [smem:$0x0];
	_ =	sdelay $0x2  }
0xc7: {  	s31 =	sshll.u32 s1, $0xD;
	s1 =	sshrl.u32 s1, $0x2  }
0xc8: {  	s4 =	sand.u32 $0x4000, s31;
	s1 =	sadd.s32 s1, s30  }
0xc9: {  	s0 =	sor.u32 s4, s0;
	s1 =	sshll.u32 s1, $0x11  }
0xca: {  	s0 =	sor.u32 s1, s0  }
0xcb: {  	s0 =	sadd.s32 $0x8F2B, s0  }
0xcc: {  	[sflag:s0] =	ssyncadd.remote.s32 $0x1  }
0xcd: {  	_ =	sfence.sel $0xFFFF  }
0xce: {  	[dreg:$0x0] =	wrdreg $0xFFFFFFFF;
	(pc) =	sbr.abs _section_cstart, $3  }
0xcf: {  	[dreg:$0x1] =	wrdreg $0xFFFFFFFF  }
0xd0: {  	_ =	task.clear_ibuf [dreg:s22], $0x2FFFF;
	_ =	strace $0x9FFFFFFF  }
0xd1: {  	(tm) =	ssettm $0x7FFFFFFF  }
tec
execute0_lowered:
.L_overlay_start_1:
0x0: {  	(tag) =	ssettag $0x1  }
0x1: {  	s5 =	rddreg [dreg:$0x0]  }
0x2: {  	s1 =	srdreg.scid;
	s0 =	stileid.u32  }
0x3: {  	s2 =	rddreg [dreg:$0x1];
	s3 =	simm.s32 $0x0;
	s13 =	simm.s32 $0x7D  }
0x4: {  	s7 =	sand.u32 $0x1, s1;
	s6 =	smul.u32 $0x2800, s0;
	s1 =	rddreg [dreg:$0x2]  }
0x5: {  	s14 =	simm.s32 $0x0;
	[smem:$0x7FF] =	sst s3;
	s9 =	smul.u32 $0x50000, s0  }
0x6: {  	s31 =	sshll.u32 s0, $0x6;
	s4 =	smul.u32 $0x28000, s7;
	s8 =	ssub.s32 $0x2, s7  }
0x7: {  	_ =	strace $0x8000004A;
	p0 =	seq.s32 s7, $0x1;
	s11 =	sshrl.u32 s8, $0x1  }
0x8: {  	s12 =	sadd.s32 s6, s5;
	s29 =	sshrl.u32 s9, $0x2;
	s9 =	simm.s32 $0xC7C00  }
0x9: {  	s4 =	sadd.s32 s6, s4;
	s8 =	ssub.s32 s8, s11;
	s30 =	sadd.s32 s29, s2  }
0xa: {  	s6 =	sor.u32 $0x1C01, s31;
	s9 =	simm.s32 @!p0 $0x9FC00;
	s11 =	simm.s32 $0x1  }
0xb: {  	s4 =	sshrl.u32 s4, $0x3;
	s8 =	smax.u32 s8, $0x1;
	s9 =	sadd.s32 s9, s12  }
0xc: {  	s10 =	sadd.s32 s4, s5;
	s4 =	sadd.s32 $0x9F400, s5;
	s5 =	sadd.s32 $0x1D400, s12  }
0xd: {  	s12 =	simm.s32 $0x2800;
	s7 =	sadd.s32 $0x95400, s10;
	s10 =	sshrl.u32 s30, $0x3  }
.LBB2_1:
0xe: {  	[spmem:s10], [sflag:s6] =	dma.local [hbm:s5], $0x2800  }
0xf: {  	_ =	swait.ge [sflag:s11], $0x2800  }
0x10: {  	[sflag:s11] =	ssyncset.done $0x0  }
0x11: {  	[sflag:s11] =	ssyncadd.s32 $0xFFFFD800  }
0x12: {  	[tilespmem:s12], [sflag:$0x1] =	stream.linear.gather [hbm4b:s4+s3], $0x3E80, $0x38;
	[tilespmem:$0x1A800] =	vst v63  }
0x13: {  	_ =	swait.ge [sflag:s11], $0x3E80  }
0x14: {  	[sflag:s11] =	ssyncset.done $0x0  }
0x15: {  	[sflag:s11] =	ssyncadd.s32 $0xFFFFC180  }
0x16: {  	[tilespmem:s3], [sflag:$0x1] =	stream.linear.gather [hbm4b:s7+s3], $0x2800, $0x38;
	[tilespmem:$0x1A800] =	vst v63  }
0x17: {  	_ =	swait.ge [sflag:s11], $0x2800  }
0x18: {  	[sflag:s11] =	ssyncset.done $0x0  }
0x19: {  	[sflag:s11] =	ssyncadd.s32 $0xFFFFD800  }
0x1a: {  	s15 =	simm.s32 $0x0;
	[bflag:$0x0] =	sbarrier.arrive $0xFFFF  }
0x1b: {  	[spmem:s2] =	stream.indirect.scatter.add.f32 [tilespmem:s12], [sflag:$0x1], $0x80, s15, s13, $0xb8;
	[tilespmem:$0x1A800] =	vst v63  }
0x1c: {  	_ =	swait.ge [sflag:s11], $0x3E80  }
0x1d: {  	s15 =	simm.s32 $0x200;
	[sflag:s11] =	ssyncset.done $0x0  }
.LBB2_2:
0x1e: {  	s16 =	sshra.s32 s15, $0x2;
	[sflag:s11] =	ssyncadd.s32 $0xFFFFC180;
	p0 =	sne.s32 s15, $0x9E00  }
0x1f: {  	[spmem:s2] =	stream.indirect.scatter.add.f32 [tilespmem:s12], [sflag:$0x1], $0x80, s16, s13, $0xb8;
	[tilespmem:$0x1A800] =	vst v63  }
.Ltmp0:
0x20: {  	_ = 	snop;
	(pc) =	sbr.rel @p0 .LBB2_2-.Ltmp0, $4  }
0x21: {  	_ = 	snop  }
0x22: {  	s15 =	sadd.s32 $0x200, s15  }
0x23: {  	_ =	swait.ge [sflag:s11], $0x3E80  }
0x24: {  	[sflag:s11] =	ssyncset.done $0x0  }
0x25: {  	s14 =	sadd.s32 $0x1, s14  }
0x26: {  	[sflag:s11] =	ssyncadd.s32 $0xFFFFC180;
	p0 =	sne.s32 s14, s8  }
.Ltmp1:
0x27: {  	[bflag:$0x0] =	sbarrier.arrive $0xFFFF;
	(pc) =	sbr.rel @p0 .LBB2_1-.Ltmp1, $4  }
0x28: {  	[hbm:s9], [sflag:s6] =	dma.local [spmem:s10], $0x2800  }
0x29: {  	_ =	swait.ge [sflag:s11], $0x2800  }
0x2a: {  	[sflag:s11] =	ssyncset.done $0x0  }
0x2b: {  	[sflag:s11] =	ssyncadd.s32 $0xFFFFD800  }
0x2c: {  	_ =	sfence.sel $0x180000  }
0x2d: {  	[bflag:$0x0] =	sbarrier.arrive $0xFFFF  }
0x2e: {  	p0 =	sne.s32 s0, $0x0;
	_ =	strace $0x9000004A  }
0x2f: {  	s0 =	sadd.s32 @!p0 $0x100000, s1;
	[bflag:$0x2] =	sbarrier.arrive $0xFFFF  }
0x30: {  	[sflag:s0] =	ssyncadd.tile.s32 @!p0 $0x1;
	_ =	shalt  }
.Lfunc_end2:
_tile_overlayer_lowered:
.L_overlay_start_2:
0x31: {  	(tag) =	ssettag $0x2  }
0x32: {  	s0 =	rddreg [dreg:$0x0];
	s2 =	stileid.u32  }
0x33: {  	s1 =	rddreg [dreg:$0x1];
	p0 =	sne.s32 s2, $0x0  }
0x34: {  	s3 =	rddreg [dreg:$0x2];
	[bflag:$0x3] =	sbarrier.arrive $0xFFFF;
	s2 =	simm.s32 @!p0 $0x1C01  }
0x35: {  	[timem:s3], [sflag:s2] =	dma.local @!p0 [hbm:s0], s1  }
0x36: {  	s0 =	simm.s32 @!p0 $0x1  }
0x37: {  	_ =	swait.ge @!p0 [sflag:s0], s1  }
0x38: {  	s1 =	ssub.s32 @!p0 $0x0, s1;
	[sflag:s0] =	ssyncset.done @!p0 $0x0  }
0x39: {  	[sflag:s0] =	ssyncadd.s32 @!p0 s1  }
0x3a: {  	[bflag:$0x3] =	sbarrier.arrive $0xFFFF  }
0x3b: {  	_ =	shalt  }

// kernel: kernel.15.cloned.1.call-start
scs
__scs_entry_jumppad:
0x0: {  	(pc) =	sbr.rel $0x88, $3  }
0x1: {  	(tag) =	ssettag $0x0;
	lr =	simm.s32 $0x1  }
0x2: {  	[smem:$0x3F8B] =	sst lr;
	_ =	strace $0xD0000000  }
0x3: {  	_ = 	snop  }
0x4: {  	_ = 	snop  }
0x5: {  	_ = 	snop  }
0x6: {  	_ = 	snop  }
0x7: {  	_ = 	snop  }
__scs_overlays_trampoline_lowered:
0x8: {  	[smem:$0x3F9A] =	sst s0  }
0x9: {  	[smem:$0x3F9B] =	sst s1  }
0xa: {  	[smem:$0x3F9C] =	sst s2  }
0xb: {  	[smem:$0x3F9D] =	sst s3  }
0xc: {  	[smem:$0x3F9E] =	sst s4  }
0xd: {  	[smem:$0x3F9F] =	sst s5  }
0xe: {  	[smem:$0x3FA0] =	sst s6  }
0xf: {  	[smem:$0x3FA1] =	sst s7  }
0x10: {  	[smem:$0x3FA2] =	sst s8  }
0x11: {  	[smem:$0x3FA3] =	sst s9;
	s0 =	simm.s32 @!p0 $0x0  }
0x12: {  	s1 =	sld [smem:$0x3F89];
	s0 =	simm.s32 @p0 $0x1  }
0x13: {  	[smem:$0x3FA4] =	sst s0;
	s0 =	simm.s32 @!p1 $0x0  }
0x14: {  	s2 =	sld [smem:$0x3F88];
	s0 =	simm.s32 @p1 $0x1  }
0x15: {  	[smem:$0x3FA5] =	sst s0;
	s0 =	simm.s32 @!p2 $0x0  }
0x16: {  	s3 =	sld [smem:$0x3FDB];
	s0 =	simm.s32 @p2 $0x1  }
0x17: {  	s4 =	simm.s32 $0x1BF5;
	[smem:$0x3FA7] =	sst s0  }
0x18: {  	s0 =	sld [smem:$0x3F8A];
	_ =	swait.ge [sflag:s4], $0x0  }
0x19: {  	s7 =	sld [smem:$0x3F8B]  }
0x1a: {  	s8 =	sadd.s32 $0xFFFFE003, lr  }
0x1b: {  	s9 =	sadd.s32 $0xFFFFFEF7, lr;
	s5 =	simm.s32 $0xFFFFFFFF;
	p2 =	slt.u32 s8, $0xFFFFF086  }
0x1c: {  	p1 =	slt.u32 s9, $0xF7A;
	s5 =	simm.s32 @!p2 $0x0  }
0x1d: {  	s5 =	simm.s32 @p1 $0x1;
	p0 =	seq.s32 s7, s2  }
0x1e: {  	s7 =	smul.u32 @!p0 $0xF7A, s2;
	p2 =	seq.s32 @!p0 s5, $0x0  }
0x1f: {  	s9 =	smul.u32 $0xF7A, s1;
	s8 =	simm.s32 @!p0 $0x1BF5;
	p2 =	por !p2, p0  }
0x20: {  	[sflag:s8] =	ssyncset.s32 @!p0 $0xFFFFF086;
	s6 =	sadd.s32 @!p0 s3, s7;
	s7 =	simm.s32 @!p0 $0x108  }
0x21: {  	s3 =	sadd.s32 s3, s9;
	s6 =	sadd.s32 @!p0 $0x88, s6;
	s7 =	simm.s32 @p2 $0x1082  }
0x22: {  	[simem:s7], [sflag:s8] =	dma.local @!p0 [hbm:s6], $0xF7A  }
0x23: {  	s9 =	sor.u32 $0xD0000000, s2;
	s6 =	simm.s32 $0x108;
	_ =	swait.ge @!p0 [sflag:s8], $0x0  }
0x24: {  	s3 =	sadd.s32 $0x88, s3;
	s6 =	simm.s32 @!p1 $0x1082;
	[sflag:s4] =	ssyncset.s32 $0xFFFFF086  }
0x25: {  	[simem:s6], [sflag:s4] =	dma.local [hbm:s3], $0xF7A  }
0x26: {  	[smem:$0x3F8B] =	sst s1;
	(tag) =	ssettag s2;
	_ =	strace s9  }
0x27: {  	s1 =	sld [smem:$0x3F9B]  }
0x28: {  	s2 =	sld [smem:$0x3F9C]  }
0x29: {  	s4 =	sld [smem:$0x3F9E]  }
0x2a: {  	p0 =	seq.s32 s5, $0x0;
	s5 =	sld [smem:$0x3F9F]  }
0x2b: {  	s6 =	sld [smem:$0x3FA0]  }
0x2c: {  	s7 =	sld [smem:$0x3FA1]  }
0x2d: {  	s3 =	simm.s32 $0x108;
	s8 =	sld [smem:$0x3FA2]  }
0x2e: {  	s3 =	simm.s32 @!p0 $0x1082;
	s9 =	sld [smem:$0x3FA3]  }
0x2f: {  	lr =	sadd.s32 s0, s3;
	s0 =	sld [smem:$0x3F9A]  }
0x30: {  	s3 =	sld [smem:$0x3F9D]  }
0x31: {  	[smem:$0x3FA6] =	sst s10  }
0x32: {  	s10 =	sld [smem:$0x3FA4];
	_ =	sdelay $0x3  }
0x33: {  	p0 =	seq.s32 s10, $0x1;
	s10 =	sld [smem:$0x3FA6];
	_ =	sdelay $0x3  }
0x34: {  	[smem:$0x3FA6] =	sst s10  }
0x35: {  	s10 =	sld [smem:$0x3FA5];
	_ =	sdelay $0x3  }
0x36: {  	p1 =	seq.s32 s10, $0x1;
	s10 =	sld [smem:$0x3FA6];
	_ =	sdelay $0x3  }
0x37: {  	[smem:$0x3FA6] =	sst s10  }
0x38: {  	s10 =	sld [smem:$0x3FA7]  }
0x39: {  	_ = 	snop;
	(pc) =	sbr.ind lr, $3  }
0x3a: {  	_ = 	snop  }
0x3b: {  	_ = 	snop  }
0x3c: {  	p2 =	seq.s32 s10, $0x1;
	s10 =	sld [smem:$0x3FA6]  }
0x3d: {  	_ =	shalt  }
0x3e: {  	_ =	shalt  }
0x3f: {  	_ =	shalt  }
0x40: {  	_ =	shalt  }
0x41: {  	_ =	shalt  }
0x42: {  	_ =	shalt  }
0x43: {  	_ =	shalt  }
0x44: {  	_ =	shalt  }
0x45: {  	_ =	shalt  }
0x46: {  	_ =	shalt  }
0x47: {  	_ =	shalt  }
0x48: {  	_ =	shalt  }
0x49: {  	_ =	shalt  }
0x4a: {  	_ =	shalt  }
0x4b: {  	_ =	shalt  }
0x4c: {  	_ =	shalt  }
0x4d: {  	_ =	shalt  }
0x4e: {  	_ =	shalt  }
0x4f: {  	_ =	shalt  }
0x50: {  	_ =	shalt  }
0x51: {  	_ =	shalt  }
0x52: {  	_ =	shalt  }
0x53: {  	_ =	shalt  }
0x54: {  	_ =	shalt  }
0x55: {  	_ =	shalt  }
0x56: {  	_ =	shalt  }
0x57: {  	_ =	shalt  }
0x58: {  	_ =	shalt  }
0x59: {  	_ =	shalt  }
0x5a: {  	_ =	shalt  }
0x5b: {  	_ =	shalt  }
0x5c: {  	_ =	shalt  }
0x5d: {  	_ =	shalt  }
0x5e: {  	_ =	shalt  }
0x5f: {  	_ =	shalt  }
0x60: {  	_ =	shalt  }
0x61: {  	_ =	shalt  }
0x62: {  	_ =	shalt  }
0x63: {  	_ =	shalt  }
0x64: {  	_ =	shalt  }
0x65: {  	_ =	shalt  }
0x66: {  	_ =	shalt  }
0x67: {  	_ =	shalt  }
0x68: {  	_ =	shalt  }
0x69: {  	_ =	shalt  }
0x6a: {  	_ =	shalt  }
0x6b: {  	_ =	shalt  }
0x6c: {  	_ =	shalt  }
0x6d: {  	_ =	shalt  }
0x6e: {  	_ =	shalt  }
0x6f: {  	_ =	shalt  }
0x70: {  	_ =	shalt  }
0x71: {  	_ =	shalt  }
0x72: {  	_ =	shalt  }
0x73: {  	_ =	shalt  }
0x74: {  	_ =	shalt  }
0x75: {  	_ =	shalt  }
0x76: {  	_ =	shalt  }
0x77: {  	_ =	shalt  }
0x78: {  	_ =	shalt  }
0x79: {  	_ =	shalt  }
0x7a: {  	_ =	shalt  }
0x7b: {  	_ =	shalt  }
0x7c: {  	_ =	shalt  }
0x7d: {  	_ =	shalt  }
0x7e: {  	_ =	shalt  }
0x7f: {  	_ =	shalt  }
0x80: {  	_ =	shalt  }
0x81: {  	_ =	shalt  }
0x82: {  	_ =	shalt  }
0x83: {  	_ =	shalt  }
0x84: {  	_ =	shalt  }
0x85: {  	_ =	shalt  }
0x86: {  	_ =	shalt  }
0x87: {  	_ =	shalt  }
.Lfunc_end0:
.L_simem_size_0:
called_computation.1_lowered:
.L_overlay_start_0:
0x88: {  	s2 =	sld [smem:$0x3FD9]  }
0x89: {  	s3 =	sld [smem:$0x3FFE];
	_ =	sdelay $0x1  }
0x8a: {  	s1 =	srdreg.scid  }
0x8b: {  	s0 =	sand.u32 $0x1, s1  }
0x8c: {  	s17 =	sshll.u32 s0, $0xA;
	s2 =	sadd.s32 s3, s2  }
0x8d: {  	s2 =	sadd.s32 s2, s17  }
0x8e: {  	[smem:$0x3FB2] =	sst s2  }
0x8f: {  	_ = 	snop  }
0x90: {  	s2 =	sld [smem:$0x3FC9];
	(tm) =	ssettm $0x1  }
0x91: {  	s18 =	sld [smem:$0x3FFB];
	_ =	sdelay $0x3  }
0x92: {  	_ =	strace s18  }
0x93: {  	s3 =	sld [smem:$0x3FFC];
	_ =	sdelay $0x3  }
0x94: {  	_ =	strace s3  }
0x95: {  	s3 =	sld [smem:$0x3FFD];
	_ =	sdelay $0x3  }
0x96: {  	_ =	strace s3  }
0x97: {  	_ =	strace $0x8FFFFFFF  }
0x98: {  	s19 =	sld [smem:$0x3FDB];
	_ =	sdelay $0x1  }
0x99: {  	s4 =	simm.s32 $_scs_section_size  }
0x9a: {  	s5 =	simm.s32 $_size__tile_overlayer_lowered;
	s6 =	simm.s32 $_tile_overlayer_lowered  }
0x9b: {  	s22 =	simm.s32 $0x1BFF;
	s21 =	sshll.u32 s6, $0x1;
	s3 =	sadd.s32 s4, s19  }
0x9c: {  	s7 =	simm.s32 $0x0;
	s20 =	sshll.u32 s5, $0x1;
	s5 =	sadd.s32 s21, s3  }
0x9d: {  	[timem:s7], [sflag:s22] =	dma.local [hbm:s5], s20  }
0x9e: {  	_ =	swait.ge [sflag:s22], s20  }
0x9f: {  	s4 =	ssub.s32 $0x0, s20;
	[sflag:s22] =	ssyncset.done $0x0  }
0xa0: {  	[sflag:s22] =	ssyncadd.s32 s4;
	_ =	sdelay $0x1  }
0xa1: {  	s23 =	simm.s32 $0x1B8B  }
0xa2: {  	_ =	swait.ge [sflag:s23], $0x1  }
0xa3: {  	[sflag:s23] =	ssyncset.done $0x0  }
0xa4: {  	s25 =	simm.s32 $0x1B8E;
	s24 =	sld [smem:$0x3FFE];
	[sflag:s23] =	ssyncadd.s32 $0xFFFFFFFF  }
0xa5: {  	s26 =	simm.s32 $execute0_lowered;
	[smem:$0x3FD2] =	sst s25  }
0xa6: {  	s5 =	sshll.u32 s26, $0x1;
	_ =	strace $0x80000046;
	[dreg:$0x1] =	wrdreg $0xFFFFFFFF  }
0xa7: {  	s28 =	simm.s32 $_size_execute0_lowered;
	s3 =	sadd.s32 s3, s5;
	[dreg:$0x0] =	wrdreg $0x0  }
0xa8: {  	s5 =	sshll.u32 s28, $0x1;
	[dreg:$0x2] =	wrdreg s3  }
0xa9: {  	[dreg:$0x3] =	wrdreg s5  }
0xaa: {  	[dreg:$0x4] =	wrdreg $0xC0  }
0xab: {  	_ =	task [dreg:s7], $0x5FFFF  }
0xac: {  	[dreg:$0x1] =	wrdreg $0xFFFFFFFF  }
0xad: {  	[dreg:$0x0] =	wrdreg $0x60  }
0xae: {  	[dreg:$0x2] =	wrdreg s2  }
0xaf: {  	[dreg:$0x3] =	wrdreg s24  }
0xb0: {  	[dreg:$0x4] =	wrdreg $0x84000  }
0xb1: {  	[dreg:$0x5] =	wrdreg $0xA  }
0xb2: {  	_ =	task.clear_ibuf [dreg:s7], $0x6FFFF;
	_ =	strace $0x90000046  }
0xb3: {  	s29 =	simm.s32 $0xA;
	_ =	strace $0x80000048  }
0xb4: {  	_ =	swait.ge [sflag:s29], $0x1  }
0xb5: {  	[sflag:s29] =	ssyncadd.s32 $0xFFFFFFFF  }
0xb6: {  	_ =	strace $0x90000048  }
0xb7: {  	_ =	sfence  }
0xb8: {  	s30 =	sld [smem:$0x0];
	_ =	sdelay $0x2  }
0xb9: {  	s31 =	sshll.u32 s1, $0xD;
	s1 =	sshrl.u32 s1, $0x2  }
0xba: {  	s3 =	sand.u32 $0x4000, s31;
	s1 =	sadd.s32 s1, s30  }
0xbb: {  	s0 =	sor.u32 s3, s0;
	s1 =	sshll.u32 s1, $0x11  }
0xbc: {  	s0 =	sor.u32 s1, s0  }
0xbd: {  	s0 =	sadd.s32 $0x8F2B, s0  }
0xbe: {  	[sflag:s0] =	ssyncadd.remote.s32 $0x1  }
0xbf: {  	_ =	sfence.sel $0xFFFF  }
0xc0: {  	[dreg:$0x0] =	wrdreg $0xFFFFFFFF;
	(pc) =	sbr.abs _section_cstart, $3  }
0xc1: {  	[dreg:$0x1] =	wrdreg $0xFFFFFFFF  }
0xc2: {  	_ =	task.clear_ibuf [dreg:s7], $0x2FFFF;
	_ =	strace $0x9FFFFFFF  }
0xc3: {  	(tm) =	ssettm $0x7FFFFFFF  }
tec
execute0_lowered:
.L_overlay_start_1:
0x0: {  	(tag) =	ssettag $0x1  }
0x1: {  	s1 =	rddreg [dreg:$0x0]  }
0x2: {  	s0 =	srdreg.scid;
	s2 =	rddreg [dreg:$0x1]  }
0x3: {  	s11 =	stileid.u32;
	s3 =	rddreg [dreg:$0x2];
	s4 =	simm.s32 $0x0  }
0x4: {  	s13 =	simm.s32 $0x100;
	s15 =	simm.s32 $0x200;
	s17 =	simm.s32 $0x300  }
0x5: {  	s18 =	simm.s32 $0x7D;
	s19 =	simm.s32 $0x400;
	s20 =	simm.s32 $0x4400  }
0x6: {  	s28 =	simm.s32 $0x280;
	s29 =	simm.s32 $0x380;
	s6 =	smul.u32 $0x5000, s11  }
0x7: {  	s30 =	simm.s32 $0x1;
	s31 =	simm.s32 $0x2;
	s21 =	smul.u32 $0x2800, s11  }
0x8: {  	s0 =	sand.u32 $0x1, s0;
	[smem:$0x7FF] =	sst s4;
	s7 =	smul.u32 $0x50000, s11  }
0x9: {  	s25 =	sshll.u32 s11, $0x6;
	s11 =	simm.s32 $0x7;
	s5 =	smul.u32 $0x50000, s0  }
0xa: {  	_ =	strace $0x80000047;
	s22 =	ssub.s32 $0x2, s0;
	p0 =	seq.s32 s0, $0x1  }
0xb: {  	s0 =	simm.s32 $0x6D400;
	s23 =	sshrl.u32 s22, $0x1;
	s7 =	sshrl.u32 s7, $0x2  }
0xc: {  	s0 =	simm.s32 @!p0 $0x45400;
	s5 =	sadd.s32 s6, s5;
	s9 =	ssub.s32 s22, s23  }
0xd: {  	s10 =	sadd.s32 s7, s3;
	s6 =	sor.u32 $0x1C07, s25;
	s22 =	simm.s32 $0x80  }
0xe: {  	s23 =	simm.s32 $0x3;
	s25 =	simm.s32 $0x180;
	s5 =	sshrl.u32 s5, $0x3  }
0xf: {  	s26 =	smax.u32 s9, $0x1;
	s10 =	sshrl.u32 s10, $0x3;
	s8 =	sadd.s32 s5, s2  }
.Ltmp0:
0x10: {  	s2 =	sadd.s32 s21, s2;
	[dreg:$0x5] =	wrdreg s26;
	(pc) =	sbr.rel .LBB2_1-.Ltmp0, $4  }
0x11: {  	s21 =	simm.s32 $0x5;
	s26 =	simm.s32 $0x4;
	s24 =	sadd.s32 $0x1D400, s2  }
0x12: {  	s7 =	sadd.s32 $0x9400, s8;
	s0 =	sadd.s32 s0, s2;
	[dreg:$0x4] =	wrdreg s24  }
0x13: {  	s2 =	simm.s32 $0x0;
	[dreg:$0x6] =	wrdreg s0;
	s12 =	sadd.s32 $0x20, s7  }
0x14: {  	s14 =	sadd.s32 $0x40, s7;
	s16 =	sadd.s32 $0x60, s7;
	s24 =	simm.s32 $0x6  }
.LBB2_4:
0x15: {  	_ =	swait.ge [sflag:s24], $0x3E80  }
0x16: {  	[sflag:s24] =	ssyncset.done $0x0  }
0x17: {  	[sflag:s24] =	ssyncadd.s32 $0xFFFFC180  }
0x18: {  	[spmem:s3] =	stream.indirect.scatter.add.f32 [tilespmem:s20], [sflag:$0x7], $0x80, s29, s18, $0xb8;
	[tilespmem:$0x1C400] =	vst v63  }
0x19: {  	_ =	swait.ge [sflag:s11], $0x3E80  }
0x1a: {  	[sflag:s11] =	ssyncset.done $0x0  }
0x1b: {  	[sflag:s11] =	ssyncadd.s32 $0xFFFFC180  }
0x1c: {  	[bflag:$0x0] =	sbarrier.arrive $0xFFFF  }
0x1d: {  	s0 =	rddreg [dreg:$0x6]  }
0x1e: {  	[hbm:s0], [sflag:s6] =	dma.local [spmem:s10], $0x2800  }
0x1f: {  	_ =	swait.ge [sflag:s11], $0x2800  }
0x20: {  	s2 =	sadd.s32 $0x1, s2;
	s9 =	rddreg [dreg:$0x5]  }
0x21: {  	p0 =	sne.s32 s2, s9  }
.Ltmp1:
0x22: {  	_ = 	snop;
	(pc) =	sbr.rel @!p0 .LBB2_5-.Ltmp1, $3  }
0x23: {  	_ =	sdelay $0x1  }
0x24: {  	[sflag:s11] =	ssyncset.done $0x0  }
0x25: {  	[sflag:s11] =	ssyncadd.s32 $0xFFFFD800  }
.LBB2_1:
0x26: {  	s0 =	rddreg [dreg:$0x4]  }
0x27: {  	[spmem:s10], [sflag:s6] =	dma.local [hbm:s0], $0x2800  }
0x28: {  	_ =	swait.ge [sflag:s11], $0x2800  }
0x29: {  	[sflag:s11] =	ssyncset.done $0x0  }
0x2a: {  	[sflag:s11] =	ssyncadd.s32 $0xFFFFD800  }
0x2b: {  	[bflag:$0x0] =	sbarrier.arrive $0xFFFF  }
0x2c: {  	[tilespmem:s4], [sflag:$0x7] =	stream.linear.gather [hbm4b:s7+s4], $0x100, $0x38;
	[tilespmem:$0x1C400] =	vst v63  }
0x2d: {  	_ =	swait.ge [sflag:s11], $0x100  }
0x2e: {  	[sflag:s11] =	ssyncset.done $0x0  }
0x2f: {  	[sflag:s11] =	ssyncadd.s32 $0xFFFFFF00  }
0x30: {  	[tilespmem:s13], [sflag:$0x7] =	stream.linear.gather [hbm4b:s12+s4], $0x100, $0x38;
	[tilespmem:$0x1C400] =	vst v63  }
0x31: {  	_ =	swait.ge [sflag:s11], $0x100  }
0x32: {  	[sflag:s11] =	ssyncset.done $0x0  }
0x33: {  	[sflag:s11] =	ssyncadd.s32 $0xFFFFFF00  }
0x34: {  	[tilespmem:s15], [sflag:$0x3] =	stream.linear.gather [hbm4b:s14+s4], $0x100, $0x38;
	[tilespmem:$0x1C400] =	vst v63  }
0x35: {  	_ = 	snop  }
0x36: {  	[tilespmem:s17], [sflag:$0x4] =	stream.linear.gather [hbm4b:s16+s4], $0x100, $0x38;
	[tilespmem:$0x1C400] =	vst v63  }
0x37: {  	_ = 	snop  }
0x38: {  	[tilespmem:s19], [sflag:$0x5] =	stream.indirect.gather [hbm4b:s1+s18], $0x80, s4, s18, $0xb8;
	[tilespmem:$0x1C400] =	vst v63  }
0x39: {  	s0 =	simm.s32 $0xFFFFF680  }
0x3a: {  	[tilespmem:s20], [sflag:$0x6] =	stream.indirect.gather [hbm4b:s1+s18], $0x80, s13, s18, $0xb8;
	[tilespmem:$0x1C400] =	vst v63  }
.LBB2_2:
0x3b: {  	_ =	swait.ge [sflag:s21], $0x3E80  }
0x3c: {  	[sflag:s21] =	ssyncset.done $0x0  }
0x3d: {  	[sflag:s21] =	ssyncadd.s32 $0xFFFFC180  }
0x3e: {  	[spmem:s3] =	stream.indirect.scatter.add.f32 [tilespmem:s19], [sflag:$0x7], $0x80, s22, s18, $0xb8;
	[tilespmem:$0x1C400] =	vst v63  }
0x3f: {  	p0 =	seq.s32 s0, $0x0;
	_ =	swait.ge [sflag:s11], $0x3E80  }
0x40: {  	s5 =	sadd.s32 @!p0 s0, s7;
	[sflag:s11] =	ssyncset.done $0x0  }
0x41: {  	s9 =	simm.s32 @!p0 $0x0;
	s8 =	sadd.s32 @!p0 $0xA00, s5;
	[sflag:s11] =	ssyncadd.s32 $0xFFFFC180  }
0x42: {  	[tilespmem:s9], [sflag:$0x1] =	stream.linear.gather @!p0 [hbm4b:s8+s9], $0x100, $0x38;
	[tilespmem:$0x1C400] =	vst v63  }
0x43: {  	_ =	swait.ge [sflag:s23], $0x100  }
0x44: {  	[sflag:s23] =	ssyncset.done $0x0  }
0x45: {  	[sflag:s23] =	ssyncadd.s32 $0xFFFFFF00  }
0x46: {  	[tilespmem:s19], [sflag:$0x5] =	stream.indirect.gather [hbm4b:s1+s18], $0x80, s15, s18, $0xb8;
	[tilespmem:$0x1C400] =	vst v63  }
0x47: {  	_ =	swait.ge [sflag:s24], $0x3E80  }
0x48: {  	[sflag:s24] =	ssyncset.done $0x0  }
0x49: {  	[sflag:s24] =	ssyncadd.s32 $0xFFFFC180  }
0x4a: {  	[spmem:s3] =	stream.indirect.scatter.add.f32 [tilespmem:s20], [sflag:$0x7], $0x80, s25, s18, $0xb8;
	[tilespmem:$0x1C400] =	vst v63  }
0x4b: {  	_ =	swait.ge [sflag:s11], $0x3E80  }
0x4c: {  	[sflag:s11] =	ssyncset.done $0x0  }
0x4d: {  	s5 =	sadd.s32 @!p0 $0xA20, s5;
	s8 =	simm.s32 @!p0 $0x100;
	[sflag:s11] =	ssyncadd.s32 $0xFFFFC180  }
0x4e: {  	[tilespmem:s8], [sflag:$0x2] =	stream.linear.gather @!p0 [hbm4b:s5+s9], $0x100, $0x38;
	[tilespmem:$0x1C400] =	vst v63  }
0x4f: {  	_ =	swait.ge [sflag:s26], $0x100  }
0x50: {  	[sflag:s26] =	ssyncset.done $0x0  }
0x51: {  	[sflag:s26] =	ssyncadd.s32 $0xFFFFFF00  }
0x52: {  	[tilespmem:s20], [sflag:$0x6] =	stream.indirect.gather [hbm4b:s1+s18], $0x80, s17, s18, $0xb8;
	[tilespmem:$0x1C400] =	vst v63  }
0x53: {  	_ =	swait.ge [sflag:s21], $0x3E80  }
0x54: {  	[sflag:s21] =	ssyncset.done $0x0  }
.Ltmp2:
0x55: {  	[sflag:s21] =	ssyncadd.s32 $0xFFFFC180;
	(pc) =	sbr.rel @p0 .LBB2_4-.Ltmp2, $4  }
0x56: {  	[spmem:s3] =	stream.indirect.scatter.add.f32 [tilespmem:s19], [sflag:$0x7], $0x80, s28, s18, $0xb8;
	[tilespmem:$0x1C400] =	vst v63  }
0x57: {  	_ =	swait.ge [sflag:s11], $0x3E80  }
0x58: {  	[sflag:s11] =	ssyncset.done $0x0  }
0x59: {  	[sflag:s11] =	ssyncadd.s32 $0xFFFFC180  }
0x5a: {  	s5 =	sadd.s32 s0, s7  }
0x5b: {  	s8 =	sadd.s32 $0xA40, s5  }
0x5c: {  	[tilespmem:s15], [sflag:$0x3] =	stream.linear.gather [hbm4b:s8+s4], $0x100, $0x38;
	[tilespmem:$0x1C400] =	vst v63  }
0x5d: {  	_ =	swait.ge [sflag:s30], $0x100  }
0x5e: {  	[sflag:s30] =	ssyncset.done $0x0  }
0x5f: {  	[sflag:s30] =	ssyncadd.s32 $0xFFFFFF00  }
0x60: {  	[tilespmem:s19], [sflag:$0x5] =	stream.indirect.gather [hbm4b:s1+s18], $0x80, s4, s18, $0xb8;
	[tilespmem:$0x1C400] =	vst v63  }
0x61: {  	_ =	swait.ge [sflag:s24], $0x3E80  }
0x62: {  	[sflag:s24] =	ssyncset.done $0x0  }
0x63: {  	[sflag:s24] =	ssyncadd.s32 $0xFFFFC180  }
0x64: {  	[spmem:s3] =	stream.indirect.scatter.add.f32 [tilespmem:s20], [sflag:$0x7], $0x80, s29, s18, $0xb8;
	[tilespmem:$0x1C400] =	vst v63  }
0x65: {  	_ =	swait.ge [sflag:s11], $0x3E80  }
0x66: {  	[sflag:s11] =	ssyncset.done $0x0  }
0x67: {  	s5 =	sadd.s32 $0xA60, s5;
	[sflag:s11] =	ssyncadd.s32 $0xFFFFC180  }
0x68: {  	[tilespmem:s17], [sflag:$0x4] =	stream.linear.gather [hbm4b:s5+s4], $0x100, $0x38;
	[tilespmem:$0x1C400] =	vst v63  }
.Ltmp3:
0x69: {  	_ = 	snop;
	(pc) =	sbr.rel .LBB2_2-.Ltmp3, $4  }
0x6a: {  	_ =	swait.ge [sflag:s31], $0x100  }
0x6b: {  	[sflag:s31] =	ssyncset.done $0x0  }
0x6c: {  	s0 =	sadd.s32 $0x80, s0;
	[sflag:s31] =	ssyncadd.s32 $0xFFFFFF00  }
0x6d: {  	[tilespmem:s20], [sflag:$0x6] =	stream.indirect.gather [hbm4b:s1+s18], $0x80, s13, s18, $0xb8;
	[tilespmem:$0x1C400] =	vst v63  }
.LBB2_5:
0x6e: {  	_ =	sfence.sel $0x180000  }
0x6f: {  	[bflag:$0x0] =	sbarrier.arrive $0xFFFF  }
0x70: {  	_ =	strace $0x90000047  }
0x71: {  	s0 =	stileid.u32;
	[bflag:$0x2] =	sbarrier.arrive $0xFFFF  }
0x72: {  	p0 =	sne.s32 s0, $0x0;
	s0 =	rddreg [dreg:$0x3]  }
0x73: {  	s0 =	sadd.s32 @!p0 $0x100000, s0  }
0x74: {  	[sflag:s0] =	ssyncadd.tile.s32 @!p0 $0x1;
	_ =	shalt  }
.Lfunc_end2:
_tile_overlayer_lowered:
.L_overlay_start_2:
0x75: {  	(tag) =	ssettag $0x2  }
0x76: {  	s0 =	rddreg [dreg:$0x0];
	s2 =	stileid.u32  }
0x77: {  	s1 =	rddreg [dreg:$0x1];
	p0 =	sne.s32 s2, $0x0  }
0x78: {  	s3 =	rddreg [dreg:$0x2];
	[bflag:$0x3] =	sbarrier.arrive $0xFFFF;
	s2 =	simm.s32 @!p0 $0x1C07  }
0x79: {  	[timem:s3], [sflag:s2] =	dma.local @!p0 [hbm:s0], s1  }
0x7a: {  	s0 =	simm.s32 @!p0 $0x7  }
0x7b: {  	_ =	swait.ge @!p0 [sflag:s0], s1  }
0x7c: {  	s1 =	ssub.s32 @!p0 $0x0, s1;
	[sflag:s0] =	ssyncset.done @!p0 $0x0  }
0x7d: {  	[sflag:s0] =	ssyncadd.s32 @!p0 s1  }
0x7e: {  	[bflag:$0x3] =	sbarrier.arrive $0xFFFF  }
0x7f: {  	_ =	shalt  }

// kernel: kernel.18.cloned.1.call-start
scs
__scs_entry_jumppad:
0x0: {  	(pc) =	sbr.rel $0x88, $3  }
0x1: {  	(tag) =	ssettag $0x0;
	lr =	simm.s32 $0x1  }
0x2: {  	[smem:$0x3F8B] =	sst lr;
	_ =	strace $0xD0000000  }
0x3: {  	_ = 	snop  }
0x4: {  	_ = 	snop  }
0x5: {  	_ = 	snop  }
0x6: {  	_ = 	snop  }
0x7: {  	_ = 	snop  }
__scs_overlays_trampoline_lowered:
0x8: {  	[smem:$0x3F9A] =	sst s0  }
0x9: {  	[smem:$0x3F9B] =	sst s1  }
0xa: {  	[smem:$0x3F9C] =	sst s2  }
0xb: {  	[smem:$0x3F9D] =	sst s3  }
0xc: {  	[smem:$0x3F9E] =	sst s4  }
0xd: {  	[smem:$0x3F9F] =	sst s5  }
0xe: {  	[smem:$0x3FA0] =	sst s6  }
0xf: {  	[smem:$0x3FA1] =	sst s7  }
0x10: {  	[smem:$0x3FA2] =	sst s8  }
0x11: {  	[smem:$0x3FA3] =	sst s9;
	s0 =	simm.s32 @!p0 $0x0  }
0x12: {  	s1 =	sld [smem:$0x3F89];
	s0 =	simm.s32 @p0 $0x1  }
0x13: {  	[smem:$0x3FA4] =	sst s0;
	s0 =	simm.s32 @!p1 $0x0  }
0x14: {  	s2 =	sld [smem:$0x3F88];
	s0 =	simm.s32 @p1 $0x1  }
0x15: {  	[smem:$0x3FA5] =	sst s0;
	s0 =	simm.s32 @!p2 $0x0  }
0x16: {  	s3 =	sld [smem:$0x3FDB];
	s0 =	simm.s32 @p2 $0x1  }
0x17: {  	s4 =	simm.s32 $0x1BF5;
	[smem:$0x3FA7] =	sst s0  }
0x18: {  	s0 =	sld [smem:$0x3F8A];
	_ =	swait.ge [sflag:s4], $0x0  }
0x19: {  	s7 =	sld [smem:$0x3F8B]  }
0x1a: {  	s8 =	sadd.s32 $0xFFFFE003, lr  }
0x1b: {  	s9 =	sadd.s32 $0xFFFFFEF7, lr;
	s5 =	simm.s32 $0xFFFFFFFF;
	p2 =	slt.u32 s8, $0xFFFFF086  }
0x1c: {  	p1 =	slt.u32 s9, $0xF7A;
	s5 =	simm.s32 @!p2 $0x0  }
0x1d: {  	s5 =	simm.s32 @p1 $0x1;
	p0 =	seq.s32 s7, s2  }
0x1e: {  	s7 =	smul.u32 @!p0 $0xF7A, s2;
	p2 =	seq.s32 @!p0 s5, $0x0  }
0x1f: {  	s9 =	smul.u32 $0xF7A, s1;
	s8 =	simm.s32 @!p0 $0x1BF5;
	p2 =	por !p2, p0  }
0x20: {  	[sflag:s8] =	ssyncset.s32 @!p0 $0xFFFFF086;
	s6 =	sadd.s32 @!p0 s3, s7;
	s7 =	simm.s32 @!p0 $0x108  }
0x21: {  	s3 =	sadd.s32 s3, s9;
	s6 =	sadd.s32 @!p0 $0x88, s6;
	s7 =	simm.s32 @p2 $0x1082  }
0x22: {  	[simem:s7], [sflag:s8] =	dma.local @!p0 [hbm:s6], $0xF7A  }
0x23: {  	s9 =	sor.u32 $0xD0000000, s2;
	s6 =	simm.s32 $0x108;
	_ =	swait.ge @!p0 [sflag:s8], $0x0  }
0x24: {  	s3 =	sadd.s32 $0x88, s3;
	s6 =	simm.s32 @!p1 $0x1082;
	[sflag:s4] =	ssyncset.s32 $0xFFFFF086  }
0x25: {  	[simem:s6], [sflag:s4] =	dma.local [hbm:s3], $0xF7A  }
0x26: {  	[smem:$0x3F8B] =	sst s1;
	(tag) =	ssettag s2;
	_ =	strace s9  }
0x27: {  	s1 =	sld [smem:$0x3F9B]  }
0x28: {  	s2 =	sld [smem:$0x3F9C]  }
0x29: {  	s4 =	sld [smem:$0x3F9E]  }
0x2a: {  	p0 =	seq.s32 s5, $0x0;
	s5 =	sld [smem:$0x3F9F]  }
0x2b: {  	s6 =	sld [smem:$0x3FA0]  }
0x2c: {  	s7 =	sld [smem:$0x3FA1]  }
0x2d: {  	s3 =	simm.s32 $0x108;
	s8 =	sld [smem:$0x3FA2]  }
0x2e: {  	s3 =	simm.s32 @!p0 $0x1082;
	s9 =	sld [smem:$0x3FA3]  }
0x2f: {  	lr =	sadd.s32 s0, s3;
	s0 =	sld [smem:$0x3F9A]  }
0x30: {  	s3 =	sld [smem:$0x3F9D]  }
0x31: {  	[smem:$0x3FA6] =	sst s10  }
0x32: {  	s10 =	sld [smem:$0x3FA4];
	_ =	sdelay $0x3  }
0x33: {  	p0 =	seq.s32 s10, $0x1;
	s10 =	sld [smem:$0x3FA6];
	_ =	sdelay $0x3  }
0x34: {  	[smem:$0x3FA6] =	sst s10  }
0x35: {  	s10 =	sld [smem:$0x3FA5];
	_ =	sdelay $0x3  }
0x36: {  	p1 =	seq.s32 s10, $0x1;
	s10 =	sld [smem:$0x3FA6];
	_ =	sdelay $0x3  }
0x37: {  	[smem:$0x3FA6] =	sst s10  }
0x38: {  	s10 =	sld [smem:$0x3FA7]  }
0x39: {  	_ = 	snop;
	(pc) =	sbr.ind lr, $3  }
0x3a: {  	_ = 	snop  }
0x3b: {  	_ = 	snop  }
0x3c: {  	p2 =	seq.s32 s10, $0x1;
	s10 =	sld [smem:$0x3FA6]  }
0x3d: {  	_ =	shalt  }
0x3e: {  	_ =	shalt  }
0x3f: {  	_ =	shalt  }
0x40: {  	_ =	shalt  }
0x41: {  	_ =	shalt  }
0x42: {  	_ =	shalt  }
0x43: {  	_ =	shalt  }
0x44: {  	_ =	shalt  }
0x45: {  	_ =	shalt  }
0x46: {  	_ =	shalt  }
0x47: {  	_ =	shalt  }
0x48: {  	_ =	shalt  }
0x49: {  	_ =	shalt  }
0x4a: {  	_ =	shalt  }
0x4b: {  	_ =	shalt  }
0x4c: {  	_ =	shalt  }
0x4d: {  	_ =	shalt  }
0x4e: {  	_ =	shalt  }
0x4f: {  	_ =	shalt  }
0x50: {  	_ =	shalt  }
0x51: {  	_ =	shalt  }
0x52: {  	_ =	shalt  }
0x53: {  	_ =	shalt  }
0x54: {  	_ =	shalt  }
0x55: {  	_ =	shalt  }
0x56: {  	_ =	shalt  }
0x57: {  	_ =	shalt  }
0x58: {  	_ =	shalt  }
0x59: {  	_ =	shalt  }
0x5a: {  	_ =	shalt  }
0x5b: {  	_ =	shalt  }
0x5c: {  	_ =	shalt  }
0x5d: {  	_ =	shalt  }
0x5e: {  	_ =	shalt  }
0x5f: {  	_ =	shalt  }
0x60: {  	_ =	shalt  }
0x61: {  	_ =	shalt  }
0x62: {  	_ =	shalt  }
0x63: {  	_ =	shalt  }
0x64: {  	_ =	shalt  }
0x65: {  	_ =	shalt  }
0x66: {  	_ =	shalt  }
0x67: {  	_ =	shalt  }
0x68: {  	_ =	shalt  }
0x69: {  	_ =	shalt  }
0x6a: {  	_ =	shalt  }
0x6b: {  	_ =	shalt  }
0x6c: {  	_ =	shalt  }
0x6d: {  	_ =	shalt  }
0x6e: {  	_ =	shalt  }
0x6f: {  	_ =	shalt  }
0x70: {  	_ =	shalt  }
0x71: {  	_ =	shalt  }
0x72: {  	_ =	shalt  }
0x73: {  	_ =	shalt  }
0x74: {  	_ =	shalt  }
0x75: {  	_ =	shalt  }
0x76: {  	_ =	shalt  }
0x77: {  	_ =	shalt  }
0x78: {  	_ =	shalt  }
0x79: {  	_ =	shalt  }
0x7a: {  	_ =	shalt  }
0x7b: {  	_ =	shalt  }
0x7c: {  	_ =	shalt  }
0x7d: {  	_ =	shalt  }
0x7e: {  	_ =	shalt  }
0x7f: {  	_ =	shalt  }
0x80: {  	_ =	shalt  }
0x81: {  	_ =	shalt  }
0x82: {  	_ =	shalt  }
0x83: {  	_ =	shalt  }
0x84: {  	_ =	shalt  }
0x85: {  	_ =	shalt  }
0x86: {  	_ =	shalt  }
0x87: {  	_ =	shalt  }
.Lfunc_end0:
.L_simem_size_0:
called_computation.2_lowered:
.L_overlay_start_0:
0x88: {  	s2 =	sld [smem:$0x3FD9]  }
0x89: {  	s3 =	sld [smem:$0x3FFE];
	_ =	sdelay $0x1  }
0x8a: {  	s1 =	srdreg.scid  }
0x8b: {  	s0 =	sand.u32 $0x1, s1  }
0x8c: {  	s16 =	sshll.u32 s0, $0xA;
	s2 =	sadd.s32 s3, s2  }
0x8d: {  	s2 =	sadd.s32 s2, s16  }
0x8e: {  	[smem:$0x3FB2] =	sst s2  }
0x8f: {  	_ = 	snop  }
0x90: {  	(tm) =	ssettm $0x1  }
0x91: {  	s17 =	sld [smem:$0x3FFB];
	_ =	sdelay $0x3  }
0x92: {  	_ =	strace s17  }
0x93: {  	s2 =	sld [smem:$0x3FFC];
	_ =	sdelay $0x3  }
0x94: {  	_ =	strace s2  }
0x95: {  	s2 =	sld [smem:$0x3FFD];
	_ =	sdelay $0x3  }
0x96: {  	_ =	strace s2  }
0x97: {  	_ =	strace $0x8FFFFFFF  }
0x98: {  	s18 =	sld [smem:$0x3FDB];
	_ =	sdelay $0x1  }
0x99: {  	s19 =	simm.s32 $_scs_section_size  }
0x9a: {  	s4 =	simm.s32 $_size__tile_overlayer_lowered;
	s5 =	simm.s32 $_tile_overlayer_lowered  }
0x9b: {  	s22 =	simm.s32 $0x1BFF;
	s21 =	sshll.u32 s5, $0x1;
	s2 =	sadd.s32 s19, s18  }
0x9c: {  	s6 =	simm.s32 $0x0;
	s20 =	sshll.u32 s4, $0x1;
	s4 =	sadd.s32 s21, s2  }
0x9d: {  	[timem:s6], [sflag:s22] =	dma.local [hbm:s4], s20  }
0x9e: {  	_ =	swait.ge [sflag:s22], s20  }
0x9f: {  	s3 =	ssub.s32 $0x0, s20;
	[sflag:s22] =	ssyncset.done $0x0  }
0xa0: {  	[sflag:s22] =	ssyncadd.s32 s3;
	_ =	sdelay $0x1  }
0xa1: {  	s23 =	simm.s32 $0x1B8B  }
0xa2: {  	_ =	swait.ge [sflag:s23], $0x1  }
0xa3: {  	[sflag:s23] =	ssyncset.done $0x0  }
0xa4: {  	s25 =	simm.s32 $0x1B8E;
	s24 =	sld [smem:$0x3FFE];
	[sflag:s23] =	ssyncadd.s32 $0xFFFFFFFF  }
0xa5: {  	s26 =	simm.s32 $execute0_lowered;
	[smem:$0x3FD2] =	sst s25  }
0xa6: {  	s4 =	sshll.u32 s26, $0x1;
	_ =	strace $0x8000004C;
	[dreg:$0x1] =	wrdreg $0xFFFFFFFF  }
0xa7: {  	s28 =	simm.s32 $_size_execute0_lowered;
	s2 =	sadd.s32 s2, s4;
	[dreg:$0x0] =	wrdreg $0x0  }
0xa8: {  	s4 =	sshll.u32 s28, $0x1;
	[dreg:$0x2] =	wrdreg s2  }
0xa9: {  	[dreg:$0x3] =	wrdreg s4  }
0xaa: {  	[dreg:$0x4] =	wrdreg $0xC0  }
0xab: {  	_ =	task [dreg:s6], $0x5FFFF  }
0xac: {  	[dreg:$0x1] =	wrdreg $0xFFFFFFFF  }
0xad: {  	[dreg:$0x0] =	wrdreg $0x60  }
0xae: {  	[dreg:$0x2] =	wrdreg s24  }
0xaf: {  	[dreg:$0x3] =	wrdreg $0x84000  }
0xb0: {  	[dreg:$0x4] =	wrdreg $0x9  }
0xb1: {  	_ =	task.clear_ibuf [dreg:s6], $0x5FFFF;
	_ =	strace $0x9000004C  }
0xb2: {  	s29 =	simm.s32 $0x9;
	_ =	strace $0x8000004E  }
0xb3: {  	_ =	swait.ge [sflag:s29], $0x1  }
0xb4: {  	[sflag:s29] =	ssyncadd.s32 $0xFFFFFFFF  }
0xb5: {  	_ =	strace $0x9000004E  }
0xb6: {  	_ =	sfence  }
0xb7: {  	s30 =	sld [smem:$0x0];
	_ =	sdelay $0x2  }
0xb8: {  	s31 =	sshll.u32 s1, $0xD;
	s1 =	sshrl.u32 s1, $0x2  }
0xb9: {  	s3 =	sand.u32 $0x4000, s31;
	s1 =	sadd.s32 s1, s30  }
0xba: {  	s0 =	sor.u32 s3, s0;
	s1 =	sshll.u32 s1, $0x11  }
0xbb: {  	s0 =	sor.u32 s1, s0  }
0xbc: {  	s0 =	sadd.s32 $0x8F2B, s0  }
0xbd: {  	[sflag:s0] =	ssyncadd.remote.s32 $0x1  }
0xbe: {  	_ =	sfence.sel $0xFFFF  }
0xbf: {  	[dreg:$0x0] =	wrdreg $0xFFFFFFFF;
	(pc) =	sbr.abs _section_cstart, $3  }
0xc0: {  	[dreg:$0x1] =	wrdreg $0xFFFFFFFF  }
0xc1: {  	_ =	task.clear_ibuf [dreg:s6], $0x2FFFF;
	_ =	strace $0x9FFFFFFF  }
0xc2: {  	(tm) =	ssettm $0x7FFFFFFF  }
0xc3: {  	_ =	shalt  }
tec
execute0_lowered:
.L_overlay_start_1:
0x0: {  	(tag) =	ssettag $0x1  }
0x1: {  	s0 =	rddreg [dreg:$0x0]  }
0x2: {  	s2 =	rddreg [dreg:$0x1];
	s3 =	simm.s32 $0x0  }
0x3: {  	s11 =	stileid.u32;
	s6 =	srdreg.scid;
	s14 =	simm.s32 $0x7  }
0x4: {  	s16 =	simm.s32 $0x100;
	s18 =	simm.s32 $0x200;
	s20 =	simm.s32 $0x300  }
0x5: {  	s28 =	simm.s32 $0x6;
	s29 =	simm.s32 $0x180;
	s30 =	simm.s32 $0x4  }
0x6: {  	s31 =	simm.s32 $0x280;
	[smem:$0x7FF] =	sst s3;
	s1 =	smul.u32 $0x1400, s11  }
0x7: {  	s4 =	sadd.s32 $0x45400, s0;
	s5 =	sadd.s32 $0x6C600, s0;
	s8 =	smul.u32 $0x2800, s11  }
0x8: {  	s6 =	sand.u32 $0x1, s6;
	s7 =	smul.u32 $0x50000, s11;
	s9 =	sadd.s32 $0x103C00, s0  }
0x9: {  	s25 =	sshll.u32 s11, $0x6;
	_ =	strace $0x8000004D;
	[dreg:$0x4] =	wrdreg s9  }
0xa: {  	s21 =	ssub.s32 $0x2, s6;
	p0 =	seq.s32 s6, $0x1;
	s12 =	sor.u32 $0x1C07, s25  }
0xb: {  	s25 =	simm.s32 $0x80;
	s1 =	sadd.s32 s1, s0;
	[dreg:$0x3] =	wrdreg s8  }
0xc: {  	s8 =	sadd.s32 s8, s0;
	s0 =	sadd.s32 $0x12BC00, s0;
	s22 =	sshrl.u32 s21, $0x1  }
0xd: {  	s7 =	sshrl.u32 s7, $0x2;
	[dreg:$0x5] =	wrdreg s0;
	s0 =	ssub.s32 s21, s22  }
0xe: {  	s23 =	sadd.s32 s7, s2;
	s24 =	sadd.s32 $0x1D400, s8;
	s10 =	sadd.s32 $0xEFC00, s1  }
0xf: {  	s21 =	simm.s32 $0x7D;
	s22 =	simm.s32 $0x400;
	s1 =	simm.s32 $0x380  }
.Ltmp0:
0x10: {  	s7 =	simm.s32 $0x2;
	s8 =	simm.s32 $0x0;
	(pc) =	sbr.rel .LBB2_1-.Ltmp0, $4  }
0x11: {  	[dreg:$0x6] =	wrdreg s24;
	s0 =	smax.u32 s0, $0x1;
	s13 =	sshrl.u32 s23, $0x3  }
0x12: {  	s26 =	sadd.s32 $0x20, s10;
	s17 =	sadd.s32 $0x40, s10;
	s19 =	sadd.s32 $0x60, s10  }
0x13: {  	s23 =	simm.s32 $0x4400;
	s24 =	simm.s32 $0x5;
	[dreg:$0x7] =	wrdreg s0  }
0x14: {  	[dreg:$0x8] =	wrdreg s26;
	s26 =	simm.s32 $0x3;
	s0 =	simm.s32 $0x1  }
.LBB2_8:
0x15: {  	s6 =	rddreg [dreg:$0x5]  }
.LBB2_9:
0x16: {  	_ =	swait.ge [sflag:s28], $0x3E80  }
0x17: {  	[sflag:s28] =	ssyncset.done $0x0  }
0x18: {  	[sflag:s28] =	ssyncadd.s32 $0xFFFFC180  }
0x19: {  	[spmem:s2] =	stream.indirect.scatter.add.f32 [tilespmem:s23], [sflag:$0x7], $0x80, s1, s21, $0xb8;
	[tilespmem:$0x1C400] =	vst v63  }
0x1a: {  	_ =	swait.ge [sflag:s14], $0x3E80  }
0x1b: {  	[sflag:s14] =	ssyncset.done $0x0  }
0x1c: {  	s9 =	rddreg [dreg:$0x3];
	[sflag:s14] =	ssyncadd.s32 $0xFFFFC180  }
0x1d: {  	s6 =	sadd.s32 s6, s9;
	[bflag:$0x0] =	sbarrier.arrive $0xFFFF  }
0x1e: {  	[hbm:s6], [sflag:s12] =	dma.local [spmem:s13], $0x2800  }
0x1f: {  	_ =	swait.ge [sflag:s14], $0x2800  }
0x20: {  	s8 =	sadd.s32 $0x1, s8;
	s15 =	rddreg [dreg:$0x7]  }
0x21: {  	p1 =	sne.s32 s8, s15  }
.Ltmp1:
0x22: {  	_ = 	snop;
	(pc) =	sbr.rel @!p1 .LBB2_10-.Ltmp1, $3  }
0x23: {  	_ =	sdelay $0x1  }
0x24: {  	[sflag:s14] =	ssyncset.done $0x0  }
0x25: {  	[sflag:s14] =	ssyncadd.s32 $0xFFFFD800  }
.LBB2_1:
0x26: {  	s6 =	rddreg [dreg:$0x6]  }
0x27: {  	[spmem:s13], [sflag:s12] =	dma.local [hbm:s6], $0x2800  }
0x28: {  	_ =	swait.ge [sflag:s14], $0x2800  }
0x29: {  	[sflag:s14] =	ssyncset.done $0x0  }
0x2a: {  	[sflag:s14] =	ssyncadd.s32 $0xFFFFD800  }
0x2b: {  	[bflag:$0x0] =	sbarrier.arrive $0xFFFF  }
0x2c: {  	[tilespmem:s3], [sflag:$0x7] =	stream.linear.gather [hbm4b:s10+s3], $0x100, $0x38;
	[tilespmem:$0x1C400] =	vst v63  }
0x2d: {  	_ =	swait.ge [sflag:s14], $0x100  }
0x2e: {  	[sflag:s14] =	ssyncset.done $0x0  }
0x2f: {  	s15 =	rddreg [dreg:$0x8];
	[sflag:s14] =	ssyncadd.s32 $0xFFFFFF00  }
0x30: {  	[tilespmem:s16], [sflag:$0x7] =	stream.linear.gather [hbm4b:s15+s3], $0x100, $0x38;
	[tilespmem:$0x1C400] =	vst v63  }
0x31: {  	_ =	swait.ge [sflag:s14], $0x100  }
.Ltmp2:
0x32: {  	[sflag:s14] =	ssyncset.done $0x0;
	(pc) =	sbr.rel @!p0 .LBB2_2-.Ltmp2, $4  }
0x33: {  	[sflag:s14] =	ssyncadd.s32 $0xFFFFFF00  }
0x34: {  	[tilespmem:s18], [sflag:$0x3] =	stream.linear.gather [hbm4b:s17+s3], $0x100, $0x38;
	[tilespmem:$0x1C400] =	vst v63  }
0x35: {  	_ = 	snop  }
0x36: {  	[tilespmem:s20], [sflag:$0x4] =	stream.linear.gather [hbm4b:s19+s3], $0x100, $0x38;
	[tilespmem:$0x1C400] =	vst v63  }
0x37: {  	[tilespmem:s22], [sflag:$0x5] =	stream.indirect.gather [hbm4b:s5+s21], $0x80, s3, s21, $0xb8;
	[tilespmem:$0x1C400] =	vst v63  }
0x38: {  	s6 =	simm.s32 $0xFFFFEC80  }
0x39: {  	[tilespmem:s23], [sflag:$0x6] =	stream.indirect.gather [hbm4b:s5+s21], $0x80, s16, s21, $0xb8;
	[tilespmem:$0x1C400] =	vst v63  }
.LBB2_7:
0x3a: {  	_ =	swait.ge [sflag:s24], $0x3E80  }
0x3b: {  	[sflag:s24] =	ssyncset.done $0x0  }
0x3c: {  	[sflag:s24] =	ssyncadd.s32 $0xFFFFC180  }
0x3d: {  	[spmem:s2] =	stream.indirect.scatter.add.f32 [tilespmem:s22], [sflag:$0x7], $0x80, s25, s21, $0xb8;
	[tilespmem:$0x1C400] =	vst v63  }
0x3e: {  	p1 =	seq.s32 s6, $0x0;
	_ =	swait.ge [sflag:s14], $0x3E80  }
0x3f: {  	s9 =	sadd.s32 @!p1 s6, s10;
	[sflag:s14] =	ssyncset.done $0x0  }
0x40: {  	s15 =	simm.s32 @!p1 $0x0;
	s11 =	sadd.s32 @!p1 $0x1400, s9;
	[sflag:s14] =	ssyncadd.s32 $0xFFFFC180  }
0x41: {  	[tilespmem:s15], [sflag:$0x1] =	stream.linear.gather @!p1 [hbm4b:s11+s15], $0x100, $0x38;
	[tilespmem:$0x1C400] =	vst v63  }
0x42: {  	_ =	swait.ge [sflag:s26], $0x100  }
0x43: {  	[sflag:s26] =	ssyncset.done $0x0  }
0x44: {  	[sflag:s26] =	ssyncadd.s32 $0xFFFFFF00  }
0x45: {  	[tilespmem:s22], [sflag:$0x5] =	stream.indirect.gather [hbm4b:s5+s21], $0x80, s18, s21, $0xb8;
	[tilespmem:$0x1C400] =	vst v63  }
0x46: {  	_ =	swait.ge [sflag:s28], $0x3E80  }
0x47: {  	[sflag:s28] =	ssyncset.done $0x0  }
0x48: {  	[sflag:s28] =	ssyncadd.s32 $0xFFFFC180  }
0x49: {  	[spmem:s2] =	stream.indirect.scatter.add.f32 [tilespmem:s23], [sflag:$0x7], $0x80, s29, s21, $0xb8;
	[tilespmem:$0x1C400] =	vst v63  }
0x4a: {  	_ =	swait.ge [sflag:s14], $0x3E80  }
0x4b: {  	[sflag:s14] =	ssyncset.done $0x0  }
0x4c: {  	s9 =	sadd.s32 @!p1 $0x1420, s9;
	s11 =	simm.s32 @!p1 $0x100;
	[sflag:s14] =	ssyncadd.s32 $0xFFFFC180  }
0x4d: {  	[tilespmem:s11], [sflag:$0x2] =	stream.linear.gather @!p1 [hbm4b:s9+s15], $0x100, $0x38;
	[tilespmem:$0x1C400] =	vst v63  }
0x4e: {  	_ =	swait.ge [sflag:s30], $0x100  }
0x4f: {  	[sflag:s30] =	ssyncset.done $0x0  }
0x50: {  	[sflag:s30] =	ssyncadd.s32 $0xFFFFFF00  }
0x51: {  	[tilespmem:s23], [sflag:$0x6] =	stream.indirect.gather [hbm4b:s5+s21], $0x80, s20, s21, $0xb8;
	[tilespmem:$0x1C400] =	vst v63  }
0x52: {  	_ =	swait.ge [sflag:s24], $0x3E80  }
0x53: {  	[sflag:s24] =	ssyncset.done $0x0  }
.Ltmp3:
0x54: {  	[sflag:s24] =	ssyncadd.s32 $0xFFFFC180;
	(pc) =	sbr.rel @p1 .LBB2_8-.Ltmp3, $4  }
0x55: {  	[spmem:s2] =	stream.indirect.scatter.add.f32 [tilespmem:s22], [sflag:$0x7], $0x80, s31, s21, $0xb8;
	[tilespmem:$0x1C400] =	vst v63  }
0x56: {  	_ =	swait.ge [sflag:s14], $0x3E80  }
0x57: {  	[sflag:s14] =	ssyncset.done $0x0  }
0x58: {  	[sflag:s14] =	ssyncadd.s32 $0xFFFFC180  }
0x59: {  	s9 =	sadd.s32 s6, s10  }
0x5a: {  	s11 =	sadd.s32 $0x1440, s9  }
0x5b: {  	[tilespmem:s18], [sflag:$0x3] =	stream.linear.gather [hbm4b:s11+s3], $0x100, $0x38;
	[tilespmem:$0x1C400] =	vst v63  }
0x5c: {  	_ =	swait.ge [sflag:s0], $0x100  }
0x5d: {  	[sflag:s0] =	ssyncset.done $0x0  }
0x5e: {  	[sflag:s0] =	ssyncadd.s32 $0xFFFFFF00  }
0x5f: {  	[tilespmem:s22], [sflag:$0x5] =	stream.indirect.gather [hbm4b:s5+s21], $0x80, s3, s21, $0xb8;
	[tilespmem:$0x1C400] =	vst v63  }
0x60: {  	_ =	swait.ge [sflag:s28], $0x3E80  }
0x61: {  	[sflag:s28] =	ssyncset.done $0x0  }
0x62: {  	[sflag:s28] =	ssyncadd.s32 $0xFFFFC180  }
0x63: {  	[spmem:s2] =	stream.indirect.scatter.add.f32 [tilespmem:s23], [sflag:$0x7], $0x80, s1, s21, $0xb8;
	[tilespmem:$0x1C400] =	vst v63  }
0x64: {  	_ =	swait.ge [sflag:s14], $0x3E80  }
0x65: {  	[sflag:s14] =	ssyncset.done $0x0  }
0x66: {  	s9 =	sadd.s32 $0x1460, s9;
	[sflag:s14] =	ssyncadd.s32 $0xFFFFC180  }
0x67: {  	[tilespmem:s20], [sflag:$0x4] =	stream.linear.gather [hbm4b:s9+s3], $0x100, $0x38;
	[tilespmem:$0x1C400] =	vst v63  }
.Ltmp4:
0x68: {  	_ = 	snop;
	(pc) =	sbr.rel .LBB2_7-.Ltmp4, $4  }
0x69: {  	_ =	swait.ge [sflag:s7], $0x100  }
0x6a: {  	[sflag:s7] =	ssyncset.done $0x0  }
0x6b: {  	s6 =	sadd.s32 $0x80, s6;
	[sflag:s7] =	ssyncadd.s32 $0xFFFFFF00  }
0x6c: {  	[tilespmem:s23], [sflag:$0x6] =	stream.indirect.gather [hbm4b:s5+s21], $0x80, s16, s21, $0xb8;
	[tilespmem:$0x1C400] =	vst v63  }
.LBB2_2:
0x6d: {  	[tilespmem:s22], [sflag:$0x5] =	stream.indirect.gather [hbm4b:s4+s21], $0x80, s3, s21, $0xb8;
	[tilespmem:$0x1C400] =	vst v63  }
0x6e: {  	s6 =	simm.s32 $0xFFFFEC80  }
0x6f: {  	[tilespmem:s23], [sflag:$0x6] =	stream.indirect.gather [hbm4b:s4+s21], $0x80, s16, s21, $0xb8;
	[tilespmem:$0x1C400] =	vst v63  }
.LBB2_3:
0x70: {  	_ =	swait.ge [sflag:s24], $0x3E80  }
0x71: {  	[sflag:s24] =	ssyncset.done $0x0  }
0x72: {  	[sflag:s24] =	ssyncadd.s32 $0xFFFFC180  }
0x73: {  	[spmem:s2] =	stream.indirect.scatter.add.f32 [tilespmem:s22], [sflag:$0x7], $0x80, s25, s21, $0xb8;
	[tilespmem:$0x1C400] =	vst v63  }
0x74: {  	p1 =	seq.s32 s6, $0x0;
	_ =	swait.ge [sflag:s14], $0x3E80  }
0x75: {  	s9 =	sadd.s32 @!p1 s6, s10;
	[sflag:s14] =	ssyncset.done $0x0  }
0x76: {  	s15 =	simm.s32 @!p1 $0x0;
	s11 =	sadd.s32 @!p1 $0x1400, s9;
	[sflag:s14] =	ssyncadd.s32 $0xFFFFC180  }
0x77: {  	[tilespmem:s15], [sflag:$0x1] =	stream.linear.gather @!p1 [hbm4b:s11+s15], $0x100, $0x38;
	[tilespmem:$0x1C400] =	vst v63  }
0x78: {  	_ =	swait.ge [sflag:s26], $0x100  }
0x79: {  	[sflag:s26] =	ssyncset.done $0x0  }
0x7a: {  	[sflag:s26] =	ssyncadd.s32 $0xFFFFFF00  }
0x7b: {  	[tilespmem:s22], [sflag:$0x5] =	stream.indirect.gather [hbm4b:s4+s21], $0x80, s18, s21, $0xb8;
	[tilespmem:$0x1C400] =	vst v63  }
0x7c: {  	_ =	swait.ge [sflag:s28], $0x3E80  }
0x7d: {  	[sflag:s28] =	ssyncset.done $0x0  }
0x7e: {  	[sflag:s28] =	ssyncadd.s32 $0xFFFFC180  }
0x7f: {  	[spmem:s2] =	stream.indirect.scatter.add.f32 [tilespmem:s23], [sflag:$0x7], $0x80, s29, s21, $0xb8;
	[tilespmem:$0x1C400] =	vst v63  }
0x80: {  	_ =	swait.ge [sflag:s14], $0x3E80  }
0x81: {  	[sflag:s14] =	ssyncset.done $0x0  }
0x82: {  	s9 =	sadd.s32 @!p1 $0x1420, s9;
	s11 =	simm.s32 @!p1 $0x100;
	[sflag:s14] =	ssyncadd.s32 $0xFFFFC180  }
0x83: {  	[tilespmem:s11], [sflag:$0x2] =	stream.linear.gather @!p1 [hbm4b:s9+s15], $0x100, $0x38;
	[tilespmem:$0x1C400] =	vst v63  }
0x84: {  	_ =	swait.ge [sflag:s30], $0x100  }
0x85: {  	[sflag:s30] =	ssyncset.done $0x0  }
0x86: {  	[sflag:s30] =	ssyncadd.s32 $0xFFFFFF00  }
0x87: {  	[tilespmem:s23], [sflag:$0x6] =	stream.indirect.gather [hbm4b:s4+s21], $0x80, s20, s21, $0xb8;
	[tilespmem:$0x1C400] =	vst v63  }
0x88: {  	_ =	swait.ge [sflag:s24], $0x3E80  }
0x89: {  	[sflag:s24] =	ssyncset.done $0x0  }
.Ltmp5:
0x8a: {  	[sflag:s24] =	ssyncadd.s32 $0xFFFFC180;
	(pc) =	sbr.rel @p1 .LBB2_4-.Ltmp5, $4  }
0x8b: {  	[spmem:s2] =	stream.indirect.scatter.add.f32 [tilespmem:s22], [sflag:$0x7], $0x80, s31, s21, $0xb8;
	[tilespmem:$0x1C400] =	vst v63  }
0x8c: {  	_ =	swait.ge [sflag:s14], $0x3E80  }
0x8d: {  	[sflag:s14] =	ssyncset.done $0x0  }
0x8e: {  	[sflag:s14] =	ssyncadd.s32 $0xFFFFC180  }
0x8f: {  	s9 =	sadd.s32 s6, s10  }
0x90: {  	s11 =	sadd.s32 $0x1440, s9  }
0x91: {  	[tilespmem:s18], [sflag:$0x3] =	stream.linear.gather [hbm4b:s11+s3], $0x100, $0x38;
	[tilespmem:$0x1C400] =	vst v63  }
0x92: {  	_ =	swait.ge [sflag:s0], $0x100  }
0x93: {  	[sflag:s0] =	ssyncset.done $0x0  }
0x94: {  	[sflag:s0] =	ssyncadd.s32 $0xFFFFFF00  }
0x95: {  	[tilespmem:s22], [sflag:$0x5] =	stream.indirect.gather [hbm4b:s4+s21], $0x80, s3, s21, $0xb8;
	[tilespmem:$0x1C400] =	vst v63  }
0x96: {  	_ =	swait.ge [sflag:s28], $0x3E80  }
0x97: {  	[sflag:s28] =	ssyncset.done $0x0  }
0x98: {  	[sflag:s28] =	ssyncadd.s32 $0xFFFFC180  }
0x99: {  	[spmem:s2] =	stream.indirect.scatter.add.f32 [tilespmem:s23], [sflag:$0x7], $0x80, s1, s21, $0xb8;
	[tilespmem:$0x1C400] =	vst v63  }
0x9a: {  	_ =	swait.ge [sflag:s14], $0x3E80  }
0x9b: {  	[sflag:s14] =	ssyncset.done $0x0  }
0x9c: {  	s9 =	sadd.s32 $0x1460, s9;
	[sflag:s14] =	ssyncadd.s32 $0xFFFFC180  }
0x9d: {  	[tilespmem:s20], [sflag:$0x4] =	stream.linear.gather [hbm4b:s9+s3], $0x100, $0x38;
	[tilespmem:$0x1C400] =	vst v63  }
.Ltmp6:
0x9e: {  	_ = 	snop;
	(pc) =	sbr.rel .LBB2_3-.Ltmp6, $4  }
0x9f: {  	_ =	swait.ge [sflag:s7], $0x100  }
0xa0: {  	[sflag:s7] =	ssyncset.done $0x0  }
0xa1: {  	s6 =	sadd.s32 $0x80, s6;
	[sflag:s7] =	ssyncadd.s32 $0xFFFFFF00  }
0xa2: {  	[tilespmem:s23], [sflag:$0x6] =	stream.indirect.gather [hbm4b:s4+s21], $0x80, s16, s21, $0xb8;
	[tilespmem:$0x1C400] =	vst v63  }
.LBB2_4:
.Ltmp7:
0xa3: {  	(pc) =	sbr.rel .LBB2_9-.Ltmp7, $2  }
0xa4: {  	_ =	sdelay $0x2  }
0xa5: {  	s6 =	rddreg [dreg:$0x4]  }
.LBB2_10:
0xa6: {  	_ =	sfence.sel $0x180000  }
0xa7: {  	[bflag:$0x0] =	sbarrier.arrive $0xFFFF  }
0xa8: {  	_ =	strace $0x9000004D  }
0xa9: {  	s0 =	stileid.u32;
	[bflag:$0x2] =	sbarrier.arrive $0xFFFF  }
0xaa: {  	p0 =	sne.s32 s0, $0x0;
	s0 =	rddreg [dreg:$0x2]  }
0xab: {  	s0 =	sadd.s32 @!p0 $0x100000, s0  }
0xac: {  	[sflag:s0] =	ssyncadd.tile.s32 @!p0 $0x1;
	_ =	shalt  }
.Lfunc_end2:
_tile_overlayer_lowered:
.L_overlay_start_2:
0xad: {  	(tag) =	ssettag $0x2  }
0xae: {  	s0 =	rddreg [dreg:$0x0];
	s2 =	stileid.u32  }
0xaf: {  	s1 =	rddreg [dreg:$0x1];
	p0 =	sne.s32 s2, $0x0  }
0xb0: {  	s3 =	rddreg [dreg:$0x2];
	[bflag:$0x3] =	sbarrier.arrive $0xFFFF;
	s2 =	simm.s32 @!p0 $0x1C07  }
0xb1: {  	[timem:s3], [sflag:s2] =	dma.local @!p0 [hbm:s0], s1  }
0xb2: {  	s0 =	simm.s32 @!p0 $0x7  }
0xb3: {  	_ =	swait.ge @!p0 [sflag:s0], s1  }
0xb4: {  	s1 =	ssub.s32 @!p0 $0x0, s1;
	[sflag:s0] =	ssyncset.done @!p0 $0x0  }
0xb5: {  	[sflag:s0] =	ssyncadd.s32 @!p0 s1  }
0xb6: {  	[bflag:$0x3] =	sbarrier.arrive $0xFFFF  }
0xb7: {  	_ =	shalt  }

// kernel: kernel.21.cloned.1.call-start
scs
__scs_entry_jumppad:
0x0: {  	(pc) =	sbr.rel $0x88, $3  }
0x1: {  	(tag) =	ssettag $0x0;
	lr =	simm.s32 $0x1  }
0x2: {  	[smem:$0x3F8B] =	sst lr;
	_ =	strace $0xD0000000  }
0x3: {  	_ = 	snop  }
0x4: {  	_ = 	snop  }
0x5: {  	_ = 	snop  }
0x6: {  	_ = 	snop  }
0x7: {  	_ = 	snop  }
__scs_overlays_trampoline_lowered:
0x8: {  	[smem:$0x3F9A] =	sst s0  }
0x9: {  	[smem:$0x3F9B] =	sst s1  }
0xa: {  	[smem:$0x3F9C] =	sst s2  }
0xb: {  	[smem:$0x3F9D] =	sst s3  }
0xc: {  	[smem:$0x3F9E] =	sst s4  }
0xd: {  	[smem:$0x3F9F] =	sst s5  }
0xe: {  	[smem:$0x3FA0] =	sst s6  }
0xf: {  	[smem:$0x3FA1] =	sst s7  }
0x10: {  	[smem:$0x3FA2] =	sst s8  }
0x11: {  	[smem:$0x3FA3] =	sst s9;
	s0 =	simm.s32 @!p0 $0x0  }
0x12: {  	s1 =	sld [smem:$0x3F89];
	s0 =	simm.s32 @p0 $0x1  }
0x13: {  	[smem:$0x3FA4] =	sst s0;
	s0 =	simm.s32 @!p1 $0x0  }
0x14: {  	s2 =	sld [smem:$0x3F88];
	s0 =	simm.s32 @p1 $0x1  }
0x15: {  	[smem:$0x3FA5] =	sst s0;
	s0 =	simm.s32 @!p2 $0x0  }
0x16: {  	s3 =	sld [smem:$0x3FDB];
	s0 =	simm.s32 @p2 $0x1  }
0x17: {  	s4 =	simm.s32 $0x1BF5;
	[smem:$0x3FA7] =	sst s0  }
0x18: {  	s0 =	sld [smem:$0x3F8A];
	_ =	swait.ge [sflag:s4], $0x0  }
0x19: {  	s7 =	sld [smem:$0x3F8B]  }
0x1a: {  	s8 =	sadd.s32 $0xFFFFE003, lr  }
0x1b: {  	s9 =	sadd.s32 $0xFFFFFEF7, lr;
	s5 =	simm.s32 $0xFFFFFFFF;
	p2 =	slt.u32 s8, $0xFFFFF086  }
0x1c: {  	p1 =	slt.u32 s9, $0xF7A;
	s5 =	simm.s32 @!p2 $0x0  }
0x1d: {  	s5 =	simm.s32 @p1 $0x1;
	p0 =	seq.s32 s7, s2  }
0x1e: {  	s7 =	smul.u32 @!p0 $0xF7A, s2;
	p2 =	seq.s32 @!p0 s5, $0x0  }
0x1f: {  	s9 =	smul.u32 $0xF7A, s1;
	s8 =	simm.s32 @!p0 $0x1BF5;
	p2 =	por !p2, p0  }
0x20: {  	[sflag:s8] =	ssyncset.s32 @!p0 $0xFFFFF086;
	s6 =	sadd.s32 @!p0 s3, s7;
	s7 =	simm.s32 @!p0 $0x108  }
0x21: {  	s3 =	sadd.s32 s3, s9;
	s6 =	sadd.s32 @!p0 $0x88, s6;
	s7 =	simm.s32 @p2 $0x1082  }
0x22: {  	[simem:s7], [sflag:s8] =	dma.local @!p0 [hbm:s6], $0xF7A  }
0x23: {  	s9 =	sor.u32 $0xD0000000, s2;
	s6 =	simm.s32 $0x108;
	_ =	swait.ge @!p0 [sflag:s8], $0x0  }
0x24: {  	s3 =	sadd.s32 $0x88, s3;
	s6 =	simm.s32 @!p1 $0x1082;
	[sflag:s4] =	ssyncset.s32 $0xFFFFF086  }
0x25: {  	[simem:s6], [sflag:s4] =	dma.local [hbm:s3], $0xF7A  }
0x26: {  	[smem:$0x3F8B] =	sst s1;
	(tag) =	ssettag s2;
	_ =	strace s9  }
0x27: {  	s1 =	sld [smem:$0x3F9B]  }
0x28: {  	s2 =	sld [smem:$0x3F9C]  }
0x29: {  	s4 =	sld [smem:$0x3F9E]  }
0x2a: {  	p0 =	seq.s32 s5, $0x0;
	s5 =	sld [smem:$0x3F9F]  }
0x2b: {  	s6 =	sld [smem:$0x3FA0]  }
0x2c: {  	s7 =	sld [smem:$0x3FA1]  }
0x2d: {  	s3 =	simm.s32 $0x108;
	s8 =	sld [smem:$0x3FA2]  }
0x2e: {  	s3 =	simm.s32 @!p0 $0x1082;
	s9 =	sld [smem:$0x3FA3]  }
0x2f: {  	lr =	sadd.s32 s0, s3;
	s0 =	sld [smem:$0x3F9A]  }
0x30: {  	s3 =	sld [smem:$0x3F9D]  }
0x31: {  	[smem:$0x3FA6] =	sst s10  }
0x32: {  	s10 =	sld [smem:$0x3FA4];
	_ =	sdelay $0x3  }
0x33: {  	p0 =	seq.s32 s10, $0x1;
	s10 =	sld [smem:$0x3FA6];
	_ =	sdelay $0x3  }
0x34: {  	[smem:$0x3FA6] =	sst s10  }
0x35: {  	s10 =	sld [smem:$0x3FA5];
	_ =	sdelay $0x3  }
0x36: {  	p1 =	seq.s32 s10, $0x1;
	s10 =	sld [smem:$0x3FA6];
	_ =	sdelay $0x3  }
0x37: {  	[smem:$0x3FA6] =	sst s10  }
0x38: {  	s10 =	sld [smem:$0x3FA7]  }
0x39: {  	_ = 	snop;
	(pc) =	sbr.ind lr, $3  }
0x3a: {  	_ = 	snop  }
0x3b: {  	_ = 	snop  }
0x3c: {  	p2 =	seq.s32 s10, $0x1;
	s10 =	sld [smem:$0x3FA6]  }
0x3d: {  	_ =	shalt  }
0x3e: {  	_ =	shalt  }
0x3f: {  	_ =	shalt  }
0x40: {  	_ =	shalt  }
0x41: {  	_ =	shalt  }
0x42: {  	_ =	shalt  }
0x43: {  	_ =	shalt  }
0x44: {  	_ =	shalt  }
0x45: {  	_ =	shalt  }
0x46: {  	_ =	shalt  }
0x47: {  	_ =	shalt  }
0x48: {  	_ =	shalt  }
0x49: {  	_ =	shalt  }
0x4a: {  	_ =	shalt  }
0x4b: {  	_ =	shalt  }
0x4c: {  	_ =	shalt  }
0x4d: {  	_ =	shalt  }
0x4e: {  	_ =	shalt  }
0x4f: {  	_ =	shalt  }
0x50: {  	_ =	shalt  }
0x51: {  	_ =	shalt  }
0x52: {  	_ =	shalt  }
0x53: {  	_ =	shalt  }
0x54: {  	_ =	shalt  }
0x55: {  	_ =	shalt  }
0x56: {  	_ =	shalt  }
0x57: {  	_ =	shalt  }
0x58: {  	_ =	shalt  }
0x59: {  	_ =	shalt  }
0x5a: {  	_ =	shalt  }
0x5b: {  	_ =	shalt  }
0x5c: {  	_ =	shalt  }
0x5d: {  	_ =	shalt  }
0x5e: {  	_ =	shalt  }
0x5f: {  	_ =	shalt  }
0x60: {  	_ =	shalt  }
0x61: {  	_ =	shalt  }
0x62: {  	_ =	shalt  }
0x63: {  	_ =	shalt  }
0x64: {  	_ =	shalt  }
0x65: {  	_ =	shalt  }
0x66: {  	_ =	shalt  }
0x67: {  	_ =	shalt  }
0x68: {  	_ =	shalt  }
0x69: {  	_ =	shalt  }
0x6a: {  	_ =	shalt  }
0x6b: {  	_ =	shalt  }
0x6c: {  	_ =	shalt  }
0x6d: {  	_ =	shalt  }
0x6e: {  	_ =	shalt  }
0x6f: {  	_ =	shalt  }
0x70: {  	_ =	shalt  }
0x71: {  	_ =	shalt  }
0x72: {  	_ =	shalt  }
0x73: {  	_ =	shalt  }
0x74: {  	_ =	shalt  }
0x75: {  	_ =	shalt  }
0x76: {  	_ =	shalt  }
0x77: {  	_ =	shalt  }
0x78: {  	_ =	shalt  }
0x79: {  	_ =	shalt  }
0x7a: {  	_ =	shalt  }
0x7b: {  	_ =	shalt  }
0x7c: {  	_ =	shalt  }
0x7d: {  	_ =	shalt  }
0x7e: {  	_ =	shalt  }
0x7f: {  	_ =	shalt  }
0x80: {  	_ =	shalt  }
0x81: {  	_ =	shalt  }
0x82: {  	_ =	shalt  }
0x83: {  	_ =	shalt  }
0x84: {  	_ =	shalt  }
0x85: {  	_ =	shalt  }
0x86: {  	_ =	shalt  }
0x87: {  	_ =	shalt  }
.Lfunc_end0:
.L_simem_size_0:
called_computation.3_lowered:
.L_overlay_start_0:
0x88: {  	s2 =	sld [smem:$0x3FD9]  }
0x89: {  	s3 =	sld [smem:$0x3FFE];
	_ =	sdelay $0x1  }
0x8a: {  	s1 =	srdreg.scid  }
0x8b: {  	s0 =	sand.u32 $0x1, s1  }
0x8c: {  	s16 =	sshll.u32 s0, $0xA;
	s2 =	sadd.s32 s3, s2  }
0x8d: {  	s2 =	sadd.s32 s2, s16  }
0x8e: {  	[smem:$0x3FB2] =	sst s2  }
0x8f: {  	_ = 	snop  }
0x90: {  	(tm) =	ssettm $0x1  }
0x91: {  	s17 =	sld [smem:$0x3FFB];
	_ =	sdelay $0x3  }
0x92: {  	_ =	strace s17  }
0x93: {  	s2 =	sld [smem:$0x3FFC];
	_ =	sdelay $0x3  }
0x94: {  	_ =	strace s2  }
0x95: {  	s2 =	sld [smem:$0x3FFD];
	_ =	sdelay $0x3  }
0x96: {  	_ =	strace s2  }
0x97: {  	_ =	strace $0x8FFFFFFF  }
0x98: {  	s18 =	sld [smem:$0x3FDB];
	_ =	sdelay $0x1  }
0x99: {  	s19 =	simm.s32 $_scs_section_size  }
0x9a: {  	s4 =	simm.s32 $_size__tile_overlayer_lowered;
	s5 =	simm.s32 $_tile_overlayer_lowered  }
0x9b: {  	s22 =	simm.s32 $0x1BFF;
	s21 =	sshll.u32 s5, $0x1;
	s2 =	sadd.s32 s19, s18  }
0x9c: {  	s6 =	simm.s32 $0x0;
	s20 =	sshll.u32 s4, $0x1;
	s4 =	sadd.s32 s21, s2  }
0x9d: {  	[timem:s6], [sflag:s22] =	dma.local [hbm:s4], s20  }
0x9e: {  	_ =	swait.ge [sflag:s22], s20  }
0x9f: {  	s3 =	ssub.s32 $0x0, s20;
	[sflag:s22] =	ssyncset.done $0x0  }
0xa0: {  	[sflag:s22] =	ssyncadd.s32 s3;
	_ =	sdelay $0x1  }
0xa1: {  	s23 =	simm.s32 $0x1B8B  }
0xa2: {  	_ =	swait.ge [sflag:s23], $0x1  }
0xa3: {  	[sflag:s23] =	ssyncset.done $0x0  }
0xa4: {  	s25 =	simm.s32 $0x1B8E;
	s24 =	sld [smem:$0x3FFE];
	[sflag:s23] =	ssyncadd.s32 $0xFFFFFFFF  }
0xa5: {  	s26 =	simm.s32 $execute0_lowered;
	[smem:$0x3FD2] =	sst s25  }
0xa6: {  	s4 =	sshll.u32 s26, $0x1;
	_ =	strace $0x8000004F;
	[dreg:$0x1] =	wrdreg $0xFFFFFFFF  }
0xa7: {  	s28 =	simm.s32 $_size_execute0_lowered;
	s2 =	sadd.s32 s2, s4;
	[dreg:$0x0] =	wrdreg $0x0  }
0xa8: {  	s4 =	sshll.u32 s28, $0x1;
	[dreg:$0x2] =	wrdreg s2  }
0xa9: {  	[dreg:$0x3] =	wrdreg s4  }
0xaa: {  	[dreg:$0x4] =	wrdreg $0xC0  }
0xab: {  	_ =	task [dreg:s6], $0x5FFFF  }
0xac: {  	[dreg:$0x1] =	wrdreg $0xFFFFFFFF  }
0xad: {  	[dreg:$0x0] =	wrdreg $0x60  }
0xae: {  	[dreg:$0x2] =	wrdreg s24  }
0xaf: {  	[dreg:$0x3] =	wrdreg $0x84000  }
0xb0: {  	[dreg:$0x4] =	wrdreg $0x9  }
0xb1: {  	_ =	task.clear_ibuf [dreg:s6], $0x5FFFF;
	_ =	strace $0x9000004F  }
0xb2: {  	s29 =	simm.s32 $0x9;
	_ =	strace $0x80000051  }
0xb3: {  	_ =	swait.ge [sflag:s29], $0x1  }
0xb4: {  	[sflag:s29] =	ssyncadd.s32 $0xFFFFFFFF  }
0xb5: {  	_ =	strace $0x90000051  }
0xb6: {  	_ =	sfence  }
0xb7: {  	s30 =	sld [smem:$0x0];
	_ =	sdelay $0x2  }
0xb8: {  	s31 =	sshll.u32 s1, $0xD;
	s1 =	sshrl.u32 s1, $0x2  }
0xb9: {  	s3 =	sand.u32 $0x4000, s31;
	s1 =	sadd.s32 s1, s30  }
0xba: {  	s0 =	sor.u32 s3, s0;
	s1 =	sshll.u32 s1, $0x11  }
0xbb: {  	s0 =	sor.u32 s1, s0  }
0xbc: {  	s0 =	sadd.s32 $0x8F2B, s0  }
0xbd: {  	[sflag:s0] =	ssyncadd.remote.s32 $0x1  }
0xbe: {  	_ =	sfence.sel $0xFFFF  }
0xbf: {  	[dreg:$0x0] =	wrdreg $0xFFFFFFFF;
	(pc) =	sbr.abs _section_cstart, $3  }
0xc0: {  	[dreg:$0x1] =	wrdreg $0xFFFFFFFF  }
0xc1: {  	_ =	task.clear_ibuf [dreg:s6], $0x2FFFF;
	_ =	strace $0x9FFFFFFF  }
0xc2: {  	(tm) =	ssettm $0x7FFFFFFF  }
0xc3: {  	_ =	shalt  }
tec
execute0_lowered:
.L_overlay_start_1:
0x0: {  	(tag) =	ssettag $0x1  }
0x1: {  	s0 =	rddreg [dreg:$0x0]  }
0x2: {  	s2 =	rddreg [dreg:$0x1];
	s3 =	simm.s32 $0x0  }
0x3: {  	s11 =	stileid.u32;
	s6 =	srdreg.scid;
	s14 =	simm.s32 $0x7  }
0x4: {  	s16 =	simm.s32 $0x100;
	s18 =	simm.s32 $0x200;
	s20 =	simm.s32 $0x300  }
0x5: {  	s28 =	simm.s32 $0x6;
	s29 =	simm.s32 $0x180;
	s30 =	simm.s32 $0x4  }
0x6: {  	s31 =	simm.s32 $0x280;
	[smem:$0x7FF] =	sst s3;
	s1 =	smul.u32 $0x1400, s11  }
0x7: {  	s4 =	sadd.s32 $0x45400, s0;
	s5 =	sadd.s32 $0x6C600, s0;
	s8 =	smul.u32 $0x2800, s11  }
0x8: {  	s6 =	sand.u32 $0x1, s6;
	s7 =	smul.u32 $0x50000, s11;
	s9 =	sadd.s32 $0x103C00, s0  }
0x9: {  	s25 =	sshll.u32 s11, $0x6;
	_ =	strace $0x80000050;
	[dreg:$0x4] =	wrdreg s9  }
0xa: {  	s21 =	ssub.s32 $0x2, s6;
	p0 =	seq.s32 s6, $0x1;
	s12 =	sor.u32 $0x1C07, s25  }
0xb: {  	s25 =	simm.s32 $0x80;
	s1 =	sadd.s32 s1, s0;
	[dreg:$0x3] =	wrdreg s8  }
0xc: {  	s8 =	sadd.s32 s8, s0;
	s0 =	sadd.s32 $0x12BC00, s0;
	s22 =	sshrl.u32 s21, $0x1  }
0xd: {  	s7 =	sshrl.u32 s7, $0x2;
	[dreg:$0x5] =	wrdreg s0;
	s0 =	ssub.s32 s21, s22  }
0xe: {  	s23 =	sadd.s32 s7, s2;
	s24 =	sadd.s32 $0x1D400, s8;
	s10 =	sadd.s32 $0xEFC00, s1  }
0xf: {  	s21 =	simm.s32 $0x7D;
	s22 =	simm.s32 $0x400;
	s1 =	simm.s32 $0x380  }
.Ltmp0:
0x10: {  	s7 =	simm.s32 $0x2;
	s8 =	simm.s32 $0x0;
	(pc) =	sbr.rel .LBB2_1-.Ltmp0, $4  }
0x11: {  	[dreg:$0x6] =	wrdreg s24;
	s0 =	smax.u32 s0, $0x1;
	s13 =	sshrl.u32 s23, $0x3  }
0x12: {  	s26 =	sadd.s32 $0x20, s10;
	s17 =	sadd.s32 $0x40, s10;
	s19 =	sadd.s32 $0x60, s10  }
0x13: {  	s23 =	simm.s32 $0x4400;
	s24 =	simm.s32 $0x5;
	[dreg:$0x7] =	wrdreg s0  }
0x14: {  	[dreg:$0x8] =	wrdreg s26;
	s26 =	simm.s32 $0x3;
	s0 =	simm.s32 $0x1  }
.LBB2_8:
0x15: {  	s6 =	rddreg [dreg:$0x5]  }
.LBB2_9:
0x16: {  	_ =	swait.ge [sflag:s28], $0x3E80  }
0x17: {  	[sflag:s28] =	ssyncset.done $0x0  }
0x18: {  	[sflag:s28] =	ssyncadd.s32 $0xFFFFC180  }
0x19: {  	[spmem:s2] =	stream.indirect.scatter.add.f32 [tilespmem:s23], [sflag:$0x7], $0x80, s1, s21, $0xb8;
	[tilespmem:$0x1C400] =	vst v63  }
0x1a: {  	_ =	swait.ge [sflag:s14], $0x3E80  }
0x1b: {  	[sflag:s14] =	ssyncset.done $0x0  }
0x1c: {  	s9 =	rddreg [dreg:$0x3];
	[sflag:s14] =	ssyncadd.s32 $0xFFFFC180  }
0x1d: {  	s6 =	sadd.s32 s6, s9;
	[bflag:$0x0] =	sbarrier.arrive $0xFFFF  }
0x1e: {  	[hbm:s6], [sflag:s12] =	dma.local [spmem:s13], $0x2800  }
0x1f: {  	_ =	swait.ge [sflag:s14], $0x2800  }
0x20: {  	s8 =	sadd.s32 $0x1, s8;
	s15 =	rddreg [dreg:$0x7]  }
0x21: {  	p1 =	sne.s32 s8, s15  }
.Ltmp1:
0x22: {  	_ = 	snop;
	(pc) =	sbr.rel @!p1 .LBB2_10-.Ltmp1, $3  }
0x23: {  	_ =	sdelay $0x1  }
0x24: {  	[sflag:s14] =	ssyncset.done $0x0  }
0x25: {  	[sflag:s14] =	ssyncadd.s32 $0xFFFFD800  }
.LBB2_1:
0x26: {  	s6 =	rddreg [dreg:$0x6]  }
0x27: {  	[spmem:s13], [sflag:s12] =	dma.local [hbm:s6], $0x2800  }
0x28: {  	_ =	swait.ge [sflag:s14], $0x2800  }
0x29: {  	[sflag:s14] =	ssyncset.done $0x0  }
0x2a: {  	[sflag:s14] =	ssyncadd.s32 $0xFFFFD800  }
0x2b: {  	[bflag:$0x0] =	sbarrier.arrive $0xFFFF  }
0x2c: {  	[tilespmem:s3], [sflag:$0x7] =	stream.linear.gather [hbm4b:s10+s3], $0x100, $0x38;
	[tilespmem:$0x1C400] =	vst v63  }
0x2d: {  	_ =	swait.ge [sflag:s14], $0x100  }
0x2e: {  	[sflag:s14] =	ssyncset.done $0x0  }
0x2f: {  	s15 =	rddreg [dreg:$0x8];
	[sflag:s14] =	ssyncadd.s32 $0xFFFFFF00  }
0x30: {  	[tilespmem:s16], [sflag:$0x7] =	stream.linear.gather [hbm4b:s15+s3], $0x100, $0x38;
	[tilespmem:$0x1C400] =	vst v63  }
0x31: {  	_ =	swait.ge [sflag:s14], $0x100  }
.Ltmp2:
0x32: {  	[sflag:s14] =	ssyncset.done $0x0;
	(pc) =	sbr.rel @!p0 .LBB2_2-.Ltmp2, $4  }
0x33: {  	[sflag:s14] =	ssyncadd.s32 $0xFFFFFF00  }
0x34: {  	[tilespmem:s18], [sflag:$0x3] =	stream.linear.gather [hbm4b:s17+s3], $0x100, $0x38;
	[tilespmem:$0x1C400] =	vst v63  }
0x35: {  	_ = 	snop  }
0x36: {  	[tilespmem:s20], [sflag:$0x4] =	stream.linear.gather [hbm4b:s19+s3], $0x100, $0x38;
	[tilespmem:$0x1C400] =	vst v63  }
0x37: {  	[tilespmem:s22], [sflag:$0x5] =	stream.indirect.gather [hbm4b:s5+s21], $0x80, s3, s21, $0xb8;
	[tilespmem:$0x1C400] =	vst v63  }
0x38: {  	s6 =	simm.s32 $0xFFFFEC80  }
0x39: {  	[tilespmem:s23], [sflag:$0x6] =	stream.indirect.gather [hbm4b:s5+s21], $0x80, s16, s21, $0xb8;
	[tilespmem:$0x1C400] =	vst v63  }
.LBB2_7:
0x3a: {  	_ =	swait.ge [sflag:s24], $0x3E80  }
0x3b: {  	[sflag:s24] =	ssyncset.done $0x0  }
0x3c: {  	[sflag:s24] =	ssyncadd.s32 $0xFFFFC180  }
0x3d: {  	[spmem:s2] =	stream.indirect.scatter.add.f32 [tilespmem:s22], [sflag:$0x7], $0x80, s25, s21, $0xb8;
	[tilespmem:$0x1C400] =	vst v63  }
0x3e: {  	p1 =	seq.s32 s6, $0x0;
	_ =	swait.ge [sflag:s14], $0x3E80  }
0x3f: {  	s9 =	sadd.s32 @!p1 s6, s10;
	[sflag:s14] =	ssyncset.done $0x0  }
0x40: {  	s15 =	simm.s32 @!p1 $0x0;
	s11 =	sadd.s32 @!p1 $0x1400, s9;
	[sflag:s14] =	ssyncadd.s32 $0xFFFFC180  }
0x41: {  	[tilespmem:s15], [sflag:$0x1] =	stream.linear.gather @!p1 [hbm4b:s11+s15], $0x100, $0x38;
	[tilespmem:$0x1C400] =	vst v63  }
0x42: {  	_ =	swait.ge [sflag:s26], $0x100  }
0x43: {  	[sflag:s26] =	ssyncset.done $0x0  }
0x44: {  	[sflag:s26] =	ssyncadd.s32 $0xFFFFFF00  }
0x45: {  	[tilespmem:s22], [sflag:$0x5] =	stream.indirect.gather [hbm4b:s5+s21], $0x80, s18, s21, $0xb8;
	[tilespmem:$0x1C400] =	vst v63  }
0x46: {  	_ =	swait.ge [sflag:s28], $0x3E80  }
0x47: {  	[sflag:s28] =	ssyncset.done $0x0  }
0x48: {  	[sflag:s28] =	ssyncadd.s32 $0xFFFFC180  }
0x49: {  	[spmem:s2] =	stream.indirect.scatter.add.f32 [tilespmem:s23], [sflag:$0x7], $0x80, s29, s21, $0xb8;
	[tilespmem:$0x1C400] =	vst v63  }
0x4a: {  	_ =	swait.ge [sflag:s14], $0x3E80  }
0x4b: {  	[sflag:s14] =	ssyncset.done $0x0  }
0x4c: {  	s9 =	sadd.s32 @!p1 $0x1420, s9;
	s11 =	simm.s32 @!p1 $0x100;
	[sflag:s14] =	ssyncadd.s32 $0xFFFFC180  }
0x4d: {  	[tilespmem:s11], [sflag:$0x2] =	stream.linear.gather @!p1 [hbm4b:s9+s15], $0x100, $0x38;
	[tilespmem:$0x1C400] =	vst v63  }
0x4e: {  	_ =	swait.ge [sflag:s30], $0x100  }
0x4f: {  	[sflag:s30] =	ssyncset.done $0x0  }
0x50: {  	[sflag:s30] =	ssyncadd.s32 $0xFFFFFF00  }
0x51: {  	[tilespmem:s23], [sflag:$0x6] =	stream.indirect.gather [hbm4b:s5+s21], $0x80, s20, s21, $0xb8;
	[tilespmem:$0x1C400] =	vst v63  }
0x52: {  	_ =	swait.ge [sflag:s24], $0x3E80  }
0x53: {  	[sflag:s24] =	ssyncset.done $0x0  }
.Ltmp3:
0x54: {  	[sflag:s24] =	ssyncadd.s32 $0xFFFFC180;
	(pc) =	sbr.rel @p1 .LBB2_8-.Ltmp3, $4  }
0x55: {  	[spmem:s2] =	stream.indirect.scatter.add.f32 [tilespmem:s22], [sflag:$0x7], $0x80, s31, s21, $0xb8;
	[tilespmem:$0x1C400] =	vst v63  }
0x56: {  	_ =	swait.ge [sflag:s14], $0x3E80  }
0x57: {  	[sflag:s14] =	ssyncset.done $0x0  }
0x58: {  	[sflag:s14] =	ssyncadd.s32 $0xFFFFC180  }
0x59: {  	s9 =	sadd.s32 s6, s10  }
0x5a: {  	s11 =	sadd.s32 $0x1440, s9  }
0x5b: {  	[tilespmem:s18], [sflag:$0x3] =	stream.linear.gather [hbm4b:s11+s3], $0x100, $0x38;
	[tilespmem:$0x1C400] =	vst v63  }
0x5c: {  	_ =	swait.ge [sflag:s0], $0x100  }
0x5d: {  	[sflag:s0] =	ssyncset.done $0x0  }
0x5e: {  	[sflag:s0] =	ssyncadd.s32 $0xFFFFFF00  }
0x5f: {  	[tilespmem:s22], [sflag:$0x5] =	stream.indirect.gather [hbm4b:s5+s21], $0x80, s3, s21, $0xb8;
	[tilespmem:$0x1C400] =	vst v63  }
0x60: {  	_ =	swait.ge [sflag:s28], $0x3E80  }
0x61: {  	[sflag:s28] =	ssyncset.done $0x0  }
0x62: {  	[sflag:s28] =	ssyncadd.s32 $0xFFFFC180  }
0x63: {  	[spmem:s2] =	stream.indirect.scatter.add.f32 [tilespmem:s23], [sflag:$0x7], $0x80, s1, s21, $0xb8;
	[tilespmem:$0x1C400] =	vst v63  }
0x64: {  	_ =	swait.ge [sflag:s14], $0x3E80  }
0x65: {  	[sflag:s14] =	ssyncset.done $0x0  }
0x66: {  	s9 =	sadd.s32 $0x1460, s9;
	[sflag:s14] =	ssyncadd.s32 $0xFFFFC180  }
0x67: {  	[tilespmem:s20], [sflag:$0x4] =	stream.linear.gather [hbm4b:s9+s3], $0x100, $0x38;
	[tilespmem:$0x1C400] =	vst v63  }
.Ltmp4:
0x68: {  	_ = 	snop;
	(pc) =	sbr.rel .LBB2_7-.Ltmp4, $4  }
0x69: {  	_ =	swait.ge [sflag:s7], $0x100  }
0x6a: {  	[sflag:s7] =	ssyncset.done $0x0  }
0x6b: {  	s6 =	sadd.s32 $0x80, s6;
	[sflag:s7] =	ssyncadd.s32 $0xFFFFFF00  }
0x6c: {  	[tilespmem:s23], [sflag:$0x6] =	stream.indirect.gather [hbm4b:s5+s21], $0x80, s16, s21, $0xb8;
	[tilespmem:$0x1C400] =	vst v63  }
.LBB2_2:
0x6d: {  	[tilespmem:s22], [sflag:$0x5] =	stream.indirect.gather [hbm4b:s4+s21], $0x80, s3, s21, $0xb8;
	[tilespmem:$0x1C400] =	vst v63  }
0x6e: {  	s6 =	simm.s32 $0xFFFFEC80  }
0x6f: {  	[tilespmem:s23], [sflag:$0x6] =	stream.indirect.gather [hbm4b:s4+s21], $0x80, s16, s21, $0xb8;
	[tilespmem:$0x1C400] =	vst v63  }
.LBB2_3:
0x70: {  	_ =	swait.ge [sflag:s24], $0x3E80  }
0x71: {  	[sflag:s24] =	ssyncset.done $0x0  }
0x72: {  	[sflag:s24] =	ssyncadd.s32 $0xFFFFC180  }
0x73: {  	[spmem:s2] =	stream.indirect.scatter.add.f32 [tilespmem:s22], [sflag:$0x7], $0x80, s25, s21, $0xb8;
	[tilespmem:$0x1C400] =	vst v63  }
0x74: {  	p1 =	seq.s32 s6, $0x0;
	_ =	swait.ge [sflag:s14], $0x3E80  }
0x75: {  	s9 =	sadd.s32 @!p1 s6, s10;
	[sflag:s14] =	ssyncset.done $0x0  }
0x76: {  	s15 =	simm.s32 @!p1 $0x0;
	s11 =	sadd.s32 @!p1 $0x1400, s9;
	[sflag:s14] =	ssyncadd.s32 $0xFFFFC180  }
0x77: {  	[tilespmem:s15], [sflag:$0x1] =	stream.linear.gather @!p1 [hbm4b:s11+s15], $0x100, $0x38;
	[tilespmem:$0x1C400] =	vst v63  }
0x78: {  	_ =	swait.ge [sflag:s26], $0x100  }
0x79: {  	[sflag:s26] =	ssyncset.done $0x0  }
0x7a: {  	[sflag:s26] =	ssyncadd.s32 $0xFFFFFF00  }
0x7b: {  	[tilespmem:s22], [sflag:$0x5] =	stream.indirect.gather [hbm4b:s4+s21], $0x80, s18, s21, $0xb8;
	[tilespmem:$0x1C400] =	vst v63  }
0x7c: {  	_ =	swait.ge [sflag:s28], $0x3E80  }
0x7d: {  	[sflag:s28] =	ssyncset.done $0x0  }
0x7e: {  	[sflag:s28] =	ssyncadd.s32 $0xFFFFC180  }
0x7f: {  	[spmem:s2] =	stream.indirect.scatter.add.f32 [tilespmem:s23], [sflag:$0x7], $0x80, s29, s21, $0xb8;
	[tilespmem:$0x1C400] =	vst v63  }
0x80: {  	_ =	swait.ge [sflag:s14], $0x3E80  }
0x81: {  	[sflag:s14] =	ssyncset.done $0x0  }
0x82: {  	s9 =	sadd.s32 @!p1 $0x1420, s9;
	s11 =	simm.s32 @!p1 $0x100;
	[sflag:s14] =	ssyncadd.s32 $0xFFFFC180  }
0x83: {  	[tilespmem:s11], [sflag:$0x2] =	stream.linear.gather @!p1 [hbm4b:s9+s15], $0x100, $0x38;
	[tilespmem:$0x1C400] =	vst v63  }
0x84: {  	_ =	swait.ge [sflag:s30], $0x100  }
0x85: {  	[sflag:s30] =	ssyncset.done $0x0  }
0x86: {  	[sflag:s30] =	ssyncadd.s32 $0xFFFFFF00  }
0x87: {  	[tilespmem:s23], [sflag:$0x6] =	stream.indirect.gather [hbm4b:s4+s21], $0x80, s20, s21, $0xb8;
	[tilespmem:$0x1C400] =	vst v63  }
0x88: {  	_ =	swait.ge [sflag:s24], $0x3E80  }
0x89: {  	[sflag:s24] =	ssyncset.done $0x0  }
.Ltmp5:
0x8a: {  	[sflag:s24] =	ssyncadd.s32 $0xFFFFC180;
	(pc) =	sbr.rel @p1 .LBB2_4-.Ltmp5, $4  }
0x8b: {  	[spmem:s2] =	stream.indirect.scatter.add.f32 [tilespmem:s22], [sflag:$0x7], $0x80, s31, s21, $0xb8;
	[tilespmem:$0x1C400] =	vst v63  }
0x8c: {  	_ =	swait.ge [sflag:s14], $0x3E80  }
0x8d: {  	[sflag:s14] =	ssyncset.done $0x0  }
0x8e: {  	[sflag:s14] =	ssyncadd.s32 $0xFFFFC180  }
0x8f: {  	s9 =	sadd.s32 s6, s10  }
0x90: {  	s11 =	sadd.s32 $0x1440, s9  }
0x91: {  	[tilespmem:s18], [sflag:$0x3] =	stream.linear.gather [hbm4b:s11+s3], $0x100, $0x38;
	[tilespmem:$0x1C400] =	vst v63  }
0x92: {  	_ =	swait.ge [sflag:s0], $0x100  }
0x93: {  	[sflag:s0] =	ssyncset.done $0x0  }
0x94: {  	[sflag:s0] =	ssyncadd.s32 $0xFFFFFF00  }
0x95: {  	[tilespmem:s22], [sflag:$0x5] =	stream.indirect.gather [hbm4b:s4+s21], $0x80, s3, s21, $0xb8;
	[tilespmem:$0x1C400] =	vst v63  }
0x96: {  	_ =	swait.ge [sflag:s28], $0x3E80  }
0x97: {  	[sflag:s28] =	ssyncset.done $0x0  }
0x98: {  	[sflag:s28] =	ssyncadd.s32 $0xFFFFC180  }
0x99: {  	[spmem:s2] =	stream.indirect.scatter.add.f32 [tilespmem:s23], [sflag:$0x7], $0x80, s1, s21, $0xb8;
	[tilespmem:$0x1C400] =	vst v63  }
0x9a: {  	_ =	swait.ge [sflag:s14], $0x3E80  }
0x9b: {  	[sflag:s14] =	ssyncset.done $0x0  }
0x9c: {  	s9 =	sadd.s32 $0x1460, s9;
	[sflag:s14] =	ssyncadd.s32 $0xFFFFC180  }
0x9d: {  	[tilespmem:s20], [sflag:$0x4] =	stream.linear.gather [hbm4b:s9+s3], $0x100, $0x38;
	[tilespmem:$0x1C400] =	vst v63  }
.Ltmp6:
0x9e: {  	_ = 	snop;
	(pc) =	sbr.rel .LBB2_3-.Ltmp6, $4  }
0x9f: {  	_ =	swait.ge [sflag:s7], $0x100  }
0xa0: {  	[sflag:s7] =	ssyncset.done $0x0  }
0xa1: {  	s6 =	sadd.s32 $0x80, s6;
	[sflag:s7] =	ssyncadd.s32 $0xFFFFFF00  }
0xa2: {  	[tilespmem:s23], [sflag:$0x6] =	stream.indirect.gather [hbm4b:s4+s21], $0x80, s16, s21, $0xb8;
	[tilespmem:$0x1C400] =	vst v63  }
.LBB2_4:
.Ltmp7:
0xa3: {  	(pc) =	sbr.rel .LBB2_9-.Ltmp7, $2  }
0xa4: {  	_ =	sdelay $0x2  }
0xa5: {  	s6 =	rddreg [dreg:$0x4]  }
.LBB2_10:
0xa6: {  	_ =	sfence.sel $0x180000  }
0xa7: {  	[bflag:$0x0] =	sbarrier.arrive $0xFFFF  }
0xa8: {  	_ =	strace $0x90000050  }
0xa9: {  	s0 =	stileid.u32;
	[bflag:$0x2] =	sbarrier.arrive $0xFFFF  }
0xaa: {  	p0 =	sne.s32 s0, $0x0;
	s0 =	rddreg [dreg:$0x2]  }
0xab: {  	s0 =	sadd.s32 @!p0 $0x100000, s0  }
0xac: {  	[sflag:s0] =	ssyncadd.tile.s32 @!p0 $0x1;
	_ =	shalt  }
.Lfunc_end2:
_tile_overlayer_lowered:
.L_overlay_start_2:
0xad: {  	(tag) =	ssettag $0x2  }
0xae: {  	s0 =	rddreg [dreg:$0x0];
	s2 =	stileid.u32  }
0xaf: {  	s1 =	rddreg [dreg:$0x1];
	p0 =	sne.s32 s2, $0x0  }
0xb0: {  	s3 =	rddreg [dreg:$0x2];
	[bflag:$0x3] =	sbarrier.arrive $0xFFFF;
	s2 =	simm.s32 @!p0 $0x1C07  }
0xb1: {  	[timem:s3], [sflag:s2] =	dma.local @!p0 [hbm:s0], s1  }
0xb2: {  	s0 =	simm.s32 @!p0 $0x7  }
0xb3: {  	_ =	swait.ge @!p0 [sflag:s0], s1  }
0xb4: {  	s1 =	ssub.s32 @!p0 $0x0, s1;
	[sflag:s0] =	ssyncset.done @!p0 $0x0  }
0xb5: {  	[sflag:s0] =	ssyncadd.s32 @!p0 s1  }
0xb6: {  	[bflag:$0x3] =	sbarrier.arrive $0xFFFF  }
0xb7: {  	_ =	shalt  }

</sc_bundles>
